<compile_context>
chip_gen: v7x
topology: tpu7x:2x2x1
jax: 0.10.2.dev20260603
libtpu: 0.0.44.dev20260713+nightly
codegen_flags: <defaults>
</compile_context>

<pallas_src>
import functools
import math

import jax
import jax.numpy as jnp
import numpy as np
from jax import lax
from jax.experimental import pallas as pl
from jax.experimental.pallas import tpu as pltpu
from jax.experimental.pallas import tpu_sc as plsc

_B = 2
_N = 20
_C = 256
_T = 4
_HWS = (64 * 64, 32 * 32, 16 * 16, 8 * 8)
_KS = tuple(int(math.floor(0.0625 * hw)) for hw in _HWS)
_KPADS = tuple(max(8, k) for k in _KS)
_KOFFS = (0, 256, 320, 336)
_KSUM = sum(_KS)
_KPAD_SUM = 344
_NBT = _B * _N * _T

_MSB = np.int32(-2147483648)
_LOW31 = np.int32(2147483647)


def _monotone_key(x_f32):
    fi = lax.bitcast_convert_type(x_f32, jnp.int32)
    return jnp.where(fi >= 0, fi, fi ^ _LOW31)


def _row_cumsum(x, hw):
    n = x.shape[0]
    if hw <= 128:
        io_r = lax.broadcasted_iota(jnp.int32, (hw, hw), 0)
        io_c = lax.broadcasted_iota(jnp.int32, (hw, hw), 1)
        tri_incl = (io_r <= io_c).astype(jnp.float32)
        return jnp.dot(x, tri_incl, preferred_element_type=jnp.float32)
    r = hw // 128
    io_r = lax.broadcasted_iota(jnp.int32, (128, 128), 0)
    io_c = lax.broadcasted_iota(jnp.int32, (128, 128), 1)
    tri_incl = (io_r <= io_c).astype(jnp.float32)
    within = jnp.dot(x.reshape(n * r, 128), tri_incl,
                     preferred_element_type=jnp.float32).reshape(n, r, 128)
    blk_sum = jnp.sum(x.reshape(n, r, 128), axis=2)
    io_br = lax.broadcasted_iota(jnp.int32, (r, r), 0)
    io_bc = lax.broadcasted_iota(jnp.int32, (r, r), 1)
    tri_excl = (io_br < io_bc).astype(jnp.float32)
    base = jnp.dot(blk_sum, tri_excl, preferred_element_type=jnp.float32)
    return (within + base[:, :, None]).reshape(n, hw)


def _topk_idx(mask, hw, k):
    n = mask.shape[0]
    ikey = _monotone_key(mask)
    tpat = jnp.zeros((n, 1), jnp.int32)
    for bit in range(31, -1, -1):
        bitc = np.int32(np.uint32(1 << bit))
        trial = tpat | bitc
        s_trial = trial ^ _MSB
        cnt = jnp.sum((ikey >= s_trial).astype(jnp.float32), axis=1,
                      keepdims=True)
        tpat = jnp.where(cnt >= float(k), trial, tpat)
    s_thr = tpat ^ _MSB
    gt = ikey > s_thr
    eq = ikey == s_thr
    cnt_gt = jnp.sum(gt.astype(jnp.float32), axis=1, keepdims=True)
    m_tie = float(k) - cnt_gt
    eqcum = _row_cumsum(eq.astype(jnp.float32), hw)
    sel = jnp.logical_or(gt, jnp.logical_and(eq, eqcum <= m_tie))
    selcum = _row_cumsum(sel.astype(jnp.float32), hw)

    chunks = []
    nch = (k + 7) // 8
    for c0 in range(nch):
        jv = lax.broadcasted_iota(jnp.int32, (1, 8, 1), 1).astype(
            jnp.float32) + float(c0 * 8)
        cmp = (selcum[:, None, :] <= jv).astype(jnp.float32)
        chunks.append(jnp.sum(cmp, axis=2))
    pos = jnp.concatenate(chunks, axis=1)[:, :k]
    return pos.astype(jnp.int32)


def _layer_norm_q(q_ref, w_ref, b_ref):
    q = q_ref[...].reshape(_N, _C)
    mu = jnp.mean(q, axis=-1, keepdims=True)
    var = jnp.mean((q - mu) ** 2, axis=-1, keepdims=True)
    return (q - mu) / jnp.sqrt(var + 1e-5) * w_ref[...].reshape(1, _C) \
        + b_ref[...].reshape(1, _C)


def _frame_body(hw, k, k_pad, srct_ref, q_ref, w_ref, b_ref, idx_ref):
    i = pl.program_id(0)
    qn = _layer_norm_q(q_ref, w_ref, b_ref)
    srct = srct_ref[...]
    maskt = jnp.dot(srct, qn.T, preferred_element_type=jnp.float32)
    mask = maskt.T
    idx = _topk_idx(mask, hw, k) + i * hw
    if k_pad > k:
        idx = jnp.concatenate(
            [idx, jnp.zeros((_N, k_pad - k), jnp.int32)], axis=1)
    idx_ref[...] = idx.reshape(1, 1, _N, k_pad)


def _make_scale_call(hw, k, k_pad):
    body = functools.partial(_frame_body, hw, k, k_pad)
    return pl.pallas_call(
        body,
        grid=(_B * _T,),
        in_specs=[
            pl.BlockSpec((hw, _C), lambda i: (i, 0)),
            pl.BlockSpec((1, _N, _C), lambda i: (i // _T, 0, 0)),
            pl.BlockSpec((1, _C), lambda i: (0, 0)),
            pl.BlockSpec((1, _C), lambda i: (0, 0)),
        ],
        out_specs=[
            pl.BlockSpec((1, 1, _N, k_pad), lambda i: (i // _T, i % _T, 0, 0)),
        ],
        out_shape=[
            jax.ShapeDtypeStruct((_B, _T, _N, k_pad), jnp.int32),
        ],
    )


def _sc_gather(tables, idxs):
    mesh = plsc.VectorSubcoreMesh(core_axis_name="c", subcore_axis_name="s")
    rows_per_tile = _NBT // 32

    @functools.partial(
        pl.kernel,
        mesh=mesh,
        out_type=[
            jax.ShapeDtypeStruct((_NBT * _KPAD_SUM, 128), jnp.float32),
            jax.ShapeDtypeStruct((_NBT * _KPAD_SUM, 128), jnp.float32),
        ],
        scratch_types=[
            pltpu.VMEM((128,), jnp.int32),
            pltpu.VMEM((128, _C), jnp.float32),
            pltpu.SemaphoreType.DMA,
        ],
    )
    def k(t0h, t1h, t2h, t3h, i0h, i1h, i2h, i3h, outl, outr,
          idx_v, rows_v, sem):
        wid = lax.axis_index("s") * 2 + lax.axis_index("c")
        tbls = (t0h, t1h, t2h, t3h)
        idxs_h = (i0h, i1h, i2h, i3h)

        def task(a, carry):
            r = wid * rows_per_tile + a
            b = r // (_N * _T)
            n = (r // _T) % _N
            t = r % _T
            bt = b * _T + t
            for s in range(4):
                kk, kp, off = _KS[s], _KPADS[s], _KOFFS[s]
                idx_off = (bt * _N + n) * kp
                for c0 in range(0, kp, 128):
                    cw = min(128, kp - c0)
                    wr = min(kk - c0, cw)
                    idx_sub = idx_v.at[pl.ds(0, cw)]
                    pltpu.sync_copy(idxs_h[s].at[pl.ds(idx_off + c0, cw)],
                                    idx_sub)
                    pltpu.async_copy(tbls[s].at[idx_sub],
                                     rows_v.at[pl.ds(0, cw)], sem).wait()
                    qbase = r * _KPAD_SUM + off + c0
                    pltpu.sync_copy(rows_v.at[pl.ds(0, wr), pl.ds(0, 128)],
                                    outl.at[pl.ds(qbase, wr), :])
                    pltpu.sync_copy(rows_v.at[pl.ds(0, wr), pl.ds(128, 128)],
                                    outr.at[pl.ds(qbase, wr), :])
            return carry

        lax.fori_loop(0, rows_per_tile, task, 0)

    return k(*tables, *idxs)


_NCH = 5


def _assemble_body(l_ref, r_ref, out_ref):
    lv = l_ref[...].reshape(_NCH, _T, _KPAD_SUM, 128)[:, :, :_KSUM, :]
    rv = r_ref[...].reshape(_NCH, _T, _KPAD_SUM, 128)[:, :, :_KSUM, :]
    out_ref[...] = jnp.concatenate([lv, rv], axis=-1).reshape(
        1, _NCH, _T, _KSUM, _C)


_assemble_call = pl.pallas_call(
    _assemble_body,
    grid=(_NBT // (_NCH * _T),),
    in_specs=[
        pl.BlockSpec((_NCH * _T, _KPAD_SUM, 128), lambda i: (i, 0, 0)),
        pl.BlockSpec((_NCH * _T, _KPAD_SUM, 128), lambda i: (i, 0, 0)),
    ],
    out_specs=pl.BlockSpec(
        (1, _NCH, _T, _KSUM, _C),
        lambda i: (i // (_N // _NCH), i % (_N // _NCH), 0, 0, 0)),
    out_shape=jax.ShapeDtypeStruct((_B, _N, _T, _KSUM, _C), jnp.float32),
)


def kernel(src0, src1, src2, src3, scan_queries, ln_w, ln_b):
    srcs = (src0, src1, src2, src3)
    w2 = ln_w.reshape(1, _C)
    b2 = ln_b.reshape(1, _C)
    tables = []
    for s, src in enumerate(srcs):
        hw = _HWS[s]
        tables.append(jnp.transpose(src.reshape(_B, _C, _T, hw),
                                    (0, 2, 3, 1)).reshape(_B * _T * hw, _C))
    idxs = [None] * 4
    for s in (3, 2, 1, 0):
        hw = _HWS[s]
        (idx,) = _make_scale_call(hw, _KS[s], _KPADS[s])(
            tables[s], scan_queries, w2, b2)
        idxs[s] = idx.reshape(-1)
    outl, outr = _sc_gather(tables, idxs)
    return _assemble_call(outl.reshape(_NBT, _KPAD_SUM, 128),
                          outr.reshape(_NBT, _KPAD_SUM, 128))

# --- scband reference (transcript-rebuilt; emitter-appended) ---
"""Pipeline reference for scband-query-scan-multiscale-encoder-62079457296621 (READ-ONLY COPY).

The authoritative reference and input builder live on the scoring server;
editing this copy changes nothing except your own understanding.
"""

import math
import jax, jax.numpy as jnp
import numpy as np

SCAN_TOPK = 0.0625
TOPK_SORTED = True


def setup_inputs(seed: int = 0) -> dict:
    key = jax.random.key(seed)
    ks = jax.random.split(key, 6)
    src0 = jax.random.normal(ks[0], (2, 256, 4, 64, 64), dtype=jnp.float32)
    src1 = jax.random.normal(ks[1], (2, 256, 4, 32, 32), dtype=jnp.float32)
    src2 = jax.random.normal(ks[2], (2, 256, 4, 16, 16), dtype=jnp.float32)
    src3 = jax.random.normal(ks[3], (2, 256, 4, 8, 8), dtype=jnp.float32)
    scan_queries = jax.random.normal(ks[4], (2, 20, 256), dtype=jnp.float32)
    ln_w = jnp.ones((256,), dtype=jnp.float32)
    ln_b = jnp.zeros((256,), dtype=jnp.float32)
    return {"src0": src0, "src1": src1, "src2": src2, "src3": src3,
            "scan_queries": scan_queries, "ln_w": ln_w, "ln_b": ln_b}


def _layer_norm(x, w, b, eps=1e-5):
    mu = jnp.mean(x, axis=-1, keepdims=True)
    var = jnp.mean((x - mu) ** 2, axis=-1, keepdims=True)
    return (x - mu) / jnp.sqrt(var + eps) * w + b


def reference(src0, src1, src2, src3, scan_queries, ln_w, ln_b):
    # QueryScanEncoderLayer.forward (visible portion):
    #   query_masks[l] = einsum('bnc,bcthw->bnthw', query_norm(scan_queries), srcs[l])
    #   scan_idxs[l]   = topk(query_masks[l].flatten(3), k=floor(scan_topk*h*w), dim=-1)
    #   (topk_sorted -> indices sorted ascending), then features gathered at selected
    #   spatial locations per (batch, query, frame).
    srcs = [src0, src1, src2, src3]
    q = _layer_norm(scan_queries, ln_w, ln_b)
    gathered_all = []
    for src in srcs:
        b, c, t, h, w = src.shape
        mask = jnp.einsum('bnc,bcthw->bnthw', q, src)
        n = mask.shape[1]
        flat = mask.reshape(b, n, t, h * w)
        k = int(math.floor(SCAN_TOPK * h * w))
        vals, idxs = jax.lax.top_k(flat, k)
        if TOPK_SORTED:
            idxs = jnp.sort(idxs, axis=-1)
        # gather src features at top-k spatial positions: [b, n, t, k, c]
        src_flat = jnp.transpose(src, (0, 2, 3, 4, 1)).reshape(b, t, h * w, c)
        gathered = jnp.take_along_axis(src_flat[:, None], idxs[..., None], axis=3)
        gathered_all.append(gathered)
    out = jnp.concatenate(gathered_all, axis=3)  # [b, n, t, sum_k, c]
    return out


if False:  # reference __main__ guard neutralized (emitter)
    inp = setup_inputs()
    out = reference(**inp)
    print(out.shape, out.dtype)

if __name__ == "__main__":
    import jax
    _d = setup_inputs()
    print(jax.jit(kernel)(*tuple(_d.values())))

</pallas_src>

<mosaic_0001>
#map = affine_map<(d0, d1) -> (0, 0)>
#map1 = affine_map<(d0, d1) -> (0)>
module attributes {stable_mosaic.version = 14 : i64} {
  func.func @k(%arg0: i32, %arg1: i32, %arg2: memref<32768x256xf32, #tpu.memory_space<hbm>>, %arg3: memref<8192x256xf32, #tpu.memory_space<hbm>>, %arg4: memref<2048x256xf32, #tpu.memory_space<hbm>>, %arg5: memref<512x256xf32, #tpu.memory_space<hbm>>, %arg6: memref<40960xi32, #tpu.memory_space<hbm>>, %arg7: memref<10240xi32, #tpu.memory_space<hbm>>, %arg8: memref<2560xi32, #tpu.memory_space<hbm>>, %arg9: memref<1280xi32, #tpu.memory_space<hbm>>, %arg10: memref<55040x128xf32, #tpu.memory_space<hbm>>, %arg11: memref<55040x128xf32, #tpu.memory_space<hbm>>, %arg12: memref<128xi32, #tpu.memory_space<vmem>>, %arg13: memref<128x256xf32, #tpu.memory_space<vmem>>, %arg14: memref<!tpu.dma_semaphore, #tpu.memory_space<semaphore_mem>>) attributes {dimension_semantics = [#tpu.dimension_semantics<core_parallel>, #tpu.dimension_semantics<subcore_parallel>], iteration_bounds = array<i64: 2, 16>, scalar_prefetch = 0 : i64, scratch_operands = 3 : i64, tpu.core_type = #tpu.core_type<sc_vector_subcore>, window_params = [{transform_indices = #map}, {transform_indices = #map}, {transform_indices = #map}, {transform_indices = #map}, {transform_indices = #map1}, {transform_indices = #map1}, {transform_indices = #map1}, {transform_indices = #map1}, {transform_indices = #map}, {transform_indices = #map}]} {
    %mul3A = arith.constant 2 : i32
    %mul3A_0 = arith.muli %arg1, %mul3A : i32
    %add3A = arith.addi %mul3A_0, %arg0 : i32
    %scan3A = arith.constant 0 : i32
    %scan3A_1 = arith.constant 0 : i32
    %scan3A_2 = arith.constant 5 : i32
    %scan3A_3 = arith.addi %scan3A_1, %scan3A_2 : i32
    %scan3A_4 = arith.constant 1 : i32
    scf.for %scan3A_6 = %scan3A_1 to %scan3A_3 step %scan3A_4  : i32 {
      %mul3A_7 = arith.constant 5 : i32
      %mul3A_8 = arith.muli %add3A, %mul3A_7 : i32
      %add3A_9 = arith.addi %mul3A_8, %scan3A_6 : i32
      %jit3A = arith.constant 80 : i32
      %div3A = arith.divsi %add3A_9, %jit3A : i32
      %sign3A = arith.constant 0 : i32
      %sign3A_10 = arith.cmpi sgt, %add3A_9, %sign3A : i32
      %sign3A_11 = arith.extui %sign3A_10 : i1 to i32
      %sign3A_12 = arith.constant 0 : i32
      %sign3A_13 = arith.cmpi slt, %add3A_9, %sign3A_12 : i32
      %sign3A_14 = arith.extui %sign3A_13 : i1 to i32
      %sign3A_15 = arith.subi %sign3A_11, %sign3A_14 : i32
      %sign3A_16 = arith.constant 0 : i32
      %sign3A_17 = arith.cmpi sgt, %jit3A, %sign3A_16 : i32
      %sign3A_18 = arith.extui %sign3A_17 : i1 to i32
      %sign3A_19 = arith.constant 0 : i32
      %sign3A_20 = arith.cmpi slt, %jit3A, %sign3A_19 : i32
      %sign3A_21 = arith.extui %sign3A_20 : i1 to i32
      %sign3A_22 = arith.subi %sign3A_18, %sign3A_21 : i32
      %ne3A = arith.cmpi ne, %sign3A_15, %sign3A_22 : i32
      %rem3A = arith.remsi %add3A_9, %jit3A : i32
      %ne3A_23 = arith.constant 0 : i32
      %ne3A_24 = arith.cmpi ne, %rem3A, %ne3A_23 : i32
      %and3A = arith.andi %ne3A, %ne3A_24 : i1
      %sub3A = arith.constant 1 : i32
      %sub3A_25 = arith.subi %div3A, %sub3A : i32
      %select_n3A = arith.select %and3A, %sub3A_25, %div3A : i32
      %jit3A_26 = arith.constant 4 : i32
      %div3A_27 = arith.divsi %add3A_9, %jit3A_26 : i32
      %sign3A_28 = arith.constant 0 : i32
      %sign3A_29 = arith.cmpi sgt, %add3A_9, %sign3A_28 : i32
      %sign3A_30 = arith.extui %sign3A_29 : i1 to i32
      %sign3A_31 = arith.constant 0 : i32
      %sign3A_32 = arith.cmpi slt, %add3A_9, %sign3A_31 : i32
      %sign3A_33 = arith.extui %sign3A_32 : i1 to i32
      %sign3A_34 = arith.subi %sign3A_30, %sign3A_33 : i32
      %sign3A_35 = arith.constant 0 : i32
      %sign3A_36 = arith.cmpi sgt, %jit3A_26, %sign3A_35 : i32
      %sign3A_37 = arith.extui %sign3A_36 : i1 to i32
      %sign3A_38 = arith.constant 0 : i32
      %sign3A_39 = arith.cmpi slt, %jit3A_26, %sign3A_38 : i32
      %sign3A_40 = arith.extui %sign3A_39 : i1 to i32
      %sign3A_41 = arith.subi %sign3A_37, %sign3A_40 : i32
      %ne3A_42 = arith.cmpi ne, %sign3A_34, %sign3A_41 : i32
      %rem3A_43 = arith.remsi %add3A_9, %jit3A_26 : i32
      %ne3A_44 = arith.constant 0 : i32
      %ne3A_45 = arith.cmpi ne, %rem3A_43, %ne3A_44 : i32
      %and3A_46 = arith.andi %ne3A_42, %ne3A_45 : i1
      %sub3A_47 = arith.constant 1 : i32
      %sub3A_48 = arith.subi %div3A_27, %sub3A_47 : i32
      %select_n3A_49 = arith.select %and3A_46, %sub3A_48, %div3A_27 : i32
      %jit3A_50 = arith.constant 20 : i32
      %eq3A = arith.constant 0 : i32
      %eq3A_51 = arith.cmpi eq, %jit3A_50, %eq3A : i32
      %jit3A_52 = arith.constant 1 : i32
      %select_n3A_53 = arith.select %eq3A_51, %jit3A_52, %jit3A_50 : i32
      %rem3A_54 = arith.remsi %select_n3A_49, %select_n3A_53 : i32
      %ne3A_55 = arith.constant 0 : i32
      %ne3A_56 = arith.cmpi ne, %rem3A_54, %ne3A_55 : i32
      %lt3A = arith.constant 0 : i32
      %lt3A_57 = arith.cmpi slt, %rem3A_54, %lt3A : i32
      %lt3A_58 = arith.constant 0 : i32
      %lt3A_59 = arith.cmpi slt, %select_n3A_53, %lt3A_58 : i32
      %ne3A_60 = arith.xori %lt3A_57, %lt3A_59 : i1
      %and3A_61 = arith.andi %ne3A_60, %ne3A_56 : i1
      %add3A_62 = arith.addi %rem3A_54, %select_n3A_53 : i32
      %select_n3A_63 = arith.select %and3A_61, %add3A_62, %rem3A_54 : i32
      %jit3A_64 = arith.constant 4 : i32
      %eq3A_65 = arith.constant 0 : i32
      %eq3A_66 = arith.cmpi eq, %jit3A_64, %eq3A_65 : i32
      %jit3A_67 = arith.constant 1 : i32
      %select_n3A_68 = arith.select %eq3A_66, %jit3A_67, %jit3A_64 : i32
      %rem3A_69 = arith.remsi %add3A_9, %select_n3A_68 : i32
      %ne3A_70 = arith.constant 0 : i32
      %ne3A_71 = arith.cmpi ne, %rem3A_69, %ne3A_70 : i32
      %lt3A_72 = arith.constant 0 : i32
      %lt3A_73 = arith.cmpi slt, %rem3A_69, %lt3A_72 : i32
      %lt3A_74 = arith.constant 0 : i32
      %lt3A_75 = arith.cmpi slt, %select_n3A_68, %lt3A_74 : i32
      %ne3A_76 = arith.xori %lt3A_73, %lt3A_75 : i1
      %and3A_77 = arith.andi %ne3A_76, %ne3A_71 : i1
      %add3A_78 = arith.addi %rem3A_69, %select_n3A_68 : i32
      %select_n3A_79 = arith.select %and3A_77, %add3A_78, %rem3A_69 : i32
      %mul3A_80 = arith.constant 4 : i32
      %mul3A_81 = arith.muli %select_n3A, %mul3A_80 : i32
      %add3A_82 = arith.addi %mul3A_81, %select_n3A_79 : i32
      %mul3A_83 = arith.constant 20 : i32
      %mul3A_84 = arith.muli %add3A_82, %mul3A_83 : i32
      %add3A_85 = arith.addi %mul3A_84, %select_n3A_63 : i32
      %mul3A_86 = arith.constant 256 : i32
      %mul3A_87 = arith.muli %add3A_85, %mul3A_86 : i32
      %add3A_88 = arith.constant 0 : i32
      %add3A_89 = arith.addi %mul3A_87, %add3A_88 : i32
      "tpu.region"() ({
        %run_scoped3A = tpu.sem_alloc : memref<!tpu.dma_semaphore, #tpu.memory_space<semaphore_mem>>
        %dma_start3A_221 = arith.constant 0 : i32
        %dma_start3A_222 = tpu.memref_slice %arg12[%dma_start3A_221] : memref<128xi32, #tpu.memory_space<vmem>> -> memref<128xi32, #tpu.memory_space<vmem>>
        %dma_start3A_223 = tpu.memref_slice %arg6[%add3A_89] : memref<40960xi32, #tpu.memory_space<hbm>> -> memref<128xi32, #tpu.memory_space<hbm>>
        %dma_start3A_224 = arith.constant 0 : i32
        %dma_start3A_225 = tpu.memref_slice %arg12[%dma_start3A_224] : memref<128xi32, #tpu.memory_space<vmem>> -> memref<128xi32, #tpu.memory_space<vmem>>
        %dma_start3A_226 = tpu.memref_slice %arg6[%add3A_89] : memref<40960xi32, #tpu.memory_space<hbm>> -> memref<128xi32, #tpu.memory_space<hbm>>
        tpu.enqueue_dma source(%dma_start3A_226 : memref<128xi32, #tpu.memory_space<hbm>>) target(%dma_start3A_225 : memref<128xi32, #tpu.memory_space<vmem>>) target_semaphore(%run_scoped3A : memref<!tpu.dma_semaphore, #tpu.memory_space<semaphore_mem>>)
        %dma_wait3A_227 = arith.constant 0 : i32
        %dma_wait3A_228 = tpu.memref_slice %arg12[%dma_wait3A_227] : memref<128xi32, #tpu.memory_space<vmem>> -> memref<128xi32, #tpu.memory_space<vmem>>
        %dma_wait3A_229 = tpu.memref_slice %arg6[%add3A_89] : memref<40960xi32, #tpu.memory_space<hbm>> -> memref<128xi32, #tpu.memory_space<hbm>>
        %dma_wait3A_230 = arith.constant 0 : i32
        %dma_wait3A_231 = tpu.memref_slice %arg12[%dma_wait3A_230] : memref<128xi32, #tpu.memory_space<vmem>> -> memref<128xi32, #tpu.memory_space<vmem>>
        %dma_wait3A_232 = tpu.memref_slice %arg6[%add3A_89] : memref<40960xi32, #tpu.memory_space<hbm>> -> memref<128xi32, #tpu.memory_space<hbm>>
        tpu.wait_dma2 semaphore(%run_scoped3A : memref<!tpu.dma_semaphore, #tpu.memory_space<semaphore_mem>>) src(%dma_wait3A_232 : memref<128xi32, #tpu.memory_space<hbm>>) dst(%dma_wait3A_231 : memref<128xi32, #tpu.memory_space<vmem>>)
        tpu.yield
      }) : () -> ()
      %dma_start3A = arith.constant 0 : i32
      %dma_start3A_90 = arith.constant 0 : i32
      %dma_start3A_91 = tpu.memref_slice %arg13[%dma_start3A, %dma_start3A_90] : memref<128x256xf32, #tpu.memory_space<vmem>> -> memref<128x256xf32, #tpu.memory_space<vmem>>
      %dma_start3A_92 = arith.constant 0 : i32
      %dma_start3A_93 = tpu.memref_slice %arg12[%dma_start3A_92] : memref<128xi32, #tpu.memory_space<vmem>> -> memref<128xi32, #tpu.memory_space<vmem>>
      %dma_start3A_94 = arith.constant 0 : i32
      %dma_start3A_95 = arith.constant 0 : i32
      %dma_start3A_96 = tpu.memref_slice %arg2[%dma_start3A_94, %dma_start3A_95] : memref<32768x256xf32, #tpu.memory_space<hbm>> -> memref<32768x256xf32, #tpu.memory_space<hbm>>
      tpu.enqueue_indirect_dma source(%dma_start3A_96 : memref<32768x256xf32, #tpu.memory_space<hbm>>) target(%dma_start3A_91 : memref<128x256xf32, #tpu.memory_space<vmem>>) offsets(%dma_start3A_93 : memref<128xi32, #tpu.memory_space<vmem>>) semaphore(%arg14 : memref<!tpu.dma_semaphore, #tpu.memory_space<semaphore_mem>>)
      %dma_wait3A = arith.constant 0 : i32
      %dma_wait3A_97 = arith.constant 0 : i32
      %dma_wait3A_98 = tpu.memref_slice %arg13[%dma_wait3A, %dma_wait3A_97] : memref<128x256xf32, #tpu.memory_space<vmem>> -> memref<128x256xf32, #tpu.memory_space<vmem>>
      %dma_wait3A_99 = arith.constant 0 : i32
      %dma_wait3A_100 = tpu.memref_slice %arg12[%dma_wait3A_99] : memref<128xi32, #tpu.memory_space<vmem>> -> memref<128xi32, #tpu.memory_space<vmem>>
      %dma_wait3A_101 = arith.constant 0 : i32
      %dma_wait3A_102 = arith.constant 0 : i32
      %dma_wait3A_103 = tpu.memref_slice %arg2[%dma_wait3A_101, %dma_wait3A_102] : memref<32768x256xf32, #tpu.memory_space<hbm>> -> memref<32768x256xf32, #tpu.memory_space<hbm>>
      tpu.wait_indirect_dma semaphore(%arg14 : memref<!tpu.dma_semaphore, #tpu.memory_space<semaphore_mem>>) src(%dma_wait3A_103 : memref<32768x256xf32, #tpu.memory_space<hbm>>) dst(%dma_wait3A_98 : memref<128x256xf32, #tpu.memory_space<vmem>>)
      %mul3A_104 = arith.constant 344 : i32
      %mul3A_105 = arith.muli %add3A_9, %mul3A_104 : i32
      %add3A_106 = arith.constant 0 : i32
      %add3A_107 = arith.addi %mul3A_105, %add3A_106 : i32
      %add3A_108 = arith.constant 0 : i32
      %add3A_109 = arith.addi %add3A_107, %add3A_108 : i32
      "tpu.region"() ({
        %run_scoped3A = tpu.sem_alloc : memref<!tpu.dma_semaphore, #tpu.memory_space<semaphore_mem>>
        %dma_start3A_221 = arith.constant 0 : i32
        %dma_start3A_222 = arith.constant 0 : i32
        %dma_start3A_223 = tpu.memref_slice %arg13[%dma_start3A_221, %dma_start3A_222] : memref<128x256xf32, #tpu.memory_space<vmem>> -> memref<128x128xf32, #tpu.memory_space<vmem>>
        %dma_start3A_224 = arith.constant 0 : i32
        %dma_start3A_225 = tpu.memref_slice %arg10[%add3A_109, %dma_start3A_224] : memref<55040x128xf32, #tpu.memory_space<hbm>> -> memref<128x128xf32, #tpu.memory_space<hbm>>
        %dma_start3A_226 = arith.constant 0 : i32
        %dma_start3A_227 = tpu.memref_slice %arg10[%add3A_109, %dma_start3A_226] : memref<55040x128xf32, #tpu.memory_space<hbm>> -> memref<128x128xf32, #tpu.memory_space<hbm>>
        %dma_start3A_228 = arith.constant 0 : i32
        %dma_start3A_229 = arith.constant 0 : i32
        %dma_start3A_230 = tpu.memref_slice %arg13[%dma_start3A_228, %dma_start3A_229] : memref<128x256xf32, #tpu.memory_space<vmem>> -> memref<128x128xf32, #tpu.memory_space<vmem>>
        tpu.enqueue_dma source(%dma_start3A_230 : memref<128x128xf32, #tpu.memory_space<vmem>>) target(%dma_start3A_227 : memref<128x128xf32, #tpu.memory_space<hbm>>) target_semaphore(%run_scoped3A : memref<!tpu.dma_semaphore, #tpu.memory_space<semaphore_mem>>)
        %dma_wait3A_231 = arith.constant 0 : i32
        %dma_wait3A_232 = arith.constant 0 : i32
        %dma_wait3A_233 = tpu.memref_slice %arg13[%dma_wait3A_231, %dma_wait3A_232] : memref<128x256xf32, #tpu.memory_space<vmem>> -> memref<128x128xf32, #tpu.memory_space<vmem>>
        %dma_wait3A_234 = arith.constant 0 : i32
        %dma_wait3A_235 = tpu.memref_slice %arg10[%add3A_109, %dma_wait3A_234] : memref<55040x128xf32, #tpu.memory_space<hbm>> -> memref<128x128xf32, #tpu.memory_space<hbm>>
        %dma_wait3A_236 = arith.constant 0 : i32
        %dma_wait3A_237 = tpu.memref_slice %arg10[%add3A_109, %dma_wait3A_236] : memref<55040x128xf32, #tpu.memory_space<hbm>> -> memref<128x128xf32, #tpu.memory_space<hbm>>
        %dma_wait3A_238 = arith.constant 0 : i32
        %dma_wait3A_239 = arith.constant 0 : i32
        %dma_wait3A_240 = tpu.memref_slice %arg13[%dma_wait3A_238, %dma_wait3A_239] : memref<128x256xf32, #tpu.memory_space<vmem>> -> memref<128x128xf32, #tpu.memory_space<vmem>>
        tpu.wait_dma2 semaphore(%run_scoped3A : memref<!tpu.dma_semaphore, #tpu.memory_space<semaphore_mem>>) src(%dma_wait3A_240 : memref<128x128xf32, #tpu.memory_space<vmem>>) dst(%dma_wait3A_237 : memref<128x128xf32, #tpu.memory_space<hbm>>)
        tpu.yield
      }) : () -> ()
      "tpu.region"() ({
        %run_scoped3A = tpu.sem_alloc : memref<!tpu.dma_semaphore, #tpu.memory_space<semaphore_mem>>
        %dma_start3A_221 = arith.constant 0 : i32
        %dma_start3A_222 = arith.constant 128 : i32
        %dma_start3A_223 = tpu.memref_slice %arg13[%dma_start3A_221, %dma_start3A_222] : memref<128x256xf32, #tpu.memory_space<vmem>> -> memref<128x128xf32, #tpu.memory_space<vmem>>
        %dma_start3A_224 = arith.constant 0 : i32
        %dma_start3A_225 = tpu.memref_slice %arg11[%add3A_109, %dma_start3A_224] : memref<55040x128xf32, #tpu.memory_space<hbm>> -> memref<128x128xf32, #tpu.memory_space<hbm>>
        %dma_start3A_226 = arith.constant 0 : i32
        %dma_start3A_227 = tpu.memref_slice %arg11[%add3A_109, %dma_start3A_226] : memref<55040x128xf32, #tpu.memory_space<hbm>> -> memref<128x128xf32, #tpu.memory_space<hbm>>
        %dma_start3A_228 = arith.constant 0 : i32
        %dma_start3A_229 = arith.constant 128 : i32
        %dma_start3A_230 = tpu.memref_slice %arg13[%dma_start3A_228, %dma_start3A_229] : memref<128x256xf32, #tpu.memory_space<vmem>> -> memref<128x128xf32, #tpu.memory_space<vmem>>
        tpu.enqueue_dma source(%dma_start3A_230 : memref<128x128xf32, #tpu.memory_space<vmem>>) target(%dma_start3A_227 : memref<128x128xf32, #tpu.memory_space<hbm>>) target_semaphore(%run_scoped3A : memref<!tpu.dma_semaphore, #tpu.memory_space<semaphore_mem>>)
        %dma_wait3A_231 = arith.constant 0 : i32
        %dma_wait3A_232 = arith.constant 128 : i32
        %dma_wait3A_233 = tpu.memref_slice %arg13[%dma_wait3A_231, %dma_wait3A_232] : memref<128x256xf32, #tpu.memory_space<vmem>> -> memref<128x128xf32, #tpu.memory_space<vmem>>
        %dma_wait3A_234 = arith.constant 0 : i32
        %dma_wait3A_235 = tpu.memref_slice %arg11[%add3A_109, %dma_wait3A_234] : memref<55040x128xf32, #tpu.memory_space<hbm>> -> memref<128x128xf32, #tpu.memory_space<hbm>>
        %dma_wait3A_236 = arith.constant 0 : i32
        %dma_wait3A_237 = tpu.memref_slice %arg11[%add3A_109, %dma_wait3A_236] : memref<55040x128xf32, #tpu.memory_space<hbm>> -> memref<128x128xf32, #tpu.memory_space<hbm>>
        %dma_wait3A_238 = arith.constant 0 : i32
        %dma_wait3A_239 = arith.constant 128 : i32
        %dma_wait3A_240 = tpu.memref_slice %arg13[%dma_wait3A_238, %dma_wait3A_239] : memref<128x256xf32, #tpu.memory_space<vmem>> -> memref<128x128xf32, #tpu.memory_space<vmem>>
        tpu.wait_dma2 semaphore(%run_scoped3A : memref<!tpu.dma_semaphore, #tpu.memory_space<semaphore_mem>>) src(%dma_wait3A_240 : memref<128x128xf32, #tpu.memory_space<vmem>>) dst(%dma_wait3A_237 : memref<128x128xf32, #tpu.memory_space<hbm>>)
        tpu.yield
      }) : () -> ()
      %add3A_110 = arith.constant 128 : i32
      %add3A_111 = arith.addi %mul3A_87, %add3A_110 : i32
      "tpu.region"() ({
        %run_scoped3A = tpu.sem_alloc : memref<!tpu.dma_semaphore, #tpu.memory_space<semaphore_mem>>
        %dma_start3A_221 = arith.constant 0 : i32
        %dma_start3A_222 = tpu.memref_slice %arg12[%dma_start3A_221] : memref<128xi32, #tpu.memory_space<vmem>> -> memref<128xi32, #tpu.memory_space<vmem>>
        %dma_start3A_223 = tpu.memref_slice %arg6[%add3A_111] : memref<40960xi32, #tpu.memory_space<hbm>> -> memref<128xi32, #tpu.memory_space<hbm>>
        %dma_start3A_224 = arith.constant 0 : i32
        %dma_start3A_225 = tpu.memref_slice %arg12[%dma_start3A_224] : memref<128xi32, #tpu.memory_space<vmem>> -> memref<128xi32, #tpu.memory_space<vmem>>
        %dma_start3A_226 = tpu.memref_slice %arg6[%add3A_111] : memref<40960xi32, #tpu.memory_space<hbm>> -> memref<128xi32, #tpu.memory_space<hbm>>
        tpu.enqueue_dma source(%dma_start3A_226 : memref<128xi32, #tpu.memory_space<hbm>>) target(%dma_start3A_225 : memref<128xi32, #tpu.memory_space<vmem>>) target_semaphore(%run_scoped3A : memref<!tpu.dma_semaphore, #tpu.memory_space<semaphore_mem>>)
        %dma_wait3A_227 = arith.constant 0 : i32
        %dma_wait3A_228 = tpu.memref_slice %arg12[%dma_wait3A_227] : memref<128xi32, #tpu.memory_space<vmem>> -> memref<128xi32, #tpu.memory_space<vmem>>
        %dma_wait3A_229 = tpu.memref_slice %arg6[%add3A_111] : memref<40960xi32, #tpu.memory_space<hbm>> -> memref<128xi32, #tpu.memory_space<hbm>>
        %dma_wait3A_230 = arith.constant 0 : i32
        %dma_wait3A_231 = tpu.memref_slice %arg12[%dma_wait3A_230] : memref<128xi32, #tpu.memory_space<vmem>> -> memref<128xi32, #tpu.memory_space<vmem>>
        %dma_wait3A_232 = tpu.memref_slice %arg6[%add3A_111] : memref<40960xi32, #tpu.memory_space<hbm>> -> memref<128xi32, #tpu.memory_space<hbm>>
        tpu.wait_dma2 semaphore(%run_scoped3A : memref<!tpu.dma_semaphore, #tpu.memory_space<semaphore_mem>>) src(%dma_wait3A_232 : memref<128xi32, #tpu.memory_space<hbm>>) dst(%dma_wait3A_231 : memref<128xi32, #tpu.memory_space<vmem>>)
        tpu.yield
      }) : () -> ()
      %dma_start3A_112 = arith.constant 0 : i32
      %dma_start3A_113 = arith.constant 0 : i32
      %dma_start3A_114 = tpu.memref_slice %arg13[%dma_start3A_112, %dma_start3A_113] : memref<128x256xf32, #tpu.memory_space<vmem>> -> memref<128x256xf32, #tpu.memory_space<vmem>>
      %dma_start3A_115 = arith.constant 0 : i32
      %dma_start3A_116 = tpu.memref_slice %arg12[%dma_start3A_115] : memref<128xi32, #tpu.memory_space<vmem>> -> memref<128xi32, #tpu.memory_space<vmem>>
      %dma_start3A_117 = arith.constant 0 : i32
      %dma_start3A_118 = arith.constant 0 : i32
      %dma_start3A_119 = tpu.memref_slice %arg2[%dma_start3A_117, %dma_start3A_118] : memref<32768x256xf32, #tpu.memory_space<hbm>> -> memref<32768x256xf32, #tpu.memory_space<hbm>>
      tpu.enqueue_indirect_dma source(%dma_start3A_119 : memref<32768x256xf32, #tpu.memory_space<hbm>>) target(%dma_start3A_114 : memref<128x256xf32, #tpu.memory_space<vmem>>) offsets(%dma_start3A_116 : memref<128xi32, #tpu.memory_space<vmem>>) semaphore(%arg14 : memref<!tpu.dma_semaphore, #tpu.memory_space<semaphore_mem>>)
      %dma_wait3A_120 = arith.constant 0 : i32
      %dma_wait3A_121 = arith.constant 0 : i32
      %dma_wait3A_122 = tpu.memref_slice %arg13[%dma_wait3A_120, %dma_wait3A_121] : memref<128x256xf32, #tpu.memory_space<vmem>> -> memref<128x256xf32, #tpu.memory_space<vmem>>
      %dma_wait3A_123 = arith.constant 0 : i32
      %dma_wait3A_124 = tpu.memref_slice %arg12[%dma_wait3A_123] : memref<128xi32, #tpu.memory_space<vmem>> -> memref<128xi32, #tpu.memory_space<vmem>>
      %dma_wait3A_125 = arith.constant 0 : i32
      %dma_wait3A_126 = arith.constant 0 : i32
      %dma_wait3A_127 = tpu.memref_slice %arg2[%dma_wait3A_125, %dma_wait3A_126] : memref<32768x256xf32, #tpu.memory_space<hbm>> -> memref<32768x256xf32, #tpu.memory_space<hbm>>
      tpu.wait_indirect_dma semaphore(%arg14 : memref<!tpu.dma_semaphore, #tpu.memory_space<semaphore_mem>>) src(%dma_wait3A_127 : memref<32768x256xf32, #tpu.memory_space<hbm>>) dst(%dma_wait3A_122 : memref<128x256xf32, #tpu.memory_space<vmem>>)
      %mul3A_128 = arith.constant 344 : i32
      %mul3A_129 = arith.muli %add3A_9, %mul3A_128 : i32
      %add3A_130 = arith.constant 0 : i32
      %add3A_131 = arith.addi %mul3A_129, %add3A_130 : i32
      %add3A_132 = arith.constant 128 : i32
      %add3A_133 = arith.addi %add3A_131, %add3A_132 : i32
      "tpu.region"() ({
        %run_scoped3A = tpu.sem_alloc : memref<!tpu.dma_semaphore, #tpu.memory_space<semaphore_mem>>
        %dma_start3A_221 = arith.constant 0 : i32
        %dma_start3A_222 = arith.constant 0 : i32
        %dma_start3A_223 = tpu.memref_slice %arg13[%dma_start3A_221, %dma_start3A_222] : memref<128x256xf32, #tpu.memory_space<vmem>> -> memref<128x128xf32, #tpu.memory_space<vmem>>
        %dma_start3A_224 = arith.constant 0 : i32
        %dma_start3A_225 = tpu.memref_slice %arg10[%add3A_133, %dma_start3A_224] : memref<55040x128xf32, #tpu.memory_space<hbm>> -> memref<128x128xf32, #tpu.memory_space<hbm>>
        %dma_start3A_226 = arith.constant 0 : i32
        %dma_start3A_227 = tpu.memref_slice %arg10[%add3A_133, %dma_start3A_226] : memref<55040x128xf32, #tpu.memory_space<hbm>> -> memref<128x128xf32, #tpu.memory_space<hbm>>
        %dma_start3A_228 = arith.constant 0 : i32
        %dma_start3A_229 = arith.constant 0 : i32
        %dma_start3A_230 = tpu.memref_slice %arg13[%dma_start3A_228, %dma_start3A_229] : memref<128x256xf32, #tpu.memory_space<vmem>> -> memref<128x128xf32, #tpu.memory_space<vmem>>
        tpu.enqueue_dma source(%dma_start3A_230 : memref<128x128xf32, #tpu.memory_space<vmem>>) target(%dma_start3A_227 : memref<128x128xf32, #tpu.memory_space<hbm>>) target_semaphore(%run_scoped3A : memref<!tpu.dma_semaphore, #tpu.memory_space<semaphore_mem>>)
        %dma_wait3A_231 = arith.constant 0 : i32
        %dma_wait3A_232 = arith.constant 0 : i32
        %dma_wait3A_233 = tpu.memref_slice %arg13[%dma_wait3A_231, %dma_wait3A_232] : memref<128x256xf32, #tpu.memory_space<vmem>> -> memref<128x128xf32, #tpu.memory_space<vmem>>
        %dma_wait3A_234 = arith.constant 0 : i32
        %dma_wait3A_235 = tpu.memref_slice %arg10[%add3A_133, %dma_wait3A_234] : memref<55040x128xf32, #tpu.memory_space<hbm>> -> memref<128x128xf32, #tpu.memory_space<hbm>>
        %dma_wait3A_236 = arith.constant 0 : i32
        %dma_wait3A_237 = tpu.memref_slice %arg10[%add3A_133, %dma_wait3A_236] : memref<55040x128xf32, #tpu.memory_space<hbm>> -> memref<128x128xf32, #tpu.memory_space<hbm>>
        %dma_wait3A_238 = arith.constant 0 : i32
        %dma_wait3A_239 = arith.constant 0 : i32
        %dma_wait3A_240 = tpu.memref_slice %arg13[%dma_wait3A_238, %dma_wait3A_239] : memref<128x256xf32, #tpu.memory_space<vmem>> -> memref<128x128xf32, #tpu.memory_space<vmem>>
        tpu.wait_dma2 semaphore(%run_scoped3A : memref<!tpu.dma_semaphore, #tpu.memory_space<semaphore_mem>>) src(%dma_wait3A_240 : memref<128x128xf32, #tpu.memory_space<vmem>>) dst(%dma_wait3A_237 : memref<128x128xf32, #tpu.memory_space<hbm>>)
        tpu.yield
      }) : () -> ()
      "tpu.region"() ({
        %run_scoped3A = tpu.sem_alloc : memref<!tpu.dma_semaphore, #tpu.memory_space<semaphore_mem>>
        %dma_start3A_221 = arith.constant 0 : i32
        %dma_start3A_222 = arith.constant 128 : i32
        %dma_start3A_223 = tpu.memref_slice %arg13[%dma_start3A_221, %dma_start3A_222] : memref<128x256xf32, #tpu.memory_space<vmem>> -> memref<128x128xf32, #tpu.memory_space<vmem>>
        %dma_start3A_224 = arith.constant 0 : i32
        %dma_start3A_225 = tpu.memref_slice %arg11[%add3A_133, %dma_start3A_224] : memref<55040x128xf32, #tpu.memory_space<hbm>> -> memref<128x128xf32, #tpu.memory_space<hbm>>
        %dma_start3A_226 = arith.constant 0 : i32
        %dma_start3A_227 = tpu.memref_slice %arg11[%add3A_133, %dma_start3A_226] : memref<55040x128xf32, #tpu.memory_space<hbm>> -> memref<128x128xf32, #tpu.memory_space<hbm>>
        %dma_start3A_228 = arith.constant 0 : i32
        %dma_start3A_229 = arith.constant 128 : i32
        %dma_start3A_230 = tpu.memref_slice %arg13[%dma_start3A_228, %dma_start3A_229] : memref<128x256xf32, #tpu.memory_space<vmem>> -> memref<128x128xf32, #tpu.memory_space<vmem>>
        tpu.enqueue_dma source(%dma_start3A_230 : memref<128x128xf32, #tpu.memory_space<vmem>>) target(%dma_start3A_227 : memref<128x128xf32, #tpu.memory_space<hbm>>) target_semaphore(%run_scoped3A : memref<!tpu.dma_semaphore, #tpu.memory_space<semaphore_mem>>)
        %dma_wait3A_231 = arith.constant 0 : i32
        %dma_wait3A_232 = arith.constant 128 : i32
        %dma_wait3A_233 = tpu.memref_slice %arg13[%dma_wait3A_231, %dma_wait3A_232] : memref<128x256xf32, #tpu.memory_space<vmem>> -> memref<128x128xf32, #tpu.memory_space<vmem>>
        %dma_wait3A_234 = arith.constant 0 : i32
        %dma_wait3A_235 = tpu.memref_slice %arg11[%add3A_133, %dma_wait3A_234] : memref<55040x128xf32, #tpu.memory_space<hbm>> -> memref<128x128xf32, #tpu.memory_space<hbm>>
        %dma_wait3A_236 = arith.constant 0 : i32
        %dma_wait3A_237 = tpu.memref_slice %arg11[%add3A_133, %dma_wait3A_236] : memref<55040x128xf32, #tpu.memory_space<hbm>> -> memref<128x128xf32, #tpu.memory_space<hbm>>
        %dma_wait3A_238 = arith.constant 0 : i32
        %dma_wait3A_239 = arith.constant 128 : i32
        %dma_wait3A_240 = tpu.memref_slice %arg13[%dma_wait3A_238, %dma_wait3A_239] : memref<128x256xf32, #tpu.memory_space<vmem>> -> memref<128x128xf32, #tpu.memory_space<vmem>>
        tpu.wait_dma2 semaphore(%run_scoped3A : memref<!tpu.dma_semaphore, #tpu.memory_space<semaphore_mem>>) src(%dma_wait3A_240 : memref<128x128xf32, #tpu.memory_space<vmem>>) dst(%dma_wait3A_237 : memref<128x128xf32, #tpu.memory_space<hbm>>)
        tpu.yield
      }) : () -> ()
      %mul3A_134 = arith.constant 20 : i32
      %mul3A_135 = arith.muli %add3A_82, %mul3A_134 : i32
      %add3A_136 = arith.addi %mul3A_135, %select_n3A_63 : i32
      %mul3A_137 = arith.constant 64 : i32
      %mul3A_138 = arith.muli %add3A_136, %mul3A_137 : i32
      %add3A_139 = arith.constant 0 : i32
      %add3A_140 = arith.addi %mul3A_138, %add3A_139 : i32
      "tpu.region"() ({
        %run_scoped3A = tpu.sem_alloc : memref<!tpu.dma_semaphore, #tpu.memory_space<semaphore_mem>>
        %dma_start3A_221 = arith.constant 0 : i32
        %dma_start3A_222 = tpu.memref_slice %arg12[%dma_start3A_221] : memref<128xi32, #tpu.memory_space<vmem>> -> memref<64xi32, #tpu.memory_space<vmem>>
        %dma_start3A_223 = tpu.memref_slice %arg7[%add3A_140] : memref<10240xi32, #tpu.memory_space<hbm>> -> memref<64xi32, #tpu.memory_space<hbm>>
        %dma_start3A_224 = arith.constant 0 : i32
        %dma_start3A_225 = tpu.memref_slice %arg12[%dma_start3A_224] : memref<128xi32, #tpu.memory_space<vmem>> -> memref<64xi32, #tpu.memory_space<vmem>>
        %dma_start3A_226 = tpu.memref_slice %arg7[%add3A_140] : memref<10240xi32, #tpu.memory_space<hbm>> -> memref<64xi32, #tpu.memory_space<hbm>>
        tpu.enqueue_dma source(%dma_start3A_226 : memref<64xi32, #tpu.memory_space<hbm>>) target(%dma_start3A_225 : memref<64xi32, #tpu.memory_space<vmem>>) target_semaphore(%run_scoped3A : memref<!tpu.dma_semaphore, #tpu.memory_space<semaphore_mem>>)
        %dma_wait3A_227 = arith.constant 0 : i32
        %dma_wait3A_228 = tpu.memref_slice %arg12[%dma_wait3A_227] : memref<128xi32, #tpu.memory_space<vmem>> -> memref<64xi32, #tpu.memory_space<vmem>>
        %dma_wait3A_229 = tpu.memref_slice %arg7[%add3A_140] : memref<10240xi32, #tpu.memory_space<hbm>> -> memref<64xi32, #tpu.memory_space<hbm>>
        %dma_wait3A_230 = arith.constant 0 : i32
        %dma_wait3A_231 = tpu.memref_slice %arg12[%dma_wait3A_230] : memref<128xi32, #tpu.memory_space<vmem>> -> memref<64xi32, #tpu.memory_space<vmem>>
        %dma_wait3A_232 = tpu.memref_slice %arg7[%add3A_140] : memref<10240xi32, #tpu.memory_space<hbm>> -> memref<64xi32, #tpu.memory_space<hbm>>
        tpu.wait_dma2 semaphore(%run_scoped3A : memref<!tpu.dma_semaphore, #tpu.memory_space<semaphore_mem>>) src(%dma_wait3A_232 : memref<64xi32, #tpu.memory_space<hbm>>) dst(%dma_wait3A_231 : memref<64xi32, #tpu.memory_space<vmem>>)
        tpu.yield
      }) : () -> ()
      %dma_start3A_141 = arith.constant 0 : i32
      %dma_start3A_142 = arith.constant 0 : i32
      %dma_start3A_143 = tpu.memref_slice %arg13[%dma_start3A_141, %dma_start3A_142] : memref<128x256xf32, #tpu.memory_space<vmem>> -> memref<64x256xf32, #tpu.memory_space<vmem>>
      %dma_start3A_144 = arith.constant 0 : i32
      %dma_start3A_145 = tpu.memref_slice %arg12[%dma_start3A_144] : memref<128xi32, #tpu.memory_space<vmem>> -> memref<64xi32, #tpu.memory_space<vmem>>
      %dma_start3A_146 = arith.constant 0 : i32
      %dma_start3A_147 = arith.constant 0 : i32
      %dma_start3A_148 = tpu.memref_slice %arg3[%dma_start3A_146, %dma_start3A_147] : memref<8192x256xf32, #tpu.memory_space<hbm>> -> memref<8192x256xf32, #tpu.memory_space<hbm>>
      tpu.enqueue_indirect_dma source(%dma_start3A_148 : memref<8192x256xf32, #tpu.memory_space<hbm>>) target(%dma_start3A_143 : memref<64x256xf32, #tpu.memory_space<vmem>>) offsets(%dma_start3A_145 : memref<64xi32, #tpu.memory_space<vmem>>) semaphore(%arg14 : memref<!tpu.dma_semaphore, #tpu.memory_space<semaphore_mem>>)
      %dma_wait3A_149 = arith.constant 0 : i32
      %dma_wait3A_150 = arith.constant 0 : i32
      %dma_wait3A_151 = tpu.memref_slice %arg13[%dma_wait3A_149, %dma_wait3A_150] : memref<128x256xf32, #tpu.memory_space<vmem>> -> memref<64x256xf32, #tpu.memory_space<vmem>>
      %dma_wait3A_152 = arith.constant 0 : i32
      %dma_wait3A_153 = tpu.memref_slice %arg12[%dma_wait3A_152] : memref<128xi32, #tpu.memory_space<vmem>> -> memref<64xi32, #tpu.memory_space<vmem>>
      %dma_wait3A_154 = arith.constant 0 : i32
      %dma_wait3A_155 = arith.constant 0 : i32
      %dma_wait3A_156 = tpu.memref_slice %arg3[%dma_wait3A_154, %dma_wait3A_155] : memref<8192x256xf32, #tpu.memory_space<hbm>> -> memref<8192x256xf32, #tpu.memory_space<hbm>>
      tpu.wait_indirect_dma semaphore(%arg14 : memref<!tpu.dma_semaphore, #tpu.memory_space<semaphore_mem>>) src(%dma_wait3A_156 : memref<8192x256xf32, #tpu.memory_space<hbm>>) dst(%dma_wait3A_151 : memref<64x256xf32, #tpu.memory_space<vmem>>)
      %mul3A_157 = arith.constant 344 : i32
      %mul3A_158 = arith.muli %add3A_9, %mul3A_157 : i32
      %add3A_159 = arith.constant 256 : i32
      %add3A_160 = arith.addi %mul3A_158, %add3A_159 : i32
      %add3A_161 = arith.constant 0 : i32
      %add3A_162 = arith.addi %add3A_160, %add3A_161 : i32
      "tpu.region"() ({
        %run_scoped3A = tpu.sem_alloc : memref<!tpu.dma_semaphore, #tpu.memory_space<semaphore_mem>>
        %dma_start3A_221 = arith.constant 0 : i32
        %dma_start3A_222 = arith.constant 0 : i32
        %dma_start3A_223 = tpu.memref_slice %arg13[%dma_start3A_221, %dma_start3A_222] : memref<128x256xf32, #tpu.memory_space<vmem>> -> memref<64x128xf32, #tpu.memory_space<vmem>>
        %dma_start3A_224 = arith.constant 0 : i32
        %dma_start3A_225 = tpu.memref_slice %arg10[%add3A_162, %dma_start3A_224] : memref<55040x128xf32, #tpu.memory_space<hbm>> -> memref<64x128xf32, #tpu.memory_space<hbm>>
        %dma_start3A_226 = arith.constant 0 : i32
        %dma_start3A_227 = tpu.memref_slice %arg10[%add3A_162, %dma_start3A_226] : memref<55040x128xf32, #tpu.memory_space<hbm>> -> memref<64x128xf32, #tpu.memory_space<hbm>>
        %dma_start3A_228 = arith.constant 0 : i32
        %dma_start3A_229 = arith.constant 0 : i32
        %dma_start3A_230 = tpu.memref_slice %arg13[%dma_start3A_228, %dma_start3A_229] : memref<128x256xf32, #tpu.memory_space<vmem>> -> memref<64x128xf32, #tpu.memory_space<vmem>>
        tpu.enqueue_dma source(%dma_start3A_230 : memref<64x128xf32, #tpu.memory_space<vmem>>) target(%dma_start3A_227 : memref<64x128xf32, #tpu.memory_space<hbm>>) target_semaphore(%run_scoped3A : memref<!tpu.dma_semaphore, #tpu.memory_space<semaphore_mem>>)
        %dma_wait3A_231 = arith.constant 0 : i32
        %dma_wait3A_232 = arith.constant 0 : i32
        %dma_wait3A_233 = tpu.memref_slice %arg13[%dma_wait3A_231, %dma_wait3A_232] : memref<128x256xf32, #tpu.memory_space<vmem>> -> memref<64x128xf32, #tpu.memory_space<vmem>>
        %dma_wait3A_234 = arith.constant 0 : i32
        %dma_wait3A_235 = tpu.memref_slice %arg10[%add3A_162, %dma_wait3A_234] : memref<55040x128xf32, #tpu.memory_space<hbm>> -> memref<64x128xf32, #tpu.memory_space<hbm>>
        %dma_wait3A_236 = arith.constant 0 : i32
        %dma_wait3A_237 = tpu.memref_slice %arg10[%add3A_162, %dma_wait3A_236] : memref<55040x128xf32, #tpu.memory_space<hbm>> -> memref<64x128xf32, #tpu.memory_space<hbm>>
        %dma_wait3A_238 = arith.constant 0 : i32
        %dma_wait3A_239 = arith.constant 0 : i32
        %dma_wait3A_240 = tpu.memref_slice %arg13[%dma_wait3A_238, %dma_wait3A_239] : memref<128x256xf32, #tpu.memory_space<vmem>> -> memref<64x128xf32, #tpu.memory_space<vmem>>
        tpu.wait_dma2 semaphore(%run_scoped3A : memref<!tpu.dma_semaphore, #tpu.memory_space<semaphore_mem>>) src(%dma_wait3A_240 : memref<64x128xf32, #tpu.memory_space<vmem>>) dst(%dma_wait3A_237 : memref<64x128xf32, #tpu.memory_space<hbm>>)
        tpu.yield
      }) : () -> ()
      "tpu.region"() ({
        %run_scoped3A = tpu.sem_alloc : memref<!tpu.dma_semaphore, #tpu.memory_space<semaphore_mem>>
        %dma_start3A_221 = arith.constant 0 : i32
        %dma_start3A_222 = arith.constant 128 : i32
        %dma_start3A_223 = tpu.memref_slice %arg13[%dma_start3A_221, %dma_start3A_222] : memref<128x256xf32, #tpu.memory_space<vmem>> -> memref<64x128xf32, #tpu.memory_space<vmem>>
        %dma_start3A_224 = arith.constant 0 : i32
        %dma_start3A_225 = tpu.memref_slice %arg11[%add3A_162, %dma_start3A_224] : memref<55040x128xf32, #tpu.memory_space<hbm>> -> memref<64x128xf32, #tpu.memory_space<hbm>>
        %dma_start3A_226 = arith.constant 0 : i32
        %dma_start3A_227 = tpu.memref_slice %arg11[%add3A_162, %dma_start3A_226] : memref<55040x128xf32, #tpu.memory_space<hbm>> -> memref<64x128xf32, #tpu.memory_space<hbm>>
        %dma_start3A_228 = arith.constant 0 : i32
        %dma_start3A_229 = arith.constant 128 : i32
        %dma_start3A_230 = tpu.memref_slice %arg13[%dma_start3A_228, %dma_start3A_229] : memref<128x256xf32, #tpu.memory_space<vmem>> -> memref<64x128xf32, #tpu.memory_space<vmem>>
        tpu.enqueue_dma source(%dma_start3A_230 : memref<64x128xf32, #tpu.memory_space<vmem>>) target(%dma_start3A_227 : memref<64x128xf32, #tpu.memory_space<hbm>>) target_semaphore(%run_scoped3A : memref<!tpu.dma_semaphore, #tpu.memory_space<semaphore_mem>>)
        %dma_wait3A_231 = arith.constant 0 : i32
        %dma_wait3A_232 = arith.constant 128 : i32
        %dma_wait3A_233 = tpu.memref_slice %arg13[%dma_wait3A_231, %dma_wait3A_232] : memref<128x256xf32, #tpu.memory_space<vmem>> -> memref<64x128xf32, #tpu.memory_space<vmem>>
        %dma_wait3A_234 = arith.constant 0 : i32
        %dma_wait3A_235 = tpu.memref_slice %arg11[%add3A_162, %dma_wait3A_234] : memref<55040x128xf32, #tpu.memory_space<hbm>> -> memref<64x128xf32, #tpu.memory_space<hbm>>
        %dma_wait3A_236 = arith.constant 0 : i32
        %dma_wait3A_237 = tpu.memref_slice %arg11[%add3A_162, %dma_wait3A_236] : memref<55040x128xf32, #tpu.memory_space<hbm>> -> memref<64x128xf32, #tpu.memory_space<hbm>>
        %dma_wait3A_238 = arith.constant 0 : i32
        %dma_wait3A_239 = arith.constant 128 : i32
        %dma_wait3A_240 = tpu.memref_slice %arg13[%dma_wait3A_238, %dma_wait3A_239] : memref<128x256xf32, #tpu.memory_space<vmem>> -> memref<64x128xf32, #tpu.memory_space<vmem>>
        tpu.wait_dma2 semaphore(%run_scoped3A : memref<!tpu.dma_semaphore, #tpu.memory_space<semaphore_mem>>) src(%dma_wait3A_240 : memref<64x128xf32, #tpu.memory_space<vmem>>) dst(%dma_wait3A_237 : memref<64x128xf32, #tpu.memory_space<hbm>>)
        tpu.yield
      }) : () -> ()
      %mul3A_163 = arith.constant 20 : i32
      %mul3A_164 = arith.muli %add3A_82, %mul3A_163 : i32
      %add3A_165 = arith.addi %mul3A_164, %select_n3A_63 : i32
      %mul3A_166 = arith.constant 16 : i32
      %mul3A_167 = arith.muli %add3A_165, %mul3A_166 : i32
      %add3A_168 = arith.constant 0 : i32
      %add3A_169 = arith.addi %mul3A_167, %add3A_168 : i32
      "tpu.region"() ({
        %run_scoped3A = tpu.sem_alloc : memref<!tpu.dma_semaphore, #tpu.memory_space<semaphore_mem>>
        %dma_start3A_221 = arith.constant 0 : i32
        %dma_start3A_222 = tpu.memref_slice %arg12[%dma_start3A_221] : memref<128xi32, #tpu.memory_space<vmem>> -> memref<16xi32, #tpu.memory_space<vmem>>
        %dma_start3A_223 = tpu.memref_slice %arg8[%add3A_169] : memref<2560xi32, #tpu.memory_space<hbm>> -> memref<16xi32, #tpu.memory_space<hbm>>
        %dma_start3A_224 = arith.constant 0 : i32
        %dma_start3A_225 = tpu.memref_slice %arg12[%dma_start3A_224] : memref<128xi32, #tpu.memory_space<vmem>> -> memref<16xi32, #tpu.memory_space<vmem>>
        %dma_start3A_226 = tpu.memref_slice %arg8[%add3A_169] : memref<2560xi32, #tpu.memory_space<hbm>> -> memref<16xi32, #tpu.memory_space<hbm>>
        tpu.enqueue_dma source(%dma_start3A_226 : memref<16xi32, #tpu.memory_space<hbm>>) target(%dma_start3A_225 : memref<16xi32, #tpu.memory_space<vmem>>) target_semaphore(%run_scoped3A : memref<!tpu.dma_semaphore, #tpu.memory_space<semaphore_mem>>)
        %dma_wait3A_227 = arith.constant 0 : i32
        %dma_wait3A_228 = tpu.memref_slice %arg12[%dma_wait3A_227] : memref<128xi32, #tpu.memory_space<vmem>> -> memref<16xi32, #tpu.memory_space<vmem>>
        %dma_wait3A_229 = tpu.memref_slice %arg8[%add3A_169] : memref<2560xi32, #tpu.memory_space<hbm>> -> memref<16xi32, #tpu.memory_space<hbm>>
        %dma_wait3A_230 = arith.constant 0 : i32
        %dma_wait3A_231 = tpu.memref_slice %arg12[%dma_wait3A_230] : memref<128xi32, #tpu.memory_space<vmem>> -> memref<16xi32, #tpu.memory_space<vmem>>
        %dma_wait3A_232 = tpu.memref_slice %arg8[%add3A_169] : memref<2560xi32, #tpu.memory_space<hbm>> -> memref<16xi32, #tpu.memory_space<hbm>>
        tpu.wait_dma2 semaphore(%run_scoped3A : memref<!tpu.dma_semaphore, #tpu.memory_space<semaphore_mem>>) src(%dma_wait3A_232 : memref<16xi32, #tpu.memory_space<hbm>>) dst(%dma_wait3A_231 : memref<16xi32, #tpu.memory_space<vmem>>)
        tpu.yield
      }) : () -> ()
      %dma_start3A_170 = arith.constant 0 : i32
      %dma_start3A_171 = arith.constant 0 : i32
      %dma_start3A_172 = tpu.memref_slice %arg13[%dma_start3A_170, %dma_start3A_171] : memref<128x256xf32, #tpu.memory_space<vmem>> -> memref<16x256xf32, #tpu.memory_space<vmem>>
      %dma_start3A_173 = arith.constant 0 : i32
      %dma_start3A_174 = tpu.memref_slice %arg12[%dma_start3A_173] : memref<128xi32, #tpu.memory_space<vmem>> -> memref<16xi32, #tpu.memory_space<vmem>>
      %dma_start3A_175 = arith.constant 0 : i32
      %dma_start3A_176 = arith.constant 0 : i32
      %dma_start3A_177 = tpu.memref_slice %arg4[%dma_start3A_175, %dma_start3A_176] : memref<2048x256xf32, #tpu.memory_space<hbm>> -> memref<2048x256xf32, #tpu.memory_space<hbm>>
      tpu.enqueue_indirect_dma source(%dma_start3A_177 : memref<2048x256xf32, #tpu.memory_space<hbm>>) target(%dma_start3A_172 : memref<16x256xf32, #tpu.memory_space<vmem>>) offsets(%dma_start3A_174 : memref<16xi32, #tpu.memory_space<vmem>>) semaphore(%arg14 : memref<!tpu.dma_semaphore, #tpu.memory_space<semaphore_mem>>)
      %dma_wait3A_178 = arith.constant 0 : i32
      %dma_wait3A_179 = arith.constant 0 : i32
      %dma_wait3A_180 = tpu.memref_slice %arg13[%dma_wait3A_178, %dma_wait3A_179] : memref<128x256xf32, #tpu.memory_space<vmem>> -> memref<16x256xf32, #tpu.memory_space<vmem>>
      %dma_wait3A_181 = arith.constant 0 : i32
      %dma_wait3A_182 = tpu.memref_slice %arg12[%dma_wait3A_181] : memref<128xi32, #tpu.memory_space<vmem>> -> memref<16xi32, #tpu.memory_space<vmem>>
      %dma_wait3A_183 = arith.constant 0 : i32
      %dma_wait3A_184 = arith.constant 0 : i32
      %dma_wait3A_185 = tpu.memref_slice %arg4[%dma_wait3A_183, %dma_wait3A_184] : memref<2048x256xf32, #tpu.memory_space<hbm>> -> memref<2048x256xf32, #tpu.memory_space<hbm>>
      tpu.wait_indirect_dma semaphore(%arg14 : memref<!tpu.dma_semaphore, #tpu.memory_space<semaphore_mem>>) src(%dma_wait3A_185 : memref<2048x256xf32, #tpu.memory_space<hbm>>) dst(%dma_wait3A_180 : memref<16x256xf32, #tpu.memory_space<vmem>>)
      %mul3A_186 = arith.constant 344 : i32
      %mul3A_187 = arith.muli %add3A_9, %mul3A_186 : i32
      %add3A_188 = arith.constant 320 : i32
      %add3A_189 = arith.addi %mul3A_187, %add3A_188 : i32
      %add3A_190 = arith.constant 0 : i32
      %add3A_191 = arith.addi %add3A_189, %add3A_190 : i32
      "tpu.region"() ({
        %run_scoped3A = tpu.sem_alloc : memref<!tpu.dma_semaphore, #tpu.memory_space<semaphore_mem>>
        %dma_start3A_221 = arith.constant 0 : i32
        %dma_start3A_222 = arith.constant 0 : i32
        %dma_start3A_223 = tpu.memref_slice %arg13[%dma_start3A_221, %dma_start3A_222] : memref<128x256xf32, #tpu.memory_space<vmem>> -> memref<16x128xf32, #tpu.memory_space<vmem>>
        %dma_start3A_224 = arith.constant 0 : i32
        %dma_start3A_225 = tpu.memref_slice %arg10[%add3A_191, %dma_start3A_224] : memref<55040x128xf32, #tpu.memory_space<hbm>> -> memref<16x128xf32, #tpu.memory_space<hbm>>
        %dma_start3A_226 = arith.constant 0 : i32
        %dma_start3A_227 = tpu.memref_slice %arg10[%add3A_191, %dma_start3A_226] : memref<55040x128xf32, #tpu.memory_space<hbm>> -> memref<16x128xf32, #tpu.memory_space<hbm>>
        %dma_start3A_228 = arith.constant 0 : i32
        %dma_start3A_229 = arith.constant 0 : i32
        %dma_start3A_230 = tpu.memref_slice %arg13[%dma_start3A_228, %dma_start3A_229] : memref<128x256xf32, #tpu.memory_space<vmem>> -> memref<16x128xf32, #tpu.memory_space<vmem>>
        tpu.enqueue_dma source(%dma_start3A_230 : memref<16x128xf32, #tpu.memory_space<vmem>>) target(%dma_start3A_227 : memref<16x128xf32, #tpu.memory_space<hbm>>) target_semaphore(%run_scoped3A : memref<!tpu.dma_semaphore, #tpu.memory_space<semaphore_mem>>)
        %dma_wait3A_231 = arith.constant 0 : i32
        %dma_wait3A_232 = arith.constant 0 : i32
        %dma_wait3A_233 = tpu.memref_slice %arg13[%dma_wait3A_231, %dma_wait3A_232] : memref<128x256xf32, #tpu.memory_space<vmem>> -> memref<16x128xf32, #tpu.memory_space<vmem>>
        %dma_wait3A_234 = arith.constant 0 : i32
        %dma_wait3A_235 = tpu.memref_slice %arg10[%add3A_191, %dma_wait3A_234] : memref<55040x128xf32, #tpu.memory_space<hbm>> -> memref<16x128xf32, #tpu.memory_space<hbm>>
        %dma_wait3A_236 = arith.constant 0 : i32
        %dma_wait3A_237 = tpu.memref_slice %arg10[%add3A_191, %dma_wait3A_236] : memref<55040x128xf32, #tpu.memory_space<hbm>> -> memref<16x128xf32, #tpu.memory_space<hbm>>
        %dma_wait3A_238 = arith.constant 0 : i32
        %dma_wait3A_239 = arith.constant 0 : i32
        %dma_wait3A_240 = tpu.memref_slice %arg13[%dma_wait3A_238, %dma_wait3A_239] : memref<128x256xf32, #tpu.memory_space<vmem>> -> memref<16x128xf32, #tpu.memory_space<vmem>>
        tpu.wait_dma2 semaphore(%run_scoped3A : memref<!tpu.dma_semaphore, #tpu.memory_space<semaphore_mem>>) src(%dma_wait3A_240 : memref<16x128xf32, #tpu.memory_space<vmem>>) dst(%dma_wait3A_237 : memref<16x128xf32, #tpu.memory_space<hbm>>)
        tpu.yield
      }) : () -> ()
      "tpu.region"() ({
        %run_scoped3A = tpu.sem_alloc : memref<!tpu.dma_semaphore, #tpu.memory_space<semaphore_mem>>
        %dma_start3A_221 = arith.constant 0 : i32
        %dma_start3A_222 = arith.constant 128 : i32
        %dma_start3A_223 = tpu.memref_slice %arg13[%dma_start3A_221, %dma_start3A_222] : memref<128x256xf32, #tpu.memory_space<vmem>> -> memref<16x128xf32, #tpu.memory_space<vmem>>
        %dma_start3A_224 = arith.constant 0 : i32
        %dma_start3A_225 = tpu.memref_slice %arg11[%add3A_191, %dma_start3A_224] : memref<55040x128xf32, #tpu.memory_space<hbm>> -> memref<16x128xf32, #tpu.memory_space<hbm>>
        %dma_start3A_226 = arith.constant 0 : i32
        %dma_start3A_227 = tpu.memref_slice %arg11[%add3A_191, %dma_start3A_226] : memref<55040x128xf32, #tpu.memory_space<hbm>> -> memref<16x128xf32, #tpu.memory_space<hbm>>
        %dma_start3A_228 = arith.constant 0 : i32
        %dma_start3A_229 = arith.constant 128 : i32
        %dma_start3A_230 = tpu.memref_slice %arg13[%dma_start3A_228, %dma_start3A_229] : memref<128x256xf32, #tpu.memory_space<vmem>> -> memref<16x128xf32, #tpu.memory_space<vmem>>
        tpu.enqueue_dma source(%dma_start3A_230 : memref<16x128xf32, #tpu.memory_space<vmem>>) target(%dma_start3A_227 : memref<16x128xf32, #tpu.memory_space<hbm>>) target_semaphore(%run_scoped3A : memref<!tpu.dma_semaphore, #tpu.memory_space<semaphore_mem>>)
        %dma_wait3A_231 = arith.constant 0 : i32
        %dma_wait3A_232 = arith.constant 128 : i32
        %dma_wait3A_233 = tpu.memref_slice %arg13[%dma_wait3A_231, %dma_wait3A_232] : memref<128x256xf32, #tpu.memory_space<vmem>> -> memref<16x128xf32, #tpu.memory_space<vmem>>
        %dma_wait3A_234 = arith.constant 0 : i32
        %dma_wait3A_235 = tpu.memref_slice %arg11[%add3A_191, %dma_wait3A_234] : memref<55040x128xf32, #tpu.memory_space<hbm>> -> memref<16x128xf32, #tpu.memory_space<hbm>>
        %dma_wait3A_236 = arith.constant 0 : i32
        %dma_wait3A_237 = tpu.memref_slice %arg11[%add3A_191, %dma_wait3A_236] : memref<55040x128xf32, #tpu.memory_space<hbm>> -> memref<16x128xf32, #tpu.memory_space<hbm>>
        %dma_wait3A_238 = arith.constant 0 : i32
        %dma_wait3A_239 = arith.constant 128 : i32
        %dma_wait3A_240 = tpu.memref_slice %arg13[%dma_wait3A_238, %dma_wait3A_239] : memref<128x256xf32, #tpu.memory_space<vmem>> -> memref<16x128xf32, #tpu.memory_space<vmem>>
        tpu.wait_dma2 semaphore(%run_scoped3A : memref<!tpu.dma_semaphore, #tpu.memory_space<semaphore_mem>>) src(%dma_wait3A_240 : memref<16x128xf32, #tpu.memory_space<vmem>>) dst(%dma_wait3A_237 : memref<16x128xf32, #tpu.memory_space<hbm>>)
        tpu.yield
      }) : () -> ()
      %mul3A_192 = arith.constant 20 : i32
      %mul3A_193 = arith.muli %add3A_82, %mul3A_192 : i32
      %add3A_194 = arith.addi %mul3A_193, %select_n3A_63 : i32
      %mul3A_195 = arith.constant 8 : i32
      %mul3A_196 = arith.muli %add3A_194, %mul3A_195 : i32
      %add3A_197 = arith.constant 0 : i32
      %add3A_198 = arith.addi %mul3A_196, %add3A_197 : i32
      "tpu.region"() ({
        %run_scoped3A = tpu.sem_alloc : memref<!tpu.dma_semaphore, #tpu.memory_space<semaphore_mem>>
        %dma_start3A_221 = arith.constant 0 : i32
        %dma_start3A_222 = tpu.memref_slice %arg12[%dma_start3A_221] : memref<128xi32, #tpu.memory_space<vmem>> -> memref<8xi32, #tpu.memory_space<vmem>>
        %dma_start3A_223 = tpu.memref_slice %arg9[%add3A_198] : memref<1280xi32, #tpu.memory_space<hbm>> -> memref<8xi32, #tpu.memory_space<hbm>>
        %dma_start3A_224 = arith.constant 0 : i32
        %dma_start3A_225 = tpu.memref_slice %arg12[%dma_start3A_224] : memref<128xi32, #tpu.memory_space<vmem>> -> memref<8xi32, #tpu.memory_space<vmem>>
        %dma_start3A_226 = tpu.memref_slice %arg9[%add3A_198] : memref<1280xi32, #tpu.memory_space<hbm>> -> memref<8xi32, #tpu.memory_space<hbm>>
        tpu.enqueue_dma source(%dma_start3A_226 : memref<8xi32, #tpu.memory_space<hbm>>) target(%dma_start3A_225 : memref<8xi32, #tpu.memory_space<vmem>>) target_semaphore(%run_scoped3A : memref<!tpu.dma_semaphore, #tpu.memory_space<semaphore_mem>>)
        %dma_wait3A_227 = arith.constant 0 : i32
        %dma_wait3A_228 = tpu.memref_slice %arg12[%dma_wait3A_227] : memref<128xi32, #tpu.memory_space<vmem>> -> memref<8xi32, #tpu.memory_space<vmem>>
        %dma_wait3A_229 = tpu.memref_slice %arg9[%add3A_198] : memref<1280xi32, #tpu.memory_space<hbm>> -> memref<8xi32, #tpu.memory_space<hbm>>
        %dma_wait3A_230 = arith.constant 0 : i32
        %dma_wait3A_231 = tpu.memref_slice %arg12[%dma_wait3A_230] : memref<128xi32, #tpu.memory_space<vmem>> -> memref<8xi32, #tpu.memory_space<vmem>>
        %dma_wait3A_232 = tpu.memref_slice %arg9[%add3A_198] : memref<1280xi32, #tpu.memory_space<hbm>> -> memref<8xi32, #tpu.memory_space<hbm>>
        tpu.wait_dma2 semaphore(%run_scoped3A : memref<!tpu.dma_semaphore, #tpu.memory_space<semaphore_mem>>) src(%dma_wait3A_232 : memref<8xi32, #tpu.memory_space<hbm>>) dst(%dma_wait3A_231 : memref<8xi32, #tpu.memory_space<vmem>>)
        tpu.yield
      }) : () -> ()
      %dma_start3A_199 = arith.constant 0 : i32
      %dma_start3A_200 = arith.constant 0 : i32
      %dma_start3A_201 = tpu.memref_slice %arg13[%dma_start3A_199, %dma_start3A_200] : memref<128x256xf32, #tpu.memory_space<vmem>> -> memref<8x256xf32, #tpu.memory_space<vmem>>
      %dma_start3A_202 = arith.constant 0 : i32
      %dma_start3A_203 = tpu.memref_slice %arg12[%dma_start3A_202] : memref<128xi32, #tpu.memory_space<vmem>> -> memref<8xi32, #tpu.memory_space<vmem>>
      %dma_start3A_204 = arith.constant 0 : i32
      %dma_start3A_205 = arith.constant 0 : i32
      %dma_start3A_206 = tpu.memref_slice %arg5[%dma_start3A_204, %dma_start3A_205] : memref<512x256xf32, #tpu.memory_space<hbm>> -> memref<512x256xf32, #tpu.memory_space<hbm>>
      tpu.enqueue_indirect_dma source(%dma_start3A_206 : memref<512x256xf32, #tpu.memory_space<hbm>>) target(%dma_start3A_201 : memref<8x256xf32, #tpu.memory_space<vmem>>) offsets(%dma_start3A_203 : memref<8xi32, #tpu.memory_space<vmem>>) semaphore(%arg14 : memref<!tpu.dma_semaphore, #tpu.memory_space<semaphore_mem>>)
      %dma_wait3A_207 = arith.constant 0 : i32
      %dma_wait3A_208 = arith.constant 0 : i32
      %dma_wait3A_209 = tpu.memref_slice %arg13[%dma_wait3A_207, %dma_wait3A_208] : memref<128x256xf32, #tpu.memory_space<vmem>> -> memref<8x256xf32, #tpu.memory_space<vmem>>
      %dma_wait3A_210 = arith.constant 0 : i32
      %dma_wait3A_211 = tpu.memref_slice %arg12[%dma_wait3A_210] : memref<128xi32, #tpu.memory_space<vmem>> -> memref<8xi32, #tpu.memory_space<vmem>>
      %dma_wait3A_212 = arith.constant 0 : i32
      %dma_wait3A_213 = arith.constant 0 : i32
      %dma_wait3A_214 = tpu.memref_slice %arg5[%dma_wait3A_212, %dma_wait3A_213] : memref<512x256xf32, #tpu.memory_space<hbm>> -> memref<512x256xf32, #tpu.memory_space<hbm>>
      tpu.wait_indirect_dma semaphore(%arg14 : memref<!tpu.dma_semaphore, #tpu.memory_space<semaphore_mem>>) src(%dma_wait3A_214 : memref<512x256xf32, #tpu.memory_space<hbm>>) dst(%dma_wait3A_209 : memref<8x256xf32, #tpu.memory_space<vmem>>)
      %mul3A_215 = arith.constant 344 : i32
      %mul3A_216 = arith.muli %add3A_9, %mul3A_215 : i32
      %add3A_217 = arith.constant 336 : i32
      %add3A_218 = arith.addi %mul3A_216, %add3A_217 : i32
      %add3A_219 = arith.constant 0 : i32
      %add3A_220 = arith.addi %add3A_218, %add3A_219 : i32
      "tpu.region"() ({
        %run_scoped3A = tpu.sem_alloc : memref<!tpu.dma_semaphore, #tpu.memory_space<semaphore_mem>>
        %dma_start3A_221 = arith.constant 0 : i32
        %dma_start3A_222 = arith.constant 0 : i32
        %dma_start3A_223 = tpu.memref_slice %arg13[%dma_start3A_221, %dma_start3A_222] : memref<128x256xf32, #tpu.memory_space<vmem>> -> memref<4x128xf32, #tpu.memory_space<vmem>>
        %dma_start3A_224 = arith.constant 0 : i32
        %dma_start3A_225 = tpu.memref_slice %arg10[%add3A_220, %dma_start3A_224] : memref<55040x128xf32, #tpu.memory_space<hbm>> -> memref<4x128xf32, #tpu.memory_space<hbm>>
        %dma_start3A_226 = arith.constant 0 : i32
        %dma_start3A_227 = tpu.memref_slice %arg10[%add3A_220, %dma_start3A_226] : memref<55040x128xf32, #tpu.memory_space<hbm>> -> memref<4x128xf32, #tpu.memory_space<hbm>>
        %dma_start3A_228 = arith.constant 0 : i32
        %dma_start3A_229 = arith.constant 0 : i32
        %dma_start3A_230 = tpu.memref_slice %arg13[%dma_start3A_228, %dma_start3A_229] : memref<128x256xf32, #tpu.memory_space<vmem>> -> memref<4x128xf32, #tpu.memory_space<vmem>>
        tpu.enqueue_dma source(%dma_start3A_230 : memref<4x128xf32, #tpu.memory_space<vmem>>) target(%dma_start3A_227 : memref<4x128xf32, #tpu.memory_space<hbm>>) target_semaphore(%run_scoped3A : memref<!tpu.dma_semaphore, #tpu.memory_space<semaphore_mem>>)
        %dma_wait3A_231 = arith.constant 0 : i32
        %dma_wait3A_232 = arith.constant 0 : i32
        %dma_wait3A_233 = tpu.memref_slice %arg13[%dma_wait3A_231, %dma_wait3A_232] : memref<128x256xf32, #tpu.memory_space<vmem>> -> memref<4x128xf32, #tpu.memory_space<vmem>>
        %dma_wait3A_234 = arith.constant 0 : i32
        %dma_wait3A_235 = tpu.memref_slice %arg10[%add3A_220, %dma_wait3A_234] : memref<55040x128xf32, #tpu.memory_space<hbm>> -> memref<4x128xf32, #tpu.memory_space<hbm>>
        %dma_wait3A_236 = arith.constant 0 : i32
        %dma_wait3A_237 = tpu.memref_slice %arg10[%add3A_220, %dma_wait3A_236] : memref<55040x128xf32, #tpu.memory_space<hbm>> -> memref<4x128xf32, #tpu.memory_space<hbm>>
        %dma_wait3A_238 = arith.constant 0 : i32
        %dma_wait3A_239 = arith.constant 0 : i32
        %dma_wait3A_240 = tpu.memref_slice %arg13[%dma_wait3A_238, %dma_wait3A_239] : memref<128x256xf32, #tpu.memory_space<vmem>> -> memref<4x128xf32, #tpu.memory_space<vmem>>
        tpu.wait_dma2 semaphore(%run_scoped3A : memref<!tpu.dma_semaphore, #tpu.memory_space<semaphore_mem>>) src(%dma_wait3A_240 : memref<4x128xf32, #tpu.memory_space<vmem>>) dst(%dma_wait3A_237 : memref<4x128xf32, #tpu.memory_space<hbm>>)
        tpu.yield
      }) : () -> ()
      "tpu.region"() ({
        %run_scoped3A = tpu.sem_alloc : memref<!tpu.dma_semaphore, #tpu.memory_space<semaphore_mem>>
        %dma_start3A_221 = arith.constant 0 : i32
        %dma_start3A_222 = arith.constant 128 : i32
        %dma_start3A_223 = tpu.memref_slice %arg13[%dma_start3A_221, %dma_start3A_222] : memref<128x256xf32, #tpu.memory_space<vmem>> -> memref<4x128xf32, #tpu.memory_space<vmem>>
        %dma_start3A_224 = arith.constant 0 : i32
        %dma_start3A_225 = tpu.memref_slice %arg11[%add3A_220, %dma_start3A_224] : memref<55040x128xf32, #tpu.memory_space<hbm>> -> memref<4x128xf32, #tpu.memory_space<hbm>>
        %dma_start3A_226 = arith.constant 0 : i32
        %dma_start3A_227 = tpu.memref_slice %arg11[%add3A_220, %dma_start3A_226] : memref<55040x128xf32, #tpu.memory_space<hbm>> -> memref<4x128xf32, #tpu.memory_space<hbm>>
        %dma_start3A_228 = arith.constant 0 : i32
        %dma_start3A_229 = arith.constant 128 : i32
        %dma_start3A_230 = tpu.memref_slice %arg13[%dma_start3A_228, %dma_start3A_229] : memref<128x256xf32, #tpu.memory_space<vmem>> -> memref<4x128xf32, #tpu.memory_space<vmem>>
        tpu.enqueue_dma source(%dma_start3A_230 : memref<4x128xf32, #tpu.memory_space<vmem>>) target(%dma_start3A_227 : memref<4x128xf32, #tpu.memory_space<hbm>>) target_semaphore(%run_scoped3A : memref<!tpu.dma_semaphore, #tpu.memory_space<semaphore_mem>>)
        %dma_wait3A_231 = arith.constant 0 : i32
        %dma_wait3A_232 = arith.constant 128 : i32
        %dma_wait3A_233 = tpu.memref_slice %arg13[%dma_wait3A_231, %dma_wait3A_232] : memref<128x256xf32, #tpu.memory_space<vmem>> -> memref<4x128xf32, #tpu.memory_space<vmem>>
        %dma_wait3A_234 = arith.constant 0 : i32
        %dma_wait3A_235 = tpu.memref_slice %arg11[%add3A_220, %dma_wait3A_234] : memref<55040x128xf32, #tpu.memory_space<hbm>> -> memref<4x128xf32, #tpu.memory_space<hbm>>
        %dma_wait3A_236 = arith.constant 0 : i32
        %dma_wait3A_237 = tpu.memref_slice %arg11[%add3A_220, %dma_wait3A_236] : memref<55040x128xf32, #tpu.memory_space<hbm>> -> memref<4x128xf32, #tpu.memory_space<hbm>>
        %dma_wait3A_238 = arith.constant 0 : i32
        %dma_wait3A_239 = arith.constant 128 : i32
        %dma_wait3A_240 = tpu.memref_slice %arg13[%dma_wait3A_238, %dma_wait3A_239] : memref<128x256xf32, #tpu.memory_space<vmem>> -> memref<4x128xf32, #tpu.memory_space<vmem>>
        tpu.wait_dma2 semaphore(%run_scoped3A : memref<!tpu.dma_semaphore, #tpu.memory_space<semaphore_mem>>) src(%dma_wait3A_240 : memref<4x128xf32, #tpu.memory_space<vmem>>) dst(%dma_wait3A_237 : memref<4x128xf32, #tpu.memory_space<hbm>>)
        tpu.yield
      }) : () -> ()
    }
    %scan3A_5 = arith.constant 5 : i32
    return
  }
}

module attributes {stable_mosaic.version = 14 : i64} {
  func.func @_frame_body(%arg0: i32, %arg1: memref<256x256xf32, #tpu.memory_space<vmem>>, %arg2: memref<1x20x256xf32, #tpu.memory_space<vmem>>, %arg3: memref<1x256xf32, #tpu.memory_space<vmem>>, %arg4: memref<1x256xf32, #tpu.memory_space<vmem>>, %arg5: memref<1x1x20x16xi32, #tpu.memory_space<vmem>>) attributes {dimension_semantics = [#tpu.dimension_semantics<arbitrary>], iteration_bounds = array<i64: 8>, scalar_prefetch = 0 : i64, scratch_operands = 0 : i64, tpu.core_type = #tpu.core_type<tc>, window_params = [{transform_indices = @transform_0, window_bounds = array<i64: 256, 256>}, {transform_indices = @transform_1, window_bounds = array<i64: 1, 20, 256>}, {pipeline_mode = #tpu.pipeline_mode<synchronous>, transform_indices = @transform_2, window_bounds = array<i64: 1, 256>}, {pipeline_mode = #tpu.pipeline_mode<synchronous>, transform_indices = @transform_3, window_bounds = array<i64: 1, 256>}, {transform_indices = @transform_4, window_bounds = array<i64: 1, 1, 20, 16>}]} {
    %get3A = arith.constant 0 : index
    %get3A_0 = arith.constant 0 : index
    %get3A_1 = arith.constant 0 : index
    %get3A_2 = vector.load %arg2[%get3A, %get3A_0, %get3A_1] : memref<1x20x256xf32, #tpu.memory_space<vmem>>, vector<1x20x256xf32>
    %reshape3A = vector.shape_cast %get3A_2 : vector<1x20x256xf32> to vector<20x256xf32>
    %reduce_sum3A = arith.constant dense<0.000000e+00> : vector<20xf32>
    %reduce_sum3A_3 = vector.multi_reduction <add>, %reshape3A, %reduce_sum3A [1] : vector<20x256xf32> to vector<20xf32>
    %broadcast_in_dim3A = vector.shape_cast %reduce_sum3A_3 : vector<20xf32> to vector<20x1xf32>
    %div3A = arith.constant 2.560000e+02 : f32
    %div3A_4 = vector.broadcast %div3A : f32 to vector<20x1xf32>
    %div3A_5 = arith.divf %broadcast_in_dim3A, %div3A_4 : vector<20x1xf32>
    %sub3A = vector.broadcast %div3A_5 : vector<20x1xf32> to vector<20x256xf32>
    %sub3A_6 = arith.subf %reshape3A, %sub3A : vector<20x256xf32>
    %integer_pow3A = arith.mulf %sub3A_6, %sub3A_6 : vector<20x256xf32>
    %reduce_sum3A_7 = arith.constant dense<0.000000e+00> : vector<20xf32>
    %reduce_sum3A_8 = vector.multi_reduction <add>, %integer_pow3A, %reduce_sum3A_7 [1] : vector<20x256xf32> to vector<20xf32>
    %broadcast_in_dim3A_9 = vector.shape_cast %reduce_sum3A_8 : vector<20xf32> to vector<20x1xf32>
    %div3A_10 = arith.constant 2.560000e+02 : f32
    %div3A_11 = vector.broadcast %div3A_10 : f32 to vector<20x1xf32>
    %div3A_12 = arith.divf %broadcast_in_dim3A_9, %div3A_11 : vector<20x1xf32>
    %sub3A_13 = vector.broadcast %div3A_5 : vector<20x1xf32> to vector<20x256xf32>
    %sub3A_14 = arith.subf %reshape3A, %sub3A_13 : vector<20x256xf32>
    %add3A = arith.constant 9.99999974E-6 : f32
    %add3A_15 = vector.broadcast %add3A : f32 to vector<20x1xf32>
    %add3A_16 = arith.addf %div3A_12, %add3A_15 : vector<20x1xf32>
    %sqrt3A = math.sqrt %add3A_16 : vector<20x1xf32>
    %div3A_17 = vector.broadcast %sqrt3A : vector<20x1xf32> to vector<20x256xf32>
    %div3A_18 = arith.divf %sub3A_14, %div3A_17 : vector<20x256xf32>
    %get3A_19 = arith.constant 0 : index
    %get3A_20 = arith.constant 0 : index
    %get3A_21 = vector.load %arg3[%get3A_19, %get3A_20] : memref<1x256xf32, #tpu.memory_space<vmem>>, vector<1x256xf32>
    %mul3A = vector.broadcast %get3A_21 : vector<1x256xf32> to vector<20x256xf32>
    %mul3A_22 = arith.mulf %div3A_18, %mul3A : vector<20x256xf32>
    %get3A_23 = arith.constant 0 : index
    %get3A_24 = arith.constant 0 : index
    %get3A_25 = vector.load %arg4[%get3A_23, %get3A_24] : memref<1x256xf32, #tpu.memory_space<vmem>>, vector<1x256xf32>
    %add3A_26 = vector.broadcast %get3A_25 : vector<1x256xf32> to vector<20x256xf32>
    %add3A_27 = arith.addf %mul3A_22, %add3A_26 : vector<20x256xf32>
    %get3A_28 = arith.constant 0 : index
    %get3A_29 = arith.constant 0 : index
    %get3A_30 = vector.load %arg1[%get3A_28, %get3A_29] : memref<256x256xf32, #tpu.memory_space<vmem>>, vector<256x256xf32>
    %transpose3A = tpu.transpose %add3A_27, [1, 0] : vector<20x256xf32> -> vector<256x20xf32>
    %dot_general3A = arith.constant dense<0.000000e+00> : vector<256x20xf32>
    %dot_general3A_31 = tpu.matmul %get3A_30, %transpose3A, %dot_general3A {dimension_numbers = #tpu.dot_dimension_numbers<[1], [0], [0], [1], [0, 0, 1, 1], [], []>, transpose_lhs_hint = false} : vector<256x256xf32>, vector<256x20xf32>, vector<256x20xf32> -> vector<256x20xf32>
    %transpose3A_32 = tpu.transpose %dot_general3A_31, [1, 0] : vector<256x20xf32> -> vector<20x256xf32>
    %bitcast_convert_type3A = tpu.bitcast %transpose3A_32 : vector<20x256xf32> -> vector<20x256xi32>
    %ge3A = arith.constant 0 : i32
    %ge3A_33 = vector.broadcast %ge3A : i32 to vector<20x256xi32>
    %ge3A_34 = arith.cmpi sge, %bitcast_convert_type3A, %ge3A_33 : vector<20x256xi32>
    %xor3A = arith.constant 2147483647 : i32
    %xor3A_35 = vector.broadcast %xor3A : i32 to vector<20x256xi32>
    %xor3A_36 = arith.xori %bitcast_convert_type3A, %xor3A_35 : vector<20x256xi32>
    %select_n3A = arith.select %ge3A_34, %bitcast_convert_type3A, %xor3A_36 : vector<20x256xi1>, vector<20x256xi32>
    %broadcast_in_dim3A_37 = arith.constant 0 : i32
    %broadcast_in_dim3A_38 = vector.broadcast %broadcast_in_dim3A_37 : i32 to vector<20x1xi32>
    %or3A = arith.constant -2147483648 : i32
    %or3A_39 = vector.broadcast %or3A : i32 to vector<20x1xi32>
    %or3A_40 = arith.ori %broadcast_in_dim3A_38, %or3A_39 : vector<20x1xi32>
    %xor3A_41 = arith.constant -2147483648 : i32
    %xor3A_42 = vector.broadcast %xor3A_41 : i32 to vector<20x1xi32>
    %xor3A_43 = arith.xori %or3A_40, %xor3A_42 : vector<20x1xi32>
    %ge3A_44 = vector.broadcast %xor3A_43 : vector<20x1xi32> to vector<20x256xi32>
    %ge3A_45 = arith.cmpi sge, %select_n3A, %ge3A_44 : vector<20x256xi32>
    %convert_element_type3A = arith.extui %ge3A_45 : vector<20x256xi1> to vector<20x256xi32>
    %convert_element_type3A_46 = arith.sitofp %convert_element_type3A : vector<20x256xi32> to vector<20x256xf32>
    %reduce_sum3A_47 = arith.constant dense<0.000000e+00> : vector<20xf32>
    %reduce_sum3A_48 = vector.multi_reduction <add>, %convert_element_type3A_46, %reduce_sum3A_47 [1] : vector<20x256xf32> to vector<20xf32>
    %broadcast_in_dim3A_49 = vector.shape_cast %reduce_sum3A_48 : vector<20xf32> to vector<20x1xf32>
    %ge3A_50 = arith.constant 1.600000e+01 : f32
    %ge3A_51 = vector.broadcast %ge3A_50 : f32 to vector<20x1xf32>
    %ge3A_52 = arith.cmpf oge, %broadcast_in_dim3A_49, %ge3A_51 : vector<20x1xf32>
    %select_n3A_53 = arith.select %ge3A_52, %or3A_40, %broadcast_in_dim3A_38 : vector<20x1xi1>, vector<20x1xi32>
    %or3A_54 = arith.constant 1073741824 : i32
    %or3A_55 = vector.broadcast %or3A_54 : i32 to vector<20x1xi32>
    %or3A_56 = arith.ori %select_n3A_53, %or3A_55 : vector<20x1xi32>
    %xor3A_57 = arith.constant -2147483648 : i32
    %xor3A_58 = vector.broadcast %xor3A_57 : i32 to vector<20x1xi32>
    %xor3A_59 = arith.xori %or3A_56, %xor3A_58 : vector<20x1xi32>
    %ge3A_60 = vector.broadcast %xor3A_59 : vector<20x1xi32> to vector<20x256xi32>
    %ge3A_61 = arith.cmpi sge, %select_n3A, %ge3A_60 : vector<20x256xi32>
    %convert_element_type3A_62 = arith.extui %ge3A_61 : vector<20x256xi1> to vector<20x256xi32>
    %convert_element_type3A_63 = arith.sitofp %convert_element_type3A_62 : vector<20x256xi32> to vector<20x256xf32>
    %reduce_sum3A_64 = arith.constant dense<0.000000e+00> : vector<20xf32>
    %reduce_sum3A_65 = vector.multi_reduction <add>, %convert_element_type3A_63, %reduce_sum3A_64 [1] : vector<20x256xf32> to vector<20xf32>
    %broadcast_in_dim3A_66 = vector.shape_cast %reduce_sum3A_65 : vector<20xf32> to vector<20x1xf32>
    %ge3A_67 = arith.constant 1.600000e+01 : f32
    %ge3A_68 = vector.broadcast %ge3A_67 : f32 to vector<20x1xf32>
    %ge3A_69 = arith.cmpf oge, %broadcast_in_dim3A_66, %ge3A_68 : vector<20x1xf32>
    %select_n3A_70 = arith.select %ge3A_69, %or3A_56, %select_n3A_53 : vector<20x1xi1>, vector<20x1xi32>
    %or3A_71 = arith.constant 536870912 : i32
    %or3A_72 = vector.broadcast %or3A_71 : i32 to vector<20x1xi32>
    %or3A_73 = arith.ori %select_n3A_70, %or3A_72 : vector<20x1xi32>
    %xor3A_74 = arith.constant -2147483648 : i32
    %xor3A_75 = vector.broadcast %xor3A_74 : i32 to vector<20x1xi32>
    %xor3A_76 = arith.xori %or3A_73, %xor3A_75 : vector<20x1xi32>
    %ge3A_77 = vector.broadcast %xor3A_76 : vector<20x1xi32> to vector<20x256xi32>
    %ge3A_78 = arith.cmpi sge, %select_n3A, %ge3A_77 : vector<20x256xi32>
    %convert_element_type3A_79 = arith.extui %ge3A_78 : vector<20x256xi1> to vector<20x256xi32>
    %convert_element_type3A_80 = arith.sitofp %convert_element_type3A_79 : vector<20x256xi32> to vector<20x256xf32>
    %reduce_sum3A_81 = arith.constant dense<0.000000e+00> : vector<20xf32>
    %reduce_sum3A_82 = vector.multi_reduction <add>, %convert_element_type3A_80, %reduce_sum3A_81 [1] : vector<20x256xf32> to vector<20xf32>
    %broadcast_in_dim3A_83 = vector.shape_cast %reduce_sum3A_82 : vector<20xf32> to vector<20x1xf32>
    %ge3A_84 = arith.constant 1.600000e+01 : f32
    %ge3A_85 = vector.broadcast %ge3A_84 : f32 to vector<20x1xf32>
    %ge3A_86 = arith.cmpf oge, %broadcast_in_dim3A_83, %ge3A_85 : vector<20x1xf32>
    %select_n3A_87 = arith.select %ge3A_86, %or3A_73, %select_n3A_70 : vector<20x1xi1>, vector<20x1xi32>
    %or3A_88 = arith.constant 268435456 : i32
    %or3A_89 = vector.broadcast %or3A_88 : i32 to vector<20x1xi32>
    %or3A_90 = arith.ori %select_n3A_87, %or3A_89 : vector<20x1xi32>
    %xor3A_91 = arith.constant -2147483648 : i32
    %xor3A_92 = vector.broadcast %xor3A_91 : i32 to vector<20x1xi32>
    %xor3A_93 = arith.xori %or3A_90, %xor3A_92 : vector<20x1xi32>
    %ge3A_94 = vector.broadcast %xor3A_93 : vector<20x1xi32> to vector<20x256xi32>
    %ge3A_95 = arith.cmpi sge, %select_n3A, %ge3A_94 : vector<20x256xi32>
    %convert_element_type3A_96 = arith.extui %ge3A_95 : vector<20x256xi1> to vector<20x256xi32>
    %convert_element_type3A_97 = arith.sitofp %convert_element_type3A_96 : vector<20x256xi32> to vector<20x256xf32>
    %reduce_sum3A_98 = arith.constant dense<0.000000e+00> : vector<20xf32>
    %reduce_sum3A_99 = vector.multi_reduction <add>, %convert_element_type3A_97, %reduce_sum3A_98 [1] : vector<20x256xf32> to vector<20xf32>
    %broadcast_in_dim3A_100 = vector.shape_cast %reduce_sum3A_99 : vector<20xf32> to vector<20x1xf32>
    %ge3A_101 = arith.constant 1.600000e+01 : f32
    %ge3A_102 = vector.broadcast %ge3A_101 : f32 to vector<20x1xf32>
    %ge3A_103 = arith.cmpf oge, %broadcast_in_dim3A_100, %ge3A_102 : vector<20x1xf32>
    %select_n3A_104 = arith.select %ge3A_103, %or3A_90, %select_n3A_87 : vector<20x1xi1>, vector<20x1xi32>
    %or3A_105 = arith.constant 134217728 : i32
    %or3A_106 = vector.broadcast %or3A_105 : i32 to vector<20x1xi32>
    %or3A_107 = arith.ori %select_n3A_104, %or3A_106 : vector<20x1xi32>
    %xor3A_108 = arith.constant -2147483648 : i32
    %xor3A_109 = vector.broadcast %xor3A_108 : i32 to vector<20x1xi32>
    %xor3A_110 = arith.xori %or3A_107, %xor3A_109 : vector<20x1xi32>
    %ge3A_111 = vector.broadcast %xor3A_110 : vector<20x1xi32> to vector<20x256xi32>
    %ge3A_112 = arith.cmpi sge, %select_n3A, %ge3A_111 : vector<20x256xi32>
    %convert_element_type3A_113 = arith.extui %ge3A_112 : vector<20x256xi1> to vector<20x256xi32>
    %convert_element_type3A_114 = arith.sitofp %convert_element_type3A_113 : vector<20x256xi32> to vector<20x256xf32>
    %reduce_sum3A_115 = arith.constant dense<0.000000e+00> : vector<20xf32>
    %reduce_sum3A_116 = vector.multi_reduction <add>, %convert_element_type3A_114, %reduce_sum3A_115 [1] : vector<20x256xf32> to vector<20xf32>
    %broadcast_in_dim3A_117 = vector.shape_cast %reduce_sum3A_116 : vector<20xf32> to vector<20x1xf32>
    %ge3A_118 = arith.constant 1.600000e+01 : f32
    %ge3A_119 = vector.broadcast %ge3A_118 : f32 to vector<20x1xf32>
    %ge3A_120 = arith.cmpf oge, %broadcast_in_dim3A_117, %ge3A_119 : vector<20x1xf32>
    %select_n3A_121 = arith.select %ge3A_120, %or3A_107, %select_n3A_104 : vector<20x1xi1>, vector<20x1xi32>
    %or3A_122 = arith.constant 67108864 : i32
    %or3A_123 = vector.broadcast %or3A_122 : i32 to vector<20x1xi32>
    %or3A_124 = arith.ori %select_n3A_121, %or3A_123 : vector<20x1xi32>
    %xor3A_125 = arith.constant -2147483648 : i32
    %xor3A_126 = vector.broadcast %xor3A_125 : i32 to vector<20x1xi32>
    %xor3A_127 = arith.xori %or3A_124, %xor3A_126 : vector<20x1xi32>
    %ge3A_128 = vector.broadcast %xor3A_127 : vector<20x1xi32> to vector<20x256xi32>
    %ge3A_129 = arith.cmpi sge, %select_n3A, %ge3A_128 : vector<20x256xi32>
    %convert_element_type3A_130 = arith.extui %ge3A_129 : vector<20x256xi1> to vector<20x256xi32>
    %convert_element_type3A_131 = arith.sitofp %convert_element_type3A_130 : vector<20x256xi32> to vector<20x256xf32>
    %reduce_sum3A_132 = arith.constant dense<0.000000e+00> : vector<20xf32>
    %reduce_sum3A_133 = vector.multi_reduction <add>, %convert_element_type3A_131, %reduce_sum3A_132 [1] : vector<20x256xf32> to vector<20xf32>
    %broadcast_in_dim3A_134 = vector.shape_cast %reduce_sum3A_133 : vector<20xf32> to vector<20x1xf32>
    %ge3A_135 = arith.constant 1.600000e+01 : f32
    %ge3A_136 = vector.broadcast %ge3A_135 : f32 to vector<20x1xf32>
    %ge3A_137 = arith.cmpf oge, %broadcast_in_dim3A_134, %ge3A_136 : vector<20x1xf32>
    %select_n3A_138 = arith.select %ge3A_137, %or3A_124, %select_n3A_121 : vector<20x1xi1>, vector<20x1xi32>
    %or3A_139 = arith.constant 33554432 : i32
    %or3A_140 = vector.broadcast %or3A_139 : i32 to vector<20x1xi32>
    %or3A_141 = arith.ori %select_n3A_138, %or3A_140 : vector<20x1xi32>
    %xor3A_142 = arith.constant -2147483648 : i32
    %xor3A_143 = vector.broadcast %xor3A_142 : i32 to vector<20x1xi32>
    %xor3A_144 = arith.xori %or3A_141, %xor3A_143 : vector<20x1xi32>
    %ge3A_145 = vector.broadcast %xor3A_144 : vector<20x1xi32> to vector<20x256xi32>
    %ge3A_146 = arith.cmpi sge, %select_n3A, %ge3A_145 : vector<20x256xi32>
    %convert_element_type3A_147 = arith.extui %ge3A_146 : vector<20x256xi1> to vector<20x256xi32>
    %convert_element_type3A_148 = arith.sitofp %convert_element_type3A_147 : vector<20x256xi32> to vector<20x256xf32>
    %reduce_sum3A_149 = arith.constant dense<0.000000e+00> : vector<20xf32>
    %reduce_sum3A_150 = vector.multi_reduction <add>, %convert_element_type3A_148, %reduce_sum3A_149 [1] : vector<20x256xf32> to vector<20xf32>
    %broadcast_in_dim3A_151 = vector.shape_cast %reduce_sum3A_150 : vector<20xf32> to vector<20x1xf32>
    %ge3A_152 = arith.constant 1.600000e+01 : f32
    %ge3A_153 = vector.broadcast %ge3A_152 : f32 to vector<20x1xf32>
    %ge3A_154 = arith.cmpf oge, %broadcast_in_dim3A_151, %ge3A_153 : vector<20x1xf32>
    %select_n3A_155 = arith.select %ge3A_154, %or3A_141, %select_n3A_138 : vector<20x1xi1>, vector<20x1xi32>
    %or3A_156 = arith.constant 16777216 : i32
    %or3A_157 = vector.broadcast %or3A_156 : i32 to vector<20x1xi32>
    %or3A_158 = arith.ori %select_n3A_155, %or3A_157 : vector<20x1xi32>
    %xor3A_159 = arith.constant -2147483648 : i32
    %xor3A_160 = vector.broadcast %xor3A_159 : i32 to vector<20x1xi32>
    %xor3A_161 = arith.xori %or3A_158, %xor3A_160 : vector<20x1xi32>
    %ge3A_162 = vector.broadcast %xor3A_161 : vector<20x1xi32> to vector<20x256xi32>
    %ge3A_163 = arith.cmpi sge, %select_n3A, %ge3A_162 : vector<20x256xi32>
    %convert_element_type3A_164 = arith.extui %ge3A_163 : vector<20x256xi1> to vector<20x256xi32>
    %convert_element_type3A_165 = arith.sitofp %convert_element_type3A_164 : vector<20x256xi32> to vector<20x256xf32>
    %reduce_sum3A_166 = arith.constant dense<0.000000e+00> : vector<20xf32>
    %reduce_sum3A_167 = vector.multi_reduction <add>, %convert_element_type3A_165, %reduce_sum3A_166 [1] : vector<20x256xf32> to vector<20xf32>
    %broadcast_in_dim3A_168 = vector.shape_cast %reduce_sum3A_167 : vector<20xf32> to vector<20x1xf32>
    %ge3A_169 = arith.constant 1.600000e+01 : f32
    %ge3A_170 = vector.broadcast %ge3A_169 : f32 to vector<20x1xf32>
    %ge3A_171 = arith.cmpf oge, %broadcast_in_dim3A_168, %ge3A_170 : vector<20x1xf32>
    %select_n3A_172 = arith.select %ge3A_171, %or3A_158, %select_n3A_155 : vector<20x1xi1>, vector<20x1xi32>
    %or3A_173 = arith.constant 8388608 : i32
    %or3A_174 = vector.broadcast %or3A_173 : i32 to vector<20x1xi32>
    %or3A_175 = arith.ori %select_n3A_172, %or3A_174 : vector<20x1xi32>
    %xor3A_176 = arith.constant -2147483648 : i32
    %xor3A_177 = vector.broadcast %xor3A_176 : i32 to vector<20x1xi32>
    %xor3A_178 = arith.xori %or3A_175, %xor3A_177 : vector<20x1xi32>
    %ge3A_179 = vector.broadcast %xor3A_178 : vector<20x1xi32> to vector<20x256xi32>
    %ge3A_180 = arith.cmpi sge, %select_n3A, %ge3A_179 : vector<20x256xi32>
    %convert_element_type3A_181 = arith.extui %ge3A_180 : vector<20x256xi1> to vector<20x256xi32>
    %convert_element_type3A_182 = arith.sitofp %convert_element_type3A_181 : vector<20x256xi32> to vector<20x256xf32>
    %reduce_sum3A_183 = arith.constant dense<0.000000e+00> : vector<20xf32>
    %reduce_sum3A_184 = vector.multi_reduction <add>, %convert_element_type3A_182, %reduce_sum3A_183 [1] : vector<20x256xf32> to vector<20xf32>
    %broadcast_in_dim3A_185 = vector.shape_cast %reduce_sum3A_184 : vector<20xf32> to vector<20x1xf32>
    %ge3A_186 = arith.constant 1.600000e+01 : f32
    %ge3A_187 = vector.broadcast %ge3A_186 : f32 to vector<20x1xf32>
    %ge3A_188 = arith.cmpf oge, %broadcast_in_dim3A_185, %ge3A_187 : vector<20x1xf32>
    %select_n3A_189 = arith.select %ge3A_188, %or3A_175, %select_n3A_172 : vector<20x1xi1>, vector<20x1xi32>
    %or3A_190 = arith.constant 4194304 : i32
    %or3A_191 = vector.broadcast %or3A_190 : i32 to vector<20x1xi32>
    %or3A_192 = arith.ori %select_n3A_189, %or3A_191 : vector<20x1xi32>
    %xor3A_193 = arith.constant -2147483648 : i32
    %xor3A_194 = vector.broadcast %xor3A_193 : i32 to vector<20x1xi32>
    %xor3A_195 = arith.xori %or3A_192, %xor3A_194 : vector<20x1xi32>
    %ge3A_196 = vector.broadcast %xor3A_195 : vector<20x1xi32> to vector<20x256xi32>
    %ge3A_197 = arith.cmpi sge, %select_n3A, %ge3A_196 : vector<20x256xi32>
    %convert_element_type3A_198 = arith.extui %ge3A_197 : vector<20x256xi1> to vector<20x256xi32>
    %convert_element_type3A_199 = arith.sitofp %convert_element_type3A_198 : vector<20x256xi32> to vector<20x256xf32>
    %reduce_sum3A_200 = arith.constant dense<0.000000e+00> : vector<20xf32>
    %reduce_sum3A_201 = vector.multi_reduction <add>, %convert_element_type3A_199, %reduce_sum3A_200 [1] : vector<20x256xf32> to vector<20xf32>
    %broadcast_in_dim3A_202 = vector.shape_cast %reduce_sum3A_201 : vector<20xf32> to vector<20x1xf32>
    %ge3A_203 = arith.constant 1.600000e+01 : f32
    %ge3A_204 = vector.broadcast %ge3A_203 : f32 to vector<20x1xf32>
    %ge3A_205 = arith.cmpf oge, %broadcast_in_dim3A_202, %ge3A_204 : vector<20x1xf32>
    %select_n3A_206 = arith.select %ge3A_205, %or3A_192, %select_n3A_189 : vector<20x1xi1>, vector<20x1xi32>
    %or3A_207 = arith.constant 2097152 : i32
    %or3A_208 = vector.broadcast %or3A_207 : i32 to vector<20x1xi32>
    %or3A_209 = arith.ori %select_n3A_206, %or3A_208 : vector<20x1xi32>
    %xor3A_210 = arith.constant -2147483648 : i32
    %xor3A_211 = vector.broadcast %xor3A_210 : i32 to vector<20x1xi32>
    %xor3A_212 = arith.xori %or3A_209, %xor3A_211 : vector<20x1xi32>
    %ge3A_213 = vector.broadcast %xor3A_212 : vector<20x1xi32> to vector<20x256xi32>
    %ge3A_214 = arith.cmpi sge, %select_n3A, %ge3A_213 : vector<20x256xi32>
    %convert_element_type3A_215 = arith.extui %ge3A_214 : vector<20x256xi1> to vector<20x256xi32>
    %convert_element_type3A_216 = arith.sitofp %convert_element_type3A_215 : vector<20x256xi32> to vector<20x256xf32>
    %reduce_sum3A_217 = arith.constant dense<0.000000e+00> : vector<20xf32>
    %reduce_sum3A_218 = vector.multi_reduction <add>, %convert_element_type3A_216, %reduce_sum3A_217 [1] : vector<20x256xf32> to vector<20xf32>
    %broadcast_in_dim3A_219 = vector.shape_cast %reduce_sum3A_218 : vector<20xf32> to vector<20x1xf32>
    %ge3A_220 = arith.constant 1.600000e+01 : f32
    %ge3A_221 = vector.broadcast %ge3A_220 : f32 to vector<20x1xf32>
    %ge3A_222 = arith.cmpf oge, %broadcast_in_dim3A_219, %ge3A_221 : vector<20x1xf32>
    %select_n3A_223 = arith.select %ge3A_222, %or3A_209, %select_n3A_206 : vector<20x1xi1>, vector<20x1xi32>
    %or3A_224 = arith.constant 1048576 : i32
    %or3A_225 = vector.broadcast %or3A_224 : i32 to vector<20x1xi32>
    %or3A_226 = arith.ori %select_n3A_223, %or3A_225 : vector<20x1xi32>
    %xor3A_227 = arith.constant -2147483648 : i32
    %xor3A_228 = vector.broadcast %xor3A_227 : i32 to vector<20x1xi32>
    %xor3A_229 = arith.xori %or3A_226, %xor3A_228 : vector<20x1xi32>
    %ge3A_230 = vector.broadcast %xor3A_229 : vector<20x1xi32> to vector<20x256xi32>
    %ge3A_231 = arith.cmpi sge, %select_n3A, %ge3A_230 : vector<20x256xi32>
    %convert_element_type3A_232 = arith.extui %ge3A_231 : vector<20x256xi1> to vector<20x256xi32>
    %convert_element_type3A_233 = arith.sitofp %convert_element_type3A_232 : vector<20x256xi32> to vector<20x256xf32>
    %reduce_sum3A_234 = arith.constant dense<0.000000e+00> : vector<20xf32>
    %reduce_sum3A_235 = vector.multi_reduction <add>, %convert_element_type3A_233, %reduce_sum3A_234 [1] : vector<20x256xf32> to vector<20xf32>
    %broadcast_in_dim3A_236 = vector.shape_cast %reduce_sum3A_235 : vector<20xf32> to vector<20x1xf32>
    %ge3A_237 = arith.constant 1.600000e+01 : f32
    %ge3A_238 = vector.broadcast %ge3A_237 : f32 to vector<20x1xf32>
    %ge3A_239 = arith.cmpf oge, %broadcast_in_dim3A_236, %ge3A_238 : vector<20x1xf32>
    %select_n3A_240 = arith.select %ge3A_239, %or3A_226, %select_n3A_223 : vector<20x1xi1>, vector<20x1xi32>
    %or3A_241 = arith.constant 524288 : i32
    %or3A_242 = vector.broadcast %or3A_241 : i32 to vector<20x1xi32>
    %or3A_243 = arith.ori %select_n3A_240, %or3A_242 : vector<20x1xi32>
    %xor3A_244 = arith.constant -2147483648 : i32
    %xor3A_245 = vector.broadcast %xor3A_244 : i32 to vector<20x1xi32>
    %xor3A_246 = arith.xori %or3A_243, %xor3A_245 : vector<20x1xi32>
    %ge3A_247 = vector.broadcast %xor3A_246 : vector<20x1xi32> to vector<20x256xi32>
    %ge3A_248 = arith.cmpi sge, %select_n3A, %ge3A_247 : vector<20x256xi32>
    %convert_element_type3A_249 = arith.extui %ge3A_248 : vector<20x256xi1> to vector<20x256xi32>
    %convert_element_type3A_250 = arith.sitofp %convert_element_type3A_249 : vector<20x256xi32> to vector<20x256xf32>
    %reduce_sum3A_251 = arith.constant dense<0.000000e+00> : vector<20xf32>
    %reduce_sum3A_252 = vector.multi_reduction <add>, %convert_element_type3A_250, %reduce_sum3A_251 [1] : vector<20x256xf32> to vector<20xf32>
    %broadcast_in_dim3A_253 = vector.shape_cast %reduce_sum3A_252 : vector<20xf32> to vector<20x1xf32>
    %ge3A_254 = arith.constant 1.600000e+01 : f32
    %ge3A_255 = vector.broadcast %ge3A_254 : f32 to vector<20x1xf32>
    %ge3A_256 = arith.cmpf oge, %broadcast_in_dim3A_253, %ge3A_255 : vector<20x1xf32>
    %select_n3A_257 = arith.select %ge3A_256, %or3A_243, %select_n3A_240 : vector<20x1xi1>, vector<20x1xi32>
    %or3A_258 = arith.constant 262144 : i32
    %or3A_259 = vector.broadcast %or3A_258 : i32 to vector<20x1xi32>
    %or3A_260 = arith.ori %select_n3A_257, %or3A_259 : vector<20x1xi32>
    %xor3A_261 = arith.constant -2147483648 : i32
    %xor3A_262 = vector.broadcast %xor3A_261 : i32 to vector<20x1xi32>
    %xor3A_263 = arith.xori %or3A_260, %xor3A_262 : vector<20x1xi32>
    %ge3A_264 = vector.broadcast %xor3A_263 : vector<20x1xi32> to vector<20x256xi32>
    %ge3A_265 = arith.cmpi sge, %select_n3A, %ge3A_264 : vector<20x256xi32>
    %convert_element_type3A_266 = arith.extui %ge3A_265 : vector<20x256xi1> to vector<20x256xi32>
    %convert_element_type3A_267 = arith.sitofp %convert_element_type3A_266 : vector<20x256xi32> to vector<20x256xf32>
    %reduce_sum3A_268 = arith.constant dense<0.000000e+00> : vector<20xf32>
    %reduce_sum3A_269 = vector.multi_reduction <add>, %convert_element_type3A_267, %reduce_sum3A_268 [1] : vector<20x256xf32> to vector<20xf32>
    %broadcast_in_dim3A_270 = vector.shape_cast %reduce_sum3A_269 : vector<20xf32> to vector<20x1xf32>
    %ge3A_271 = arith.constant 1.600000e+01 : f32
    %ge3A_272 = vector.broadcast %ge3A_271 : f32 to vector<20x1xf32>
    %ge3A_273 = arith.cmpf oge, %broadcast_in_dim3A_270, %ge3A_272 : vector<20x1xf32>
    %select_n3A_274 = arith.select %ge3A_273, %or3A_260, %select_n3A_257 : vector<20x1xi1>, vector<20x1xi32>
    %or3A_275 = arith.constant 131072 : i32
    %or3A_276 = vector.broadcast %or3A_275 : i32 to vector<20x1xi32>
    %or3A_277 = arith.ori %select_n3A_274, %or3A_276 : vector<20x1xi32>
    %xor3A_278 = arith.constant -2147483648 : i32
    %xor3A_279 = vector.broadcast %xor3A_278 : i32 to vector<20x1xi32>
    %xor3A_280 = arith.xori %or3A_277, %xor3A_279 : vector<20x1xi32>
    %ge3A_281 = vector.broadcast %xor3A_280 : vector<20x1xi32> to vector<20x256xi32>
    %ge3A_282 = arith.cmpi sge, %select_n3A, %ge3A_281 : vector<20x256xi32>
    %convert_element_type3A_283 = arith.extui %ge3A_282 : vector<20x256xi1> to vector<20x256xi32>
    %convert_element_type3A_284 = arith.sitofp %convert_element_type3A_283 : vector<20x256xi32> to vector<20x256xf32>
    %reduce_sum3A_285 = arith.constant dense<0.000000e+00> : vector<20xf32>
    %reduce_sum3A_286 = vector.multi_reduction <add>, %convert_element_type3A_284, %reduce_sum3A_285 [1] : vector<20x256xf32> to vector<20xf32>
    %broadcast_in_dim3A_287 = vector.shape_cast %reduce_sum3A_286 : vector<20xf32> to vector<20x1xf32>
    %ge3A_288 = arith.constant 1.600000e+01 : f32
    %ge3A_289 = vector.broadcast %ge3A_288 : f32 to vector<20x1xf32>
    %ge3A_290 = arith.cmpf oge, %broadcast_in_dim3A_287, %ge3A_289 : vector<20x1xf32>
    %select_n3A_291 = arith.select %ge3A_290, %or3A_277, %select_n3A_274 : vector<20x1xi1>, vector<20x1xi32>
    %or3A_292 = arith.constant 65536 : i32
    %or3A_293 = vector.broadcast %or3A_292 : i32 to vector<20x1xi32>
    %or3A_294 = arith.ori %select_n3A_291, %or3A_293 : vector<20x1xi32>
    %xor3A_295 = arith.constant -2147483648 : i32
    %xor3A_296 = vector.broadcast %xor3A_295 : i32 to vector<20x1xi32>
    %xor3A_297 = arith.xori %or3A_294, %xor3A_296 : vector<20x1xi32>
    %ge3A_298 = vector.broadcast %xor3A_297 : vector<20x1xi32> to vector<20x256xi32>
    %ge3A_299 = arith.cmpi sge, %select_n3A, %ge3A_298 : vector<20x256xi32>
    %convert_element_type3A_300 = arith.extui %ge3A_299 : vector<20x256xi1> to vector<20x256xi32>
    %convert_element_type3A_301 = arith.sitofp %convert_element_type3A_300 : vector<20x256xi32> to vector<20x256xf32>
    %reduce_sum3A_302 = arith.constant dense<0.000000e+00> : vector<20xf32>
    %reduce_sum3A_303 = vector.multi_reduction <add>, %convert_element_type3A_301, %reduce_sum3A_302 [1] : vector<20x256xf32> to vector<20xf32>
    %broadcast_in_dim3A_304 = vector.shape_cast %reduce_sum3A_303 : vector<20xf32> to vector<20x1xf32>
    %ge3A_305 = arith.constant 1.600000e+01 : f32
    %ge3A_306 = vector.broadcast %ge3A_305 : f32 to vector<20x1xf32>
    %ge3A_307 = arith.cmpf oge, %broadcast_in_dim3A_304, %ge3A_306 : vector<20x1xf32>
    %select_n3A_308 = arith.select %ge3A_307, %or3A_294, %select_n3A_291 : vector<20x1xi1>, vector<20x1xi32>
    %or3A_309 = arith.constant 32768 : i32
    %or3A_310 = vector.broadcast %or3A_309 : i32 to vector<20x1xi32>
    %or3A_311 = arith.ori %select_n3A_308, %or3A_310 : vector<20x1xi32>
    %xor3A_312 = arith.constant -2147483648 : i32
    %xor3A_313 = vector.broadcast %xor3A_312 : i32 to vector<20x1xi32>
    %xor3A_314 = arith.xori %or3A_311, %xor3A_313 : vector<20x1xi32>
    %ge3A_315 = vector.broadcast %xor3A_314 : vector<20x1xi32> to vector<20x256xi32>
    %ge3A_316 = arith.cmpi sge, %select_n3A, %ge3A_315 : vector<20x256xi32>
    %convert_element_type3A_317 = arith.extui %ge3A_316 : vector<20x256xi1> to vector<20x256xi32>
    %convert_element_type3A_318 = arith.sitofp %convert_element_type3A_317 : vector<20x256xi32> to vector<20x256xf32>
    %reduce_sum3A_319 = arith.constant dense<0.000000e+00> : vector<20xf32>
    %reduce_sum3A_320 = vector.multi_reduction <add>, %convert_element_type3A_318, %reduce_sum3A_319 [1] : vector<20x256xf32> to vector<20xf32>
    %broadcast_in_dim3A_321 = vector.shape_cast %reduce_sum3A_320 : vector<20xf32> to vector<20x1xf32>
    %ge3A_322 = arith.constant 1.600000e+01 : f32
    %ge3A_323 = vector.broadcast %ge3A_322 : f32 to vector<20x1xf32>
    %ge3A_324 = arith.cmpf oge, %broadcast_in_dim3A_321, %ge3A_323 : vector<20x1xf32>
    %select_n3A_325 = arith.select %ge3A_324, %or3A_311, %select_n3A_308 : vector<20x1xi1>, vector<20x1xi32>
    %or3A_326 = arith.constant 16384 : i32
    %or3A_327 = vector.broadcast %or3A_326 : i32 to vector<20x1xi32>
    %or3A_328 = arith.ori %select_n3A_325, %or3A_327 : vector<20x1xi32>
    %xor3A_329 = arith.constant -2147483648 : i32
    %xor3A_330 = vector.broadcast %xor3A_329 : i32 to vector<20x1xi32>
    %xor3A_331 = arith.xori %or3A_328, %xor3A_330 : vector<20x1xi32>
    %ge3A_332 = vector.broadcast %xor3A_331 : vector<20x1xi32> to vector<20x256xi32>
    %ge3A_333 = arith.cmpi sge, %select_n3A, %ge3A_332 : vector<20x256xi32>
    %convert_element_type3A_334 = arith.extui %ge3A_333 : vector<20x256xi1> to vector<20x256xi32>
    %convert_element_type3A_335 = arith.sitofp %convert_element_type3A_334 : vector<20x256xi32> to vector<20x256xf32>
    %reduce_sum3A_336 = arith.constant dense<0.000000e+00> : vector<20xf32>
    %reduce_sum3A_337 = vector.multi_reduction <add>, %convert_element_type3A_335, %reduce_sum3A_336 [1] : vector<20x256xf32> to vector<20xf32>
    %broadcast_in_dim3A_338 = vector.shape_cast %reduce_sum3A_337 : vector<20xf32> to vector<20x1xf32>
    %ge3A_339 = arith.constant 1.600000e+01 : f32
    %ge3A_340 = vector.broadcast %ge3A_339 : f32 to vector<20x1xf32>
    %ge3A_341 = arith.cmpf oge, %broadcast_in_dim3A_338, %ge3A_340 : vector<20x1xf32>
    %select_n3A_342 = arith.select %ge3A_341, %or3A_328, %select_n3A_325 : vector<20x1xi1>, vector<20x1xi32>
    %or3A_343 = arith.constant 8192 : i32
    %or3A_344 = vector.broadcast %or3A_343 : i32 to vector<20x1xi32>
    %or3A_345 = arith.ori %select_n3A_342, %or3A_344 : vector<20x1xi32>
    %xor3A_346 = arith.constant -2147483648 : i32
    %xor3A_347 = vector.broadcast %xor3A_346 : i32 to vector<20x1xi32>
    %xor3A_348 = arith.xori %or3A_345, %xor3A_347 : vector<20x1xi32>
    %ge3A_349 = vector.broadcast %xor3A_348 : vector<20x1xi32> to vector<20x256xi32>
    %ge3A_350 = arith.cmpi sge, %select_n3A, %ge3A_349 : vector<20x256xi32>
    %convert_element_type3A_351 = arith.extui %ge3A_350 : vector<20x256xi1> to vector<20x256xi32>
    %convert_element_type3A_352 = arith.sitofp %convert_element_type3A_351 : vector<20x256xi32> to vector<20x256xf32>
    %reduce_sum3A_353 = arith.constant dense<0.000000e+00> : vector<20xf32>
    %reduce_sum3A_354 = vector.multi_reduction <add>, %convert_element_type3A_352, %reduce_sum3A_353 [1] : vector<20x256xf32> to vector<20xf32>
    %broadcast_in_dim3A_355 = vector.shape_cast %reduce_sum3A_354 : vector<20xf32> to vector<20x1xf32>
    %ge3A_356 = arith.constant 1.600000e+01 : f32
    %ge3A_357 = vector.broadcast %ge3A_356 : f32 to vector<20x1xf32>
    %ge3A_358 = arith.cmpf oge, %broadcast_in_dim3A_355, %ge3A_357 : vector<20x1xf32>
    %select_n3A_359 = arith.select %ge3A_358, %or3A_345, %select_n3A_342 : vector<20x1xi1>, vector<20x1xi32>
    %or3A_360 = arith.constant 4096 : i32
    %or3A_361 = vector.broadcast %or3A_360 : i32 to vector<20x1xi32>
    %or3A_362 = arith.ori %select_n3A_359, %or3A_361 : vector<20x1xi32>
    %xor3A_363 = arith.constant -2147483648 : i32
    %xor3A_364 = vector.broadcast %xor3A_363 : i32 to vector<20x1xi32>
    %xor3A_365 = arith.xori %or3A_362, %xor3A_364 : vector<20x1xi32>
    %ge3A_366 = vector.broadcast %xor3A_365 : vector<20x1xi32> to vector<20x256xi32>
    %ge3A_367 = arith.cmpi sge, %select_n3A, %ge3A_366 : vector<20x256xi32>
    %convert_element_type3A_368 = arith.extui %ge3A_367 : vector<20x256xi1> to vector<20x256xi32>
    %convert_element_type3A_369 = arith.sitofp %convert_element_type3A_368 : vector<20x256xi32> to vector<20x256xf32>
    %reduce_sum3A_370 = arith.constant dense<0.000000e+00> : vector<20xf32>
    %reduce_sum3A_371 = vector.multi_reduction <add>, %convert_element_type3A_369, %reduce_sum3A_370 [1] : vector<20x256xf32> to vector<20xf32>
    %broadcast_in_dim3A_372 = vector.shape_cast %reduce_sum3A_371 : vector<20xf32> to vector<20x1xf32>
    %ge3A_373 = arith.constant 1.600000e+01 : f32
    %ge3A_374 = vector.broadcast %ge3A_373 : f32 to vector<20x1xf32>
    %ge3A_375 = arith.cmpf oge, %broadcast_in_dim3A_372, %ge3A_374 : vector<20x1xf32>
    %select_n3A_376 = arith.select %ge3A_375, %or3A_362, %select_n3A_359 : vector<20x1xi1>, vector<20x1xi32>
    %or3A_377 = arith.constant 2048 : i32
    %or3A_378 = vector.broadcast %or3A_377 : i32 to vector<20x1xi32>
    %or3A_379 = arith.ori %select_n3A_376, %or3A_378 : vector<20x1xi32>
    %xor3A_380 = arith.constant -2147483648 : i32
    %xor3A_381 = vector.broadcast %xor3A_380 : i32 to vector<20x1xi32>
    %xor3A_382 = arith.xori %or3A_379, %xor3A_381 : vector<20x1xi32>
    %ge3A_383 = vector.broadcast %xor3A_382 : vector<20x1xi32> to vector<20x256xi32>
    %ge3A_384 = arith.cmpi sge, %select_n3A, %ge3A_383 : vector<20x256xi32>
    %convert_element_type3A_385 = arith.extui %ge3A_384 : vector<20x256xi1> to vector<20x256xi32>
    %convert_element_type3A_386 = arith.sitofp %convert_element_type3A_385 : vector<20x256xi32> to vector<20x256xf32>
    %reduce_sum3A_387 = arith.constant dense<0.000000e+00> : vector<20xf32>
    %reduce_sum3A_388 = vector.multi_reduction <add>, %convert_element_type3A_386, %reduce_sum3A_387 [1] : vector<20x256xf32> to vector<20xf32>
    %broadcast_in_dim3A_389 = vector.shape_cast %reduce_sum3A_388 : vector<20xf32> to vector<20x1xf32>
    %ge3A_390 = arith.constant 1.600000e+01 : f32
    %ge3A_391 = vector.broadcast %ge3A_390 : f32 to vector<20x1xf32>
    %ge3A_392 = arith.cmpf oge, %broadcast_in_dim3A_389, %ge3A_391 : vector<20x1xf32>
    %select_n3A_393 = arith.select %ge3A_392, %or3A_379, %select_n3A_376 : vector<20x1xi1>, vector<20x1xi32>
    %or3A_394 = arith.constant 1024 : i32
    %or3A_395 = vector.broadcast %or3A_394 : i32 to vector<20x1xi32>
    %or3A_396 = arith.ori %select_n3A_393, %or3A_395 : vector<20x1xi32>
    %xor3A_397 = arith.constant -2147483648 : i32
    %xor3A_398 = vector.broadcast %xor3A_397 : i32 to vector<20x1xi32>
    %xor3A_399 = arith.xori %or3A_396, %xor3A_398 : vector<20x1xi32>
    %ge3A_400 = vector.broadcast %xor3A_399 : vector<20x1xi32> to vector<20x256xi32>
    %ge3A_401 = arith.cmpi sge, %select_n3A, %ge3A_400 : vector<20x256xi32>
    %convert_element_type3A_402 = arith.extui %ge3A_401 : vector<20x256xi1> to vector<20x256xi32>
    %convert_element_type3A_403 = arith.sitofp %convert_element_type3A_402 : vector<20x256xi32> to vector<20x256xf32>
    %reduce_sum3A_404 = arith.constant dense<0.000000e+00> : vector<20xf32>
    %reduce_sum3A_405 = vector.multi_reduction <add>, %convert_element_type3A_403, %reduce_sum3A_404 [1] : vector<20x256xf32> to vector<20xf32>
    %broadcast_in_dim3A_406 = vector.shape_cast %reduce_sum3A_405 : vector<20xf32> to vector<20x1xf32>
    %ge3A_407 = arith.constant 1.600000e+01 : f32
    %ge3A_408 = vector.broadcast %ge3A_407 : f32 to vector<20x1xf32>
    %ge3A_409 = arith.cmpf oge, %broadcast_in_dim3A_406, %ge3A_408 : vector<20x1xf32>
    %select_n3A_410 = arith.select %ge3A_409, %or3A_396, %select_n3A_393 : vector<20x1xi1>, vector<20x1xi32>
    %or3A_411 = arith.constant 512 : i32
    %or3A_412 = vector.broadcast %or3A_411 : i32 to vector<20x1xi32>
    %or3A_413 = arith.ori %select_n3A_410, %or3A_412 : vector<20x1xi32>
    %xor3A_414 = arith.constant -2147483648 : i32
    %xor3A_415 = vector.broadcast %xor3A_414 : i32 to vector<20x1xi32>
    %xor3A_416 = arith.xori %or3A_413, %xor3A_415 : vector<20x1xi32>
    %ge3A_417 = vector.broadcast %xor3A_416 : vector<20x1xi32> to vector<20x256xi32>
    %ge3A_418 = arith.cmpi sge, %select_n3A, %ge3A_417 : vector<20x256xi32>
    %convert_element_type3A_419 = arith.extui %ge3A_418 : vector<20x256xi1> to vector<20x256xi32>
    %convert_element_type3A_420 = arith.sitofp %convert_element_type3A_419 : vector<20x256xi32> to vector<20x256xf32>
    %reduce_sum3A_421 = arith.constant dense<0.000000e+00> : vector<20xf32>
    %reduce_sum3A_422 = vector.multi_reduction <add>, %convert_element_type3A_420, %reduce_sum3A_421 [1] : vector<20x256xf32> to vector<20xf32>
    %broadcast_in_dim3A_423 = vector.shape_cast %reduce_sum3A_422 : vector<20xf32> to vector<20x1xf32>
    %ge3A_424 = arith.constant 1.600000e+01 : f32
    %ge3A_425 = vector.broadcast %ge3A_424 : f32 to vector<20x1xf32>
    %ge3A_426 = arith.cmpf oge, %broadcast_in_dim3A_423, %ge3A_425 : vector<20x1xf32>
    %select_n3A_427 = arith.select %ge3A_426, %or3A_413, %select_n3A_410 : vector<20x1xi1>, vector<20x1xi32>
    %or3A_428 = arith.constant 256 : i32
    %or3A_429 = vector.broadcast %or3A_428 : i32 to vector<20x1xi32>
    %or3A_430 = arith.ori %select_n3A_427, %or3A_429 : vector<20x1xi32>
    %xor3A_431 = arith.constant -2147483648 : i32
    %xor3A_432 = vector.broadcast %xor3A_431 : i32 to vector<20x1xi32>
    %xor3A_433 = arith.xori %or3A_430, %xor3A_432 : vector<20x1xi32>
    %ge3A_434 = vector.broadcast %xor3A_433 : vector<20x1xi32> to vector<20x256xi32>
    %ge3A_435 = arith.cmpi sge, %select_n3A, %ge3A_434 : vector<20x256xi32>
    %convert_element_type3A_436 = arith.extui %ge3A_435 : vector<20x256xi1> to vector<20x256xi32>
    %convert_element_type3A_437 = arith.sitofp %convert_element_type3A_436 : vector<20x256xi32> to vector<20x256xf32>
    %reduce_sum3A_438 = arith.constant dense<0.000000e+00> : vector<20xf32>
    %reduce_sum3A_439 = vector.multi_reduction <add>, %convert_element_type3A_437, %reduce_sum3A_438 [1] : vector<20x256xf32> to vector<20xf32>
    %broadcast_in_dim3A_440 = vector.shape_cast %reduce_sum3A_439 : vector<20xf32> to vector<20x1xf32>
    %ge3A_441 = arith.constant 1.600000e+01 : f32
    %ge3A_442 = vector.broadcast %ge3A_441 : f32 to vector<20x1xf32>
    %ge3A_443 = arith.cmpf oge, %broadcast_in_dim3A_440, %ge3A_442 : vector<20x1xf32>
    %select_n3A_444 = arith.select %ge3A_443, %or3A_430, %select_n3A_427 : vector<20x1xi1>, vector<20x1xi32>
    %or3A_445 = arith.constant 128 : i32
    %or3A_446 = vector.broadcast %or3A_445 : i32 to vector<20x1xi32>
    %or3A_447 = arith.ori %select_n3A_444, %or3A_446 : vector<20x1xi32>
    %xor3A_448 = arith.constant -2147483648 : i32
    %xor3A_449 = vector.broadcast %xor3A_448 : i32 to vector<20x1xi32>
    %xor3A_450 = arith.xori %or3A_447, %xor3A_449 : vector<20x1xi32>
    %ge3A_451 = vector.broadcast %xor3A_450 : vector<20x1xi32> to vector<20x256xi32>
    %ge3A_452 = arith.cmpi sge, %select_n3A, %ge3A_451 : vector<20x256xi32>
    %convert_element_type3A_453 = arith.extui %ge3A_452 : vector<20x256xi1> to vector<20x256xi32>
    %convert_element_type3A_454 = arith.sitofp %convert_element_type3A_453 : vector<20x256xi32> to vector<20x256xf32>
    %reduce_sum3A_455 = arith.constant dense<0.000000e+00> : vector<20xf32>
    %reduce_sum3A_456 = vector.multi_reduction <add>, %convert_element_type3A_454, %reduce_sum3A_455 [1] : vector<20x256xf32> to vector<20xf32>
    %broadcast_in_dim3A_457 = vector.shape_cast %reduce_sum3A_456 : vector<20xf32> to vector<20x1xf32>
    %ge3A_458 = arith.constant 1.600000e+01 : f32
    %ge3A_459 = vector.broadcast %ge3A_458 : f32 to vector<20x1xf32>
    %ge3A_460 = arith.cmpf oge, %broadcast_in_dim3A_457, %ge3A_459 : vector<20x1xf32>
    %select_n3A_461 = arith.select %ge3A_460, %or3A_447, %select_n3A_444 : vector<20x1xi1>, vector<20x1xi32>
    %or3A_462 = arith.constant 64 : i32
    %or3A_463 = vector.broadcast %or3A_462 : i32 to vector<20x1xi32>
    %or3A_464 = arith.ori %select_n3A_461, %or3A_463 : vector<20x1xi32>
    %xor3A_465 = arith.constant -2147483648 : i32
    %xor3A_466 = vector.broadcast %xor3A_465 : i32 to vector<20x1xi32>
    %xor3A_467 = arith.xori %or3A_464, %xor3A_466 : vector<20x1xi32>
    %ge3A_468 = vector.broadcast %xor3A_467 : vector<20x1xi32> to vector<20x256xi32>
    %ge3A_469 = arith.cmpi sge, %select_n3A, %ge3A_468 : vector<20x256xi32>
    %convert_element_type3A_470 = arith.extui %ge3A_469 : vector<20x256xi1> to vector<20x256xi32>
    %convert_element_type3A_471 = arith.sitofp %convert_element_type3A_470 : vector<20x256xi32> to vector<20x256xf32>
    %reduce_sum3A_472 = arith.constant dense<0.000000e+00> : vector<20xf32>
    %reduce_sum3A_473 = vector.multi_reduction <add>, %convert_element_type3A_471, %reduce_sum3A_472 [1] : vector<20x256xf32> to vector<20xf32>
    %broadcast_in_dim3A_474 = vector.shape_cast %reduce_sum3A_473 : vector<20xf32> to vector<20x1xf32>
    %ge3A_475 = arith.constant 1.600000e+01 : f32
    %ge3A_476 = vector.broadcast %ge3A_475 : f32 to vector<20x1xf32>
    %ge3A_477 = arith.cmpf oge, %broadcast_in_dim3A_474, %ge3A_476 : vector<20x1xf32>
    %select_n3A_478 = arith.select %ge3A_477, %or3A_464, %select_n3A_461 : vector<20x1xi1>, vector<20x1xi32>
    %or3A_479 = arith.constant 32 : i32
    %or3A_480 = vector.broadcast %or3A_479 : i32 to vector<20x1xi32>
    %or3A_481 = arith.ori %select_n3A_478, %or3A_480 : vector<20x1xi32>
    %xor3A_482 = arith.constant -2147483648 : i32
    %xor3A_483 = vector.broadcast %xor3A_482 : i32 to vector<20x1xi32>
    %xor3A_484 = arith.xori %or3A_481, %xor3A_483 : vector<20x1xi32>
    %ge3A_485 = vector.broadcast %xor3A_484 : vector<20x1xi32> to vector<20x256xi32>
    %ge3A_486 = arith.cmpi sge, %select_n3A, %ge3A_485 : vector<20x256xi32>
    %convert_element_type3A_487 = arith.extui %ge3A_486 : vector<20x256xi1> to vector<20x256xi32>
    %convert_element_type3A_488 = arith.sitofp %convert_element_type3A_487 : vector<20x256xi32> to vector<20x256xf32>
    %reduce_sum3A_489 = arith.constant dense<0.000000e+00> : vector<20xf32>
    %reduce_sum3A_490 = vector.multi_reduction <add>, %convert_element_type3A_488, %reduce_sum3A_489 [1] : vector<20x256xf32> to vector<20xf32>
    %broadcast_in_dim3A_491 = vector.shape_cast %reduce_sum3A_490 : vector<20xf32> to vector<20x1xf32>
    %ge3A_492 = arith.constant 1.600000e+01 : f32
    %ge3A_493 = vector.broadcast %ge3A_492 : f32 to vector<20x1xf32>
    %ge3A_494 = arith.cmpf oge, %broadcast_in_dim3A_491, %ge3A_493 : vector<20x1xf32>
    %select_n3A_495 = arith.select %ge3A_494, %or3A_481, %select_n3A_478 : vector<20x1xi1>, vector<20x1xi32>
    %or3A_496 = arith.constant 16 : i32
    %or3A_497 = vector.broadcast %or3A_496 : i32 to vector<20x1xi32>
    %or3A_498 = arith.ori %select_n3A_495, %or3A_497 : vector<20x1xi32>
    %xor3A_499 = arith.constant -2147483648 : i32
    %xor3A_500 = vector.broadcast %xor3A_499 : i32 to vector<20x1xi32>
    %xor3A_501 = arith.xori %or3A_498, %xor3A_500 : vector<20x1xi32>
    %ge3A_502 = vector.broadcast %xor3A_501 : vector<20x1xi32> to vector<20x256xi32>
    %ge3A_503 = arith.cmpi sge, %select_n3A, %ge3A_502 : vector<20x256xi32>
    %convert_element_type3A_504 = arith.extui %ge3A_503 : vector<20x256xi1> to vector<20x256xi32>
    %convert_element_type3A_505 = arith.sitofp %convert_element_type3A_504 : vector<20x256xi32> to vector<20x256xf32>
    %reduce_sum3A_506 = arith.constant dense<0.000000e+00> : vector<20xf32>
    %reduce_sum3A_507 = vector.multi_reduction <add>, %convert_element_type3A_505, %reduce_sum3A_506 [1] : vector<20x256xf32> to vector<20xf32>
    %broadcast_in_dim3A_508 = vector.shape_cast %reduce_sum3A_507 : vector<20xf32> to vector<20x1xf32>
    %ge3A_509 = arith.constant 1.600000e+01 : f32
    %ge3A_510 = vector.broadcast %ge3A_509 : f32 to vector<20x1xf32>
    %ge3A_511 = arith.cmpf oge, %broadcast_in_dim3A_508, %ge3A_510 : vector<20x1xf32>
    %select_n3A_512 = arith.select %ge3A_511, %or3A_498, %select_n3A_495 : vector<20x1xi1>, vector<20x1xi32>
    %or3A_513 = arith.constant 8 : i32
    %or3A_514 = vector.broadcast %or3A_513 : i32 to vector<20x1xi32>
    %or3A_515 = arith.ori %select_n3A_512, %or3A_514 : vector<20x1xi32>
    %xor3A_516 = arith.constant -2147483648 : i32
    %xor3A_517 = vector.broadcast %xor3A_516 : i32 to vector<20x1xi32>
    %xor3A_518 = arith.xori %or3A_515, %xor3A_517 : vector<20x1xi32>
    %ge3A_519 = vector.broadcast %xor3A_518 : vector<20x1xi32> to vector<20x256xi32>
    %ge3A_520 = arith.cmpi sge, %select_n3A, %ge3A_519 : vector<20x256xi32>
    %convert_element_type3A_521 = arith.extui %ge3A_520 : vector<20x256xi1> to vector<20x256xi32>
    %convert_element_type3A_522 = arith.sitofp %convert_element_type3A_521 : vector<20x256xi32> to vector<20x256xf32>
    %reduce_sum3A_523 = arith.constant dense<0.000000e+00> : vector<20xf32>
    %reduce_sum3A_524 = vector.multi_reduction <add>, %convert_element_type3A_522, %reduce_sum3A_523 [1] : vector<20x256xf32> to vector<20xf32>
    %broadcast_in_dim3A_525 = vector.shape_cast %reduce_sum3A_524 : vector<20xf32> to vector<20x1xf32>
    %ge3A_526 = arith.constant 1.600000e+01 : f32
    %ge3A_527 = vector.broadcast %ge3A_526 : f32 to vector<20x1xf32>
    %ge3A_528 = arith.cmpf oge, %broadcast_in_dim3A_525, %ge3A_527 : vector<20x1xf32>
    %select_n3A_529 = arith.select %ge3A_528, %or3A_515, %select_n3A_512 : vector<20x1xi1>, vector<20x1xi32>
    %or3A_530 = arith.constant 4 : i32
    %or3A_531 = vector.broadcast %or3A_530 : i32 to vector<20x1xi32>
    %or3A_532 = arith.ori %select_n3A_529, %or3A_531 : vector<20x1xi32>
    %xor3A_533 = arith.constant -2147483648 : i32
    %xor3A_534 = vector.broadcast %xor3A_533 : i32 to vector<20x1xi32>
    %xor3A_535 = arith.xori %or3A_532, %xor3A_534 : vector<20x1xi32>
    %ge3A_536 = vector.broadcast %xor3A_535 : vector<20x1xi32> to vector<20x256xi32>
    %ge3A_537 = arith.cmpi sge, %select_n3A, %ge3A_536 : vector<20x256xi32>
    %convert_element_type3A_538 = arith.extui %ge3A_537 : vector<20x256xi1> to vector<20x256xi32>
    %convert_element_type3A_539 = arith.sitofp %convert_element_type3A_538 : vector<20x256xi32> to vector<20x256xf32>
    %reduce_sum3A_540 = arith.constant dense<0.000000e+00> : vector<20xf32>
    %reduce_sum3A_541 = vector.multi_reduction <add>, %convert_element_type3A_539, %reduce_sum3A_540 [1] : vector<20x256xf32> to vector<20xf32>
    %broadcast_in_dim3A_542 = vector.shape_cast %reduce_sum3A_541 : vector<20xf32> to vector<20x1xf32>
    %ge3A_543 = arith.constant 1.600000e+01 : f32
    %ge3A_544 = vector.broadcast %ge3A_543 : f32 to vector<20x1xf32>
    %ge3A_545 = arith.cmpf oge, %broadcast_in_dim3A_542, %ge3A_544 : vector<20x1xf32>
    %select_n3A_546 = arith.select %ge3A_545, %or3A_532, %select_n3A_529 : vector<20x1xi1>, vector<20x1xi32>
    %or3A_547 = arith.constant 2 : i32
    %or3A_548 = vector.broadcast %or3A_547 : i32 to vector<20x1xi32>
    %or3A_549 = arith.ori %select_n3A_546, %or3A_548 : vector<20x1xi32>
    %xor3A_550 = arith.constant -2147483648 : i32
    %xor3A_551 = vector.broadcast %xor3A_550 : i32 to vector<20x1xi32>
    %xor3A_552 = arith.xori %or3A_549, %xor3A_551 : vector<20x1xi32>
    %ge3A_553 = vector.broadcast %xor3A_552 : vector<20x1xi32> to vector<20x256xi32>
    %ge3A_554 = arith.cmpi sge, %select_n3A, %ge3A_553 : vector<20x256xi32>
    %convert_element_type3A_555 = arith.extui %ge3A_554 : vector<20x256xi1> to vector<20x256xi32>
    %convert_element_type3A_556 = arith.sitofp %convert_element_type3A_555 : vector<20x256xi32> to vector<20x256xf32>
    %reduce_sum3A_557 = arith.constant dense<0.000000e+00> : vector<20xf32>
    %reduce_sum3A_558 = vector.multi_reduction <add>, %convert_element_type3A_556, %reduce_sum3A_557 [1] : vector<20x256xf32> to vector<20xf32>
    %broadcast_in_dim3A_559 = vector.shape_cast %reduce_sum3A_558 : vector<20xf32> to vector<20x1xf32>
    %ge3A_560 = arith.constant 1.600000e+01 : f32
    %ge3A_561 = vector.broadcast %ge3A_560 : f32 to vector<20x1xf32>
    %ge3A_562 = arith.cmpf oge, %broadcast_in_dim3A_559, %ge3A_561 : vector<20x1xf32>
    %select_n3A_563 = arith.select %ge3A_562, %or3A_549, %select_n3A_546 : vector<20x1xi1>, vector<20x1xi32>
    %or3A_564 = arith.constant 1 : i32
    %or3A_565 = vector.broadcast %or3A_564 : i32 to vector<20x1xi32>
    %or3A_566 = arith.ori %select_n3A_563, %or3A_565 : vector<20x1xi32>
    %xor3A_567 = arith.constant -2147483648 : i32
    %xor3A_568 = vector.broadcast %xor3A_567 : i32 to vector<20x1xi32>
    %xor3A_569 = arith.xori %or3A_566, %xor3A_568 : vector<20x1xi32>
    %ge3A_570 = vector.broadcast %xor3A_569 : vector<20x1xi32> to vector<20x256xi32>
    %ge3A_571 = arith.cmpi sge, %select_n3A, %ge3A_570 : vector<20x256xi32>
    %convert_element_type3A_572 = arith.extui %ge3A_571 : vector<20x256xi1> to vector<20x256xi32>
    %convert_element_type3A_573 = arith.sitofp %convert_element_type3A_572 : vector<20x256xi32> to vector<20x256xf32>
    %reduce_sum3A_574 = arith.constant dense<0.000000e+00> : vector<20xf32>
    %reduce_sum3A_575 = vector.multi_reduction <add>, %convert_element_type3A_573, %reduce_sum3A_574 [1] : vector<20x256xf32> to vector<20xf32>
    %broadcast_in_dim3A_576 = vector.shape_cast %reduce_sum3A_575 : vector<20xf32> to vector<20x1xf32>
    %ge3A_577 = arith.constant 1.600000e+01 : f32
    %ge3A_578 = vector.broadcast %ge3A_577 : f32 to vector<20x1xf32>
    %ge3A_579 = arith.cmpf oge, %broadcast_in_dim3A_576, %ge3A_578 : vector<20x1xf32>
    %select_n3A_580 = arith.select %ge3A_579, %or3A_566, %select_n3A_563 : vector<20x1xi1>, vector<20x1xi32>
    %xor3A_581 = arith.constant -2147483648 : i32
    %xor3A_582 = vector.broadcast %xor3A_581 : i32 to vector<20x1xi32>
    %xor3A_583 = arith.xori %select_n3A_580, %xor3A_582 : vector<20x1xi32>
    %gt3A = vector.broadcast %xor3A_583 : vector<20x1xi32> to vector<20x256xi32>
    %gt3A_584 = arith.cmpi sgt, %select_n3A, %gt3A : vector<20x256xi32>
    %eq3A = vector.broadcast %xor3A_583 : vector<20x1xi32> to vector<20x256xi32>
    %eq3A_585 = arith.cmpi eq, %select_n3A, %eq3A : vector<20x256xi32>
    %convert_element_type3A_586 = arith.extui %gt3A_584 : vector<20x256xi1> to vector<20x256xi32>
    %convert_element_type3A_587 = arith.sitofp %convert_element_type3A_586 : vector<20x256xi32> to vector<20x256xf32>
    %reduce_sum3A_588 = arith.constant dense<0.000000e+00> : vector<20xf32>
    %reduce_sum3A_589 = vector.multi_reduction <add>, %convert_element_type3A_587, %reduce_sum3A_588 [1] : vector<20x256xf32> to vector<20xf32>
    %broadcast_in_dim3A_590 = vector.shape_cast %reduce_sum3A_589 : vector<20xf32> to vector<20x1xf32>
    %sub3A_591 = arith.constant 1.600000e+01 : f32
    %sub3A_592 = vector.broadcast %sub3A_591 : f32 to vector<20x1xf32>
    %sub3A_593 = arith.subf %sub3A_592, %broadcast_in_dim3A_590 : vector<20x1xf32>
    %convert_element_type3A_594 = arith.extui %eq3A_585 : vector<20x256xi1> to vector<20x256xi32>
    %convert_element_type3A_595 = arith.sitofp %convert_element_type3A_594 : vector<20x256xi32> to vector<20x256xf32>
    %iota3A = tpu.iota {dimensions = array<i32: 0>} : vector<128x128xi32>
    %iota3A_596 = tpu.iota {dimensions = array<i32: 1>} : vector<128x128xi32>
    %le3A = arith.cmpi sle, %iota3A, %iota3A_596 : vector<128x128xi32>
    %convert_element_type3A_597 = arith.extui %le3A : vector<128x128xi1> to vector<128x128xi32>
    %convert_element_type3A_598 = arith.sitofp %convert_element_type3A_597 : vector<128x128xi32> to vector<128x128xf32>
    %reshape3A_599 = vector.shape_cast %convert_element_type3A_595 : vector<20x256xf32> to vector<40x128xf32>
    %dot_general3A_600 = arith.constant dense<0.000000e+00> : vector<40x128xf32>
    %dot_general3A_601 = tpu.matmul %reshape3A_599, %convert_element_type3A_598, %dot_general3A_600 {dimension_numbers = #tpu.dot_dimension_numbers<[1], [0], [0], [1], [0, 0, 1, 1], [], []>, transpose_lhs_hint = false} : vector<40x128xf32>, vector<128x128xf32>, vector<40x128xf32> -> vector<40x128xf32>
    %reshape3A_602 = vector.shape_cast %dot_general3A_601 : vector<40x128xf32> to vector<20x2x128xf32>
    %reshape3A_603 = vector.shape_cast %convert_element_type3A_595 : vector<20x256xf32> to vector<20x2x128xf32>
    %reduce_sum3A_604 = arith.constant dense<0.000000e+00> : vector<20x2xf32>
    %reduce_sum3A_605 = vector.multi_reduction <add>, %reshape3A_603, %reduce_sum3A_604 [2] : vector<20x2x128xf32> to vector<20x2xf32>
    %iota3A_606 = tpu.iota {dimensions = array<i32: 0>} : vector<2x2xi32>
    %iota3A_607 = tpu.iota {dimensions = array<i32: 1>} : vector<2x2xi32>
    %lt3A = arith.cmpi slt, %iota3A_606, %iota3A_607 : vector<2x2xi32>
    %convert_element_type3A_608 = arith.extui %lt3A : vector<2x2xi1> to vector<2x2xi32>
    %convert_element_type3A_609 = arith.sitofp %convert_element_type3A_608 : vector<2x2xi32> to vector<2x2xf32>
    %dot_general3A_610 = arith.constant dense<0.000000e+00> : vector<20x2xf32>
    %dot_general3A_611 = tpu.matmul %reduce_sum3A_605, %convert_element_type3A_609, %dot_general3A_610 {dimension_numbers = #tpu.dot_dimension_numbers<[1], [0], [0], [1], [0, 0, 1, 1], [], []>, transpose_lhs_hint = false} : vector<20x2xf32>, vector<2x2xf32>, vector<20x2xf32> -> vector<20x2xf32>
    %broadcast_in_dim3A_612 = vector.shape_cast %dot_general3A_611 : vector<20x2xf32> to vector<20x2x1xf32>
    %add3A_613 = vector.broadcast %broadcast_in_dim3A_612 : vector<20x2x1xf32> to vector<20x2x128xf32>
    %add3A_614 = arith.addf %reshape3A_602, %add3A_613 : vector<20x2x128xf32>
    %reshape3A_615 = vector.shape_cast %add3A_614 : vector<20x2x128xf32> to vector<20x256xf32>
    %le3A_616 = vector.broadcast %sub3A_593 : vector<20x1xf32> to vector<20x256xf32>
    %le3A_617 = arith.cmpf ole, %reshape3A_615, %le3A_616 : vector<20x256xf32>
    %and3A = arith.andi %eq3A_585, %le3A_617 : vector<20x256xi1>
    %or3A_618 = arith.ori %gt3A_584, %and3A : vector<20x256xi1>
    %convert_element_type3A_619 = arith.extui %or3A_618 : vector<20x256xi1> to vector<20x256xi32>
    %convert_element_type3A_620 = arith.sitofp %convert_element_type3A_619 : vector<20x256xi32> to vector<20x256xf32>
    %iota3A_621 = tpu.iota {dimensions = array<i32: 0>} : vector<128x128xi32>
    %iota3A_622 = tpu.iota {dimensions = array<i32: 1>} : vector<128x128xi32>
    %le3A_623 = arith.cmpi sle, %iota3A_621, %iota3A_622 : vector<128x128xi32>
    %convert_element_type3A_624 = arith.extui %le3A_623 : vector<128x128xi1> to vector<128x128xi32>
    %convert_element_type3A_625 = arith.sitofp %convert_element_type3A_624 : vector<128x128xi32> to vector<128x128xf32>
    %reshape3A_626 = vector.shape_cast %convert_element_type3A_620 : vector<20x256xf32> to vector<40x128xf32>
    %dot_general3A_627 = arith.constant dense<0.000000e+00> : vector<40x128xf32>
    %dot_general3A_628 = tpu.matmul %reshape3A_626, %convert_element_type3A_625, %dot_general3A_627 {dimension_numbers = #tpu.dot_dimension_numbers<[1], [0], [0], [1], [0, 0, 1, 1], [], []>, transpose_lhs_hint = false} : vector<40x128xf32>, vector<128x128xf32>, vector<40x128xf32> -> vector<40x128xf32>
    %reshape3A_629 = vector.shape_cast %dot_general3A_628 : vector<40x128xf32> to vector<20x2x128xf32>
    %reshape3A_630 = vector.shape_cast %convert_element_type3A_620 : vector<20x256xf32> to vector<20x2x128xf32>
    %reduce_sum3A_631 = arith.constant dense<0.000000e+00> : vector<20x2xf32>
    %reduce_sum3A_632 = vector.multi_reduction <add>, %reshape3A_630, %reduce_sum3A_631 [2] : vector<20x2x128xf32> to vector<20x2xf32>
    %iota3A_633 = tpu.iota {dimensions = array<i32: 0>} : vector<2x2xi32>
    %iota3A_634 = tpu.iota {dimensions = array<i32: 1>} : vector<2x2xi32>
    %lt3A_635 = arith.cmpi slt, %iota3A_633, %iota3A_634 : vector<2x2xi32>
    %convert_element_type3A_636 = arith.extui %lt3A_635 : vector<2x2xi1> to vector<2x2xi32>
    %convert_element_type3A_637 = arith.sitofp %convert_element_type3A_636 : vector<2x2xi32> to vector<2x2xf32>
    %dot_general3A_638 = arith.constant dense<0.000000e+00> : vector<20x2xf32>
    %dot_general3A_639 = tpu.matmul %reduce_sum3A_632, %convert_element_type3A_637, %dot_general3A_638 {dimension_numbers = #tpu.dot_dimension_numbers<[1], [0], [0], [1], [0, 0, 1, 1], [], []>, transpose_lhs_hint = false} : vector<20x2xf32>, vector<2x2xf32>, vector<20x2xf32> -> vector<20x2xf32>
    %broadcast_in_dim3A_640 = vector.shape_cast %dot_general3A_639 : vector<20x2xf32> to vector<20x2x1xf32>
    %add3A_641 = vector.broadcast %broadcast_in_dim3A_640 : vector<20x2x1xf32> to vector<20x2x128xf32>
    %add3A_642 = arith.addf %reshape3A_629, %add3A_641 : vector<20x2x128xf32>
    %reshape3A_643 = vector.shape_cast %add3A_642 : vector<20x2x128xf32> to vector<20x256xf32>
    %iota3A_644 = tpu.iota {dimensions = array<i32: 1>} : vector<1x8x1xi32>
    %convert_element_type3A_645 = arith.sitofp %iota3A_644 : vector<1x8x1xi32> to vector<1x8x1xf32>
    %add3A_646 = arith.constant 0.000000e+00 : f32
    %add3A_647 = vector.broadcast %add3A_646 : f32 to vector<1x8x1xf32>
    %add3A_648 = arith.addf %convert_element_type3A_645, %add3A_647 : vector<1x8x1xf32>
    %broadcast_in_dim3A_649 = vector.shape_cast %reshape3A_643 : vector<20x256xf32> to vector<20x1x256xf32>
    %le3A_650 = vector.broadcast %broadcast_in_dim3A_649 : vector<20x1x256xf32> to vector<20x8x256xf32>
    %le3A_651 = vector.broadcast %add3A_648 : vector<1x8x1xf32> to vector<20x8x256xf32>
    %le3A_652 = arith.cmpf ole, %le3A_650, %le3A_651 : vector<20x8x256xf32>
    %convert_element_type3A_653 = arith.extui %le3A_652 : vector<20x8x256xi1> to vector<20x8x256xi32>
    %convert_element_type3A_654 = arith.sitofp %convert_element_type3A_653 : vector<20x8x256xi32> to vector<20x8x256xf32>
    %reduce_sum3A_655 = arith.constant dense<0.000000e+00> : vector<20x8xf32>
    %reduce_sum3A_656 = vector.multi_reduction <add>, %convert_element_type3A_654, %reduce_sum3A_655 [2] : vector<20x8x256xf32> to vector<20x8xf32>
    %iota3A_657 = tpu.iota {dimensions = array<i32: 1>} : vector<1x8x1xi32>
    %convert_element_type3A_658 = arith.sitofp %iota3A_657 : vector<1x8x1xi32> to vector<1x8x1xf32>
    %add3A_659 = arith.constant 8.000000e+00 : f32
    %add3A_660 = vector.broadcast %add3A_659 : f32 to vector<1x8x1xf32>
    %add3A_661 = arith.addf %convert_element_type3A_658, %add3A_660 : vector<1x8x1xf32>
    %broadcast_in_dim3A_662 = vector.shape_cast %reshape3A_643 : vector<20x256xf32> to vector<20x1x256xf32>
    %le3A_663 = vector.broadcast %broadcast_in_dim3A_662 : vector<20x1x256xf32> to vector<20x8x256xf32>
    %le3A_664 = vector.broadcast %add3A_661 : vector<1x8x1xf32> to vector<20x8x256xf32>
    %le3A_665 = arith.cmpf ole, %le3A_663, %le3A_664 : vector<20x8x256xf32>
    %convert_element_type3A_666 = arith.extui %le3A_665 : vector<20x8x256xi1> to vector<20x8x256xi32>
    %convert_element_type3A_667 = arith.sitofp %convert_element_type3A_666 : vector<20x8x256xi32> to vector<20x8x256xf32>
    %reduce_sum3A_668 = arith.constant dense<0.000000e+00> : vector<20x8xf32>
    %reduce_sum3A_669 = vector.multi_reduction <add>, %convert_element_type3A_667, %reduce_sum3A_668 [2] : vector<20x8x256xf32> to vector<20x8xf32>
    %concatenate3A = tpu.concatenate %reduce_sum3A_656, %reduce_sum3A_669 in 1 : vector<20x8xf32>, vector<20x8xf32> -> vector<20x16xf32>
    %convert_element_type3A_670 = arith.fptosi %concatenate3A : vector<20x16xf32> to vector<20x16xi32>
    %mul3A_671 = arith.constant 256 : i32
    %mul3A_672 = arith.muli %arg0, %mul3A_671 : i32
    %add3A_673 = vector.broadcast %mul3A_672 : i32 to vector<20x16xi32>
    %add3A_674 = arith.addi %convert_element_type3A_670, %add3A_673 : vector<20x16xi32>
    %reshape3A_675 = vector.shape_cast %add3A_674 : vector<20x16xi32> to vector<1x1x20x16xi32>
    %swap3A = arith.constant 0 : index
    %swap3A_676 = arith.constant 0 : index
    %swap3A_677 = arith.constant 0 : index
    %swap3A_678 = arith.constant 0 : index
    %swap3A_679 = vector.load %arg5[%swap3A, %swap3A_676, %swap3A_677, %swap3A_678] : memref<1x1x20x16xi32, #tpu.memory_space<vmem>>, vector<1x1x20x16xi32>
    tpu.vector_store %arg5[%swap3A, %swap3A_676, %swap3A_677, %swap3A_678], %reshape3A_675 {strides = array<i32>} : memref<1x1x20x16xi32, #tpu.memory_space<vmem>>, vector<1x1x20x16xi32>,
    return
  }
  func.func @transform_0(%arg0: i32) -> (i32, i32) {
    %c0_i32 = arith.constant 0 : i32
    %c0_i32_0 = arith.constant 0 : i32
    return %arg0, %c0_i32 : i32, i32
  }
  func.func @transform_1(%arg0: i32) -> (i32, i32, i32) {
    %jit3A = arith.constant 4 : i32
    %div3A = arith.divsi %arg0, %jit3A : i32
    %sign3A = arith.constant 0 : i32
    %sign3A_0 = arith.cmpi sgt, %arg0, %sign3A : i32
    %sign3A_1 = arith.extui %sign3A_0 : i1 to i32
    %sign3A_2 = arith.constant 0 : i32
    %sign3A_3 = arith.cmpi slt, %arg0, %sign3A_2 : i32
    %sign3A_4 = arith.extui %sign3A_3 : i1 to i32
    %sign3A_5 = arith.subi %sign3A_1, %sign3A_4 : i32
    %sign3A_6 = arith.constant 0 : i32
    %sign3A_7 = arith.cmpi sgt, %jit3A, %sign3A_6 : i32
    %sign3A_8 = arith.extui %sign3A_7 : i1 to i32
    %sign3A_9 = arith.constant 0 : i32
    %sign3A_10 = arith.cmpi slt, %jit3A, %sign3A_9 : i32
    %sign3A_11 = arith.extui %sign3A_10 : i1 to i32
    %sign3A_12 = arith.subi %sign3A_8, %sign3A_11 : i32
    %ne3A = arith.cmpi ne, %sign3A_5, %sign3A_12 : i32
    %rem3A = arith.remsi %arg0, %jit3A : i32
    %ne3A_13 = arith.constant 0 : i32
    %ne3A_14 = arith.cmpi ne, %rem3A, %ne3A_13 : i32
    %and3A = arith.andi %ne3A, %ne3A_14 : i1
    %sub3A = arith.constant 1 : i32
    %sub3A_15 = arith.subi %div3A, %sub3A : i32
    %select_n3A = arith.select %and3A, %sub3A_15, %div3A : i32
    %c0_i32 = arith.constant 0 : i32
    %c0_i32_16 = arith.constant 0 : i32
    %c0_i32_17 = arith.constant 0 : i32
    return %select_n3A, %c0_i32, %c0_i32_16 : i32, i32, i32
  }
  func.func @transform_2(%arg0: i32) -> (i32, i32) {
    %c0_i32 = arith.constant 0 : i32
    %c0_i32_0 = arith.constant 0 : i32
    %c0_i32_1 = arith.constant 0 : i32
    return %c0_i32, %c0_i32_0 : i32, i32
  }
  func.func @transform_3(%arg0: i32) -> (i32, i32) {
    %c0_i32 = arith.constant 0 : i32
    %c0_i32_0 = arith.constant 0 : i32
    %c0_i32_1 = arith.constant 0 : i32
    return %c0_i32, %c0_i32_0 : i32, i32
  }
  func.func @transform_4(%arg0: i32) -> (i32, i32, i32, i32) {
    %jit3A = arith.constant 4 : i32
    %div3A = arith.divsi %arg0, %jit3A : i32
    %sign3A = arith.constant 0 : i32
    %sign3A_0 = arith.cmpi sgt, %arg0, %sign3A : i32
    %sign3A_1 = arith.extui %sign3A_0 : i1 to i32
    %sign3A_2 = arith.constant 0 : i32
    %sign3A_3 = arith.cmpi slt, %arg0, %sign3A_2 : i32
    %sign3A_4 = arith.extui %sign3A_3 : i1 to i32
    %sign3A_5 = arith.subi %sign3A_1, %sign3A_4 : i32
    %sign3A_6 = arith.constant 0 : i32
    %sign3A_7 = arith.cmpi sgt, %jit3A, %sign3A_6 : i32
    %sign3A_8 = arith.extui %sign3A_7 : i1 to i32
    %sign3A_9 = arith.constant 0 : i32
    %sign3A_10 = arith.cmpi slt, %jit3A, %sign3A_9 : i32
    %sign3A_11 = arith.extui %sign3A_10 : i1 to i32
    %sign3A_12 = arith.subi %sign3A_8, %sign3A_11 : i32
    %ne3A = arith.cmpi ne, %sign3A_5, %sign3A_12 : i32
    %rem3A = arith.remsi %arg0, %jit3A : i32
    %ne3A_13 = arith.constant 0 : i32
    %ne3A_14 = arith.cmpi ne, %rem3A, %ne3A_13 : i32
    %and3A = arith.andi %ne3A, %ne3A_14 : i1
    %sub3A = arith.constant 1 : i32
    %sub3A_15 = arith.subi %div3A, %sub3A : i32
    %select_n3A = arith.select %and3A, %sub3A_15, %div3A : i32
    %jit3A_16 = arith.constant 4 : i32
    %eq3A = arith.constant 0 : i32
    %eq3A_17 = arith.cmpi eq, %jit3A_16, %eq3A : i32
    %jit3A_18 = arith.constant 1 : i32
    %select_n3A_19 = arith.select %eq3A_17, %jit3A_18, %jit3A_16 : i32
    %rem3A_20 = arith.remsi %arg0, %select_n3A_19 : i32
    %ne3A_21 = arith.constant 0 : i32
    %ne3A_22 = arith.cmpi ne, %rem3A_20, %ne3A_21 : i32
    %lt3A = arith.constant 0 : i32
    %lt3A_23 = arith.cmpi slt, %rem3A_20, %lt3A : i32
    %lt3A_24 = arith.constant 0 : i32
    %lt3A_25 = arith.cmpi slt, %select_n3A_19, %lt3A_24 : i32
    %ne3A_26 = arith.xori %lt3A_23, %lt3A_25 : i1
    %and3A_27 = arith.andi %ne3A_26, %ne3A_22 : i1
    %add3A = arith.addi %rem3A_20, %select_n3A_19 : i32
    %select_n3A_28 = arith.select %and3A_27, %add3A, %rem3A_20 : i32
    %c0_i32 = arith.constant 0 : i32
    %c0_i32_29 = arith.constant 0 : i32
    %c0_i32_30 = arith.constant 0 : i32
    return %select_n3A, %select_n3A_28, %c0_i32, %c0_i32_29 : i32, i32, i32, i32
  }
}

module attributes {stable_mosaic.version = 14 : i64} {
  func.func @_frame_body(%arg0: i32, %arg1: memref<64x256xf32, #tpu.memory_space<vmem>>, %arg2: memref<1x20x256xf32, #tpu.memory_space<vmem>>, %arg3: memref<1x256xf32, #tpu.memory_space<vmem>>, %arg4: memref<1x256xf32, #tpu.memory_space<vmem>>, %arg5: memref<1x1x20x8xi32, #tpu.memory_space<vmem>>) attributes {dimension_semantics = [#tpu.dimension_semantics<arbitrary>], iteration_bounds = array<i64: 8>, scalar_prefetch = 0 : i64, scratch_operands = 0 : i64, tpu.core_type = #tpu.core_type<tc>, window_params = [{transform_indices = @transform_0, window_bounds = array<i64: 64, 256>}, {transform_indices = @transform_1, window_bounds = array<i64: 1, 20, 256>}, {pipeline_mode = #tpu.pipeline_mode<synchronous>, transform_indices = @transform_2, window_bounds = array<i64: 1, 256>}, {pipeline_mode = #tpu.pipeline_mode<synchronous>, transform_indices = @transform_3, window_bounds = array<i64: 1, 256>}, {transform_indices = @transform_4, window_bounds = array<i64: 1, 1, 20, 8>}]} {
    %get3A = arith.constant 0 : index
    %get3A_0 = arith.constant 0 : index
    %get3A_1 = arith.constant 0 : index
    %get3A_2 = vector.load %arg2[%get3A, %get3A_0, %get3A_1] : memref<1x20x256xf32, #tpu.memory_space<vmem>>, vector<1x20x256xf32>
    %reshape3A = vector.shape_cast %get3A_2 : vector<1x20x256xf32> to vector<20x256xf32>
    %reduce_sum3A = arith.constant dense<0.000000e+00> : vector<20xf32>
    %reduce_sum3A_3 = vector.multi_reduction <add>, %reshape3A, %reduce_sum3A [1] : vector<20x256xf32> to vector<20xf32>
    %broadcast_in_dim3A = vector.shape_cast %reduce_sum3A_3 : vector<20xf32> to vector<20x1xf32>
    %div3A = arith.constant 2.560000e+02 : f32
    %div3A_4 = vector.broadcast %div3A : f32 to vector<20x1xf32>
    %div3A_5 = arith.divf %broadcast_in_dim3A, %div3A_4 : vector<20x1xf32>
    %sub3A = vector.broadcast %div3A_5 : vector<20x1xf32> to vector<20x256xf32>
    %sub3A_6 = arith.subf %reshape3A, %sub3A : vector<20x256xf32>
    %integer_pow3A = arith.mulf %sub3A_6, %sub3A_6 : vector<20x256xf32>
    %reduce_sum3A_7 = arith.constant dense<0.000000e+00> : vector<20xf32>
    %reduce_sum3A_8 = vector.multi_reduction <add>, %integer_pow3A, %reduce_sum3A_7 [1] : vector<20x256xf32> to vector<20xf32>
    %broadcast_in_dim3A_9 = vector.shape_cast %reduce_sum3A_8 : vector<20xf32> to vector<20x1xf32>
    %div3A_10 = arith.constant 2.560000e+02 : f32
    %div3A_11 = vector.broadcast %div3A_10 : f32 to vector<20x1xf32>
    %div3A_12 = arith.divf %broadcast_in_dim3A_9, %div3A_11 : vector<20x1xf32>
    %sub3A_13 = vector.broadcast %div3A_5 : vector<20x1xf32> to vector<20x256xf32>
    %sub3A_14 = arith.subf %reshape3A, %sub3A_13 : vector<20x256xf32>
    %add3A = arith.constant 9.99999974E-6 : f32
    %add3A_15 = vector.broadcast %add3A : f32 to vector<20x1xf32>
    %add3A_16 = arith.addf %div3A_12, %add3A_15 : vector<20x1xf32>
    %sqrt3A = math.sqrt %add3A_16 : vector<20x1xf32>
    %div3A_17 = vector.broadcast %sqrt3A : vector<20x1xf32> to vector<20x256xf32>
    %div3A_18 = arith.divf %sub3A_14, %div3A_17 : vector<20x256xf32>
    %get3A_19 = arith.constant 0 : index
    %get3A_20 = arith.constant 0 : index
    %get3A_21 = vector.load %arg3[%get3A_19, %get3A_20] : memref<1x256xf32, #tpu.memory_space<vmem>>, vector<1x256xf32>
    %mul3A = vector.broadcast %get3A_21 : vector<1x256xf32> to vector<20x256xf32>
    %mul3A_22 = arith.mulf %div3A_18, %mul3A : vector<20x256xf32>
    %get3A_23 = arith.constant 0 : index
    %get3A_24 = arith.constant 0 : index
    %get3A_25 = vector.load %arg4[%get3A_23, %get3A_24] : memref<1x256xf32, #tpu.memory_space<vmem>>, vector<1x256xf32>
    %add3A_26 = vector.broadcast %get3A_25 : vector<1x256xf32> to vector<20x256xf32>
    %add3A_27 = arith.addf %mul3A_22, %add3A_26 : vector<20x256xf32>
    %get3A_28 = arith.constant 0 : index
    %get3A_29 = arith.constant 0 : index
    %get3A_30 = vector.load %arg1[%get3A_28, %get3A_29] : memref<64x256xf32, #tpu.memory_space<vmem>>, vector<64x256xf32>
    %transpose3A = tpu.transpose %add3A_27, [1, 0] : vector<20x256xf32> -> vector<256x20xf32>
    %dot_general3A = arith.constant dense<0.000000e+00> : vector<64x20xf32>
    %dot_general3A_31 = tpu.matmul %get3A_30, %transpose3A, %dot_general3A {dimension_numbers = #tpu.dot_dimension_numbers<[1], [0], [0], [1], [0, 0, 1, 1], [], []>, transpose_lhs_hint = false} : vector<64x256xf32>, vector<256x20xf32>, vector<64x20xf32> -> vector<64x20xf32>
    %transpose3A_32 = tpu.transpose %dot_general3A_31, [1, 0] : vector<64x20xf32> -> vector<20x64xf32>
    %bitcast_convert_type3A = tpu.bitcast %transpose3A_32 : vector<20x64xf32> -> vector<20x64xi32>
    %ge3A = arith.constant 0 : i32
    %ge3A_33 = vector.broadcast %ge3A : i32 to vector<20x64xi32>
    %ge3A_34 = arith.cmpi sge, %bitcast_convert_type3A, %ge3A_33 : vector<20x64xi32>
    %xor3A = arith.constant 2147483647 : i32
    %xor3A_35 = vector.broadcast %xor3A : i32 to vector<20x64xi32>
    %xor3A_36 = arith.xori %bitcast_convert_type3A, %xor3A_35 : vector<20x64xi32>
    %select_n3A = arith.select %ge3A_34, %bitcast_convert_type3A, %xor3A_36 : vector<20x64xi1>, vector<20x64xi32>
    %broadcast_in_dim3A_37 = arith.constant 0 : i32
    %broadcast_in_dim3A_38 = vector.broadcast %broadcast_in_dim3A_37 : i32 to vector<20x1xi32>
    %or3A = arith.constant -2147483648 : i32
    %or3A_39 = vector.broadcast %or3A : i32 to vector<20x1xi32>
    %or3A_40 = arith.ori %broadcast_in_dim3A_38, %or3A_39 : vector<20x1xi32>
    %xor3A_41 = arith.constant -2147483648 : i32
    %xor3A_42 = vector.broadcast %xor3A_41 : i32 to vector<20x1xi32>
    %xor3A_43 = arith.xori %or3A_40, %xor3A_42 : vector<20x1xi32>
    %ge3A_44 = vector.broadcast %xor3A_43 : vector<20x1xi32> to vector<20x64xi32>
    %ge3A_45 = arith.cmpi sge, %select_n3A, %ge3A_44 : vector<20x64xi32>
    %convert_element_type3A = arith.extui %ge3A_45 : vector<20x64xi1> to vector<20x64xi32>
    %convert_element_type3A_46 = arith.sitofp %convert_element_type3A : vector<20x64xi32> to vector<20x64xf32>
    %reduce_sum3A_47 = arith.constant dense<0.000000e+00> : vector<20xf32>
    %reduce_sum3A_48 = vector.multi_reduction <add>, %convert_element_type3A_46, %reduce_sum3A_47 [1] : vector<20x64xf32> to vector<20xf32>
    %broadcast_in_dim3A_49 = vector.shape_cast %reduce_sum3A_48 : vector<20xf32> to vector<20x1xf32>
    %ge3A_50 = arith.constant 4.000000e+00 : f32
    %ge3A_51 = vector.broadcast %ge3A_50 : f32 to vector<20x1xf32>
    %ge3A_52 = arith.cmpf oge, %broadcast_in_dim3A_49, %ge3A_51 : vector<20x1xf32>
    %select_n3A_53 = arith.select %ge3A_52, %or3A_40, %broadcast_in_dim3A_38 : vector<20x1xi1>, vector<20x1xi32>
    %or3A_54 = arith.constant 1073741824 : i32
    %or3A_55 = vector.broadcast %or3A_54 : i32 to vector<20x1xi32>
    %or3A_56 = arith.ori %select_n3A_53, %or3A_55 : vector<20x1xi32>
    %xor3A_57 = arith.constant -2147483648 : i32
    %xor3A_58 = vector.broadcast %xor3A_57 : i32 to vector<20x1xi32>
    %xor3A_59 = arith.xori %or3A_56, %xor3A_58 : vector<20x1xi32>
    %ge3A_60 = vector.broadcast %xor3A_59 : vector<20x1xi32> to vector<20x64xi32>
    %ge3A_61 = arith.cmpi sge, %select_n3A, %ge3A_60 : vector<20x64xi32>
    %convert_element_type3A_62 = arith.extui %ge3A_61 : vector<20x64xi1> to vector<20x64xi32>
    %convert_element_type3A_63 = arith.sitofp %convert_element_type3A_62 : vector<20x64xi32> to vector<20x64xf32>
    %reduce_sum3A_64 = arith.constant dense<0.000000e+00> : vector<20xf32>
    %reduce_sum3A_65 = vector.multi_reduction <add>, %convert_element_type3A_63, %reduce_sum3A_64 [1] : vector<20x64xf32> to vector<20xf32>
    %broadcast_in_dim3A_66 = vector.shape_cast %reduce_sum3A_65 : vector<20xf32> to vector<20x1xf32>
    %ge3A_67 = arith.constant 4.000000e+00 : f32
    %ge3A_68 = vector.broadcast %ge3A_67 : f32 to vector<20x1xf32>
    %ge3A_69 = arith.cmpf oge, %broadcast_in_dim3A_66, %ge3A_68 : vector<20x1xf32>
    %select_n3A_70 = arith.select %ge3A_69, %or3A_56, %select_n3A_53 : vector<20x1xi1>, vector<20x1xi32>
    %or3A_71 = arith.constant 536870912 : i32
    %or3A_72 = vector.broadcast %or3A_71 : i32 to vector<20x1xi32>
    %or3A_73 = arith.ori %select_n3A_70, %or3A_72 : vector<20x1xi32>
    %xor3A_74 = arith.constant -2147483648 : i32
    %xor3A_75 = vector.broadcast %xor3A_74 : i32 to vector<20x1xi32>
    %xor3A_76 = arith.xori %or3A_73, %xor3A_75 : vector<20x1xi32>
    %ge3A_77 = vector.broadcast %xor3A_76 : vector<20x1xi32> to vector<20x64xi32>
    %ge3A_78 = arith.cmpi sge, %select_n3A, %ge3A_77 : vector<20x64xi32>
    %convert_element_type3A_79 = arith.extui %ge3A_78 : vector<20x64xi1> to vector<20x64xi32>
    %convert_element_type3A_80 = arith.sitofp %convert_element_type3A_79 : vector<20x64xi32> to vector<20x64xf32>
    %reduce_sum3A_81 = arith.constant dense<0.000000e+00> : vector<20xf32>
    %reduce_sum3A_82 = vector.multi_reduction <add>, %convert_element_type3A_80, %reduce_sum3A_81 [1] : vector<20x64xf32> to vector<20xf32>
    %broadcast_in_dim3A_83 = vector.shape_cast %reduce_sum3A_82 : vector<20xf32> to vector<20x1xf32>
    %ge3A_84 = arith.constant 4.000000e+00 : f32
    %ge3A_85 = vector.broadcast %ge3A_84 : f32 to vector<20x1xf32>
    %ge3A_86 = arith.cmpf oge, %broadcast_in_dim3A_83, %ge3A_85 : vector<20x1xf32>
    %select_n3A_87 = arith.select %ge3A_86, %or3A_73, %select_n3A_70 : vector<20x1xi1>, vector<20x1xi32>
    %or3A_88 = arith.constant 268435456 : i32
    %or3A_89 = vector.broadcast %or3A_88 : i32 to vector<20x1xi32>
    %or3A_90 = arith.ori %select_n3A_87, %or3A_89 : vector<20x1xi32>
    %xor3A_91 = arith.constant -2147483648 : i32
    %xor3A_92 = vector.broadcast %xor3A_91 : i32 to vector<20x1xi32>
    %xor3A_93 = arith.xori %or3A_90, %xor3A_92 : vector<20x1xi32>
    %ge3A_94 = vector.broadcast %xor3A_93 : vector<20x1xi32> to vector<20x64xi32>
    %ge3A_95 = arith.cmpi sge, %select_n3A, %ge3A_94 : vector<20x64xi32>
    %convert_element_type3A_96 = arith.extui %ge3A_95 : vector<20x64xi1> to vector<20x64xi32>
    %convert_element_type3A_97 = arith.sitofp %convert_element_type3A_96 : vector<20x64xi32> to vector<20x64xf32>
    %reduce_sum3A_98 = arith.constant dense<0.000000e+00> : vector<20xf32>
    %reduce_sum3A_99 = vector.multi_reduction <add>, %convert_element_type3A_97, %reduce_sum3A_98 [1] : vector<20x64xf32> to vector<20xf32>
    %broadcast_in_dim3A_100 = vector.shape_cast %reduce_sum3A_99 : vector<20xf32> to vector<20x1xf32>
    %ge3A_101 = arith.constant 4.000000e+00 : f32
    %ge3A_102 = vector.broadcast %ge3A_101 : f32 to vector<20x1xf32>
    %ge3A_103 = arith.cmpf oge, %broadcast_in_dim3A_100, %ge3A_102 : vector<20x1xf32>
    %select_n3A_104 = arith.select %ge3A_103, %or3A_90, %select_n3A_87 : vector<20x1xi1>, vector<20x1xi32>
    %or3A_105 = arith.constant 134217728 : i32
    %or3A_106 = vector.broadcast %or3A_105 : i32 to vector<20x1xi32>
    %or3A_107 = arith.ori %select_n3A_104, %or3A_106 : vector<20x1xi32>
    %xor3A_108 = arith.constant -2147483648 : i32
    %xor3A_109 = vector.broadcast %xor3A_108 : i32 to vector<20x1xi32>
    %xor3A_110 = arith.xori %or3A_107, %xor3A_109 : vector<20x1xi32>
    %ge3A_111 = vector.broadcast %xor3A_110 : vector<20x1xi32> to vector<20x64xi32>
    %ge3A_112 = arith.cmpi sge, %select_n3A, %ge3A_111 : vector<20x64xi32>
    %convert_element_type3A_113 = arith.extui %ge3A_112 : vector<20x64xi1> to vector<20x64xi32>
    %convert_element_type3A_114 = arith.sitofp %convert_element_type3A_113 : vector<20x64xi32> to vector<20x64xf32>
    %reduce_sum3A_115 = arith.constant dense<0.000000e+00> : vector<20xf32>
    %reduce_sum3A_116 = vector.multi_reduction <add>, %convert_element_type3A_114, %reduce_sum3A_115 [1] : vector<20x64xf32> to vector<20xf32>
    %broadcast_in_dim3A_117 = vector.shape_cast %reduce_sum3A_116 : vector<20xf32> to vector<20x1xf32>
    %ge3A_118 = arith.constant 4.000000e+00 : f32
    %ge3A_119 = vector.broadcast %ge3A_118 : f32 to vector<20x1xf32>
    %ge3A_120 = arith.cmpf oge, %broadcast_in_dim3A_117, %ge3A_119 : vector<20x1xf32>
    %select_n3A_121 = arith.select %ge3A_120, %or3A_107, %select_n3A_104 : vector<20x1xi1>, vector<20x1xi32>
    %or3A_122 = arith.constant 67108864 : i32
    %or3A_123 = vector.broadcast %or3A_122 : i32 to vector<20x1xi32>
    %or3A_124 = arith.ori %select_n3A_121, %or3A_123 : vector<20x1xi32>
    %xor3A_125 = arith.constant -2147483648 : i32
    %xor3A_126 = vector.broadcast %xor3A_125 : i32 to vector<20x1xi32>
    %xor3A_127 = arith.xori %or3A_124, %xor3A_126 : vector<20x1xi32>
    %ge3A_128 = vector.broadcast %xor3A_127 : vector<20x1xi32> to vector<20x64xi32>
    %ge3A_129 = arith.cmpi sge, %select_n3A, %ge3A_128 : vector<20x64xi32>
    %convert_element_type3A_130 = arith.extui %ge3A_129 : vector<20x64xi1> to vector<20x64xi32>
    %convert_element_type3A_131 = arith.sitofp %convert_element_type3A_130 : vector<20x64xi32> to vector<20x64xf32>
    %reduce_sum3A_132 = arith.constant dense<0.000000e+00> : vector<20xf32>
    %reduce_sum3A_133 = vector.multi_reduction <add>, %convert_element_type3A_131, %reduce_sum3A_132 [1] : vector<20x64xf32> to vector<20xf32>
    %broadcast_in_dim3A_134 = vector.shape_cast %reduce_sum3A_133 : vector<20xf32> to vector<20x1xf32>
    %ge3A_135 = arith.constant 4.000000e+00 : f32
    %ge3A_136 = vector.broadcast %ge3A_135 : f32 to vector<20x1xf32>
    %ge3A_137 = arith.cmpf oge, %broadcast_in_dim3A_134, %ge3A_136 : vector<20x1xf32>
    %select_n3A_138 = arith.select %ge3A_137, %or3A_124, %select_n3A_121 : vector<20x1xi1>, vector<20x1xi32>
    %or3A_139 = arith.constant 33554432 : i32
    %or3A_140 = vector.broadcast %or3A_139 : i32 to vector<20x1xi32>
    %or3A_141 = arith.ori %select_n3A_138, %or3A_140 : vector<20x1xi32>
    %xor3A_142 = arith.constant -2147483648 : i32
    %xor3A_143 = vector.broadcast %xor3A_142 : i32 to vector<20x1xi32>
    %xor3A_144 = arith.xori %or3A_141, %xor3A_143 : vector<20x1xi32>
    %ge3A_145 = vector.broadcast %xor3A_144 : vector<20x1xi32> to vector<20x64xi32>
    %ge3A_146 = arith.cmpi sge, %select_n3A, %ge3A_145 : vector<20x64xi32>
    %convert_element_type3A_147 = arith.extui %ge3A_146 : vector<20x64xi1> to vector<20x64xi32>
    %convert_element_type3A_148 = arith.sitofp %convert_element_type3A_147 : vector<20x64xi32> to vector<20x64xf32>
    %reduce_sum3A_149 = arith.constant dense<0.000000e+00> : vector<20xf32>
    %reduce_sum3A_150 = vector.multi_reduction <add>, %convert_element_type3A_148, %reduce_sum3A_149 [1] : vector<20x64xf32> to vector<20xf32>
    %broadcast_in_dim3A_151 = vector.shape_cast %reduce_sum3A_150 : vector<20xf32> to vector<20x1xf32>
    %ge3A_152 = arith.constant 4.000000e+00 : f32
    %ge3A_153 = vector.broadcast %ge3A_152 : f32 to vector<20x1xf32>
    %ge3A_154 = arith.cmpf oge, %broadcast_in_dim3A_151, %ge3A_153 : vector<20x1xf32>
    %select_n3A_155 = arith.select %ge3A_154, %or3A_141, %select_n3A_138 : vector<20x1xi1>, vector<20x1xi32>
    %or3A_156 = arith.constant 16777216 : i32
    %or3A_157 = vector.broadcast %or3A_156 : i32 to vector<20x1xi32>
    %or3A_158 = arith.ori %select_n3A_155, %or3A_157 : vector<20x1xi32>
    %xor3A_159 = arith.constant -2147483648 : i32
    %xor3A_160 = vector.broadcast %xor3A_159 : i32 to vector<20x1xi32>
    %xor3A_161 = arith.xori %or3A_158, %xor3A_160 : vector<20x1xi32>
    %ge3A_162 = vector.broadcast %xor3A_161 : vector<20x1xi32> to vector<20x64xi32>
    %ge3A_163 = arith.cmpi sge, %select_n3A, %ge3A_162 : vector<20x64xi32>
    %convert_element_type3A_164 = arith.extui %ge3A_163 : vector<20x64xi1> to vector<20x64xi32>
    %convert_element_type3A_165 = arith.sitofp %convert_element_type3A_164 : vector<20x64xi32> to vector<20x64xf32>
    %reduce_sum3A_166 = arith.constant dense<0.000000e+00> : vector<20xf32>
    %reduce_sum3A_167 = vector.multi_reduction <add>, %convert_element_type3A_165, %reduce_sum3A_166 [1] : vector<20x64xf32> to vector<20xf32>
    %broadcast_in_dim3A_168 = vector.shape_cast %reduce_sum3A_167 : vector<20xf32> to vector<20x1xf32>
    %ge3A_169 = arith.constant 4.000000e+00 : f32
    %ge3A_170 = vector.broadcast %ge3A_169 : f32 to vector<20x1xf32>
    %ge3A_171 = arith.cmpf oge, %broadcast_in_dim3A_168, %ge3A_170 : vector<20x1xf32>
    %select_n3A_172 = arith.select %ge3A_171, %or3A_158, %select_n3A_155 : vector<20x1xi1>, vector<20x1xi32>
    %or3A_173 = arith.constant 8388608 : i32
    %or3A_174 = vector.broadcast %or3A_173 : i32 to vector<20x1xi32>
    %or3A_175 = arith.ori %select_n3A_172, %or3A_174 : vector<20x1xi32>
    %xor3A_176 = arith.constant -2147483648 : i32
    %xor3A_177 = vector.broadcast %xor3A_176 : i32 to vector<20x1xi32>
    %xor3A_178 = arith.xori %or3A_175, %xor3A_177 : vector<20x1xi32>
    %ge3A_179 = vector.broadcast %xor3A_178 : vector<20x1xi32> to vector<20x64xi32>
    %ge3A_180 = arith.cmpi sge, %select_n3A, %ge3A_179 : vector<20x64xi32>
    %convert_element_type3A_181 = arith.extui %ge3A_180 : vector<20x64xi1> to vector<20x64xi32>
    %convert_element_type3A_182 = arith.sitofp %convert_element_type3A_181 : vector<20x64xi32> to vector<20x64xf32>
    %reduce_sum3A_183 = arith.constant dense<0.000000e+00> : vector<20xf32>
    %reduce_sum3A_184 = vector.multi_reduction <add>, %convert_element_type3A_182, %reduce_sum3A_183 [1] : vector<20x64xf32> to vector<20xf32>
    %broadcast_in_dim3A_185 = vector.shape_cast %reduce_sum3A_184 : vector<20xf32> to vector<20x1xf32>
    %ge3A_186 = arith.constant 4.000000e+00 : f32
    %ge3A_187 = vector.broadcast %ge3A_186 : f32 to vector<20x1xf32>
    %ge3A_188 = arith.cmpf oge, %broadcast_in_dim3A_185, %ge3A_187 : vector<20x1xf32>
    %select_n3A_189 = arith.select %ge3A_188, %or3A_175, %select_n3A_172 : vector<20x1xi1>, vector<20x1xi32>
    %or3A_190 = arith.constant 4194304 : i32
    %or3A_191 = vector.broadcast %or3A_190 : i32 to vector<20x1xi32>
    %or3A_192 = arith.ori %select_n3A_189, %or3A_191 : vector<20x1xi32>
    %xor3A_193 = arith.constant -2147483648 : i32
    %xor3A_194 = vector.broadcast %xor3A_193 : i32 to vector<20x1xi32>
    %xor3A_195 = arith.xori %or3A_192, %xor3A_194 : vector<20x1xi32>
    %ge3A_196 = vector.broadcast %xor3A_195 : vector<20x1xi32> to vector<20x64xi32>
    %ge3A_197 = arith.cmpi sge, %select_n3A, %ge3A_196 : vector<20x64xi32>
    %convert_element_type3A_198 = arith.extui %ge3A_197 : vector<20x64xi1> to vector<20x64xi32>
    %convert_element_type3A_199 = arith.sitofp %convert_element_type3A_198 : vector<20x64xi32> to vector<20x64xf32>
    %reduce_sum3A_200 = arith.constant dense<0.000000e+00> : vector<20xf32>
    %reduce_sum3A_201 = vector.multi_reduction <add>, %convert_element_type3A_199, %reduce_sum3A_200 [1] : vector<20x64xf32> to vector<20xf32>
    %broadcast_in_dim3A_202 = vector.shape_cast %reduce_sum3A_201 : vector<20xf32> to vector<20x1xf32>
    %ge3A_203 = arith.constant 4.000000e+00 : f32
    %ge3A_204 = vector.broadcast %ge3A_203 : f32 to vector<20x1xf32>
    %ge3A_205 = arith.cmpf oge, %broadcast_in_dim3A_202, %ge3A_204 : vector<20x1xf32>
    %select_n3A_206 = arith.select %ge3A_205, %or3A_192, %select_n3A_189 : vector<20x1xi1>, vector<20x1xi32>
    %or3A_207 = arith.constant 2097152 : i32
    %or3A_208 = vector.broadcast %or3A_207 : i32 to vector<20x1xi32>
    %or3A_209 = arith.ori %select_n3A_206, %or3A_208 : vector<20x1xi32>
    %xor3A_210 = arith.constant -2147483648 : i32
    %xor3A_211 = vector.broadcast %xor3A_210 : i32 to vector<20x1xi32>
    %xor3A_212 = arith.xori %or3A_209, %xor3A_211 : vector<20x1xi32>
    %ge3A_213 = vector.broadcast %xor3A_212 : vector<20x1xi32> to vector<20x64xi32>
    %ge3A_214 = arith.cmpi sge, %select_n3A, %ge3A_213 : vector<20x64xi32>
    %convert_element_type3A_215 = arith.extui %ge3A_214 : vector<20x64xi1> to vector<20x64xi32>
    %convert_element_type3A_216 = arith.sitofp %convert_element_type3A_215 : vector<20x64xi32> to vector<20x64xf32>
    %reduce_sum3A_217 = arith.constant dense<0.000000e+00> : vector<20xf32>
    %reduce_sum3A_218 = vector.multi_reduction <add>, %convert_element_type3A_216, %reduce_sum3A_217 [1] : vector<20x64xf32> to vector<20xf32>
    %broadcast_in_dim3A_219 = vector.shape_cast %reduce_sum3A_218 : vector<20xf32> to vector<20x1xf32>
    %ge3A_220 = arith.constant 4.000000e+00 : f32
    %ge3A_221 = vector.broadcast %ge3A_220 : f32 to vector<20x1xf32>
    %ge3A_222 = arith.cmpf oge, %broadcast_in_dim3A_219, %ge3A_221 : vector<20x1xf32>
    %select_n3A_223 = arith.select %ge3A_222, %or3A_209, %select_n3A_206 : vector<20x1xi1>, vector<20x1xi32>
    %or3A_224 = arith.constant 1048576 : i32
    %or3A_225 = vector.broadcast %or3A_224 : i32 to vector<20x1xi32>
    %or3A_226 = arith.ori %select_n3A_223, %or3A_225 : vector<20x1xi32>
    %xor3A_227 = arith.constant -2147483648 : i32
    %xor3A_228 = vector.broadcast %xor3A_227 : i32 to vector<20x1xi32>
    %xor3A_229 = arith.xori %or3A_226, %xor3A_228 : vector<20x1xi32>
    %ge3A_230 = vector.broadcast %xor3A_229 : vector<20x1xi32> to vector<20x64xi32>
    %ge3A_231 = arith.cmpi sge, %select_n3A, %ge3A_230 : vector<20x64xi32>
    %convert_element_type3A_232 = arith.extui %ge3A_231 : vector<20x64xi1> to vector<20x64xi32>
    %convert_element_type3A_233 = arith.sitofp %convert_element_type3A_232 : vector<20x64xi32> to vector<20x64xf32>
    %reduce_sum3A_234 = arith.constant dense<0.000000e+00> : vector<20xf32>
    %reduce_sum3A_235 = vector.multi_reduction <add>, %convert_element_type3A_233, %reduce_sum3A_234 [1] : vector<20x64xf32> to vector<20xf32>
    %broadcast_in_dim3A_236 = vector.shape_cast %reduce_sum3A_235 : vector<20xf32> to vector<20x1xf32>
    %ge3A_237 = arith.constant 4.000000e+00 : f32
    %ge3A_238 = vector.broadcast %ge3A_237 : f32 to vector<20x1xf32>
    %ge3A_239 = arith.cmpf oge, %broadcast_in_dim3A_236, %ge3A_238 : vector<20x1xf32>
    %select_n3A_240 = arith.select %ge3A_239, %or3A_226, %select_n3A_223 : vector<20x1xi1>, vector<20x1xi32>
    %or3A_241 = arith.constant 524288 : i32
    %or3A_242 = vector.broadcast %or3A_241 : i32 to vector<20x1xi32>
    %or3A_243 = arith.ori %select_n3A_240, %or3A_242 : vector<20x1xi32>
    %xor3A_244 = arith.constant -2147483648 : i32
    %xor3A_245 = vector.broadcast %xor3A_244 : i32 to vector<20x1xi32>
    %xor3A_246 = arith.xori %or3A_243, %xor3A_245 : vector<20x1xi32>
    %ge3A_247 = vector.broadcast %xor3A_246 : vector<20x1xi32> to vector<20x64xi32>
    %ge3A_248 = arith.cmpi sge, %select_n3A, %ge3A_247 : vector<20x64xi32>
    %convert_element_type3A_249 = arith.extui %ge3A_248 : vector<20x64xi1> to vector<20x64xi32>
    %convert_element_type3A_250 = arith.sitofp %convert_element_type3A_249 : vector<20x64xi32> to vector<20x64xf32>
    %reduce_sum3A_251 = arith.constant dense<0.000000e+00> : vector<20xf32>
    %reduce_sum3A_252 = vector.multi_reduction <add>, %convert_element_type3A_250, %reduce_sum3A_251 [1] : vector<20x64xf32> to vector<20xf32>
    %broadcast_in_dim3A_253 = vector.shape_cast %reduce_sum3A_252 : vector<20xf32> to vector<20x1xf32>
    %ge3A_254 = arith.constant 4.000000e+00 : f32
    %ge3A_255 = vector.broadcast %ge3A_254 : f32 to vector<20x1xf32>
    %ge3A_256 = arith.cmpf oge, %broadcast_in_dim3A_253, %ge3A_255 : vector<20x1xf32>
    %select_n3A_257 = arith.select %ge3A_256, %or3A_243, %select_n3A_240 : vector<20x1xi1>, vector<20x1xi32>
    %or3A_258 = arith.constant 262144 : i32
    %or3A_259 = vector.broadcast %or3A_258 : i32 to vector<20x1xi32>
    %or3A_260 = arith.ori %select_n3A_257, %or3A_259 : vector<20x1xi32>
    %xor3A_261 = arith.constant -2147483648 : i32
    %xor3A_262 = vector.broadcast %xor3A_261 : i32 to vector<20x1xi32>
    %xor3A_263 = arith.xori %or3A_260, %xor3A_262 : vector<20x1xi32>
    %ge3A_264 = vector.broadcast %xor3A_263 : vector<20x1xi32> to vector<20x64xi32>
    %ge3A_265 = arith.cmpi sge, %select_n3A, %ge3A_264 : vector<20x64xi32>
    %convert_element_type3A_266 = arith.extui %ge3A_265 : vector<20x64xi1> to vector<20x64xi32>
    %convert_element_type3A_267 = arith.sitofp %convert_element_type3A_266 : vector<20x64xi32> to vector<20x64xf32>
    %reduce_sum3A_268 = arith.constant dense<0.000000e+00> : vector<20xf32>
    %reduce_sum3A_269 = vector.multi_reduction <add>, %convert_element_type3A_267, %reduce_sum3A_268 [1] : vector<20x64xf32> to vector<20xf32>
    %broadcast_in_dim3A_270 = vector.shape_cast %reduce_sum3A_269 : vector<20xf32> to vector<20x1xf32>
    %ge3A_271 = arith.constant 4.000000e+00 : f32
    %ge3A_272 = vector.broadcast %ge3A_271 : f32 to vector<20x1xf32>
    %ge3A_273 = arith.cmpf oge, %broadcast_in_dim3A_270, %ge3A_272 : vector<20x1xf32>
    %select_n3A_274 = arith.select %ge3A_273, %or3A_260, %select_n3A_257 : vector<20x1xi1>, vector<20x1xi32>
    %or3A_275 = arith.constant 131072 : i32
    %or3A_276 = vector.broadcast %or3A_275 : i32 to vector<20x1xi32>
    %or3A_277 = arith.ori %select_n3A_274, %or3A_276 : vector<20x1xi32>
    %xor3A_278 = arith.constant -2147483648 : i32
    %xor3A_279 = vector.broadcast %xor3A_278 : i32 to vector<20x1xi32>
    %xor3A_280 = arith.xori %or3A_277, %xor3A_279 : vector<20x1xi32>
    %ge3A_281 = vector.broadcast %xor3A_280 : vector<20x1xi32> to vector<20x64xi32>
    %ge3A_282 = arith.cmpi sge, %select_n3A, %ge3A_281 : vector<20x64xi32>
    %convert_element_type3A_283 = arith.extui %ge3A_282 : vector<20x64xi1> to vector<20x64xi32>
    %convert_element_type3A_284 = arith.sitofp %convert_element_type3A_283 : vector<20x64xi32> to vector<20x64xf32>
    %reduce_sum3A_285 = arith.constant dense<0.000000e+00> : vector<20xf32>
    %reduce_sum3A_286 = vector.multi_reduction <add>, %convert_element_type3A_284, %reduce_sum3A_285 [1] : vector<20x64xf32> to vector<20xf32>
    %broadcast_in_dim3A_287 = vector.shape_cast %reduce_sum3A_286 : vector<20xf32> to vector<20x1xf32>
    %ge3A_288 = arith.constant 4.000000e+00 : f32
    %ge3A_289 = vector.broadcast %ge3A_288 : f32 to vector<20x1xf32>
    %ge3A_290 = arith.cmpf oge, %broadcast_in_dim3A_287, %ge3A_289 : vector<20x1xf32>
    %select_n3A_291 = arith.select %ge3A_290, %or3A_277, %select_n3A_274 : vector<20x1xi1>, vector<20x1xi32>
    %or3A_292 = arith.constant 65536 : i32
    %or3A_293 = vector.broadcast %or3A_292 : i32 to vector<20x1xi32>
    %or3A_294 = arith.ori %select_n3A_291, %or3A_293 : vector<20x1xi32>
    %xor3A_295 = arith.constant -2147483648 : i32
    %xor3A_296 = vector.broadcast %xor3A_295 : i32 to vector<20x1xi32>
    %xor3A_297 = arith.xori %or3A_294, %xor3A_296 : vector<20x1xi32>
    %ge3A_298 = vector.broadcast %xor3A_297 : vector<20x1xi32> to vector<20x64xi32>
    %ge3A_299 = arith.cmpi sge, %select_n3A, %ge3A_298 : vector<20x64xi32>
    %convert_element_type3A_300 = arith.extui %ge3A_299 : vector<20x64xi1> to vector<20x64xi32>
    %convert_element_type3A_301 = arith.sitofp %convert_element_type3A_300 : vector<20x64xi32> to vector<20x64xf32>
    %reduce_sum3A_302 = arith.constant dense<0.000000e+00> : vector<20xf32>
    %reduce_sum3A_303 = vector.multi_reduction <add>, %convert_element_type3A_301, %reduce_sum3A_302 [1] : vector<20x64xf32> to vector<20xf32>
    %broadcast_in_dim3A_304 = vector.shape_cast %reduce_sum3A_303 : vector<20xf32> to vector<20x1xf32>
    %ge3A_305 = arith.constant 4.000000e+00 : f32
    %ge3A_306 = vector.broadcast %ge3A_305 : f32 to vector<20x1xf32>
    %ge3A_307 = arith.cmpf oge, %broadcast_in_dim3A_304, %ge3A_306 : vector<20x1xf32>
    %select_n3A_308 = arith.select %ge3A_307, %or3A_294, %select_n3A_291 : vector<20x1xi1>, vector<20x1xi32>
    %or3A_309 = arith.constant 32768 : i32
    %or3A_310 = vector.broadcast %or3A_309 : i32 to vector<20x1xi32>
    %or3A_311 = arith.ori %select_n3A_308, %or3A_310 : vector<20x1xi32>
    %xor3A_312 = arith.constant -2147483648 : i32
    %xor3A_313 = vector.broadcast %xor3A_312 : i32 to vector<20x1xi32>
    %xor3A_314 = arith.xori %or3A_311, %xor3A_313 : vector<20x1xi32>
    %ge3A_315 = vector.broadcast %xor3A_314 : vector<20x1xi32> to vector<20x64xi32>
    %ge3A_316 = arith.cmpi sge, %select_n3A, %ge3A_315 : vector<20x64xi32>
    %convert_element_type3A_317 = arith.extui %ge3A_316 : vector<20x64xi1> to vector<20x64xi32>
    %convert_element_type3A_318 = arith.sitofp %convert_element_type3A_317 : vector<20x64xi32> to vector<20x64xf32>
    %reduce_sum3A_319 = arith.constant dense<0.000000e+00> : vector<20xf32>
    %reduce_sum3A_320 = vector.multi_reduction <add>, %convert_element_type3A_318, %reduce_sum3A_319 [1] : vector<20x64xf32> to vector<20xf32>
    %broadcast_in_dim3A_321 = vector.shape_cast %reduce_sum3A_320 : vector<20xf32> to vector<20x1xf32>
    %ge3A_322 = arith.constant 4.000000e+00 : f32
    %ge3A_323 = vector.broadcast %ge3A_322 : f32 to vector<20x1xf32>
    %ge3A_324 = arith.cmpf oge, %broadcast_in_dim3A_321, %ge3A_323 : vector<20x1xf32>
    %select_n3A_325 = arith.select %ge3A_324, %or3A_311, %select_n3A_308 : vector<20x1xi1>, vector<20x1xi32>
    %or3A_326 = arith.constant 16384 : i32
    %or3A_327 = vector.broadcast %or3A_326 : i32 to vector<20x1xi32>
    %or3A_328 = arith.ori %select_n3A_325, %or3A_327 : vector<20x1xi32>
    %xor3A_329 = arith.constant -2147483648 : i32
    %xor3A_330 = vector.broadcast %xor3A_329 : i32 to vector<20x1xi32>
    %xor3A_331 = arith.xori %or3A_328, %xor3A_330 : vector<20x1xi32>
    %ge3A_332 = vector.broadcast %xor3A_331 : vector<20x1xi32> to vector<20x64xi32>
    %ge3A_333 = arith.cmpi sge, %select_n3A, %ge3A_332 : vector<20x64xi32>
    %convert_element_type3A_334 = arith.extui %ge3A_333 : vector<20x64xi1> to vector<20x64xi32>
    %convert_element_type3A_335 = arith.sitofp %convert_element_type3A_334 : vector<20x64xi32> to vector<20x64xf32>
    %reduce_sum3A_336 = arith.constant dense<0.000000e+00> : vector<20xf32>
    %reduce_sum3A_337 = vector.multi_reduction <add>, %convert_element_type3A_335, %reduce_sum3A_336 [1] : vector<20x64xf32> to vector<20xf32>
    %broadcast_in_dim3A_338 = vector.shape_cast %reduce_sum3A_337 : vector<20xf32> to vector<20x1xf32>
    %ge3A_339 = arith.constant 4.000000e+00 : f32
    %ge3A_340 = vector.broadcast %ge3A_339 : f32 to vector<20x1xf32>
    %ge3A_341 = arith.cmpf oge, %broadcast_in_dim3A_338, %ge3A_340 : vector<20x1xf32>
    %select_n3A_342 = arith.select %ge3A_341, %or3A_328, %select_n3A_325 : vector<20x1xi1>, vector<20x1xi32>
    %or3A_343 = arith.constant 8192 : i32
    %or3A_344 = vector.broadcast %or3A_343 : i32 to vector<20x1xi32>
    %or3A_345 = arith.ori %select_n3A_342, %or3A_344 : vector<20x1xi32>
    %xor3A_346 = arith.constant -2147483648 : i32
    %xor3A_347 = vector.broadcast %xor3A_346 : i32 to vector<20x1xi32>
    %xor3A_348 = arith.xori %or3A_345, %xor3A_347 : vector<20x1xi32>
    %ge3A_349 = vector.broadcast %xor3A_348 : vector<20x1xi32> to vector<20x64xi32>
    %ge3A_350 = arith.cmpi sge, %select_n3A, %ge3A_349 : vector<20x64xi32>
    %convert_element_type3A_351 = arith.extui %ge3A_350 : vector<20x64xi1> to vector<20x64xi32>
    %convert_element_type3A_352 = arith.sitofp %convert_element_type3A_351 : vector<20x64xi32> to vector<20x64xf32>
    %reduce_sum3A_353 = arith.constant dense<0.000000e+00> : vector<20xf32>
    %reduce_sum3A_354 = vector.multi_reduction <add>, %convert_element_type3A_352, %reduce_sum3A_353 [1] : vector<20x64xf32> to vector<20xf32>
    %broadcast_in_dim3A_355 = vector.shape_cast %reduce_sum3A_354 : vector<20xf32> to vector<20x1xf32>
    %ge3A_356 = arith.constant 4.000000e+00 : f32
    %ge3A_357 = vector.broadcast %ge3A_356 : f32 to vector<20x1xf32>
    %ge3A_358 = arith.cmpf oge, %broadcast_in_dim3A_355, %ge3A_357 : vector<20x1xf32>
    %select_n3A_359 = arith.select %ge3A_358, %or3A_345, %select_n3A_342 : vector<20x1xi1>, vector<20x1xi32>
    %or3A_360 = arith.constant 4096 : i32
    %or3A_361 = vector.broadcast %or3A_360 : i32 to vector<20x1xi32>
    %or3A_362 = arith.ori %select_n3A_359, %or3A_361 : vector<20x1xi32>
    %xor3A_363 = arith.constant -2147483648 : i32
    %xor3A_364 = vector.broadcast %xor3A_363 : i32 to vector<20x1xi32>
    %xor3A_365 = arith.xori %or3A_362, %xor3A_364 : vector<20x1xi32>
    %ge3A_366 = vector.broadcast %xor3A_365 : vector<20x1xi32> to vector<20x64xi32>
    %ge3A_367 = arith.cmpi sge, %select_n3A, %ge3A_366 : vector<20x64xi32>
    %convert_element_type3A_368 = arith.extui %ge3A_367 : vector<20x64xi1> to vector<20x64xi32>
    %convert_element_type3A_369 = arith.sitofp %convert_element_type3A_368 : vector<20x64xi32> to vector<20x64xf32>
    %reduce_sum3A_370 = arith.constant dense<0.000000e+00> : vector<20xf32>
    %reduce_sum3A_371 = vector.multi_reduction <add>, %convert_element_type3A_369, %reduce_sum3A_370 [1] : vector<20x64xf32> to vector<20xf32>
    %broadcast_in_dim3A_372 = vector.shape_cast %reduce_sum3A_371 : vector<20xf32> to vector<20x1xf32>
    %ge3A_373 = arith.constant 4.000000e+00 : f32
    %ge3A_374 = vector.broadcast %ge3A_373 : f32 to vector<20x1xf32>
    %ge3A_375 = arith.cmpf oge, %broadcast_in_dim3A_372, %ge3A_374 : vector<20x1xf32>
    %select_n3A_376 = arith.select %ge3A_375, %or3A_362, %select_n3A_359 : vector<20x1xi1>, vector<20x1xi32>
    %or3A_377 = arith.constant 2048 : i32
    %or3A_378 = vector.broadcast %or3A_377 : i32 to vector<20x1xi32>
    %or3A_379 = arith.ori %select_n3A_376, %or3A_378 : vector<20x1xi32>
    %xor3A_380 = arith.constant -2147483648 : i32
    %xor3A_381 = vector.broadcast %xor3A_380 : i32 to vector<20x1xi32>
    %xor3A_382 = arith.xori %or3A_379, %xor3A_381 : vector<20x1xi32>
    %ge3A_383 = vector.broadcast %xor3A_382 : vector<20x1xi32> to vector<20x64xi32>
    %ge3A_384 = arith.cmpi sge, %select_n3A, %ge3A_383 : vector<20x64xi32>
    %convert_element_type3A_385 = arith.extui %ge3A_384 : vector<20x64xi1> to vector<20x64xi32>
    %convert_element_type3A_386 = arith.sitofp %convert_element_type3A_385 : vector<20x64xi32> to vector<20x64xf32>
    %reduce_sum3A_387 = arith.constant dense<0.000000e+00> : vector<20xf32>
    %reduce_sum3A_388 = vector.multi_reduction <add>, %convert_element_type3A_386, %reduce_sum3A_387 [1] : vector<20x64xf32> to vector<20xf32>
    %broadcast_in_dim3A_389 = vector.shape_cast %reduce_sum3A_388 : vector<20xf32> to vector<20x1xf32>
    %ge3A_390 = arith.constant 4.000000e+00 : f32
    %ge3A_391 = vector.broadcast %ge3A_390 : f32 to vector<20x1xf32>
    %ge3A_392 = arith.cmpf oge, %broadcast_in_dim3A_389, %ge3A_391 : vector<20x1xf32>
    %select_n3A_393 = arith.select %ge3A_392, %or3A_379, %select_n3A_376 : vector<20x1xi1>, vector<20x1xi32>
    %or3A_394 = arith.constant 1024 : i32
    %or3A_395 = vector.broadcast %or3A_394 : i32 to vector<20x1xi32>
    %or3A_396 = arith.ori %select_n3A_393, %or3A_395 : vector<20x1xi32>
    %xor3A_397 = arith.constant -2147483648 : i32
    %xor3A_398 = vector.broadcast %xor3A_397 : i32 to vector<20x1xi32>
    %xor3A_399 = arith.xori %or3A_396, %xor3A_398 : vector<20x1xi32>
    %ge3A_400 = vector.broadcast %xor3A_399 : vector<20x1xi32> to vector<20x64xi32>
    %ge3A_401 = arith.cmpi sge, %select_n3A, %ge3A_400 : vector<20x64xi32>
    %convert_element_type3A_402 = arith.extui %ge3A_401 : vector<20x64xi1> to vector<20x64xi32>
    %convert_element_type3A_403 = arith.sitofp %convert_element_type3A_402 : vector<20x64xi32> to vector<20x64xf32>
    %reduce_sum3A_404 = arith.constant dense<0.000000e+00> : vector<20xf32>
    %reduce_sum3A_405 = vector.multi_reduction <add>, %convert_element_type3A_403, %reduce_sum3A_404 [1] : vector<20x64xf32> to vector<20xf32>
    %broadcast_in_dim3A_406 = vector.shape_cast %reduce_sum3A_405 : vector<20xf32> to vector<20x1xf32>
    %ge3A_407 = arith.constant 4.000000e+00 : f32
    %ge3A_408 = vector.broadcast %ge3A_407 : f32 to vector<20x1xf32>
    %ge3A_409 = arith.cmpf oge, %broadcast_in_dim3A_406, %ge3A_408 : vector<20x1xf32>
    %select_n3A_410 = arith.select %ge3A_409, %or3A_396, %select_n3A_393 : vector<20x1xi1>, vector<20x1xi32>
    %or3A_411 = arith.constant 512 : i32
    %or3A_412 = vector.broadcast %or3A_411 : i32 to vector<20x1xi32>
    %or3A_413 = arith.ori %select_n3A_410, %or3A_412 : vector<20x1xi32>
    %xor3A_414 = arith.constant -2147483648 : i32
    %xor3A_415 = vector.broadcast %xor3A_414 : i32 to vector<20x1xi32>
    %xor3A_416 = arith.xori %or3A_413, %xor3A_415 : vector<20x1xi32>
    %ge3A_417 = vector.broadcast %xor3A_416 : vector<20x1xi32> to vector<20x64xi32>
    %ge3A_418 = arith.cmpi sge, %select_n3A, %ge3A_417 : vector<20x64xi32>
    %convert_element_type3A_419 = arith.extui %ge3A_418 : vector<20x64xi1> to vector<20x64xi32>
    %convert_element_type3A_420 = arith.sitofp %convert_element_type3A_419 : vector<20x64xi32> to vector<20x64xf32>
    %reduce_sum3A_421 = arith.constant dense<0.000000e+00> : vector<20xf32>
    %reduce_sum3A_422 = vector.multi_reduction <add>, %convert_element_type3A_420, %reduce_sum3A_421 [1] : vector<20x64xf32> to vector<20xf32>
    %broadcast_in_dim3A_423 = vector.shape_cast %reduce_sum3A_422 : vector<20xf32> to vector<20x1xf32>
    %ge3A_424 = arith.constant 4.000000e+00 : f32
    %ge3A_425 = vector.broadcast %ge3A_424 : f32 to vector<20x1xf32>
    %ge3A_426 = arith.cmpf oge, %broadcast_in_dim3A_423, %ge3A_425 : vector<20x1xf32>
    %select_n3A_427 = arith.select %ge3A_426, %or3A_413, %select_n3A_410 : vector<20x1xi1>, vector<20x1xi32>
    %or3A_428 = arith.constant 256 : i32
    %or3A_429 = vector.broadcast %or3A_428 : i32 to vector<20x1xi32>
    %or3A_430 = arith.ori %select_n3A_427, %or3A_429 : vector<20x1xi32>
    %xor3A_431 = arith.constant -2147483648 : i32
    %xor3A_432 = vector.broadcast %xor3A_431 : i32 to vector<20x1xi32>
    %xor3A_433 = arith.xori %or3A_430, %xor3A_432 : vector<20x1xi32>
    %ge3A_434 = vector.broadcast %xor3A_433 : vector<20x1xi32> to vector<20x64xi32>
    %ge3A_435 = arith.cmpi sge, %select_n3A, %ge3A_434 : vector<20x64xi32>
    %convert_element_type3A_436 = arith.extui %ge3A_435 : vector<20x64xi1> to vector<20x64xi32>
    %convert_element_type3A_437 = arith.sitofp %convert_element_type3A_436 : vector<20x64xi32> to vector<20x64xf32>
    %reduce_sum3A_438 = arith.constant dense<0.000000e+00> : vector<20xf32>
    %reduce_sum3A_439 = vector.multi_reduction <add>, %convert_element_type3A_437, %reduce_sum3A_438 [1] : vector<20x64xf32> to vector<20xf32>
    %broadcast_in_dim3A_440 = vector.shape_cast %reduce_sum3A_439 : vector<20xf32> to vector<20x1xf32>
    %ge3A_441 = arith.constant 4.000000e+00 : f32
    %ge3A_442 = vector.broadcast %ge3A_441 : f32 to vector<20x1xf32>
    %ge3A_443 = arith.cmpf oge, %broadcast_in_dim3A_440, %ge3A_442 : vector<20x1xf32>
    %select_n3A_444 = arith.select %ge3A_443, %or3A_430, %select_n3A_427 : vector<20x1xi1>, vector<20x1xi32>
    %or3A_445 = arith.constant 128 : i32
    %or3A_446 = vector.broadcast %or3A_445 : i32 to vector<20x1xi32>
    %or3A_447 = arith.ori %select_n3A_444, %or3A_446 : vector<20x1xi32>
    %xor3A_448 = arith.constant -2147483648 : i32
    %xor3A_449 = vector.broadcast %xor3A_448 : i32 to vector<20x1xi32>
    %xor3A_450 = arith.xori %or3A_447, %xor3A_449 : vector<20x1xi32>
    %ge3A_451 = vector.broadcast %xor3A_450 : vector<20x1xi32> to vector<20x64xi32>
    %ge3A_452 = arith.cmpi sge, %select_n3A, %ge3A_451 : vector<20x64xi32>
    %convert_element_type3A_453 = arith.extui %ge3A_452 : vector<20x64xi1> to vector<20x64xi32>
    %convert_element_type3A_454 = arith.sitofp %convert_element_type3A_453 : vector<20x64xi32> to vector<20x64xf32>
    %reduce_sum3A_455 = arith.constant dense<0.000000e+00> : vector<20xf32>
    %reduce_sum3A_456 = vector.multi_reduction <add>, %convert_element_type3A_454, %reduce_sum3A_455 [1] : vector<20x64xf32> to vector<20xf32>
    %broadcast_in_dim3A_457 = vector.shape_cast %reduce_sum3A_456 : vector<20xf32> to vector<20x1xf32>
    %ge3A_458 = arith.constant 4.000000e+00 : f32
    %ge3A_459 = vector.broadcast %ge3A_458 : f32 to vector<20x1xf32>
    %ge3A_460 = arith.cmpf oge, %broadcast_in_dim3A_457, %ge3A_459 : vector<20x1xf32>
    %select_n3A_461 = arith.select %ge3A_460, %or3A_447, %select_n3A_444 : vector<20x1xi1>, vector<20x1xi32>
    %or3A_462 = arith.constant 64 : i32
    %or3A_463 = vector.broadcast %or3A_462 : i32 to vector<20x1xi32>
    %or3A_464 = arith.ori %select_n3A_461, %or3A_463 : vector<20x1xi32>
    %xor3A_465 = arith.constant -2147483648 : i32
    %xor3A_466 = vector.broadcast %xor3A_465 : i32 to vector<20x1xi32>
    %xor3A_467 = arith.xori %or3A_464, %xor3A_466 : vector<20x1xi32>
    %ge3A_468 = vector.broadcast %xor3A_467 : vector<20x1xi32> to vector<20x64xi32>
    %ge3A_469 = arith.cmpi sge, %select_n3A, %ge3A_468 : vector<20x64xi32>
    %convert_element_type3A_470 = arith.extui %ge3A_469 : vector<20x64xi1> to vector<20x64xi32>
    %convert_element_type3A_471 = arith.sitofp %convert_element_type3A_470 : vector<20x64xi32> to vector<20x64xf32>
    %reduce_sum3A_472 = arith.constant dense<0.000000e+00> : vector<20xf32>
    %reduce_sum3A_473 = vector.multi_reduction <add>, %convert_element_type3A_471, %reduce_sum3A_472 [1] : vector<20x64xf32> to vector<20xf32>
    %broadcast_in_dim3A_474 = vector.shape_cast %reduce_sum3A_473 : vector<20xf32> to vector<20x1xf32>
    %ge3A_475 = arith.constant 4.000000e+00 : f32
    %ge3A_476 = vector.broadcast %ge3A_475 : f32 to vector<20x1xf32>
    %ge3A_477 = arith.cmpf oge, %broadcast_in_dim3A_474, %ge3A_476 : vector<20x1xf32>
    %select_n3A_478 = arith.select %ge3A_477, %or3A_464, %select_n3A_461 : vector<20x1xi1>, vector<20x1xi32>
    %or3A_479 = arith.constant 32 : i32
    %or3A_480 = vector.broadcast %or3A_479 : i32 to vector<20x1xi32>
    %or3A_481 = arith.ori %select_n3A_478, %or3A_480 : vector<20x1xi32>
    %xor3A_482 = arith.constant -2147483648 : i32
    %xor3A_483 = vector.broadcast %xor3A_482 : i32 to vector<20x1xi32>
    %xor3A_484 = arith.xori %or3A_481, %xor3A_483 : vector<20x1xi32>
    %ge3A_485 = vector.broadcast %xor3A_484 : vector<20x1xi32> to vector<20x64xi32>
    %ge3A_486 = arith.cmpi sge, %select_n3A, %ge3A_485 : vector<20x64xi32>
    %convert_element_type3A_487 = arith.extui %ge3A_486 : vector<20x64xi1> to vector<20x64xi32>
    %convert_element_type3A_488 = arith.sitofp %convert_element_type3A_487 : vector<20x64xi32> to vector<20x64xf32>
    %reduce_sum3A_489 = arith.constant dense<0.000000e+00> : vector<20xf32>
    %reduce_sum3A_490 = vector.multi_reduction <add>, %convert_element_type3A_488, %reduce_sum3A_489 [1] : vector<20x64xf32> to vector<20xf32>
    %broadcast_in_dim3A_491 = vector.shape_cast %reduce_sum3A_490 : vector<20xf32> to vector<20x1xf32>
    %ge3A_492 = arith.constant 4.000000e+00 : f32
    %ge3A_493 = vector.broadcast %ge3A_492 : f32 to vector<20x1xf32>
    %ge3A_494 = arith.cmpf oge, %broadcast_in_dim3A_491, %ge3A_493 : vector<20x1xf32>
    %select_n3A_495 = arith.select %ge3A_494, %or3A_481, %select_n3A_478 : vector<20x1xi1>, vector<20x1xi32>
    %or3A_496 = arith.constant 16 : i32
    %or3A_497 = vector.broadcast %or3A_496 : i32 to vector<20x1xi32>
    %or3A_498 = arith.ori %select_n3A_495, %or3A_497 : vector<20x1xi32>
    %xor3A_499 = arith.constant -2147483648 : i32
    %xor3A_500 = vector.broadcast %xor3A_499 : i32 to vector<20x1xi32>
    %xor3A_501 = arith.xori %or3A_498, %xor3A_500 : vector<20x1xi32>
    %ge3A_502 = vector.broadcast %xor3A_501 : vector<20x1xi32> to vector<20x64xi32>
    %ge3A_503 = arith.cmpi sge, %select_n3A, %ge3A_502 : vector<20x64xi32>
    %convert_element_type3A_504 = arith.extui %ge3A_503 : vector<20x64xi1> to vector<20x64xi32>
    %convert_element_type3A_505 = arith.sitofp %convert_element_type3A_504 : vector<20x64xi32> to vector<20x64xf32>
    %reduce_sum3A_506 = arith.constant dense<0.000000e+00> : vector<20xf32>
    %reduce_sum3A_507 = vector.multi_reduction <add>, %convert_element_type3A_505, %reduce_sum3A_506 [1] : vector<20x64xf32> to vector<20xf32>
    %broadcast_in_dim3A_508 = vector.shape_cast %reduce_sum3A_507 : vector<20xf32> to vector<20x1xf32>
    %ge3A_509 = arith.constant 4.000000e+00 : f32
    %ge3A_510 = vector.broadcast %ge3A_509 : f32 to vector<20x1xf32>
    %ge3A_511 = arith.cmpf oge, %broadcast_in_dim3A_508, %ge3A_510 : vector<20x1xf32>
    %select_n3A_512 = arith.select %ge3A_511, %or3A_498, %select_n3A_495 : vector<20x1xi1>, vector<20x1xi32>
    %or3A_513 = arith.constant 8 : i32
    %or3A_514 = vector.broadcast %or3A_513 : i32 to vector<20x1xi32>
    %or3A_515 = arith.ori %select_n3A_512, %or3A_514 : vector<20x1xi32>
    %xor3A_516 = arith.constant -2147483648 : i32
    %xor3A_517 = vector.broadcast %xor3A_516 : i32 to vector<20x1xi32>
    %xor3A_518 = arith.xori %or3A_515, %xor3A_517 : vector<20x1xi32>
    %ge3A_519 = vector.broadcast %xor3A_518 : vector<20x1xi32> to vector<20x64xi32>
    %ge3A_520 = arith.cmpi sge, %select_n3A, %ge3A_519 : vector<20x64xi32>
    %convert_element_type3A_521 = arith.extui %ge3A_520 : vector<20x64xi1> to vector<20x64xi32>
    %convert_element_type3A_522 = arith.sitofp %convert_element_type3A_521 : vector<20x64xi32> to vector<20x64xf32>
    %reduce_sum3A_523 = arith.constant dense<0.000000e+00> : vector<20xf32>
    %reduce_sum3A_524 = vector.multi_reduction <add>, %convert_element_type3A_522, %reduce_sum3A_523 [1] : vector<20x64xf32> to vector<20xf32>
    %broadcast_in_dim3A_525 = vector.shape_cast %reduce_sum3A_524 : vector<20xf32> to vector<20x1xf32>
    %ge3A_526 = arith.constant 4.000000e+00 : f32
    %ge3A_527 = vector.broadcast %ge3A_526 : f32 to vector<20x1xf32>
    %ge3A_528 = arith.cmpf oge, %broadcast_in_dim3A_525, %ge3A_527 : vector<20x1xf32>
    %select_n3A_529 = arith.select %ge3A_528, %or3A_515, %select_n3A_512 : vector<20x1xi1>, vector<20x1xi32>
    %or3A_530 = arith.constant 4 : i32
    %or3A_531 = vector.broadcast %or3A_530 : i32 to vector<20x1xi32>
    %or3A_532 = arith.ori %select_n3A_529, %or3A_531 : vector<20x1xi32>
    %xor3A_533 = arith.constant -2147483648 : i32
    %xor3A_534 = vector.broadcast %xor3A_533 : i32 to vector<20x1xi32>
    %xor3A_535 = arith.xori %or3A_532, %xor3A_534 : vector<20x1xi32>
    %ge3A_536 = vector.broadcast %xor3A_535 : vector<20x1xi32> to vector<20x64xi32>
    %ge3A_537 = arith.cmpi sge, %select_n3A, %ge3A_536 : vector<20x64xi32>
    %convert_element_type3A_538 = arith.extui %ge3A_537 : vector<20x64xi1> to vector<20x64xi32>
    %convert_element_type3A_539 = arith.sitofp %convert_element_type3A_538 : vector<20x64xi32> to vector<20x64xf32>
    %reduce_sum3A_540 = arith.constant dense<0.000000e+00> : vector<20xf32>
    %reduce_sum3A_541 = vector.multi_reduction <add>, %convert_element_type3A_539, %reduce_sum3A_540 [1] : vector<20x64xf32> to vector<20xf32>
    %broadcast_in_dim3A_542 = vector.shape_cast %reduce_sum3A_541 : vector<20xf32> to vector<20x1xf32>
    %ge3A_543 = arith.constant 4.000000e+00 : f32
    %ge3A_544 = vector.broadcast %ge3A_543 : f32 to vector<20x1xf32>
    %ge3A_545 = arith.cmpf oge, %broadcast_in_dim3A_542, %ge3A_544 : vector<20x1xf32>
    %select_n3A_546 = arith.select %ge3A_545, %or3A_532, %select_n3A_529 : vector<20x1xi1>, vector<20x1xi32>
    %or3A_547 = arith.constant 2 : i32
    %or3A_548 = vector.broadcast %or3A_547 : i32 to vector<20x1xi32>
    %or3A_549 = arith.ori %select_n3A_546, %or3A_548 : vector<20x1xi32>
    %xor3A_550 = arith.constant -2147483648 : i32
    %xor3A_551 = vector.broadcast %xor3A_550 : i32 to vector<20x1xi32>
    %xor3A_552 = arith.xori %or3A_549, %xor3A_551 : vector<20x1xi32>
    %ge3A_553 = vector.broadcast %xor3A_552 : vector<20x1xi32> to vector<20x64xi32>
    %ge3A_554 = arith.cmpi sge, %select_n3A, %ge3A_553 : vector<20x64xi32>
    %convert_element_type3A_555 = arith.extui %ge3A_554 : vector<20x64xi1> to vector<20x64xi32>
    %convert_element_type3A_556 = arith.sitofp %convert_element_type3A_555 : vector<20x64xi32> to vector<20x64xf32>
    %reduce_sum3A_557 = arith.constant dense<0.000000e+00> : vector<20xf32>
    %reduce_sum3A_558 = vector.multi_reduction <add>, %convert_element_type3A_556, %reduce_sum3A_557 [1] : vector<20x64xf32> to vector<20xf32>
    %broadcast_in_dim3A_559 = vector.shape_cast %reduce_sum3A_558 : vector<20xf32> to vector<20x1xf32>
    %ge3A_560 = arith.constant 4.000000e+00 : f32
    %ge3A_561 = vector.broadcast %ge3A_560 : f32 to vector<20x1xf32>
    %ge3A_562 = arith.cmpf oge, %broadcast_in_dim3A_559, %ge3A_561 : vector<20x1xf32>
    %select_n3A_563 = arith.select %ge3A_562, %or3A_549, %select_n3A_546 : vector<20x1xi1>, vector<20x1xi32>
    %or3A_564 = arith.constant 1 : i32
    %or3A_565 = vector.broadcast %or3A_564 : i32 to vector<20x1xi32>
    %or3A_566 = arith.ori %select_n3A_563, %or3A_565 : vector<20x1xi32>
    %xor3A_567 = arith.constant -2147483648 : i32
    %xor3A_568 = vector.broadcast %xor3A_567 : i32 to vector<20x1xi32>
    %xor3A_569 = arith.xori %or3A_566, %xor3A_568 : vector<20x1xi32>
    %ge3A_570 = vector.broadcast %xor3A_569 : vector<20x1xi32> to vector<20x64xi32>
    %ge3A_571 = arith.cmpi sge, %select_n3A, %ge3A_570 : vector<20x64xi32>
    %convert_element_type3A_572 = arith.extui %ge3A_571 : vector<20x64xi1> to vector<20x64xi32>
    %convert_element_type3A_573 = arith.sitofp %convert_element_type3A_572 : vector<20x64xi32> to vector<20x64xf32>
    %reduce_sum3A_574 = arith.constant dense<0.000000e+00> : vector<20xf32>
    %reduce_sum3A_575 = vector.multi_reduction <add>, %convert_element_type3A_573, %reduce_sum3A_574 [1] : vector<20x64xf32> to vector<20xf32>
    %broadcast_in_dim3A_576 = vector.shape_cast %reduce_sum3A_575 : vector<20xf32> to vector<20x1xf32>
    %ge3A_577 = arith.constant 4.000000e+00 : f32
    %ge3A_578 = vector.broadcast %ge3A_577 : f32 to vector<20x1xf32>
    %ge3A_579 = arith.cmpf oge, %broadcast_in_dim3A_576, %ge3A_578 : vector<20x1xf32>
    %select_n3A_580 = arith.select %ge3A_579, %or3A_566, %select_n3A_563 : vector<20x1xi1>, vector<20x1xi32>
    %xor3A_581 = arith.constant -2147483648 : i32
    %xor3A_582 = vector.broadcast %xor3A_581 : i32 to vector<20x1xi32>
    %xor3A_583 = arith.xori %select_n3A_580, %xor3A_582 : vector<20x1xi32>
    %gt3A = vector.broadcast %xor3A_583 : vector<20x1xi32> to vector<20x64xi32>
    %gt3A_584 = arith.cmpi sgt, %select_n3A, %gt3A : vector<20x64xi32>
    %eq3A = vector.broadcast %xor3A_583 : vector<20x1xi32> to vector<20x64xi32>
    %eq3A_585 = arith.cmpi eq, %select_n3A, %eq3A : vector<20x64xi32>
    %convert_element_type3A_586 = arith.extui %gt3A_584 : vector<20x64xi1> to vector<20x64xi32>
    %convert_element_type3A_587 = arith.sitofp %convert_element_type3A_586 : vector<20x64xi32> to vector<20x64xf32>
    %reduce_sum3A_588 = arith.constant dense<0.000000e+00> : vector<20xf32>
    %reduce_sum3A_589 = vector.multi_reduction <add>, %convert_element_type3A_587, %reduce_sum3A_588 [1] : vector<20x64xf32> to vector<20xf32>
    %broadcast_in_dim3A_590 = vector.shape_cast %reduce_sum3A_589 : vector<20xf32> to vector<20x1xf32>
    %sub3A_591 = arith.constant 4.000000e+00 : f32
    %sub3A_592 = vector.broadcast %sub3A_591 : f32 to vector<20x1xf32>
    %sub3A_593 = arith.subf %sub3A_592, %broadcast_in_dim3A_590 : vector<20x1xf32>
    %convert_element_type3A_594 = arith.extui %eq3A_585 : vector<20x64xi1> to vector<20x64xi32>
    %convert_element_type3A_595 = arith.sitofp %convert_element_type3A_594 : vector<20x64xi32> to vector<20x64xf32>
    %iota3A = tpu.iota {dimensions = array<i32: 0>} : vector<64x64xi32>
    %iota3A_596 = tpu.iota {dimensions = array<i32: 1>} : vector<64x64xi32>
    %le3A = arith.cmpi sle, %iota3A, %iota3A_596 : vector<64x64xi32>
    %convert_element_type3A_597 = arith.extui %le3A : vector<64x64xi1> to vector<64x64xi32>
    %convert_element_type3A_598 = arith.sitofp %convert_element_type3A_597 : vector<64x64xi32> to vector<64x64xf32>
    %dot_general3A_599 = arith.constant dense<0.000000e+00> : vector<20x64xf32>
    %dot_general3A_600 = tpu.matmul %convert_element_type3A_595, %convert_element_type3A_598, %dot_general3A_599 {dimension_numbers = #tpu.dot_dimension_numbers<[1], [0], [0], [1], [0, 0, 1, 1], [], []>, transpose_lhs_hint = false} : vector<20x64xf32>, vector<64x64xf32>, vector<20x64xf32> -> vector<20x64xf32>
    %le3A_601 = vector.broadcast %sub3A_593 : vector<20x1xf32> to vector<20x64xf32>
    %le3A_602 = arith.cmpf ole, %dot_general3A_600, %le3A_601 : vector<20x64xf32>
    %and3A = arith.andi %eq3A_585, %le3A_602 : vector<20x64xi1>
    %or3A_603 = arith.ori %gt3A_584, %and3A : vector<20x64xi1>
    %convert_element_type3A_604 = arith.extui %or3A_603 : vector<20x64xi1> to vector<20x64xi32>
    %convert_element_type3A_605 = arith.sitofp %convert_element_type3A_604 : vector<20x64xi32> to vector<20x64xf32>
    %iota3A_606 = tpu.iota {dimensions = array<i32: 0>} : vector<64x64xi32>
    %iota3A_607 = tpu.iota {dimensions = array<i32: 1>} : vector<64x64xi32>
    %le3A_608 = arith.cmpi sle, %iota3A_606, %iota3A_607 : vector<64x64xi32>
    %convert_element_type3A_609 = arith.extui %le3A_608 : vector<64x64xi1> to vector<64x64xi32>
    %convert_element_type3A_610 = arith.sitofp %convert_element_type3A_609 : vector<64x64xi32> to vector<64x64xf32>
    %dot_general3A_611 = arith.constant dense<0.000000e+00> : vector<20x64xf32>
    %dot_general3A_612 = tpu.matmul %convert_element_type3A_605, %convert_element_type3A_610, %dot_general3A_611 {dimension_numbers = #tpu.dot_dimension_numbers<[1], [0], [0], [1], [0, 0, 1, 1], [], []>, transpose_lhs_hint = false} : vector<20x64xf32>, vector<64x64xf32>, vector<20x64xf32> -> vector<20x64xf32>
    %iota3A_613 = tpu.iota {dimensions = array<i32: 1>} : vector<1x8x1xi32>
    %convert_element_type3A_614 = arith.sitofp %iota3A_613 : vector<1x8x1xi32> to vector<1x8x1xf32>
    %add3A_615 = arith.constant 0.000000e+00 : f32
    %add3A_616 = vector.broadcast %add3A_615 : f32 to vector<1x8x1xf32>
    %add3A_617 = arith.addf %convert_element_type3A_614, %add3A_616 : vector<1x8x1xf32>
    %broadcast_in_dim3A_618 = vector.shape_cast %dot_general3A_612 : vector<20x64xf32> to vector<20x1x64xf32>
    %le3A_619 = vector.broadcast %broadcast_in_dim3A_618 : vector<20x1x64xf32> to vector<20x8x64xf32>
    %le3A_620 = vector.broadcast %add3A_617 : vector<1x8x1xf32> to vector<20x8x64xf32>
    %le3A_621 = arith.cmpf ole, %le3A_619, %le3A_620 : vector<20x8x64xf32>
    %convert_element_type3A_622 = arith.extui %le3A_621 : vector<20x8x64xi1> to vector<20x8x64xi32>
    %convert_element_type3A_623 = arith.sitofp %convert_element_type3A_622 : vector<20x8x64xi32> to vector<20x8x64xf32>
    %reduce_sum3A_624 = arith.constant dense<0.000000e+00> : vector<20x8xf32>
    %reduce_sum3A_625 = vector.multi_reduction <add>, %convert_element_type3A_623, %reduce_sum3A_624 [2] : vector<20x8x64xf32> to vector<20x8xf32>
    %slice3A = vector.extract_strided_slice %reduce_sum3A_625 {offsets = [0, 0], sizes = [20, 4], strides = [1, 1]} : vector<20x8xf32> to vector<20x4xf32>
    %convert_element_type3A_626 = arith.fptosi %slice3A : vector<20x4xf32> to vector<20x4xi32>
    %mul3A_627 = arith.constant 64 : i32
    %mul3A_628 = arith.muli %arg0, %mul3A_627 : i32
    %add3A_629 = vector.broadcast %mul3A_628 : i32 to vector<20x4xi32>
    %add3A_630 = arith.addi %convert_element_type3A_626, %add3A_629 : vector<20x4xi32>
    %broadcast_in_dim3A_631 = arith.constant 0 : i32
    %broadcast_in_dim3A_632 = vector.broadcast %broadcast_in_dim3A_631 : i32 to vector<20x4xi32>
    %concatenate3A = tpu.concatenate %add3A_630, %broadcast_in_dim3A_632 in 1 : vector<20x4xi32>, vector<20x4xi32> -> vector<20x8xi32>
    %reshape3A_633 = vector.shape_cast %concatenate3A : vector<20x8xi32> to vector<1x1x20x8xi32>
    %swap3A = arith.constant 0 : index
    %swap3A_634 = arith.constant 0 : index
    %swap3A_635 = arith.constant 0 : index
    %swap3A_636 = arith.constant 0 : index
    %swap3A_637 = vector.load %arg5[%swap3A, %swap3A_634, %swap3A_635, %swap3A_636] : memref<1x1x20x8xi32, #tpu.memory_space<vmem>>, vector<1x1x20x8xi32>
    tpu.vector_store %arg5[%swap3A, %swap3A_634, %swap3A_635, %swap3A_636], %reshape3A_633 {strides = array<i32>} : memref<1x1x20x8xi32, #tpu.memory_space<vmem>>, vector<1x1x20x8xi32>,
    return
  }
  func.func @transform_0(%arg0: i32) -> (i32, i32) {
    %c0_i32 = arith.constant 0 : i32
    %c0_i32_0 = arith.constant 0 : i32
    return %arg0, %c0_i32 : i32, i32
  }
  func.func @transform_1(%arg0: i32) -> (i32, i32, i32) {
    %jit3A = arith.constant 4 : i32
    %div3A = arith.divsi %arg0, %jit3A : i32
    %sign3A = arith.constant 0 : i32
    %sign3A_0 = arith.cmpi sgt, %arg0, %sign3A : i32
    %sign3A_1 = arith.extui %sign3A_0 : i1 to i32
    %sign3A_2 = arith.constant 0 : i32
    %sign3A_3 = arith.cmpi slt, %arg0, %sign3A_2 : i32
    %sign3A_4 = arith.extui %sign3A_3 : i1 to i32
    %sign3A_5 = arith.subi %sign3A_1, %sign3A_4 : i32
    %sign3A_6 = arith.constant 0 : i32
    %sign3A_7 = arith.cmpi sgt, %jit3A, %sign3A_6 : i32
    %sign3A_8 = arith.extui %sign3A_7 : i1 to i32
    %sign3A_9 = arith.constant 0 : i32
    %sign3A_10 = arith.cmpi slt, %jit3A, %sign3A_9 : i32
    %sign3A_11 = arith.extui %sign3A_10 : i1 to i32
    %sign3A_12 = arith.subi %sign3A_8, %sign3A_11 : i32
    %ne3A = arith.cmpi ne, %sign3A_5, %sign3A_12 : i32
    %rem3A = arith.remsi %arg0, %jit3A : i32
    %ne3A_13 = arith.constant 0 : i32
    %ne3A_14 = arith.cmpi ne, %rem3A, %ne3A_13 : i32
    %and3A = arith.andi %ne3A, %ne3A_14 : i1
    %sub3A = arith.constant 1 : i32
    %sub3A_15 = arith.subi %div3A, %sub3A : i32
    %select_n3A = arith.select %and3A, %sub3A_15, %div3A : i32
    %c0_i32 = arith.constant 0 : i32
    %c0_i32_16 = arith.constant 0 : i32
    %c0_i32_17 = arith.constant 0 : i32
    return %select_n3A, %c0_i32, %c0_i32_16 : i32, i32, i32
  }
  func.func @transform_2(%arg0: i32) -> (i32, i32) {
    %c0_i32 = arith.constant 0 : i32
    %c0_i32_0 = arith.constant 0 : i32
    %c0_i32_1 = arith.constant 0 : i32
    return %c0_i32, %c0_i32_0 : i32, i32
  }
  func.func @transform_3(%arg0: i32) -> (i32, i32) {
    %c0_i32 = arith.constant 0 : i32
    %c0_i32_0 = arith.constant 0 : i32
    %c0_i32_1 = arith.constant 0 : i32
    return %c0_i32, %c0_i32_0 : i32, i32
  }
  func.func @transform_4(%arg0: i32) -> (i32, i32, i32, i32) {
    %jit3A = arith.constant 4 : i32
    %div3A = arith.divsi %arg0, %jit3A : i32
    %sign3A = arith.constant 0 : i32
    %sign3A_0 = arith.cmpi sgt, %arg0, %sign3A : i32
    %sign3A_1 = arith.extui %sign3A_0 : i1 to i32
    %sign3A_2 = arith.constant 0 : i32
    %sign3A_3 = arith.cmpi slt, %arg0, %sign3A_2 : i32
    %sign3A_4 = arith.extui %sign3A_3 : i1 to i32
    %sign3A_5 = arith.subi %sign3A_1, %sign3A_4 : i32
    %sign3A_6 = arith.constant 0 : i32
    %sign3A_7 = arith.cmpi sgt, %jit3A, %sign3A_6 : i32
    %sign3A_8 = arith.extui %sign3A_7 : i1 to i32
    %sign3A_9 = arith.constant 0 : i32
    %sign3A_10 = arith.cmpi slt, %jit3A, %sign3A_9 : i32
    %sign3A_11 = arith.extui %sign3A_10 : i1 to i32
    %sign3A_12 = arith.subi %sign3A_8, %sign3A_11 : i32
    %ne3A = arith.cmpi ne, %sign3A_5, %sign3A_12 : i32
    %rem3A = arith.remsi %arg0, %jit3A : i32
    %ne3A_13 = arith.constant 0 : i32
    %ne3A_14 = arith.cmpi ne, %rem3A, %ne3A_13 : i32
    %and3A = arith.andi %ne3A, %ne3A_14 : i1
    %sub3A = arith.constant 1 : i32
    %sub3A_15 = arith.subi %div3A, %sub3A : i32
    %select_n3A = arith.select %and3A, %sub3A_15, %div3A : i32
    %jit3A_16 = arith.constant 4 : i32
    %eq3A = arith.constant 0 : i32
    %eq3A_17 = arith.cmpi eq, %jit3A_16, %eq3A : i32
    %jit3A_18 = arith.constant 1 : i32
    %select_n3A_19 = arith.select %eq3A_17, %jit3A_18, %jit3A_16 : i32
    %rem3A_20 = arith.remsi %arg0, %select_n3A_19 : i32
    %ne3A_21 = arith.constant 0 : i32
    %ne3A_22 = arith.cmpi ne, %rem3A_20, %ne3A_21 : i32
    %lt3A = arith.constant 0 : i32
    %lt3A_23 = arith.cmpi slt, %rem3A_20, %lt3A : i32
    %lt3A_24 = arith.constant 0 : i32
    %lt3A_25 = arith.cmpi slt, %select_n3A_19, %lt3A_24 : i32
    %ne3A_26 = arith.xori %lt3A_23, %lt3A_25 : i1
    %and3A_27 = arith.andi %ne3A_26, %ne3A_22 : i1
    %add3A = arith.addi %rem3A_20, %select_n3A_19 : i32
    %select_n3A_28 = arith.select %and3A_27, %add3A, %rem3A_20 : i32
    %c0_i32 = arith.constant 0 : i32
    %c0_i32_29 = arith.constant 0 : i32
    %c0_i32_30 = arith.constant 0 : i32
    return %select_n3A, %select_n3A_28, %c0_i32, %c0_i32_29 : i32, i32, i32, i32
  }
}

module attributes {stable_mosaic.version = 14 : i64} {
  func.func @_frame_body(%arg0: i32, %arg1: memref<1024x256xf32, #tpu.memory_space<vmem>>, %arg2: memref<1x20x256xf32, #tpu.memory_space<vmem>>, %arg3: memref<1x256xf32, #tpu.memory_space<vmem>>, %arg4: memref<1x256xf32, #tpu.memory_space<vmem>>, %arg5: memref<1x1x20x64xi32, #tpu.memory_space<vmem>>) attributes {dimension_semantics = [#tpu.dimension_semantics<arbitrary>], iteration_bounds = array<i64: 8>, scalar_prefetch = 0 : i64, scratch_operands = 0 : i64, tpu.core_type = #tpu.core_type<tc>, window_params = [{transform_indices = @transform_0, window_bounds = array<i64: 1024, 256>}, {transform_indices = @transform_1, window_bounds = array<i64: 1, 20, 256>}, {pipeline_mode = #tpu.pipeline_mode<synchronous>, transform_indices = @transform_2, window_bounds = array<i64: 1, 256>}, {pipeline_mode = #tpu.pipeline_mode<synchronous>, transform_indices = @transform_3, window_bounds = array<i64: 1, 256>}, {transform_indices = @transform_4, window_bounds = array<i64: 1, 1, 20, 64>}]} {
    %get3A = arith.constant 0 : index
    %get3A_0 = arith.constant 0 : index
    %get3A_1 = arith.constant 0 : index
    %get3A_2 = vector.load %arg2[%get3A, %get3A_0, %get3A_1] : memref<1x20x256xf32, #tpu.memory_space<vmem>>, vector<1x20x256xf32>
    %reshape3A = vector.shape_cast %get3A_2 : vector<1x20x256xf32> to vector<20x256xf32>
    %reduce_sum3A = arith.constant dense<0.000000e+00> : vector<20xf32>
    %reduce_sum3A_3 = vector.multi_reduction <add>, %reshape3A, %reduce_sum3A [1] : vector<20x256xf32> to vector<20xf32>
    %broadcast_in_dim3A = vector.shape_cast %reduce_sum3A_3 : vector<20xf32> to vector<20x1xf32>
    %div3A = arith.constant 2.560000e+02 : f32
    %div3A_4 = vector.broadcast %div3A : f32 to vector<20x1xf32>
    %div3A_5 = arith.divf %broadcast_in_dim3A, %div3A_4 : vector<20x1xf32>
    %sub3A = vector.broadcast %div3A_5 : vector<20x1xf32> to vector<20x256xf32>
    %sub3A_6 = arith.subf %reshape3A, %sub3A : vector<20x256xf32>
    %integer_pow3A = arith.mulf %sub3A_6, %sub3A_6 : vector<20x256xf32>
    %reduce_sum3A_7 = arith.constant dense<0.000000e+00> : vector<20xf32>
    %reduce_sum3A_8 = vector.multi_reduction <add>, %integer_pow3A, %reduce_sum3A_7 [1] : vector<20x256xf32> to vector<20xf32>
    %broadcast_in_dim3A_9 = vector.shape_cast %reduce_sum3A_8 : vector<20xf32> to vector<20x1xf32>
    %div3A_10 = arith.constant 2.560000e+02 : f32
    %div3A_11 = vector.broadcast %div3A_10 : f32 to vector<20x1xf32>
    %div3A_12 = arith.divf %broadcast_in_dim3A_9, %div3A_11 : vector<20x1xf32>
    %sub3A_13 = vector.broadcast %div3A_5 : vector<20x1xf32> to vector<20x256xf32>
    %sub3A_14 = arith.subf %reshape3A, %sub3A_13 : vector<20x256xf32>
    %add3A = arith.constant 9.99999974E-6 : f32
    %add3A_15 = vector.broadcast %add3A : f32 to vector<20x1xf32>
    %add3A_16 = arith.addf %div3A_12, %add3A_15 : vector<20x1xf32>
    %sqrt3A = math.sqrt %add3A_16 : vector<20x1xf32>
    %div3A_17 = vector.broadcast %sqrt3A : vector<20x1xf32> to vector<20x256xf32>
    %div3A_18 = arith.divf %sub3A_14, %div3A_17 : vector<20x256xf32>
    %get3A_19 = arith.constant 0 : index
    %get3A_20 = arith.constant 0 : index
    %get3A_21 = vector.load %arg3[%get3A_19, %get3A_20] : memref<1x256xf32, #tpu.memory_space<vmem>>, vector<1x256xf32>
    %mul3A = vector.broadcast %get3A_21 : vector<1x256xf32> to vector<20x256xf32>
    %mul3A_22 = arith.mulf %div3A_18, %mul3A : vector<20x256xf32>
    %get3A_23 = arith.constant 0 : index
    %get3A_24 = arith.constant 0 : index
    %get3A_25 = vector.load %arg4[%get3A_23, %get3A_24] : memref<1x256xf32, #tpu.memory_space<vmem>>, vector<1x256xf32>
    %add3A_26 = vector.broadcast %get3A_25 : vector<1x256xf32> to vector<20x256xf32>
    %add3A_27 = arith.addf %mul3A_22, %add3A_26 : vector<20x256xf32>
    %get3A_28 = arith.constant 0 : index
    %get3A_29 = arith.constant 0 : index
    %get3A_30 = vector.load %arg1[%get3A_28, %get3A_29] : memref<1024x256xf32, #tpu.memory_space<vmem>>, vector<1024x256xf32>
    %transpose3A = tpu.transpose %add3A_27, [1, 0] : vector<20x256xf32> -> vector<256x20xf32>
    %dot_general3A = arith.constant dense<0.000000e+00> : vector<1024x20xf32>
    %dot_general3A_31 = tpu.matmul %get3A_30, %transpose3A, %dot_general3A {dimension_numbers = #tpu.dot_dimension_numbers<[1], [0], [0], [1], [0, 0, 1, 1], [], []>, transpose_lhs_hint = false} : vector<1024x256xf32>, vector<256x20xf32>, vector<1024x20xf32> -> vector<1024x20xf32>
    %transpose3A_32 = tpu.transpose %dot_general3A_31, [1, 0] : vector<1024x20xf32> -> vector<20x1024xf32>
    %bitcast_convert_type3A = tpu.bitcast %transpose3A_32 : vector<20x1024xf32> -> vector<20x1024xi32>
    %ge3A = arith.constant 0 : i32
    %ge3A_33 = vector.broadcast %ge3A : i32 to vector<20x1024xi32>
    %ge3A_34 = arith.cmpi sge, %bitcast_convert_type3A, %ge3A_33 : vector<20x1024xi32>
    %xor3A = arith.constant 2147483647 : i32
    %xor3A_35 = vector.broadcast %xor3A : i32 to vector<20x1024xi32>
    %xor3A_36 = arith.xori %bitcast_convert_type3A, %xor3A_35 : vector<20x1024xi32>
    %select_n3A = arith.select %ge3A_34, %bitcast_convert_type3A, %xor3A_36 : vector<20x1024xi1>, vector<20x1024xi32>
    %broadcast_in_dim3A_37 = arith.constant 0 : i32
    %broadcast_in_dim3A_38 = vector.broadcast %broadcast_in_dim3A_37 : i32 to vector<20x1xi32>
    %or3A = arith.constant -2147483648 : i32
    %or3A_39 = vector.broadcast %or3A : i32 to vector<20x1xi32>
    %or3A_40 = arith.ori %broadcast_in_dim3A_38, %or3A_39 : vector<20x1xi32>
    %xor3A_41 = arith.constant -2147483648 : i32
    %xor3A_42 = vector.broadcast %xor3A_41 : i32 to vector<20x1xi32>
    %xor3A_43 = arith.xori %or3A_40, %xor3A_42 : vector<20x1xi32>
    %ge3A_44 = vector.broadcast %xor3A_43 : vector<20x1xi32> to vector<20x1024xi32>
    %ge3A_45 = arith.cmpi sge, %select_n3A, %ge3A_44 : vector<20x1024xi32>
    %convert_element_type3A = arith.extui %ge3A_45 : vector<20x1024xi1> to vector<20x1024xi32>
    %convert_element_type3A_46 = arith.sitofp %convert_element_type3A : vector<20x1024xi32> to vector<20x1024xf32>
    %reduce_sum3A_47 = arith.constant dense<0.000000e+00> : vector<20xf32>
    %reduce_sum3A_48 = vector.multi_reduction <add>, %convert_element_type3A_46, %reduce_sum3A_47 [1] : vector<20x1024xf32> to vector<20xf32>
    %broadcast_in_dim3A_49 = vector.shape_cast %reduce_sum3A_48 : vector<20xf32> to vector<20x1xf32>
    %ge3A_50 = arith.constant 6.400000e+01 : f32
    %ge3A_51 = vector.broadcast %ge3A_50 : f32 to vector<20x1xf32>
    %ge3A_52 = arith.cmpf oge, %broadcast_in_dim3A_49, %ge3A_51 : vector<20x1xf32>
    %select_n3A_53 = arith.select %ge3A_52, %or3A_40, %broadcast_in_dim3A_38 : vector<20x1xi1>, vector<20x1xi32>
    %or3A_54 = arith.constant 1073741824 : i32
    %or3A_55 = vector.broadcast %or3A_54 : i32 to vector<20x1xi32>
    %or3A_56 = arith.ori %select_n3A_53, %or3A_55 : vector<20x1xi32>
    %xor3A_57 = arith.constant -2147483648 : i32
    %xor3A_58 = vector.broadcast %xor3A_57 : i32 to vector<20x1xi32>
    %xor3A_59 = arith.xori %or3A_56, %xor3A_58 : vector<20x1xi32>
    %ge3A_60 = vector.broadcast %xor3A_59 : vector<20x1xi32> to vector<20x1024xi32>
    %ge3A_61 = arith.cmpi sge, %select_n3A, %ge3A_60 : vector<20x1024xi32>
    %convert_element_type3A_62 = arith.extui %ge3A_61 : vector<20x1024xi1> to vector<20x1024xi32>
    %convert_element_type3A_63 = arith.sitofp %convert_element_type3A_62 : vector<20x1024xi32> to vector<20x1024xf32>
    %reduce_sum3A_64 = arith.constant dense<0.000000e+00> : vector<20xf32>
    %reduce_sum3A_65 = vector.multi_reduction <add>, %convert_element_type3A_63, %reduce_sum3A_64 [1] : vector<20x1024xf32> to vector<20xf32>
    %broadcast_in_dim3A_66 = vector.shape_cast %reduce_sum3A_65 : vector<20xf32> to vector<20x1xf32>
    %ge3A_67 = arith.constant 6.400000e+01 : f32
    %ge3A_68 = vector.broadcast %ge3A_67 : f32 to vector<20x1xf32>
    %ge3A_69 = arith.cmpf oge, %broadcast_in_dim3A_66, %ge3A_68 : vector<20x1xf32>
    %select_n3A_70 = arith.select %ge3A_69, %or3A_56, %select_n3A_53 : vector<20x1xi1>, vector<20x1xi32>
    %or3A_71 = arith.constant 536870912 : i32
    %or3A_72 = vector.broadcast %or3A_71 : i32 to vector<20x1xi32>
    %or3A_73 = arith.ori %select_n3A_70, %or3A_72 : vector<20x1xi32>
    %xor3A_74 = arith.constant -2147483648 : i32
    %xor3A_75 = vector.broadcast %xor3A_74 : i32 to vector<20x1xi32>
    %xor3A_76 = arith.xori %or3A_73, %xor3A_75 : vector<20x1xi32>
    %ge3A_77 = vector.broadcast %xor3A_76 : vector<20x1xi32> to vector<20x1024xi32>
    %ge3A_78 = arith.cmpi sge, %select_n3A, %ge3A_77 : vector<20x1024xi32>
    %convert_element_type3A_79 = arith.extui %ge3A_78 : vector<20x1024xi1> to vector<20x1024xi32>
    %convert_element_type3A_80 = arith.sitofp %convert_element_type3A_79 : vector<20x1024xi32> to vector<20x1024xf32>
    %reduce_sum3A_81 = arith.constant dense<0.000000e+00> : vector<20xf32>
    %reduce_sum3A_82 = vector.multi_reduction <add>, %convert_element_type3A_80, %reduce_sum3A_81 [1] : vector<20x1024xf32> to vector<20xf32>
    %broadcast_in_dim3A_83 = vector.shape_cast %reduce_sum3A_82 : vector<20xf32> to vector<20x1xf32>
    %ge3A_84 = arith.constant 6.400000e+01 : f32
    %ge3A_85 = vector.broadcast %ge3A_84 : f32 to vector<20x1xf32>
    %ge3A_86 = arith.cmpf oge, %broadcast_in_dim3A_83, %ge3A_85 : vector<20x1xf32>
    %select_n3A_87 = arith.select %ge3A_86, %or3A_73, %select_n3A_70 : vector<20x1xi1>, vector<20x1xi32>
    %or3A_88 = arith.constant 268435456 : i32
    %or3A_89 = vector.broadcast %or3A_88 : i32 to vector<20x1xi32>
    %or3A_90 = arith.ori %select_n3A_87, %or3A_89 : vector<20x1xi32>
    %xor3A_91 = arith.constant -2147483648 : i32
    %xor3A_92 = vector.broadcast %xor3A_91 : i32 to vector<20x1xi32>
    %xor3A_93 = arith.xori %or3A_90, %xor3A_92 : vector<20x1xi32>
    %ge3A_94 = vector.broadcast %xor3A_93 : vector<20x1xi32> to vector<20x1024xi32>
    %ge3A_95 = arith.cmpi sge, %select_n3A, %ge3A_94 : vector<20x1024xi32>
    %convert_element_type3A_96 = arith.extui %ge3A_95 : vector<20x1024xi1> to vector<20x1024xi32>
    %convert_element_type3A_97 = arith.sitofp %convert_element_type3A_96 : vector<20x1024xi32> to vector<20x1024xf32>
    %reduce_sum3A_98 = arith.constant dense<0.000000e+00> : vector<20xf32>
    %reduce_sum3A_99 = vector.multi_reduction <add>, %convert_element_type3A_97, %reduce_sum3A_98 [1] : vector<20x1024xf32> to vector<20xf32>
    %broadcast_in_dim3A_100 = vector.shape_cast %reduce_sum3A_99 : vector<20xf32> to vector<20x1xf32>
    %ge3A_101 = arith.constant 6.400000e+01 : f32
    %ge3A_102 = vector.broadcast %ge3A_101 : f32 to vector<20x1xf32>
    %ge3A_103 = arith.cmpf oge, %broadcast_in_dim3A_100, %ge3A_102 : vector<20x1xf32>
    %select_n3A_104 = arith.select %ge3A_103, %or3A_90, %select_n3A_87 : vector<20x1xi1>, vector<20x1xi32>
    %or3A_105 = arith.constant 134217728 : i32
    %or3A_106 = vector.broadcast %or3A_105 : i32 to vector<20x1xi32>
    %or3A_107 = arith.ori %select_n3A_104, %or3A_106 : vector<20x1xi32>
    %xor3A_108 = arith.constant -2147483648 : i32
    %xor3A_109 = vector.broadcast %xor3A_108 : i32 to vector<20x1xi32>
    %xor3A_110 = arith.xori %or3A_107, %xor3A_109 : vector<20x1xi32>
    %ge3A_111 = vector.broadcast %xor3A_110 : vector<20x1xi32> to vector<20x1024xi32>
    %ge3A_112 = arith.cmpi sge, %select_n3A, %ge3A_111 : vector<20x1024xi32>
    %convert_element_type3A_113 = arith.extui %ge3A_112 : vector<20x1024xi1> to vector<20x1024xi32>
    %convert_element_type3A_114 = arith.sitofp %convert_element_type3A_113 : vector<20x1024xi32> to vector<20x1024xf32>
    %reduce_sum3A_115 = arith.constant dense<0.000000e+00> : vector<20xf32>
    %reduce_sum3A_116 = vector.multi_reduction <add>, %convert_element_type3A_114, %reduce_sum3A_115 [1] : vector<20x1024xf32> to vector<20xf32>
    %broadcast_in_dim3A_117 = vector.shape_cast %reduce_sum3A_116 : vector<20xf32> to vector<20x1xf32>
    %ge3A_118 = arith.constant 6.400000e+01 : f32
    %ge3A_119 = vector.broadcast %ge3A_118 : f32 to vector<20x1xf32>
    %ge3A_120 = arith.cmpf oge, %broadcast_in_dim3A_117, %ge3A_119 : vector<20x1xf32>
    %select_n3A_121 = arith.select %ge3A_120, %or3A_107, %select_n3A_104 : vector<20x1xi1>, vector<20x1xi32>
    %or3A_122 = arith.constant 67108864 : i32
    %or3A_123 = vector.broadcast %or3A_122 : i32 to vector<20x1xi32>
    %or3A_124 = arith.ori %select_n3A_121, %or3A_123 : vector<20x1xi32>
    %xor3A_125 = arith.constant -2147483648 : i32
    %xor3A_126 = vector.broadcast %xor3A_125 : i32 to vector<20x1xi32>
    %xor3A_127 = arith.xori %or3A_124, %xor3A_126 : vector<20x1xi32>
    %ge3A_128 = vector.broadcast %xor3A_127 : vector<20x1xi32> to vector<20x1024xi32>
    %ge3A_129 = arith.cmpi sge, %select_n3A, %ge3A_128 : vector<20x1024xi32>
    %convert_element_type3A_130 = arith.extui %ge3A_129 : vector<20x1024xi1> to vector<20x1024xi32>
    %convert_element_type3A_131 = arith.sitofp %convert_element_type3A_130 : vector<20x1024xi32> to vector<20x1024xf32>
    %reduce_sum3A_132 = arith.constant dense<0.000000e+00> : vector<20xf32>
    %reduce_sum3A_133 = vector.multi_reduction <add>, %convert_element_type3A_131, %reduce_sum3A_132 [1] : vector<20x1024xf32> to vector<20xf32>
    %broadcast_in_dim3A_134 = vector.shape_cast %reduce_sum3A_133 : vector<20xf32> to vector<20x1xf32>
    %ge3A_135 = arith.constant 6.400000e+01 : f32
    %ge3A_136 = vector.broadcast %ge3A_135 : f32 to vector<20x1xf32>
    %ge3A_137 = arith.cmpf oge, %broadcast_in_dim3A_134, %ge3A_136 : vector<20x1xf32>
    %select_n3A_138 = arith.select %ge3A_137, %or3A_124, %select_n3A_121 : vector<20x1xi1>, vector<20x1xi32>
    %or3A_139 = arith.constant 33554432 : i32
    %or3A_140 = vector.broadcast %or3A_139 : i32 to vector<20x1xi32>
    %or3A_141 = arith.ori %select_n3A_138, %or3A_140 : vector<20x1xi32>
    %xor3A_142 = arith.constant -2147483648 : i32
    %xor3A_143 = vector.broadcast %xor3A_142 : i32 to vector<20x1xi32>
    %xor3A_144 = arith.xori %or3A_141, %xor3A_143 : vector<20x1xi32>
    %ge3A_145 = vector.broadcast %xor3A_144 : vector<20x1xi32> to vector<20x1024xi32>
    %ge3A_146 = arith.cmpi sge, %select_n3A, %ge3A_145 : vector<20x1024xi32>
    %convert_element_type3A_147 = arith.extui %ge3A_146 : vector<20x1024xi1> to vector<20x1024xi32>
    %convert_element_type3A_148 = arith.sitofp %convert_element_type3A_147 : vector<20x1024xi32> to vector<20x1024xf32>
    %reduce_sum3A_149 = arith.constant dense<0.000000e+00> : vector<20xf32>
    %reduce_sum3A_150 = vector.multi_reduction <add>, %convert_element_type3A_148, %reduce_sum3A_149 [1] : vector<20x1024xf32> to vector<20xf32>
    %broadcast_in_dim3A_151 = vector.shape_cast %reduce_sum3A_150 : vector<20xf32> to vector<20x1xf32>
    %ge3A_152 = arith.constant 6.400000e+01 : f32
    %ge3A_153 = vector.broadcast %ge3A_152 : f32 to vector<20x1xf32>
    %ge3A_154 = arith.cmpf oge, %broadcast_in_dim3A_151, %ge3A_153 : vector<20x1xf32>
    %select_n3A_155 = arith.select %ge3A_154, %or3A_141, %select_n3A_138 : vector<20x1xi1>, vector<20x1xi32>
    %or3A_156 = arith.constant 16777216 : i32
    %or3A_157 = vector.broadcast %or3A_156 : i32 to vector<20x1xi32>
    %or3A_158 = arith.ori %select_n3A_155, %or3A_157 : vector<20x1xi32>
    %xor3A_159 = arith.constant -2147483648 : i32
    %xor3A_160 = vector.broadcast %xor3A_159 : i32 to vector<20x1xi32>
    %xor3A_161 = arith.xori %or3A_158, %xor3A_160 : vector<20x1xi32>
    %ge3A_162 = vector.broadcast %xor3A_161 : vector<20x1xi32> to vector<20x1024xi32>
    %ge3A_163 = arith.cmpi sge, %select_n3A, %ge3A_162 : vector<20x1024xi32>
    %convert_element_type3A_164 = arith.extui %ge3A_163 : vector<20x1024xi1> to vector<20x1024xi32>
    %convert_element_type3A_165 = arith.sitofp %convert_element_type3A_164 : vector<20x1024xi32> to vector<20x1024xf32>
    %reduce_sum3A_166 = arith.constant dense<0.000000e+00> : vector<20xf32>
    %reduce_sum3A_167 = vector.multi_reduction <add>, %convert_element_type3A_165, %reduce_sum3A_166 [1] : vector<20x1024xf32> to vector<20xf32>
    %broadcast_in_dim3A_168 = vector.shape_cast %reduce_sum3A_167 : vector<20xf32> to vector<20x1xf32>
    %ge3A_169 = arith.constant 6.400000e+01 : f32
    %ge3A_170 = vector.broadcast %ge3A_169 : f32 to vector<20x1xf32>
    %ge3A_171 = arith.cmpf oge, %broadcast_in_dim3A_168, %ge3A_170 : vector<20x1xf32>
    %select_n3A_172 = arith.select %ge3A_171, %or3A_158, %select_n3A_155 : vector<20x1xi1>, vector<20x1xi32>
    %or3A_173 = arith.constant 8388608 : i32
    %or3A_174 = vector.broadcast %or3A_173 : i32 to vector<20x1xi32>
    %or3A_175 = arith.ori %select_n3A_172, %or3A_174 : vector<20x1xi32>
    %xor3A_176 = arith.constant -2147483648 : i32
    %xor3A_177 = vector.broadcast %xor3A_176 : i32 to vector<20x1xi32>
    %xor3A_178 = arith.xori %or3A_175, %xor3A_177 : vector<20x1xi32>
    %ge3A_179 = vector.broadcast %xor3A_178 : vector<20x1xi32> to vector<20x1024xi32>
    %ge3A_180 = arith.cmpi sge, %select_n3A, %ge3A_179 : vector<20x1024xi32>
    %convert_element_type3A_181 = arith.extui %ge3A_180 : vector<20x1024xi1> to vector<20x1024xi32>
    %convert_element_type3A_182 = arith.sitofp %convert_element_type3A_181 : vector<20x1024xi32> to vector<20x1024xf32>
    %reduce_sum3A_183 = arith.constant dense<0.000000e+00> : vector<20xf32>
    %reduce_sum3A_184 = vector.multi_reduction <add>, %convert_element_type3A_182, %reduce_sum3A_183 [1] : vector<20x1024xf32> to vector<20xf32>
    %broadcast_in_dim3A_185 = vector.shape_cast %reduce_sum3A_184 : vector<20xf32> to vector<20x1xf32>
    %ge3A_186 = arith.constant 6.400000e+01 : f32
    %ge3A_187 = vector.broadcast %ge3A_186 : f32 to vector<20x1xf32>
    %ge3A_188 = arith.cmpf oge, %broadcast_in_dim3A_185, %ge3A_187 : vector<20x1xf32>
    %select_n3A_189 = arith.select %ge3A_188, %or3A_175, %select_n3A_172 : vector<20x1xi1>, vector<20x1xi32>
    %or3A_190 = arith.constant 4194304 : i32
    %or3A_191 = vector.broadcast %or3A_190 : i32 to vector<20x1xi32>
    %or3A_192 = arith.ori %select_n3A_189, %or3A_191 : vector<20x1xi32>
    %xor3A_193 = arith.constant -2147483648 : i32
    %xor3A_194 = vector.broadcast %xor3A_193 : i32 to vector<20x1xi32>
    %xor3A_195 = arith.xori %or3A_192, %xor3A_194 : vector<20x1xi32>
    %ge3A_196 = vector.broadcast %xor3A_195 : vector<20x1xi32> to vector<20x1024xi32>
    %ge3A_197 = arith.cmpi sge, %select_n3A, %ge3A_196 : vector<20x1024xi32>
    %convert_element_type3A_198 = arith.extui %ge3A_197 : vector<20x1024xi1> to vector<20x1024xi32>
    %convert_element_type3A_199 = arith.sitofp %convert_element_type3A_198 : vector<20x1024xi32> to vector<20x1024xf32>
    %reduce_sum3A_200 = arith.constant dense<0.000000e+00> : vector<20xf32>
    %reduce_sum3A_201 = vector.multi_reduction <add>, %convert_element_type3A_199, %reduce_sum3A_200 [1] : vector<20x1024xf32> to vector<20xf32>
    %broadcast_in_dim3A_202 = vector.shape_cast %reduce_sum3A_201 : vector<20xf32> to vector<20x1xf32>
    %ge3A_203 = arith.constant 6.400000e+01 : f32
    %ge3A_204 = vector.broadcast %ge3A_203 : f32 to vector<20x1xf32>
    %ge3A_205 = arith.cmpf oge, %broadcast_in_dim3A_202, %ge3A_204 : vector<20x1xf32>
    %select_n3A_206 = arith.select %ge3A_205, %or3A_192, %select_n3A_189 : vector<20x1xi1>, vector<20x1xi32>
    %or3A_207 = arith.constant 2097152 : i32
    %or3A_208 = vector.broadcast %or3A_207 : i32 to vector<20x1xi32>
    %or3A_209 = arith.ori %select_n3A_206, %or3A_208 : vector<20x1xi32>
    %xor3A_210 = arith.constant -2147483648 : i32
    %xor3A_211 = vector.broadcast %xor3A_210 : i32 to vector<20x1xi32>
    %xor3A_212 = arith.xori %or3A_209, %xor3A_211 : vector<20x1xi32>
    %ge3A_213 = vector.broadcast %xor3A_212 : vector<20x1xi32> to vector<20x1024xi32>
    %ge3A_214 = arith.cmpi sge, %select_n3A, %ge3A_213 : vector<20x1024xi32>
    %convert_element_type3A_215 = arith.extui %ge3A_214 : vector<20x1024xi1> to vector<20x1024xi32>
    %convert_element_type3A_216 = arith.sitofp %convert_element_type3A_215 : vector<20x1024xi32> to vector<20x1024xf32>
    %reduce_sum3A_217 = arith.constant dense<0.000000e+00> : vector<20xf32>
    %reduce_sum3A_218 = vector.multi_reduction <add>, %convert_element_type3A_216, %reduce_sum3A_217 [1] : vector<20x1024xf32> to vector<20xf32>
    %broadcast_in_dim3A_219 = vector.shape_cast %reduce_sum3A_218 : vector<20xf32> to vector<20x1xf32>
    %ge3A_220 = arith.constant 6.400000e+01 : f32
    %ge3A_221 = vector.broadcast %ge3A_220 : f32 to vector<20x1xf32>
    %ge3A_222 = arith.cmpf oge, %broadcast_in_dim3A_219, %ge3A_221 : vector<20x1xf32>
    %select_n3A_223 = arith.select %ge3A_222, %or3A_209, %select_n3A_206 : vector<20x1xi1>, vector<20x1xi32>
    %or3A_224 = arith.constant 1048576 : i32
    %or3A_225 = vector.broadcast %or3A_224 : i32 to vector<20x1xi32>
    %or3A_226 = arith.ori %select_n3A_223, %or3A_225 : vector<20x1xi32>
    %xor3A_227 = arith.constant -2147483648 : i32
    %xor3A_228 = vector.broadcast %xor3A_227 : i32 to vector<20x1xi32>
    %xor3A_229 = arith.xori %or3A_226, %xor3A_228 : vector<20x1xi32>
    %ge3A_230 = vector.broadcast %xor3A_229 : vector<20x1xi32> to vector<20x1024xi32>
    %ge3A_231 = arith.cmpi sge, %select_n3A, %ge3A_230 : vector<20x1024xi32>
    %convert_element_type3A_232 = arith.extui %ge3A_231 : vector<20x1024xi1> to vector<20x1024xi32>
    %convert_element_type3A_233 = arith.sitofp %convert_element_type3A_232 : vector<20x1024xi32> to vector<20x1024xf32>
    %reduce_sum3A_234 = arith.constant dense<0.000000e+00> : vector<20xf32>
    %reduce_sum3A_235 = vector.multi_reduction <add>, %convert_element_type3A_233, %reduce_sum3A_234 [1] : vector<20x1024xf32> to vector<20xf32>
    %broadcast_in_dim3A_236 = vector.shape_cast %reduce_sum3A_235 : vector<20xf32> to vector<20x1xf32>
    %ge3A_237 = arith.constant 6.400000e+01 : f32
    %ge3A_238 = vector.broadcast %ge3A_237 : f32 to vector<20x1xf32>
    %ge3A_239 = arith.cmpf oge, %broadcast_in_dim3A_236, %ge3A_238 : vector<20x1xf32>
    %select_n3A_240 = arith.select %ge3A_239, %or3A_226, %select_n3A_223 : vector<20x1xi1>, vector<20x1xi32>
    %or3A_241 = arith.constant 524288 : i32
    %or3A_242 = vector.broadcast %or3A_241 : i32 to vector<20x1xi32>
    %or3A_243 = arith.ori %select_n3A_240, %or3A_242 : vector<20x1xi32>
    %xor3A_244 = arith.constant -2147483648 : i32
    %xor3A_245 = vector.broadcast %xor3A_244 : i32 to vector<20x1xi32>
    %xor3A_246 = arith.xori %or3A_243, %xor3A_245 : vector<20x1xi32>
    %ge3A_247 = vector.broadcast %xor3A_246 : vector<20x1xi32> to vector<20x1024xi32>
    %ge3A_248 = arith.cmpi sge, %select_n3A, %ge3A_247 : vector<20x1024xi32>
    %convert_element_type3A_249 = arith.extui %ge3A_248 : vector<20x1024xi1> to vector<20x1024xi32>
    %convert_element_type3A_250 = arith.sitofp %convert_element_type3A_249 : vector<20x1024xi32> to vector<20x1024xf32>
    %reduce_sum3A_251 = arith.constant dense<0.000000e+00> : vector<20xf32>
    %reduce_sum3A_252 = vector.multi_reduction <add>, %convert_element_type3A_250, %reduce_sum3A_251 [1] : vector<20x1024xf32> to vector<20xf32>
    %broadcast_in_dim3A_253 = vector.shape_cast %reduce_sum3A_252 : vector<20xf32> to vector<20x1xf32>
    %ge3A_254 = arith.constant 6.400000e+01 : f32
    %ge3A_255 = vector.broadcast %ge3A_254 : f32 to vector<20x1xf32>
    %ge3A_256 = arith.cmpf oge, %broadcast_in_dim3A_253, %ge3A_255 : vector<20x1xf32>
    %select_n3A_257 = arith.select %ge3A_256, %or3A_243, %select_n3A_240 : vector<20x1xi1>, vector<20x1xi32>
    %or3A_258 = arith.constant 262144 : i32
    %or3A_259 = vector.broadcast %or3A_258 : i32 to vector<20x1xi32>
    %or3A_260 = arith.ori %select_n3A_257, %or3A_259 : vector<20x1xi32>
    %xor3A_261 = arith.constant -2147483648 : i32
    %xor3A_262 = vector.broadcast %xor3A_261 : i32 to vector<20x1xi32>
    %xor3A_263 = arith.xori %or3A_260, %xor3A_262 : vector<20x1xi32>
    %ge3A_264 = vector.broadcast %xor3A_263 : vector<20x1xi32> to vector<20x1024xi32>
    %ge3A_265 = arith.cmpi sge, %select_n3A, %ge3A_264 : vector<20x1024xi32>
    %convert_element_type3A_266 = arith.extui %ge3A_265 : vector<20x1024xi1> to vector<20x1024xi32>
    %convert_element_type3A_267 = arith.sitofp %convert_element_type3A_266 : vector<20x1024xi32> to vector<20x1024xf32>
    %reduce_sum3A_268 = arith.constant dense<0.000000e+00> : vector<20xf32>
    %reduce_sum3A_269 = vector.multi_reduction <add>, %convert_element_type3A_267, %reduce_sum3A_268 [1] : vector<20x1024xf32> to vector<20xf32>
    %broadcast_in_dim3A_270 = vector.shape_cast %reduce_sum3A_269 : vector<20xf32> to vector<20x1xf32>
    %ge3A_271 = arith.constant 6.400000e+01 : f32
    %ge3A_272 = vector.broadcast %ge3A_271 : f32 to vector<20x1xf32>
    %ge3A_273 = arith.cmpf oge, %broadcast_in_dim3A_270, %ge3A_272 : vector<20x1xf32>
    %select_n3A_274 = arith.select %ge3A_273, %or3A_260, %select_n3A_257 : vector<20x1xi1>, vector<20x1xi32>
    %or3A_275 = arith.constant 131072 : i32
    %or3A_276 = vector.broadcast %or3A_275 : i32 to vector<20x1xi32>
    %or3A_277 = arith.ori %select_n3A_274, %or3A_276 : vector<20x1xi32>
    %xor3A_278 = arith.constant -2147483648 : i32
    %xor3A_279 = vector.broadcast %xor3A_278 : i32 to vector<20x1xi32>
    %xor3A_280 = arith.xori %or3A_277, %xor3A_279 : vector<20x1xi32>
    %ge3A_281 = vector.broadcast %xor3A_280 : vector<20x1xi32> to vector<20x1024xi32>
    %ge3A_282 = arith.cmpi sge, %select_n3A, %ge3A_281 : vector<20x1024xi32>
    %convert_element_type3A_283 = arith.extui %ge3A_282 : vector<20x1024xi1> to vector<20x1024xi32>
    %convert_element_type3A_284 = arith.sitofp %convert_element_type3A_283 : vector<20x1024xi32> to vector<20x1024xf32>
    %reduce_sum3A_285 = arith.constant dense<0.000000e+00> : vector<20xf32>
    %reduce_sum3A_286 = vector.multi_reduction <add>, %convert_element_type3A_284, %reduce_sum3A_285 [1] : vector<20x1024xf32> to vector<20xf32>
    %broadcast_in_dim3A_287 = vector.shape_cast %reduce_sum3A_286 : vector<20xf32> to vector<20x1xf32>
    %ge3A_288 = arith.constant 6.400000e+01 : f32
    %ge3A_289 = vector.broadcast %ge3A_288 : f32 to vector<20x1xf32>
    %ge3A_290 = arith.cmpf oge, %broadcast_in_dim3A_287, %ge3A_289 : vector<20x1xf32>
    %select_n3A_291 = arith.select %ge3A_290, %or3A_277, %select_n3A_274 : vector<20x1xi1>, vector<20x1xi32>
    %or3A_292 = arith.constant 65536 : i32
    %or3A_293 = vector.broadcast %or3A_292 : i32 to vector<20x1xi32>
    %or3A_294 = arith.ori %select_n3A_291, %or3A_293 : vector<20x1xi32>
    %xor3A_295 = arith.constant -2147483648 : i32
    %xor3A_296 = vector.broadcast %xor3A_295 : i32 to vector<20x1xi32>
    %xor3A_297 = arith.xori %or3A_294, %xor3A_296 : vector<20x1xi32>
    %ge3A_298 = vector.broadcast %xor3A_297 : vector<20x1xi32> to vector<20x1024xi32>
    %ge3A_299 = arith.cmpi sge, %select_n3A, %ge3A_298 : vector<20x1024xi32>
    %convert_element_type3A_300 = arith.extui %ge3A_299 : vector<20x1024xi1> to vector<20x1024xi32>
    %convert_element_type3A_301 = arith.sitofp %convert_element_type3A_300 : vector<20x1024xi32> to vector<20x1024xf32>
    %reduce_sum3A_302 = arith.constant dense<0.000000e+00> : vector<20xf32>
    %reduce_sum3A_303 = vector.multi_reduction <add>, %convert_element_type3A_301, %reduce_sum3A_302 [1] : vector<20x1024xf32> to vector<20xf32>
    %broadcast_in_dim3A_304 = vector.shape_cast %reduce_sum3A_303 : vector<20xf32> to vector<20x1xf32>
    %ge3A_305 = arith.constant 6.400000e+01 : f32
    %ge3A_306 = vector.broadcast %ge3A_305 : f32 to vector<20x1xf32>
    %ge3A_307 = arith.cmpf oge, %broadcast_in_dim3A_304, %ge3A_306 : vector<20x1xf32>
    %select_n3A_308 = arith.select %ge3A_307, %or3A_294, %select_n3A_291 : vector<20x1xi1>, vector<20x1xi32>
    %or3A_309 = arith.constant 32768 : i32
    %or3A_310 = vector.broadcast %or3A_309 : i32 to vector<20x1xi32>
    %or3A_311 = arith.ori %select_n3A_308, %or3A_310 : vector<20x1xi32>
    %xor3A_312 = arith.constant -2147483648 : i32
    %xor3A_313 = vector.broadcast %xor3A_312 : i32 to vector<20x1xi32>
    %xor3A_314 = arith.xori %or3A_311, %xor3A_313 : vector<20x1xi32>
    %ge3A_315 = vector.broadcast %xor3A_314 : vector<20x1xi32> to vector<20x1024xi32>
    %ge3A_316 = arith.cmpi sge, %select_n3A, %ge3A_315 : vector<20x1024xi32>
    %convert_element_type3A_317 = arith.extui %ge3A_316 : vector<20x1024xi1> to vector<20x1024xi32>
    %convert_element_type3A_318 = arith.sitofp %convert_element_type3A_317 : vector<20x1024xi32> to vector<20x1024xf32>
    %reduce_sum3A_319 = arith.constant dense<0.000000e+00> : vector<20xf32>
    %reduce_sum3A_320 = vector.multi_reduction <add>, %convert_element_type3A_318, %reduce_sum3A_319 [1] : vector<20x1024xf32> to vector<20xf32>
    %broadcast_in_dim3A_321 = vector.shape_cast %reduce_sum3A_320 : vector<20xf32> to vector<20x1xf32>
    %ge3A_322 = arith.constant 6.400000e+01 : f32
    %ge3A_323 = vector.broadcast %ge3A_322 : f32 to vector<20x1xf32>
    %ge3A_324 = arith.cmpf oge, %broadcast_in_dim3A_321, %ge3A_323 : vector<20x1xf32>
    %select_n3A_325 = arith.select %ge3A_324, %or3A_311, %select_n3A_308 : vector<20x1xi1>, vector<20x1xi32>
    %or3A_326 = arith.constant 16384 : i32
    %or3A_327 = vector.broadcast %or3A_326 : i32 to vector<20x1xi32>
    %or3A_328 = arith.ori %select_n3A_325, %or3A_327 : vector<20x1xi32>
    %xor3A_329 = arith.constant -2147483648 : i32
    %xor3A_330 = vector.broadcast %xor3A_329 : i32 to vector<20x1xi32>
    %xor3A_331 = arith.xori %or3A_328, %xor3A_330 : vector<20x1xi32>
    %ge3A_332 = vector.broadcast %xor3A_331 : vector<20x1xi32> to vector<20x1024xi32>
    %ge3A_333 = arith.cmpi sge, %select_n3A, %ge3A_332 : vector<20x1024xi32>
    %convert_element_type3A_334 = arith.extui %ge3A_333 : vector<20x1024xi1> to vector<20x1024xi32>
    %convert_element_type3A_335 = arith.sitofp %convert_element_type3A_334 : vector<20x1024xi32> to vector<20x1024xf32>
    %reduce_sum3A_336 = arith.constant dense<0.000000e+00> : vector<20xf32>
    %reduce_sum3A_337 = vector.multi_reduction <add>, %convert_element_type3A_335, %reduce_sum3A_336 [1] : vector<20x1024xf32> to vector<20xf32>
    %broadcast_in_dim3A_338 = vector.shape_cast %reduce_sum3A_337 : vector<20xf32> to vector<20x1xf32>
    %ge3A_339 = arith.constant 6.400000e+01 : f32
    %ge3A_340 = vector.broadcast %ge3A_339 : f32 to vector<20x1xf32>
    %ge3A_341 = arith.cmpf oge, %broadcast_in_dim3A_338, %ge3A_340 : vector<20x1xf32>
    %select_n3A_342 = arith.select %ge3A_341, %or3A_328, %select_n3A_325 : vector<20x1xi1>, vector<20x1xi32>
    %or3A_343 = arith.constant 8192 : i32
    %or3A_344 = vector.broadcast %or3A_343 : i32 to vector<20x1xi32>
    %or3A_345 = arith.ori %select_n3A_342, %or3A_344 : vector<20x1xi32>
    %xor3A_346 = arith.constant -2147483648 : i32
    %xor3A_347 = vector.broadcast %xor3A_346 : i32 to vector<20x1xi32>
    %xor3A_348 = arith.xori %or3A_345, %xor3A_347 : vector<20x1xi32>
    %ge3A_349 = vector.broadcast %xor3A_348 : vector<20x1xi32> to vector<20x1024xi32>
    %ge3A_350 = arith.cmpi sge, %select_n3A, %ge3A_349 : vector<20x1024xi32>
    %convert_element_type3A_351 = arith.extui %ge3A_350 : vector<20x1024xi1> to vector<20x1024xi32>
    %convert_element_type3A_352 = arith.sitofp %convert_element_type3A_351 : vector<20x1024xi32> to vector<20x1024xf32>
    %reduce_sum3A_353 = arith.constant dense<0.000000e+00> : vector<20xf32>
    %reduce_sum3A_354 = vector.multi_reduction <add>, %convert_element_type3A_352, %reduce_sum3A_353 [1] : vector<20x1024xf32> to vector<20xf32>
    %broadcast_in_dim3A_355 = vector.shape_cast %reduce_sum3A_354 : vector<20xf32> to vector<20x1xf32>
    %ge3A_356 = arith.constant 6.400000e+01 : f32
    %ge3A_357 = vector.broadcast %ge3A_356 : f32 to vector<20x1xf32>
    %ge3A_358 = arith.cmpf oge, %broadcast_in_dim3A_355, %ge3A_357 : vector<20x1xf32>
    %select_n3A_359 = arith.select %ge3A_358, %or3A_345, %select_n3A_342 : vector<20x1xi1>, vector<20x1xi32>
    %or3A_360 = arith.constant 4096 : i32
    %or3A_361 = vector.broadcast %or3A_360 : i32 to vector<20x1xi32>
    %or3A_362 = arith.ori %select_n3A_359, %or3A_361 : vector<20x1xi32>
    %xor3A_363 = arith.constant -2147483648 : i32
    %xor3A_364 = vector.broadcast %xor3A_363 : i32 to vector<20x1xi32>
    %xor3A_365 = arith.xori %or3A_362, %xor3A_364 : vector<20x1xi32>
    %ge3A_366 = vector.broadcast %xor3A_365 : vector<20x1xi32> to vector<20x1024xi32>
    %ge3A_367 = arith.cmpi sge, %select_n3A, %ge3A_366 : vector<20x1024xi32>
    %convert_element_type3A_368 = arith.extui %ge3A_367 : vector<20x1024xi1> to vector<20x1024xi32>
    %convert_element_type3A_369 = arith.sitofp %convert_element_type3A_368 : vector<20x1024xi32> to vector<20x1024xf32>
    %reduce_sum3A_370 = arith.constant dense<0.000000e+00> : vector<20xf32>
    %reduce_sum3A_371 = vector.multi_reduction <add>, %convert_element_type3A_369, %reduce_sum3A_370 [1] : vector<20x1024xf32> to vector<20xf32>
    %broadcast_in_dim3A_372 = vector.shape_cast %reduce_sum3A_371 : vector<20xf32> to vector<20x1xf32>
    %ge3A_373 = arith.constant 6.400000e+01 : f32
    %ge3A_374 = vector.broadcast %ge3A_373 : f32 to vector<20x1xf32>
    %ge3A_375 = arith.cmpf oge, %broadcast_in_dim3A_372, %ge3A_374 : vector<20x1xf32>
    %select_n3A_376 = arith.select %ge3A_375, %or3A_362, %select_n3A_359 : vector<20x1xi1>, vector<20x1xi32>
    %or3A_377 = arith.constant 2048 : i32
    %or3A_378 = vector.broadcast %or3A_377 : i32 to vector<20x1xi32>
    %or3A_379 = arith.ori %select_n3A_376, %or3A_378 : vector<20x1xi32>
    %xor3A_380 = arith.constant -2147483648 : i32
    %xor3A_381 = vector.broadcast %xor3A_380 : i32 to vector<20x1xi32>
    %xor3A_382 = arith.xori %or3A_379, %xor3A_381 : vector<20x1xi32>
    %ge3A_383 = vector.broadcast %xor3A_382 : vector<20x1xi32> to vector<20x1024xi32>
    %ge3A_384 = arith.cmpi sge, %select_n3A, %ge3A_383 : vector<20x1024xi32>
    %convert_element_type3A_385 = arith.extui %ge3A_384 : vector<20x1024xi1> to vector<20x1024xi32>
    %convert_element_type3A_386 = arith.sitofp %convert_element_type3A_385 : vector<20x1024xi32> to vector<20x1024xf32>
    %reduce_sum3A_387 = arith.constant dense<0.000000e+00> : vector<20xf32>
    %reduce_sum3A_388 = vector.multi_reduction <add>, %convert_element_type3A_386, %reduce_sum3A_387 [1] : vector<20x1024xf32> to vector<20xf32>
    %broadcast_in_dim3A_389 = vector.shape_cast %reduce_sum3A_388 : vector<20xf32> to vector<20x1xf32>
    %ge3A_390 = arith.constant 6.400000e+01 : f32
    %ge3A_391 = vector.broadcast %ge3A_390 : f32 to vector<20x1xf32>
    %ge3A_392 = arith.cmpf oge, %broadcast_in_dim3A_389, %ge3A_391 : vector<20x1xf32>
    %select_n3A_393 = arith.select %ge3A_392, %or3A_379, %select_n3A_376 : vector<20x1xi1>, vector<20x1xi32>
    %or3A_394 = arith.constant 1024 : i32
    %or3A_395 = vector.broadcast %or3A_394 : i32 to vector<20x1xi32>
    %or3A_396 = arith.ori %select_n3A_393, %or3A_395 : vector<20x1xi32>
    %xor3A_397 = arith.constant -2147483648 : i32
    %xor3A_398 = vector.broadcast %xor3A_397 : i32 to vector<20x1xi32>
    %xor3A_399 = arith.xori %or3A_396, %xor3A_398 : vector<20x1xi32>
    %ge3A_400 = vector.broadcast %xor3A_399 : vector<20x1xi32> to vector<20x1024xi32>
    %ge3A_401 = arith.cmpi sge, %select_n3A, %ge3A_400 : vector<20x1024xi32>
    %convert_element_type3A_402 = arith.extui %ge3A_401 : vector<20x1024xi1> to vector<20x1024xi32>
    %convert_element_type3A_403 = arith.sitofp %convert_element_type3A_402 : vector<20x1024xi32> to vector<20x1024xf32>
    %reduce_sum3A_404 = arith.constant dense<0.000000e+00> : vector<20xf32>
    %reduce_sum3A_405 = vector.multi_reduction <add>, %convert_element_type3A_403, %reduce_sum3A_404 [1] : vector<20x1024xf32> to vector<20xf32>
    %broadcast_in_dim3A_406 = vector.shape_cast %reduce_sum3A_405 : vector<20xf32> to vector<20x1xf32>
    %ge3A_407 = arith.constant 6.400000e+01 : f32
    %ge3A_408 = vector.broadcast %ge3A_407 : f32 to vector<20x1xf32>
    %ge3A_409 = arith.cmpf oge, %broadcast_in_dim3A_406, %ge3A_408 : vector<20x1xf32>
    %select_n3A_410 = arith.select %ge3A_409, %or3A_396, %select_n3A_393 : vector<20x1xi1>, vector<20x1xi32>
    %or3A_411 = arith.constant 512 : i32
    %or3A_412 = vector.broadcast %or3A_411 : i32 to vector<20x1xi32>
    %or3A_413 = arith.ori %select_n3A_410, %or3A_412 : vector<20x1xi32>
    %xor3A_414 = arith.constant -2147483648 : i32
    %xor3A_415 = vector.broadcast %xor3A_414 : i32 to vector<20x1xi32>
    %xor3A_416 = arith.xori %or3A_413, %xor3A_415 : vector<20x1xi32>
    %ge3A_417 = vector.broadcast %xor3A_416 : vector<20x1xi32> to vector<20x1024xi32>
    %ge3A_418 = arith.cmpi sge, %select_n3A, %ge3A_417 : vector<20x1024xi32>
    %convert_element_type3A_419 = arith.extui %ge3A_418 : vector<20x1024xi1> to vector<20x1024xi32>
    %convert_element_type3A_420 = arith.sitofp %convert_element_type3A_419 : vector<20x1024xi32> to vector<20x1024xf32>
    %reduce_sum3A_421 = arith.constant dense<0.000000e+00> : vector<20xf32>
    %reduce_sum3A_422 = vector.multi_reduction <add>, %convert_element_type3A_420, %reduce_sum3A_421 [1] : vector<20x1024xf32> to vector<20xf32>
    %broadcast_in_dim3A_423 = vector.shape_cast %reduce_sum3A_422 : vector<20xf32> to vector<20x1xf32>
    %ge3A_424 = arith.constant 6.400000e+01 : f32
    %ge3A_425 = vector.broadcast %ge3A_424 : f32 to vector<20x1xf32>
    %ge3A_426 = arith.cmpf oge, %broadcast_in_dim3A_423, %ge3A_425 : vector<20x1xf32>
    %select_n3A_427 = arith.select %ge3A_426, %or3A_413, %select_n3A_410 : vector<20x1xi1>, vector<20x1xi32>
    %or3A_428 = arith.constant 256 : i32
    %or3A_429 = vector.broadcast %or3A_428 : i32 to vector<20x1xi32>
    %or3A_430 = arith.ori %select_n3A_427, %or3A_429 : vector<20x1xi32>
    %xor3A_431 = arith.constant -2147483648 : i32
    %xor3A_432 = vector.broadcast %xor3A_431 : i32 to vector<20x1xi32>
    %xor3A_433 = arith.xori %or3A_430, %xor3A_432 : vector<20x1xi32>
    %ge3A_434 = vector.broadcast %xor3A_433 : vector<20x1xi32> to vector<20x1024xi32>
    %ge3A_435 = arith.cmpi sge, %select_n3A, %ge3A_434 : vector<20x1024xi32>
    %convert_element_type3A_436 = arith.extui %ge3A_435 : vector<20x1024xi1> to vector<20x1024xi32>
    %convert_element_type3A_437 = arith.sitofp %convert_element_type3A_436 : vector<20x1024xi32> to vector<20x1024xf32>
    %reduce_sum3A_438 = arith.constant dense<0.000000e+00> : vector<20xf32>
    %reduce_sum3A_439 = vector.multi_reduction <add>, %convert_element_type3A_437, %reduce_sum3A_438 [1] : vector<20x1024xf32> to vector<20xf32>
    %broadcast_in_dim3A_440 = vector.shape_cast %reduce_sum3A_439 : vector<20xf32> to vector<20x1xf32>
    %ge3A_441 = arith.constant 6.400000e+01 : f32
    %ge3A_442 = vector.broadcast %ge3A_441 : f32 to vector<20x1xf32>
    %ge3A_443 = arith.cmpf oge, %broadcast_in_dim3A_440, %ge3A_442 : vector<20x1xf32>
    %select_n3A_444 = arith.select %ge3A_443, %or3A_430, %select_n3A_427 : vector<20x1xi1>, vector<20x1xi32>
    %or3A_445 = arith.constant 128 : i32
    %or3A_446 = vector.broadcast %or3A_445 : i32 to vector<20x1xi32>
    %or3A_447 = arith.ori %select_n3A_444, %or3A_446 : vector<20x1xi32>
    %xor3A_448 = arith.constant -2147483648 : i32
    %xor3A_449 = vector.broadcast %xor3A_448 : i32 to vector<20x1xi32>
    %xor3A_450 = arith.xori %or3A_447, %xor3A_449 : vector<20x1xi32>
    %ge3A_451 = vector.broadcast %xor3A_450 : vector<20x1xi32> to vector<20x1024xi32>
    %ge3A_452 = arith.cmpi sge, %select_n3A, %ge3A_451 : vector<20x1024xi32>
    %convert_element_type3A_453 = arith.extui %ge3A_452 : vector<20x1024xi1> to vector<20x1024xi32>
    %convert_element_type3A_454 = arith.sitofp %convert_element_type3A_453 : vector<20x1024xi32> to vector<20x1024xf32>
    %reduce_sum3A_455 = arith.constant dense<0.000000e+00> : vector<20xf32>
    %reduce_sum3A_456 = vector.multi_reduction <add>, %convert_element_type3A_454, %reduce_sum3A_455 [1] : vector<20x1024xf32> to vector<20xf32>
    %broadcast_in_dim3A_457 = vector.shape_cast %reduce_sum3A_456 : vector<20xf32> to vector<20x1xf32>
    %ge3A_458 = arith.constant 6.400000e+01 : f32
    %ge3A_459 = vector.broadcast %ge3A_458 : f32 to vector<20x1xf32>
    %ge3A_460 = arith.cmpf oge, %broadcast_in_dim3A_457, %ge3A_459 : vector<20x1xf32>
    %select_n3A_461 = arith.select %ge3A_460, %or3A_447, %select_n3A_444 : vector<20x1xi1>, vector<20x1xi32>
    %or3A_462 = arith.constant 64 : i32
    %or3A_463 = vector.broadcast %or3A_462 : i32 to vector<20x1xi32>
    %or3A_464 = arith.ori %select_n3A_461, %or3A_463 : vector<20x1xi32>
    %xor3A_465 = arith.constant -2147483648 : i32
    %xor3A_466 = vector.broadcast %xor3A_465 : i32 to vector<20x1xi32>
    %xor3A_467 = arith.xori %or3A_464, %xor3A_466 : vector<20x1xi32>
    %ge3A_468 = vector.broadcast %xor3A_467 : vector<20x1xi32> to vector<20x1024xi32>
    %ge3A_469 = arith.cmpi sge, %select_n3A, %ge3A_468 : vector<20x1024xi32>
    %convert_element_type3A_470 = arith.extui %ge3A_469 : vector<20x1024xi1> to vector<20x1024xi32>
    %convert_element_type3A_471 = arith.sitofp %convert_element_type3A_470 : vector<20x1024xi32> to vector<20x1024xf32>
    %reduce_sum3A_472 = arith.constant dense<0.000000e+00> : vector<20xf32>
    %reduce_sum3A_473 = vector.multi_reduction <add>, %convert_element_type3A_471, %reduce_sum3A_472 [1] : vector<20x1024xf32> to vector<20xf32>
    %broadcast_in_dim3A_474 = vector.shape_cast %reduce_sum3A_473 : vector<20xf32> to vector<20x1xf32>
    %ge3A_475 = arith.constant 6.400000e+01 : f32
    %ge3A_476 = vector.broadcast %ge3A_475 : f32 to vector<20x1xf32>
    %ge3A_477 = arith.cmpf oge, %broadcast_in_dim3A_474, %ge3A_476 : vector<20x1xf32>
    %select_n3A_478 = arith.select %ge3A_477, %or3A_464, %select_n3A_461 : vector<20x1xi1>, vector<20x1xi32>
    %or3A_479 = arith.constant 32 : i32
    %or3A_480 = vector.broadcast %or3A_479 : i32 to vector<20x1xi32>
    %or3A_481 = arith.ori %select_n3A_478, %or3A_480 : vector<20x1xi32>
    %xor3A_482 = arith.constant -2147483648 : i32
    %xor3A_483 = vector.broadcast %xor3A_482 : i32 to vector<20x1xi32>
    %xor3A_484 = arith.xori %or3A_481, %xor3A_483 : vector<20x1xi32>
    %ge3A_485 = vector.broadcast %xor3A_484 : vector<20x1xi32> to vector<20x1024xi32>
    %ge3A_486 = arith.cmpi sge, %select_n3A, %ge3A_485 : vector<20x1024xi32>
    %convert_element_type3A_487 = arith.extui %ge3A_486 : vector<20x1024xi1> to vector<20x1024xi32>
    %convert_element_type3A_488 = arith.sitofp %convert_element_type3A_487 : vector<20x1024xi32> to vector<20x1024xf32>
    %reduce_sum3A_489 = arith.constant dense<0.000000e+00> : vector<20xf32>
    %reduce_sum3A_490 = vector.multi_reduction <add>, %convert_element_type3A_488, %reduce_sum3A_489 [1] : vector<20x1024xf32> to vector<20xf32>
    %broadcast_in_dim3A_491 = vector.shape_cast %reduce_sum3A_490 : vector<20xf32> to vector<20x1xf32>
    %ge3A_492 = arith.constant 6.400000e+01 : f32
    %ge3A_493 = vector.broadcast %ge3A_492 : f32 to vector<20x1xf32>
    %ge3A_494 = arith.cmpf oge, %broadcast_in_dim3A_491, %ge3A_493 : vector<20x1xf32>
    %select_n3A_495 = arith.select %ge3A_494, %or3A_481, %select_n3A_478 : vector<20x1xi1>, vector<20x1xi32>
    %or3A_496 = arith.constant 16 : i32
    %or3A_497 = vector.broadcast %or3A_496 : i32 to vector<20x1xi32>
    %or3A_498 = arith.ori %select_n3A_495, %or3A_497 : vector<20x1xi32>
    %xor3A_499 = arith.constant -2147483648 : i32
    %xor3A_500 = vector.broadcast %xor3A_499 : i32 to vector<20x1xi32>
    %xor3A_501 = arith.xori %or3A_498, %xor3A_500 : vector<20x1xi32>
    %ge3A_502 = vector.broadcast %xor3A_501 : vector<20x1xi32> to vector<20x1024xi32>
    %ge3A_503 = arith.cmpi sge, %select_n3A, %ge3A_502 : vector<20x1024xi32>
    %convert_element_type3A_504 = arith.extui %ge3A_503 : vector<20x1024xi1> to vector<20x1024xi32>
    %convert_element_type3A_505 = arith.sitofp %convert_element_type3A_504 : vector<20x1024xi32> to vector<20x1024xf32>
    %reduce_sum3A_506 = arith.constant dense<0.000000e+00> : vector<20xf32>
    %reduce_sum3A_507 = vector.multi_reduction <add>, %convert_element_type3A_505, %reduce_sum3A_506 [1] : vector<20x1024xf32> to vector<20xf32>
    %broadcast_in_dim3A_508 = vector.shape_cast %reduce_sum3A_507 : vector<20xf32> to vector<20x1xf32>
    %ge3A_509 = arith.constant 6.400000e+01 : f32
    %ge3A_510 = vector.broadcast %ge3A_509 : f32 to vector<20x1xf32>
    %ge3A_511 = arith.cmpf oge, %broadcast_in_dim3A_508, %ge3A_510 : vector<20x1xf32>
    %select_n3A_512 = arith.select %ge3A_511, %or3A_498, %select_n3A_495 : vector<20x1xi1>, vector<20x1xi32>
    %or3A_513 = arith.constant 8 : i32
    %or3A_514 = vector.broadcast %or3A_513 : i32 to vector<20x1xi32>
    %or3A_515 = arith.ori %select_n3A_512, %or3A_514 : vector<20x1xi32>
    %xor3A_516 = arith.constant -2147483648 : i32
    %xor3A_517 = vector.broadcast %xor3A_516 : i32 to vector<20x1xi32>
    %xor3A_518 = arith.xori %or3A_515, %xor3A_517 : vector<20x1xi32>
    %ge3A_519 = vector.broadcast %xor3A_518 : vector<20x1xi32> to vector<20x1024xi32>
    %ge3A_520 = arith.cmpi sge, %select_n3A, %ge3A_519 : vector<20x1024xi32>
    %convert_element_type3A_521 = arith.extui %ge3A_520 : vector<20x1024xi1> to vector<20x1024xi32>
    %convert_element_type3A_522 = arith.sitofp %convert_element_type3A_521 : vector<20x1024xi32> to vector<20x1024xf32>
    %reduce_sum3A_523 = arith.constant dense<0.000000e+00> : vector<20xf32>
    %reduce_sum3A_524 = vector.multi_reduction <add>, %convert_element_type3A_522, %reduce_sum3A_523 [1] : vector<20x1024xf32> to vector<20xf32>
    %broadcast_in_dim3A_525 = vector.shape_cast %reduce_sum3A_524 : vector<20xf32> to vector<20x1xf32>
    %ge3A_526 = arith.constant 6.400000e+01 : f32
    %ge3A_527 = vector.broadcast %ge3A_526 : f32 to vector<20x1xf32>
    %ge3A_528 = arith.cmpf oge, %broadcast_in_dim3A_525, %ge3A_527 : vector<20x1xf32>
    %select_n3A_529 = arith.select %ge3A_528, %or3A_515, %select_n3A_512 : vector<20x1xi1>, vector<20x1xi32>
    %or3A_530 = arith.constant 4 : i32
    %or3A_531 = vector.broadcast %or3A_530 : i32 to vector<20x1xi32>
    %or3A_532 = arith.ori %select_n3A_529, %or3A_531 : vector<20x1xi32>
    %xor3A_533 = arith.constant -2147483648 : i32
    %xor3A_534 = vector.broadcast %xor3A_533 : i32 to vector<20x1xi32>
    %xor3A_535 = arith.xori %or3A_532, %xor3A_534 : vector<20x1xi32>
    %ge3A_536 = vector.broadcast %xor3A_535 : vector<20x1xi32> to vector<20x1024xi32>
    %ge3A_537 = arith.cmpi sge, %select_n3A, %ge3A_536 : vector<20x1024xi32>
    %convert_element_type3A_538 = arith.extui %ge3A_537 : vector<20x1024xi1> to vector<20x1024xi32>
    %convert_element_type3A_539 = arith.sitofp %convert_element_type3A_538 : vector<20x1024xi32> to vector<20x1024xf32>
    %reduce_sum3A_540 = arith.constant dense<0.000000e+00> : vector<20xf32>
    %reduce_sum3A_541 = vector.multi_reduction <add>, %convert_element_type3A_539, %reduce_sum3A_540 [1] : vector<20x1024xf32> to vector<20xf32>
    %broadcast_in_dim3A_542 = vector.shape_cast %reduce_sum3A_541 : vector<20xf32> to vector<20x1xf32>
    %ge3A_543 = arith.constant 6.400000e+01 : f32
    %ge3A_544 = vector.broadcast %ge3A_543 : f32 to vector<20x1xf32>
    %ge3A_545 = arith.cmpf oge, %broadcast_in_dim3A_542, %ge3A_544 : vector<20x1xf32>
    %select_n3A_546 = arith.select %ge3A_545, %or3A_532, %select_n3A_529 : vector<20x1xi1>, vector<20x1xi32>
    %or3A_547 = arith.constant 2 : i32
    %or3A_548 = vector.broadcast %or3A_547 : i32 to vector<20x1xi32>
    %or3A_549 = arith.ori %select_n3A_546, %or3A_548 : vector<20x1xi32>
    %xor3A_550 = arith.constant -2147483648 : i32
    %xor3A_551 = vector.broadcast %xor3A_550 : i32 to vector<20x1xi32>
    %xor3A_552 = arith.xori %or3A_549, %xor3A_551 : vector<20x1xi32>
    %ge3A_553 = vector.broadcast %xor3A_552 : vector<20x1xi32> to vector<20x1024xi32>
    %ge3A_554 = arith.cmpi sge, %select_n3A, %ge3A_553 : vector<20x1024xi32>
    %convert_element_type3A_555 = arith.extui %ge3A_554 : vector<20x1024xi1> to vector<20x1024xi32>
    %convert_element_type3A_556 = arith.sitofp %convert_element_type3A_555 : vector<20x1024xi32> to vector<20x1024xf32>
    %reduce_sum3A_557 = arith.constant dense<0.000000e+00> : vector<20xf32>
    %reduce_sum3A_558 = vector.multi_reduction <add>, %convert_element_type3A_556, %reduce_sum3A_557 [1] : vector<20x1024xf32> to vector<20xf32>
    %broadcast_in_dim3A_559 = vector.shape_cast %reduce_sum3A_558 : vector<20xf32> to vector<20x1xf32>
    %ge3A_560 = arith.constant 6.400000e+01 : f32
    %ge3A_561 = vector.broadcast %ge3A_560 : f32 to vector<20x1xf32>
    %ge3A_562 = arith.cmpf oge, %broadcast_in_dim3A_559, %ge3A_561 : vector<20x1xf32>
    %select_n3A_563 = arith.select %ge3A_562, %or3A_549, %select_n3A_546 : vector<20x1xi1>, vector<20x1xi32>
    %or3A_564 = arith.constant 1 : i32
    %or3A_565 = vector.broadcast %or3A_564 : i32 to vector<20x1xi32>
    %or3A_566 = arith.ori %select_n3A_563, %or3A_565 : vector<20x1xi32>
    %xor3A_567 = arith.constant -2147483648 : i32
    %xor3A_568 = vector.broadcast %xor3A_567 : i32 to vector<20x1xi32>
    %xor3A_569 = arith.xori %or3A_566, %xor3A_568 : vector<20x1xi32>
    %ge3A_570 = vector.broadcast %xor3A_569 : vector<20x1xi32> to vector<20x1024xi32>
    %ge3A_571 = arith.cmpi sge, %select_n3A, %ge3A_570 : vector<20x1024xi32>
    %convert_element_type3A_572 = arith.extui %ge3A_571 : vector<20x1024xi1> to vector<20x1024xi32>
    %convert_element_type3A_573 = arith.sitofp %convert_element_type3A_572 : vector<20x1024xi32> to vector<20x1024xf32>
    %reduce_sum3A_574 = arith.constant dense<0.000000e+00> : vector<20xf32>
    %reduce_sum3A_575 = vector.multi_reduction <add>, %convert_element_type3A_573, %reduce_sum3A_574 [1] : vector<20x1024xf32> to vector<20xf32>
    %broadcast_in_dim3A_576 = vector.shape_cast %reduce_sum3A_575 : vector<20xf32> to vector<20x1xf32>
    %ge3A_577 = arith.constant 6.400000e+01 : f32
    %ge3A_578 = vector.broadcast %ge3A_577 : f32 to vector<20x1xf32>
    %ge3A_579 = arith.cmpf oge, %broadcast_in_dim3A_576, %ge3A_578 : vector<20x1xf32>
    %select_n3A_580 = arith.select %ge3A_579, %or3A_566, %select_n3A_563 : vector<20x1xi1>, vector<20x1xi32>
    %xor3A_581 = arith.constant -2147483648 : i32
    %xor3A_582 = vector.broadcast %xor3A_581 : i32 to vector<20x1xi32>
    %xor3A_583 = arith.xori %select_n3A_580, %xor3A_582 : vector<20x1xi32>
    %gt3A = vector.broadcast %xor3A_583 : vector<20x1xi32> to vector<20x1024xi32>
    %gt3A_584 = arith.cmpi sgt, %select_n3A, %gt3A : vector<20x1024xi32>
    %eq3A = vector.broadcast %xor3A_583 : vector<20x1xi32> to vector<20x1024xi32>
    %eq3A_585 = arith.cmpi eq, %select_n3A, %eq3A : vector<20x1024xi32>
    %convert_element_type3A_586 = arith.extui %gt3A_584 : vector<20x1024xi1> to vector<20x1024xi32>
    %convert_element_type3A_587 = arith.sitofp %convert_element_type3A_586 : vector<20x1024xi32> to vector<20x1024xf32>
    %reduce_sum3A_588 = arith.constant dense<0.000000e+00> : vector<20xf32>
    %reduce_sum3A_589 = vector.multi_reduction <add>, %convert_element_type3A_587, %reduce_sum3A_588 [1] : vector<20x1024xf32> to vector<20xf32>
    %broadcast_in_dim3A_590 = vector.shape_cast %reduce_sum3A_589 : vector<20xf32> to vector<20x1xf32>
    %sub3A_591 = arith.constant 6.400000e+01 : f32
    %sub3A_592 = vector.broadcast %sub3A_591 : f32 to vector<20x1xf32>
    %sub3A_593 = arith.subf %sub3A_592, %broadcast_in_dim3A_590 : vector<20x1xf32>
    %convert_element_type3A_594 = arith.extui %eq3A_585 : vector<20x1024xi1> to vector<20x1024xi32>
    %convert_element_type3A_595 = arith.sitofp %convert_element_type3A_594 : vector<20x1024xi32> to vector<20x1024xf32>
    %iota3A = tpu.iota {dimensions = array<i32: 0>} : vector<128x128xi32>
    %iota3A_596 = tpu.iota {dimensions = array<i32: 1>} : vector<128x128xi32>
    %le3A = arith.cmpi sle, %iota3A, %iota3A_596 : vector<128x128xi32>
    %convert_element_type3A_597 = arith.extui %le3A : vector<128x128xi1> to vector<128x128xi32>
    %convert_element_type3A_598 = arith.sitofp %convert_element_type3A_597 : vector<128x128xi32> to vector<128x128xf32>
    %reshape3A_599 = vector.shape_cast %convert_element_type3A_595 : vector<20x1024xf32> to vector<160x128xf32>
    %dot_general3A_600 = arith.constant dense<0.000000e+00> : vector<160x128xf32>
    %dot_general3A_601 = tpu.matmul %reshape3A_599, %convert_element_type3A_598, %dot_general3A_600 {dimension_numbers = #tpu.dot_dimension_numbers<[1], [0], [0], [1], [0, 0, 1, 1], [], []>, transpose_lhs_hint = false} : vector<160x128xf32>, vector<128x128xf32>, vector<160x128xf32> -> vector<160x128xf32>
    %reshape3A_602 = vector.shape_cast %dot_general3A_601 : vector<160x128xf32> to vector<20x8x128xf32>
    %reshape3A_603 = vector.shape_cast %convert_element_type3A_595 : vector<20x1024xf32> to vector<20x8x128xf32>
    %reduce_sum3A_604 = arith.constant dense<0.000000e+00> : vector<20x8xf32>
    %reduce_sum3A_605 = vector.multi_reduction <add>, %reshape3A_603, %reduce_sum3A_604 [2] : vector<20x8x128xf32> to vector<20x8xf32>
    %iota3A_606 = tpu.iota {dimensions = array<i32: 0>} : vector<8x8xi32>
    %iota3A_607 = tpu.iota {dimensions = array<i32: 1>} : vector<8x8xi32>
    %lt3A = arith.cmpi slt, %iota3A_606, %iota3A_607 : vector<8x8xi32>
    %convert_element_type3A_608 = arith.extui %lt3A : vector<8x8xi1> to vector<8x8xi32>
    %convert_element_type3A_609 = arith.sitofp %convert_element_type3A_608 : vector<8x8xi32> to vector<8x8xf32>
    %dot_general3A_610 = arith.constant dense<0.000000e+00> : vector<20x8xf32>
    %dot_general3A_611 = tpu.matmul %reduce_sum3A_605, %convert_element_type3A_609, %dot_general3A_610 {dimension_numbers = #tpu.dot_dimension_numbers<[1], [0], [0], [1], [0, 0, 1, 1], [], []>, transpose_lhs_hint = false} : vector<20x8xf32>, vector<8x8xf32>, vector<20x8xf32> -> vector<20x8xf32>
    %broadcast_in_dim3A_612 = vector.shape_cast %dot_general3A_611 : vector<20x8xf32> to vector<20x8x1xf32>
    %add3A_613 = vector.broadcast %broadcast_in_dim3A_612 : vector<20x8x1xf32> to vector<20x8x128xf32>
    %add3A_614 = arith.addf %reshape3A_602, %add3A_613 : vector<20x8x128xf32>
    %reshape3A_615 = vector.shape_cast %add3A_614 : vector<20x8x128xf32> to vector<20x1024xf32>
    %le3A_616 = vector.broadcast %sub3A_593 : vector<20x1xf32> to vector<20x1024xf32>
    %le3A_617 = arith.cmpf ole, %reshape3A_615, %le3A_616 : vector<20x1024xf32>
    %and3A = arith.andi %eq3A_585, %le3A_617 : vector<20x1024xi1>
    %or3A_618 = arith.ori %gt3A_584, %and3A : vector<20x1024xi1>
    %convert_element_type3A_619 = arith.extui %or3A_618 : vector<20x1024xi1> to vector<20x1024xi32>
    %convert_element_type3A_620 = arith.sitofp %convert_element_type3A_619 : vector<20x1024xi32> to vector<20x1024xf32>
    %iota3A_621 = tpu.iota {dimensions = array<i32: 0>} : vector<128x128xi32>
    %iota3A_622 = tpu.iota {dimensions = array<i32: 1>} : vector<128x128xi32>
    %le3A_623 = arith.cmpi sle, %iota3A_621, %iota3A_622 : vector<128x128xi32>
    %convert_element_type3A_624 = arith.extui %le3A_623 : vector<128x128xi1> to vector<128x128xi32>
    %convert_element_type3A_625 = arith.sitofp %convert_element_type3A_624 : vector<128x128xi32> to vector<128x128xf32>
    %reshape3A_626 = vector.shape_cast %convert_element_type3A_620 : vector<20x1024xf32> to vector<160x128xf32>
    %dot_general3A_627 = arith.constant dense<0.000000e+00> : vector<160x128xf32>
    %dot_general3A_628 = tpu.matmul %reshape3A_626, %convert_element_type3A_625, %dot_general3A_627 {dimension_numbers = #tpu.dot_dimension_numbers<[1], [0], [0], [1], [0, 0, 1, 1], [], []>, transpose_lhs_hint = false} : vector<160x128xf32>, vector<128x128xf32>, vector<160x128xf32> -> vector<160x128xf32>
    %reshape3A_629 = vector.shape_cast %dot_general3A_628 : vector<160x128xf32> to vector<20x8x128xf32>
    %reshape3A_630 = vector.shape_cast %convert_element_type3A_620 : vector<20x1024xf32> to vector<20x8x128xf32>
    %reduce_sum3A_631 = arith.constant dense<0.000000e+00> : vector<20x8xf32>
    %reduce_sum3A_632 = vector.multi_reduction <add>, %reshape3A_630, %reduce_sum3A_631 [2] : vector<20x8x128xf32> to vector<20x8xf32>
    %iota3A_633 = tpu.iota {dimensions = array<i32: 0>} : vector<8x8xi32>
    %iota3A_634 = tpu.iota {dimensions = array<i32: 1>} : vector<8x8xi32>
    %lt3A_635 = arith.cmpi slt, %iota3A_633, %iota3A_634 : vector<8x8xi32>
    %convert_element_type3A_636 = arith.extui %lt3A_635 : vector<8x8xi1> to vector<8x8xi32>
    %convert_element_type3A_637 = arith.sitofp %convert_element_type3A_636 : vector<8x8xi32> to vector<8x8xf32>
    %dot_general3A_638 = arith.constant dense<0.000000e+00> : vector<20x8xf32>
    %dot_general3A_639 = tpu.matmul %reduce_sum3A_632, %convert_element_type3A_637, %dot_general3A_638 {dimension_numbers = #tpu.dot_dimension_numbers<[1], [0], [0], [1], [0, 0, 1, 1], [], []>, transpose_lhs_hint = false} : vector<20x8xf32>, vector<8x8xf32>, vector<20x8xf32> -> vector<20x8xf32>
    %broadcast_in_dim3A_640 = vector.shape_cast %dot_general3A_639 : vector<20x8xf32> to vector<20x8x1xf32>
    %add3A_641 = vector.broadcast %broadcast_in_dim3A_640 : vector<20x8x1xf32> to vector<20x8x128xf32>
    %add3A_642 = arith.addf %reshape3A_629, %add3A_641 : vector<20x8x128xf32>
    %reshape3A_643 = vector.shape_cast %add3A_642 : vector<20x8x128xf32> to vector<20x1024xf32>
    %iota3A_644 = tpu.iota {dimensions = array<i32: 1>} : vector<1x8x1xi32>
    %convert_element_type3A_645 = arith.sitofp %iota3A_644 : vector<1x8x1xi32> to vector<1x8x1xf32>
    %add3A_646 = arith.constant 0.000000e+00 : f32
    %add3A_647 = vector.broadcast %add3A_646 : f32 to vector<1x8x1xf32>
    %add3A_648 = arith.addf %convert_element_type3A_645, %add3A_647 : vector<1x8x1xf32>
    %broadcast_in_dim3A_649 = vector.shape_cast %reshape3A_643 : vector<20x1024xf32> to vector<20x1x1024xf32>
    %le3A_650 = vector.broadcast %broadcast_in_dim3A_649 : vector<20x1x1024xf32> to vector<20x8x1024xf32>
    %le3A_651 = vector.broadcast %add3A_648 : vector<1x8x1xf32> to vector<20x8x1024xf32>
    %le3A_652 = arith.cmpf ole, %le3A_650, %le3A_651 : vector<20x8x1024xf32>
    %convert_element_type3A_653 = arith.extui %le3A_652 : vector<20x8x1024xi1> to vector<20x8x1024xi32>
    %convert_element_type3A_654 = arith.sitofp %convert_element_type3A_653 : vector<20x8x1024xi32> to vector<20x8x1024xf32>
    %reduce_sum3A_655 = arith.constant dense<0.000000e+00> : vector<20x8xf32>
    %reduce_sum3A_656 = vector.multi_reduction <add>, %convert_element_type3A_654, %reduce_sum3A_655 [2] : vector<20x8x1024xf32> to vector<20x8xf32>
    %iota3A_657 = tpu.iota {dimensions = array<i32: 1>} : vector<1x8x1xi32>
    %convert_element_type3A_658 = arith.sitofp %iota3A_657 : vector<1x8x1xi32> to vector<1x8x1xf32>
    %add3A_659 = arith.constant 8.000000e+00 : f32
    %add3A_660 = vector.broadcast %add3A_659 : f32 to vector<1x8x1xf32>
    %add3A_661 = arith.addf %convert_element_type3A_658, %add3A_660 : vector<1x8x1xf32>
    %broadcast_in_dim3A_662 = vector.shape_cast %reshape3A_643 : vector<20x1024xf32> to vector<20x1x1024xf32>
    %le3A_663 = vector.broadcast %broadcast_in_dim3A_662 : vector<20x1x1024xf32> to vector<20x8x1024xf32>
    %le3A_664 = vector.broadcast %add3A_661 : vector<1x8x1xf32> to vector<20x8x1024xf32>
    %le3A_665 = arith.cmpf ole, %le3A_663, %le3A_664 : vector<20x8x1024xf32>
    %convert_element_type3A_666 = arith.extui %le3A_665 : vector<20x8x1024xi1> to vector<20x8x1024xi32>
    %convert_element_type3A_667 = arith.sitofp %convert_element_type3A_666 : vector<20x8x1024xi32> to vector<20x8x1024xf32>
    %reduce_sum3A_668 = arith.constant dense<0.000000e+00> : vector<20x8xf32>
    %reduce_sum3A_669 = vector.multi_reduction <add>, %convert_element_type3A_667, %reduce_sum3A_668 [2] : vector<20x8x1024xf32> to vector<20x8xf32>
    %iota3A_670 = tpu.iota {dimensions = array<i32: 1>} : vector<1x8x1xi32>
    %convert_element_type3A_671 = arith.sitofp %iota3A_670 : vector<1x8x1xi32> to vector<1x8x1xf32>
    %add3A_672 = arith.constant 1.600000e+01 : f32
    %add3A_673 = vector.broadcast %add3A_672 : f32 to vector<1x8x1xf32>
    %add3A_674 = arith.addf %convert_element_type3A_671, %add3A_673 : vector<1x8x1xf32>
    %broadcast_in_dim3A_675 = vector.shape_cast %reshape3A_643 : vector<20x1024xf32> to vector<20x1x1024xf32>
    %le3A_676 = vector.broadcast %broadcast_in_dim3A_675 : vector<20x1x1024xf32> to vector<20x8x1024xf32>
    %le3A_677 = vector.broadcast %add3A_674 : vector<1x8x1xf32> to vector<20x8x1024xf32>
    %le3A_678 = arith.cmpf ole, %le3A_676, %le3A_677 : vector<20x8x1024xf32>
    %convert_element_type3A_679 = arith.extui %le3A_678 : vector<20x8x1024xi1> to vector<20x8x1024xi32>
    %convert_element_type3A_680 = arith.sitofp %convert_element_type3A_679 : vector<20x8x1024xi32> to vector<20x8x1024xf32>
    %reduce_sum3A_681 = arith.constant dense<0.000000e+00> : vector<20x8xf32>
    %reduce_sum3A_682 = vector.multi_reduction <add>, %convert_element_type3A_680, %reduce_sum3A_681 [2] : vector<20x8x1024xf32> to vector<20x8xf32>
    %iota3A_683 = tpu.iota {dimensions = array<i32: 1>} : vector<1x8x1xi32>
    %convert_element_type3A_684 = arith.sitofp %iota3A_683 : vector<1x8x1xi32> to vector<1x8x1xf32>
    %add3A_685 = arith.constant 2.400000e+01 : f32
    %add3A_686 = vector.broadcast %add3A_685 : f32 to vector<1x8x1xf32>
    %add3A_687 = arith.addf %convert_element_type3A_684, %add3A_686 : vector<1x8x1xf32>
    %broadcast_in_dim3A_688 = vector.shape_cast %reshape3A_643 : vector<20x1024xf32> to vector<20x1x1024xf32>
    %le3A_689 = vector.broadcast %broadcast_in_dim3A_688 : vector<20x1x1024xf32> to vector<20x8x1024xf32>
    %le3A_690 = vector.broadcast %add3A_687 : vector<1x8x1xf32> to vector<20x8x1024xf32>
    %le3A_691 = arith.cmpf ole, %le3A_689, %le3A_690 : vector<20x8x1024xf32>
    %convert_element_type3A_692 = arith.extui %le3A_691 : vector<20x8x1024xi1> to vector<20x8x1024xi32>
    %convert_element_type3A_693 = arith.sitofp %convert_element_type3A_692 : vector<20x8x1024xi32> to vector<20x8x1024xf32>
    %reduce_sum3A_694 = arith.constant dense<0.000000e+00> : vector<20x8xf32>
    %reduce_sum3A_695 = vector.multi_reduction <add>, %convert_element_type3A_693, %reduce_sum3A_694 [2] : vector<20x8x1024xf32> to vector<20x8xf32>
    %iota3A_696 = tpu.iota {dimensions = array<i32: 1>} : vector<1x8x1xi32>
    %convert_element_type3A_697 = arith.sitofp %iota3A_696 : vector<1x8x1xi32> to vector<1x8x1xf32>
    %add3A_698 = arith.constant 3.200000e+01 : f32
    %add3A_699 = vector.broadcast %add3A_698 : f32 to vector<1x8x1xf32>
    %add3A_700 = arith.addf %convert_element_type3A_697, %add3A_699 : vector<1x8x1xf32>
    %broadcast_in_dim3A_701 = vector.shape_cast %reshape3A_643 : vector<20x1024xf32> to vector<20x1x1024xf32>
    %le3A_702 = vector.broadcast %broadcast_in_dim3A_701 : vector<20x1x1024xf32> to vector<20x8x1024xf32>
    %le3A_703 = vector.broadcast %add3A_700 : vector<1x8x1xf32> to vector<20x8x1024xf32>
    %le3A_704 = arith.cmpf ole, %le3A_702, %le3A_703 : vector<20x8x1024xf32>
    %convert_element_type3A_705 = arith.extui %le3A_704 : vector<20x8x1024xi1> to vector<20x8x1024xi32>
    %convert_element_type3A_706 = arith.sitofp %convert_element_type3A_705 : vector<20x8x1024xi32> to vector<20x8x1024xf32>
    %reduce_sum3A_707 = arith.constant dense<0.000000e+00> : vector<20x8xf32>
    %reduce_sum3A_708 = vector.multi_reduction <add>, %convert_element_type3A_706, %reduce_sum3A_707 [2] : vector<20x8x1024xf32> to vector<20x8xf32>
    %iota3A_709 = tpu.iota {dimensions = array<i32: 1>} : vector<1x8x1xi32>
    %convert_element_type3A_710 = arith.sitofp %iota3A_709 : vector<1x8x1xi32> to vector<1x8x1xf32>
    %add3A_711 = arith.constant 4.000000e+01 : f32
    %add3A_712 = vector.broadcast %add3A_711 : f32 to vector<1x8x1xf32>
    %add3A_713 = arith.addf %convert_element_type3A_710, %add3A_712 : vector<1x8x1xf32>
    %broadcast_in_dim3A_714 = vector.shape_cast %reshape3A_643 : vector<20x1024xf32> to vector<20x1x1024xf32>
    %le3A_715 = vector.broadcast %broadcast_in_dim3A_714 : vector<20x1x1024xf32> to vector<20x8x1024xf32>
    %le3A_716 = vector.broadcast %add3A_713 : vector<1x8x1xf32> to vector<20x8x1024xf32>
    %le3A_717 = arith.cmpf ole, %le3A_715, %le3A_716 : vector<20x8x1024xf32>
    %convert_element_type3A_718 = arith.extui %le3A_717 : vector<20x8x1024xi1> to vector<20x8x1024xi32>
    %convert_element_type3A_719 = arith.sitofp %convert_element_type3A_718 : vector<20x8x1024xi32> to vector<20x8x1024xf32>
    %reduce_sum3A_720 = arith.constant dense<0.000000e+00> : vector<20x8xf32>
    %reduce_sum3A_721 = vector.multi_reduction <add>, %convert_element_type3A_719, %reduce_sum3A_720 [2] : vector<20x8x1024xf32> to vector<20x8xf32>
    %iota3A_722 = tpu.iota {dimensions = array<i32: 1>} : vector<1x8x1xi32>
    %convert_element_type3A_723 = arith.sitofp %iota3A_722 : vector<1x8x1xi32> to vector<1x8x1xf32>
    %add3A_724 = arith.constant 4.800000e+01 : f32
    %add3A_725 = vector.broadcast %add3A_724 : f32 to vector<1x8x1xf32>
    %add3A_726 = arith.addf %convert_element_type3A_723, %add3A_725 : vector<1x8x1xf32>
    %broadcast_in_dim3A_727 = vector.shape_cast %reshape3A_643 : vector<20x1024xf32> to vector<20x1x1024xf32>
    %le3A_728 = vector.broadcast %broadcast_in_dim3A_727 : vector<20x1x1024xf32> to vector<20x8x1024xf32>
    %le3A_729 = vector.broadcast %add3A_726 : vector<1x8x1xf32> to vector<20x8x1024xf32>
    %le3A_730 = arith.cmpf ole, %le3A_728, %le3A_729 : vector<20x8x1024xf32>
    %convert_element_type3A_731 = arith.extui %le3A_730 : vector<20x8x1024xi1> to vector<20x8x1024xi32>
    %convert_element_type3A_732 = arith.sitofp %convert_element_type3A_731 : vector<20x8x1024xi32> to vector<20x8x1024xf32>
    %reduce_sum3A_733 = arith.constant dense<0.000000e+00> : vector<20x8xf32>
    %reduce_sum3A_734 = vector.multi_reduction <add>, %convert_element_type3A_732, %reduce_sum3A_733 [2] : vector<20x8x1024xf32> to vector<20x8xf32>
    %iota3A_735 = tpu.iota {dimensions = array<i32: 1>} : vector<1x8x1xi32>
    %convert_element_type3A_736 = arith.sitofp %iota3A_735 : vector<1x8x1xi32> to vector<1x8x1xf32>
    %add3A_737 = arith.constant 5.600000e+01 : f32
    %add3A_738 = vector.broadcast %add3A_737 : f32 to vector<1x8x1xf32>
    %add3A_739 = arith.addf %convert_element_type3A_736, %add3A_738 : vector<1x8x1xf32>
    %broadcast_in_dim3A_740 = vector.shape_cast %reshape3A_643 : vector<20x1024xf32> to vector<20x1x1024xf32>
    %le3A_741 = vector.broadcast %broadcast_in_dim3A_740 : vector<20x1x1024xf32> to vector<20x8x1024xf32>
    %le3A_742 = vector.broadcast %add3A_739 : vector<1x8x1xf32> to vector<20x8x1024xf32>
    %le3A_743 = arith.cmpf ole, %le3A_741, %le3A_742 : vector<20x8x1024xf32>
    %convert_element_type3A_744 = arith.extui %le3A_743 : vector<20x8x1024xi1> to vector<20x8x1024xi32>
    %convert_element_type3A_745 = arith.sitofp %convert_element_type3A_744 : vector<20x8x1024xi32> to vector<20x8x1024xf32>
    %reduce_sum3A_746 = arith.constant dense<0.000000e+00> : vector<20x8xf32>
    %reduce_sum3A_747 = vector.multi_reduction <add>, %convert_element_type3A_745, %reduce_sum3A_746 [2] : vector<20x8x1024xf32> to vector<20x8xf32>
    %concatenate3A = tpu.concatenate %reduce_sum3A_656, %reduce_sum3A_669, %reduce_sum3A_682, %reduce_sum3A_695, %reduce_sum3A_708, %reduce_sum3A_721, %reduce_sum3A_734, %reduce_sum3A_747 in 1 : vector<20x8xf32>, vector<20x8xf32>, vector<20x8xf32>, vector<20x8xf32>, vector<20x8xf32>, vector<20x8xf32>, vector<20x8xf32>, vector<20x8xf32> -> vector<20x64xf32>
    %convert_element_type3A_748 = arith.fptosi %concatenate3A : vector<20x64xf32> to vector<20x64xi32>
    %mul3A_749 = arith.constant 1024 : i32
    %mul3A_750 = arith.muli %arg0, %mul3A_749 : i32
    %add3A_751 = vector.broadcast %mul3A_750 : i32 to vector<20x64xi32>
    %add3A_752 = arith.addi %convert_element_type3A_748, %add3A_751 : vector<20x64xi32>
    %reshape3A_753 = vector.shape_cast %add3A_752 : vector<20x64xi32> to vector<1x1x20x64xi32>
    %swap3A = arith.constant 0 : index
    %swap3A_754 = arith.constant 0 : index
    %swap3A_755 = arith.constant 0 : index
    %swap3A_756 = arith.constant 0 : index
    %swap3A_757 = vector.load %arg5[%swap3A, %swap3A_754, %swap3A_755, %swap3A_756] : memref<1x1x20x64xi32, #tpu.memory_space<vmem>>, vector<1x1x20x64xi32>
    tpu.vector_store %arg5[%swap3A, %swap3A_754, %swap3A_755, %swap3A_756], %reshape3A_753 {strides = array<i32>} : memref<1x1x20x64xi32, #tpu.memory_space<vmem>>, vector<1x1x20x64xi32>,
    return
  }
  func.func @transform_0(%arg0: i32) -> (i32, i32) {
    %c0_i32 = arith.constant 0 : i32
    %c0_i32_0 = arith.constant 0 : i32
    return %arg0, %c0_i32 : i32, i32
  }
  func.func @transform_1(%arg0: i32) -> (i32, i32, i32) {
    %jit3A = arith.constant 4 : i32
    %div3A = arith.divsi %arg0, %jit3A : i32
    %sign3A = arith.constant 0 : i32
    %sign3A_0 = arith.cmpi sgt, %arg0, %sign3A : i32
    %sign3A_1 = arith.extui %sign3A_0 : i1 to i32
    %sign3A_2 = arith.constant 0 : i32
    %sign3A_3 = arith.cmpi slt, %arg0, %sign3A_2 : i32
    %sign3A_4 = arith.extui %sign3A_3 : i1 to i32
    %sign3A_5 = arith.subi %sign3A_1, %sign3A_4 : i32
    %sign3A_6 = arith.constant 0 : i32
    %sign3A_7 = arith.cmpi sgt, %jit3A, %sign3A_6 : i32
    %sign3A_8 = arith.extui %sign3A_7 : i1 to i32
    %sign3A_9 = arith.constant 0 : i32
    %sign3A_10 = arith.cmpi slt, %jit3A, %sign3A_9 : i32
    %sign3A_11 = arith.extui %sign3A_10 : i1 to i32
    %sign3A_12 = arith.subi %sign3A_8, %sign3A_11 : i32
    %ne3A = arith.cmpi ne, %sign3A_5, %sign3A_12 : i32
    %rem3A = arith.remsi %arg0, %jit3A : i32
    %ne3A_13 = arith.constant 0 : i32
    %ne3A_14 = arith.cmpi ne, %rem3A, %ne3A_13 : i32
    %and3A = arith.andi %ne3A, %ne3A_14 : i1
    %sub3A = arith.constant 1 : i32
    %sub3A_15 = arith.subi %div3A, %sub3A : i32
    %select_n3A = arith.select %and3A, %sub3A_15, %div3A : i32
    %c0_i32 = arith.constant 0 : i32
    %c0_i32_16 = arith.constant 0 : i32
    %c0_i32_17 = arith.constant 0 : i32
    return %select_n3A, %c0_i32, %c0_i32_16 : i32, i32, i32
  }
  func.func @transform_2(%arg0: i32) -> (i32, i32) {
    %c0_i32 = arith.constant 0 : i32
    %c0_i32_0 = arith.constant 0 : i32
    %c0_i32_1 = arith.constant 0 : i32
    return %c0_i32, %c0_i32_0 : i32, i32
  }
  func.func @transform_3(%arg0: i32) -> (i32, i32) {
    %c0_i32 = arith.constant 0 : i32
    %c0_i32_0 = arith.constant 0 : i32
    %c0_i32_1 = arith.constant 0 : i32
    return %c0_i32, %c0_i32_0 : i32, i32
  }
  func.func @transform_4(%arg0: i32) -> (i32, i32, i32, i32) {
    %jit3A = arith.constant 4 : i32
    %div3A = arith.divsi %arg0, %jit3A : i32
    %sign3A = arith.constant 0 : i32
    %sign3A_0 = arith.cmpi sgt, %arg0, %sign3A : i32
    %sign3A_1 = arith.extui %sign3A_0 : i1 to i32
    %sign3A_2 = arith.constant 0 : i32
    %sign3A_3 = arith.cmpi slt, %arg0, %sign3A_2 : i32
    %sign3A_4 = arith.extui %sign3A_3 : i1 to i32
    %sign3A_5 = arith.subi %sign3A_1, %sign3A_4 : i32
    %sign3A_6 = arith.constant 0 : i32
    %sign3A_7 = arith.cmpi sgt, %jit3A, %sign3A_6 : i32
    %sign3A_8 = arith.extui %sign3A_7 : i1 to i32
    %sign3A_9 = arith.constant 0 : i32
    %sign3A_10 = arith.cmpi slt, %jit3A, %sign3A_9 : i32
    %sign3A_11 = arith.extui %sign3A_10 : i1 to i32
    %sign3A_12 = arith.subi %sign3A_8, %sign3A_11 : i32
    %ne3A = arith.cmpi ne, %sign3A_5, %sign3A_12 : i32
    %rem3A = arith.remsi %arg0, %jit3A : i32
    %ne3A_13 = arith.constant 0 : i32
    %ne3A_14 = arith.cmpi ne, %rem3A, %ne3A_13 : i32
    %and3A = arith.andi %ne3A, %ne3A_14 : i1
    %sub3A = arith.constant 1 : i32
    %sub3A_15 = arith.subi %div3A, %sub3A : i32
    %select_n3A = arith.select %and3A, %sub3A_15, %div3A : i32
    %jit3A_16 = arith.constant 4 : i32
    %eq3A = arith.constant 0 : i32
    %eq3A_17 = arith.cmpi eq, %jit3A_16, %eq3A : i32
    %jit3A_18 = arith.constant 1 : i32
    %select_n3A_19 = arith.select %eq3A_17, %jit3A_18, %jit3A_16 : i32
    %rem3A_20 = arith.remsi %arg0, %select_n3A_19 : i32
    %ne3A_21 = arith.constant 0 : i32
    %ne3A_22 = arith.cmpi ne, %rem3A_20, %ne3A_21 : i32
    %lt3A = arith.constant 0 : i32
    %lt3A_23 = arith.cmpi slt, %rem3A_20, %lt3A : i32
    %lt3A_24 = arith.constant 0 : i32
    %lt3A_25 = arith.cmpi slt, %select_n3A_19, %lt3A_24 : i32
    %ne3A_26 = arith.xori %lt3A_23, %lt3A_25 : i1
    %and3A_27 = arith.andi %ne3A_26, %ne3A_22 : i1
    %add3A = arith.addi %rem3A_20, %select_n3A_19 : i32
    %select_n3A_28 = arith.select %and3A_27, %add3A, %rem3A_20 : i32
    %c0_i32 = arith.constant 0 : i32
    %c0_i32_29 = arith.constant 0 : i32
    %c0_i32_30 = arith.constant 0 : i32
    return %select_n3A, %select_n3A_28, %c0_i32, %c0_i32_29 : i32, i32, i32, i32
  }
}

module attributes {stable_mosaic.version = 14 : i64} {
  func.func @_frame_body(%arg0: i32, %arg1: memref<4096x256xf32, #tpu.memory_space<vmem>>, %arg2: memref<1x20x256xf32, #tpu.memory_space<vmem>>, %arg3: memref<1x256xf32, #tpu.memory_space<vmem>>, %arg4: memref<1x256xf32, #tpu.memory_space<vmem>>, %arg5: memref<1x1x20x256xi32, #tpu.memory_space<vmem>>) attributes {dimension_semantics = [#tpu.dimension_semantics<arbitrary>], iteration_bounds = array<i64: 8>, scalar_prefetch = 0 : i64, scratch_operands = 0 : i64, tpu.core_type = #tpu.core_type<tc>, window_params = [{transform_indices = @transform_0, window_bounds = array<i64: 4096, 256>}, {transform_indices = @transform_1, window_bounds = array<i64: 1, 20, 256>}, {pipeline_mode = #tpu.pipeline_mode<synchronous>, transform_indices = @transform_2, window_bounds = array<i64: 1, 256>}, {pipeline_mode = #tpu.pipeline_mode<synchronous>, transform_indices = @transform_3, window_bounds = array<i64: 1, 256>}, {transform_indices = @transform_4, window_bounds = array<i64: 1, 1, 20, 256>}]} {
    %get3A = arith.constant 0 : index
    %get3A_0 = arith.constant 0 : index
    %get3A_1 = arith.constant 0 : index
    %get3A_2 = vector.load %arg2[%get3A, %get3A_0, %get3A_1] : memref<1x20x256xf32, #tpu.memory_space<vmem>>, vector<1x20x256xf32>
    %reshape3A = vector.shape_cast %get3A_2 : vector<1x20x256xf32> to vector<20x256xf32>
    %reduce_sum3A = arith.constant dense<0.000000e+00> : vector<20xf32>
    %reduce_sum3A_3 = vector.multi_reduction <add>, %reshape3A, %reduce_sum3A [1] : vector<20x256xf32> to vector<20xf32>
    %broadcast_in_dim3A = vector.shape_cast %reduce_sum3A_3 : vector<20xf32> to vector<20x1xf32>
    %div3A = arith.constant 2.560000e+02 : f32
    %div3A_4 = vector.broadcast %div3A : f32 to vector<20x1xf32>
    %div3A_5 = arith.divf %broadcast_in_dim3A, %div3A_4 : vector<20x1xf32>
    %sub3A = vector.broadcast %div3A_5 : vector<20x1xf32> to vector<20x256xf32>
    %sub3A_6 = arith.subf %reshape3A, %sub3A : vector<20x256xf32>
    %integer_pow3A = arith.mulf %sub3A_6, %sub3A_6 : vector<20x256xf32>
    %reduce_sum3A_7 = arith.constant dense<0.000000e+00> : vector<20xf32>
    %reduce_sum3A_8 = vector.multi_reduction <add>, %integer_pow3A, %reduce_sum3A_7 [1] : vector<20x256xf32> to vector<20xf32>
    %broadcast_in_dim3A_9 = vector.shape_cast %reduce_sum3A_8 : vector<20xf32> to vector<20x1xf32>
    %div3A_10 = arith.constant 2.560000e+02 : f32
    %div3A_11 = vector.broadcast %div3A_10 : f32 to vector<20x1xf32>
    %div3A_12 = arith.divf %broadcast_in_dim3A_9, %div3A_11 : vector<20x1xf32>
    %sub3A_13 = vector.broadcast %div3A_5 : vector<20x1xf32> to vector<20x256xf32>
    %sub3A_14 = arith.subf %reshape3A, %sub3A_13 : vector<20x256xf32>
    %add3A = arith.constant 9.99999974E-6 : f32
    %add3A_15 = vector.broadcast %add3A : f32 to vector<20x1xf32>
    %add3A_16 = arith.addf %div3A_12, %add3A_15 : vector<20x1xf32>
    %sqrt3A = math.sqrt %add3A_16 : vector<20x1xf32>
    %div3A_17 = vector.broadcast %sqrt3A : vector<20x1xf32> to vector<20x256xf32>
    %div3A_18 = arith.divf %sub3A_14, %div3A_17 : vector<20x256xf32>
    %get3A_19 = arith.constant 0 : index
    %get3A_20 = arith.constant 0 : index
    %get3A_21 = vector.load %arg3[%get3A_19, %get3A_20] : memref<1x256xf32, #tpu.memory_space<vmem>>, vector<1x256xf32>
    %mul3A = vector.broadcast %get3A_21 : vector<1x256xf32> to vector<20x256xf32>
    %mul3A_22 = arith.mulf %div3A_18, %mul3A : vector<20x256xf32>
    %get3A_23 = arith.constant 0 : index
    %get3A_24 = arith.constant 0 : index
    %get3A_25 = vector.load %arg4[%get3A_23, %get3A_24] : memref<1x256xf32, #tpu.memory_space<vmem>>, vector<1x256xf32>
    %add3A_26 = vector.broadcast %get3A_25 : vector<1x256xf32> to vector<20x256xf32>
    %add3A_27 = arith.addf %mul3A_22, %add3A_26 : vector<20x256xf32>
    %get3A_28 = arith.constant 0 : index
    %get3A_29 = arith.constant 0 : index
    %get3A_30 = vector.load %arg1[%get3A_28, %get3A_29] : memref<4096x256xf32, #tpu.memory_space<vmem>>, vector<4096x256xf32>
    %transpose3A = tpu.transpose %add3A_27, [1, 0] : vector<20x256xf32> -> vector<256x20xf32>
    %dot_general3A = arith.constant dense<0.000000e+00> : vector<4096x20xf32>
    %dot_general3A_31 = tpu.matmul %get3A_30, %transpose3A, %dot_general3A {dimension_numbers = #tpu.dot_dimension_numbers<[1], [0], [0], [1], [0, 0, 1, 1], [], []>, transpose_lhs_hint = false} : vector<4096x256xf32>, vector<256x20xf32>, vector<4096x20xf32> -> vector<4096x20xf32>
    %transpose3A_32 = tpu.transpose %dot_general3A_31, [1, 0] : vector<4096x20xf32> -> vector<20x4096xf32>
    %bitcast_convert_type3A = tpu.bitcast %transpose3A_32 : vector<20x4096xf32> -> vector<20x4096xi32>
    %ge3A = arith.constant 0 : i32
    %ge3A_33 = vector.broadcast %ge3A : i32 to vector<20x4096xi32>
    %ge3A_34 = arith.cmpi sge, %bitcast_convert_type3A, %ge3A_33 : vector<20x4096xi32>
    %xor3A = arith.constant 2147483647 : i32
    %xor3A_35 = vector.broadcast %xor3A : i32 to vector<20x4096xi32>
    %xor3A_36 = arith.xori %bitcast_convert_type3A, %xor3A_35 : vector<20x4096xi32>
    %select_n3A = arith.select %ge3A_34, %bitcast_convert_type3A, %xor3A_36 : vector<20x4096xi1>, vector<20x4096xi32>
    %broadcast_in_dim3A_37 = arith.constant 0 : i32
    %broadcast_in_dim3A_38 = vector.broadcast %broadcast_in_dim3A_37 : i32 to vector<20x1xi32>
    %or3A = arith.constant -2147483648 : i32
    %or3A_39 = vector.broadcast %or3A : i32 to vector<20x1xi32>
    %or3A_40 = arith.ori %broadcast_in_dim3A_38, %or3A_39 : vector<20x1xi32>
    %xor3A_41 = arith.constant -2147483648 : i32
    %xor3A_42 = vector.broadcast %xor3A_41 : i32 to vector<20x1xi32>
    %xor3A_43 = arith.xori %or3A_40, %xor3A_42 : vector<20x1xi32>
    %ge3A_44 = vector.broadcast %xor3A_43 : vector<20x1xi32> to vector<20x4096xi32>
    %ge3A_45 = arith.cmpi sge, %select_n3A, %ge3A_44 : vector<20x4096xi32>
    %convert_element_type3A = arith.extui %ge3A_45 : vector<20x4096xi1> to vector<20x4096xi32>
    %convert_element_type3A_46 = arith.sitofp %convert_element_type3A : vector<20x4096xi32> to vector<20x4096xf32>
    %reduce_sum3A_47 = arith.constant dense<0.000000e+00> : vector<20xf32>
    %reduce_sum3A_48 = vector.multi_reduction <add>, %convert_element_type3A_46, %reduce_sum3A_47 [1] : vector<20x4096xf32> to vector<20xf32>
    %broadcast_in_dim3A_49 = vector.shape_cast %reduce_sum3A_48 : vector<20xf32> to vector<20x1xf32>
    %ge3A_50 = arith.constant 2.560000e+02 : f32
    %ge3A_51 = vector.broadcast %ge3A_50 : f32 to vector<20x1xf32>
    %ge3A_52 = arith.cmpf oge, %broadcast_in_dim3A_49, %ge3A_51 : vector<20x1xf32>
    %select_n3A_53 = arith.select %ge3A_52, %or3A_40, %broadcast_in_dim3A_38 : vector<20x1xi1>, vector<20x1xi32>
    %or3A_54 = arith.constant 1073741824 : i32
    %or3A_55 = vector.broadcast %or3A_54 : i32 to vector<20x1xi32>
    %or3A_56 = arith.ori %select_n3A_53, %or3A_55 : vector<20x1xi32>
    %xor3A_57 = arith.constant -2147483648 : i32
    %xor3A_58 = vector.broadcast %xor3A_57 : i32 to vector<20x1xi32>
    %xor3A_59 = arith.xori %or3A_56, %xor3A_58 : vector<20x1xi32>
    %ge3A_60 = vector.broadcast %xor3A_59 : vector<20x1xi32> to vector<20x4096xi32>
    %ge3A_61 = arith.cmpi sge, %select_n3A, %ge3A_60 : vector<20x4096xi32>
    %convert_element_type3A_62 = arith.extui %ge3A_61 : vector<20x4096xi1> to vector<20x4096xi32>
    %convert_element_type3A_63 = arith.sitofp %convert_element_type3A_62 : vector<20x4096xi32> to vector<20x4096xf32>
    %reduce_sum3A_64 = arith.constant dense<0.000000e+00> : vector<20xf32>
    %reduce_sum3A_65 = vector.multi_reduction <add>, %convert_element_type3A_63, %reduce_sum3A_64 [1] : vector<20x4096xf32> to vector<20xf32>
    %broadcast_in_dim3A_66 = vector.shape_cast %reduce_sum3A_65 : vector<20xf32> to vector<20x1xf32>
    %ge3A_67 = arith.constant 2.560000e+02 : f32
    %ge3A_68 = vector.broadcast %ge3A_67 : f32 to vector<20x1xf32>
    %ge3A_69 = arith.cmpf oge, %broadcast_in_dim3A_66, %ge3A_68 : vector<20x1xf32>
    %select_n3A_70 = arith.select %ge3A_69, %or3A_56, %select_n3A_53 : vector<20x1xi1>, vector<20x1xi32>
    %or3A_71 = arith.constant 536870912 : i32
    %or3A_72 = vector.broadcast %or3A_71 : i32 to vector<20x1xi32>
    %or3A_73 = arith.ori %select_n3A_70, %or3A_72 : vector<20x1xi32>
    %xor3A_74 = arith.constant -2147483648 : i32
    %xor3A_75 = vector.broadcast %xor3A_74 : i32 to vector<20x1xi32>
    %xor3A_76 = arith.xori %or3A_73, %xor3A_75 : vector<20x1xi32>
    %ge3A_77 = vector.broadcast %xor3A_76 : vector<20x1xi32> to vector<20x4096xi32>
    %ge3A_78 = arith.cmpi sge, %select_n3A, %ge3A_77 : vector<20x4096xi32>
    %convert_element_type3A_79 = arith.extui %ge3A_78 : vector<20x4096xi1> to vector<20x4096xi32>
    %convert_element_type3A_80 = arith.sitofp %convert_element_type3A_79 : vector<20x4096xi32> to vector<20x4096xf32>
    %reduce_sum3A_81 = arith.constant dense<0.000000e+00> : vector<20xf32>
    %reduce_sum3A_82 = vector.multi_reduction <add>, %convert_element_type3A_80, %reduce_sum3A_81 [1] : vector<20x4096xf32> to vector<20xf32>
    %broadcast_in_dim3A_83 = vector.shape_cast %reduce_sum3A_82 : vector<20xf32> to vector<20x1xf32>
    %ge3A_84 = arith.constant 2.560000e+02 : f32
    %ge3A_85 = vector.broadcast %ge3A_84 : f32 to vector<20x1xf32>
    %ge3A_86 = arith.cmpf oge, %broadcast_in_dim3A_83, %ge3A_85 : vector<20x1xf32>
    %select_n3A_87 = arith.select %ge3A_86, %or3A_73, %select_n3A_70 : vector<20x1xi1>, vector<20x1xi32>
    %or3A_88 = arith.constant 268435456 : i32
    %or3A_89 = vector.broadcast %or3A_88 : i32 to vector<20x1xi32>
    %or3A_90 = arith.ori %select_n3A_87, %or3A_89 : vector<20x1xi32>
    %xor3A_91 = arith.constant -2147483648 : i32
    %xor3A_92 = vector.broadcast %xor3A_91 : i32 to vector<20x1xi32>
    %xor3A_93 = arith.xori %or3A_90, %xor3A_92 : vector<20x1xi32>
    %ge3A_94 = vector.broadcast %xor3A_93 : vector<20x1xi32> to vector<20x4096xi32>
    %ge3A_95 = arith.cmpi sge, %select_n3A, %ge3A_94 : vector<20x4096xi32>
    %convert_element_type3A_96 = arith.extui %ge3A_95 : vector<20x4096xi1> to vector<20x4096xi32>
    %convert_element_type3A_97 = arith.sitofp %convert_element_type3A_96 : vector<20x4096xi32> to vector<20x4096xf32>
    %reduce_sum3A_98 = arith.constant dense<0.000000e+00> : vector<20xf32>
    %reduce_sum3A_99 = vector.multi_reduction <add>, %convert_element_type3A_97, %reduce_sum3A_98 [1] : vector<20x4096xf32> to vector<20xf32>
    %broadcast_in_dim3A_100 = vector.shape_cast %reduce_sum3A_99 : vector<20xf32> to vector<20x1xf32>
    %ge3A_101 = arith.constant 2.560000e+02 : f32
    %ge3A_102 = vector.broadcast %ge3A_101 : f32 to vector<20x1xf32>
    %ge3A_103 = arith.cmpf oge, %broadcast_in_dim3A_100, %ge3A_102 : vector<20x1xf32>
    %select_n3A_104 = arith.select %ge3A_103, %or3A_90, %select_n3A_87 : vector<20x1xi1>, vector<20x1xi32>
    %or3A_105 = arith.constant 134217728 : i32
    %or3A_106 = vector.broadcast %or3A_105 : i32 to vector<20x1xi32>
    %or3A_107 = arith.ori %select_n3A_104, %or3A_106 : vector<20x1xi32>
    %xor3A_108 = arith.constant -2147483648 : i32
    %xor3A_109 = vector.broadcast %xor3A_108 : i32 to vector<20x1xi32>
    %xor3A_110 = arith.xori %or3A_107, %xor3A_109 : vector<20x1xi32>
    %ge3A_111 = vector.broadcast %xor3A_110 : vector<20x1xi32> to vector<20x4096xi32>
    %ge3A_112 = arith.cmpi sge, %select_n3A, %ge3A_111 : vector<20x4096xi32>
    %convert_element_type3A_113 = arith.extui %ge3A_112 : vector<20x4096xi1> to vector<20x4096xi32>
    %convert_element_type3A_114 = arith.sitofp %convert_element_type3A_113 : vector<20x4096xi32> to vector<20x4096xf32>
    %reduce_sum3A_115 = arith.constant dense<0.000000e+00> : vector<20xf32>
    %reduce_sum3A_116 = vector.multi_reduction <add>, %convert_element_type3A_114, %reduce_sum3A_115 [1] : vector<20x4096xf32> to vector<20xf32>
    %broadcast_in_dim3A_117 = vector.shape_cast %reduce_sum3A_116 : vector<20xf32> to vector<20x1xf32>
    %ge3A_118 = arith.constant 2.560000e+02 : f32
    %ge3A_119 = vector.broadcast %ge3A_118 : f32 to vector<20x1xf32>
    %ge3A_120 = arith.cmpf oge, %broadcast_in_dim3A_117, %ge3A_119 : vector<20x1xf32>
    %select_n3A_121 = arith.select %ge3A_120, %or3A_107, %select_n3A_104 : vector<20x1xi1>, vector<20x1xi32>
    %or3A_122 = arith.constant 67108864 : i32
    %or3A_123 = vector.broadcast %or3A_122 : i32 to vector<20x1xi32>
    %or3A_124 = arith.ori %select_n3A_121, %or3A_123 : vector<20x1xi32>
    %xor3A_125 = arith.constant -2147483648 : i32
    %xor3A_126 = vector.broadcast %xor3A_125 : i32 to vector<20x1xi32>
    %xor3A_127 = arith.xori %or3A_124, %xor3A_126 : vector<20x1xi32>
    %ge3A_128 = vector.broadcast %xor3A_127 : vector<20x1xi32> to vector<20x4096xi32>
    %ge3A_129 = arith.cmpi sge, %select_n3A, %ge3A_128 : vector<20x4096xi32>
    %convert_element_type3A_130 = arith.extui %ge3A_129 : vector<20x4096xi1> to vector<20x4096xi32>
    %convert_element_type3A_131 = arith.sitofp %convert_element_type3A_130 : vector<20x4096xi32> to vector<20x4096xf32>
    %reduce_sum3A_132 = arith.constant dense<0.000000e+00> : vector<20xf32>
    %reduce_sum3A_133 = vector.multi_reduction <add>, %convert_element_type3A_131, %reduce_sum3A_132 [1] : vector<20x4096xf32> to vector<20xf32>
    %broadcast_in_dim3A_134 = vector.shape_cast %reduce_sum3A_133 : vector<20xf32> to vector<20x1xf32>
    %ge3A_135 = arith.constant 2.560000e+02 : f32
    %ge3A_136 = vector.broadcast %ge3A_135 : f32 to vector<20x1xf32>
    %ge3A_137 = arith.cmpf oge, %broadcast_in_dim3A_134, %ge3A_136 : vector<20x1xf32>
    %select_n3A_138 = arith.select %ge3A_137, %or3A_124, %select_n3A_121 : vector<20x1xi1>, vector<20x1xi32>
    %or3A_139 = arith.constant 33554432 : i32
    %or3A_140 = vector.broadcast %or3A_139 : i32 to vector<20x1xi32>
    %or3A_141 = arith.ori %select_n3A_138, %or3A_140 : vector<20x1xi32>
    %xor3A_142 = arith.constant -2147483648 : i32
    %xor3A_143 = vector.broadcast %xor3A_142 : i32 to vector<20x1xi32>
    %xor3A_144 = arith.xori %or3A_141, %xor3A_143 : vector<20x1xi32>
    %ge3A_145 = vector.broadcast %xor3A_144 : vector<20x1xi32> to vector<20x4096xi32>
    %ge3A_146 = arith.cmpi sge, %select_n3A, %ge3A_145 : vector<20x4096xi32>
    %convert_element_type3A_147 = arith.extui %ge3A_146 : vector<20x4096xi1> to vector<20x4096xi32>
    %convert_element_type3A_148 = arith.sitofp %convert_element_type3A_147 : vector<20x4096xi32> to vector<20x4096xf32>
    %reduce_sum3A_149 = arith.constant dense<0.000000e+00> : vector<20xf32>
    %reduce_sum3A_150 = vector.multi_reduction <add>, %convert_element_type3A_148, %reduce_sum3A_149 [1] : vector<20x4096xf32> to vector<20xf32>
    %broadcast_in_dim3A_151 = vector.shape_cast %reduce_sum3A_150 : vector<20xf32> to vector<20x1xf32>
    %ge3A_152 = arith.constant 2.560000e+02 : f32
    %ge3A_153 = vector.broadcast %ge3A_152 : f32 to vector<20x1xf32>
    %ge3A_154 = arith.cmpf oge, %broadcast_in_dim3A_151, %ge3A_153 : vector<20x1xf32>
    %select_n3A_155 = arith.select %ge3A_154, %or3A_141, %select_n3A_138 : vector<20x1xi1>, vector<20x1xi32>
    %or3A_156 = arith.constant 16777216 : i32
    %or3A_157 = vector.broadcast %or3A_156 : i32 to vector<20x1xi32>
    %or3A_158 = arith.ori %select_n3A_155, %or3A_157 : vector<20x1xi32>
    %xor3A_159 = arith.constant -2147483648 : i32
    %xor3A_160 = vector.broadcast %xor3A_159 : i32 to vector<20x1xi32>
    %xor3A_161 = arith.xori %or3A_158, %xor3A_160 : vector<20x1xi32>
    %ge3A_162 = vector.broadcast %xor3A_161 : vector<20x1xi32> to vector<20x4096xi32>
    %ge3A_163 = arith.cmpi sge, %select_n3A, %ge3A_162 : vector<20x4096xi32>
    %convert_element_type3A_164 = arith.extui %ge3A_163 : vector<20x4096xi1> to vector<20x4096xi32>
    %convert_element_type3A_165 = arith.sitofp %convert_element_type3A_164 : vector<20x4096xi32> to vector<20x4096xf32>
    %reduce_sum3A_166 = arith.constant dense<0.000000e+00> : vector<20xf32>
    %reduce_sum3A_167 = vector.multi_reduction <add>, %convert_element_type3A_165, %reduce_sum3A_166 [1] : vector<20x4096xf32> to vector<20xf32>
    %broadcast_in_dim3A_168 = vector.shape_cast %reduce_sum3A_167 : vector<20xf32> to vector<20x1xf32>
    %ge3A_169 = arith.constant 2.560000e+02 : f32
    %ge3A_170 = vector.broadcast %ge3A_169 : f32 to vector<20x1xf32>
    %ge3A_171 = arith.cmpf oge, %broadcast_in_dim3A_168, %ge3A_170 : vector<20x1xf32>
    %select_n3A_172 = arith.select %ge3A_171, %or3A_158, %select_n3A_155 : vector<20x1xi1>, vector<20x1xi32>
    %or3A_173 = arith.constant 8388608 : i32
    %or3A_174 = vector.broadcast %or3A_173 : i32 to vector<20x1xi32>
    %or3A_175 = arith.ori %select_n3A_172, %or3A_174 : vector<20x1xi32>
    %xor3A_176 = arith.constant -2147483648 : i32
    %xor3A_177 = vector.broadcast %xor3A_176 : i32 to vector<20x1xi32>
    %xor3A_178 = arith.xori %or3A_175, %xor3A_177 : vector<20x1xi32>
    %ge3A_179 = vector.broadcast %xor3A_178 : vector<20x1xi32> to vector<20x4096xi32>
    %ge3A_180 = arith.cmpi sge, %select_n3A, %ge3A_179 : vector<20x4096xi32>
    %convert_element_type3A_181 = arith.extui %ge3A_180 : vector<20x4096xi1> to vector<20x4096xi32>
    %convert_element_type3A_182 = arith.sitofp %convert_element_type3A_181 : vector<20x4096xi32> to vector<20x4096xf32>
    %reduce_sum3A_183 = arith.constant dense<0.000000e+00> : vector<20xf32>
    %reduce_sum3A_184 = vector.multi_reduction <add>, %convert_element_type3A_182, %reduce_sum3A_183 [1] : vector<20x4096xf32> to vector<20xf32>
    %broadcast_in_dim3A_185 = vector.shape_cast %reduce_sum3A_184 : vector<20xf32> to vector<20x1xf32>
    %ge3A_186 = arith.constant 2.560000e+02 : f32
    %ge3A_187 = vector.broadcast %ge3A_186 : f32 to vector<20x1xf32>
    %ge3A_188 = arith.cmpf oge, %broadcast_in_dim3A_185, %ge3A_187 : vector<20x1xf32>
    %select_n3A_189 = arith.select %ge3A_188, %or3A_175, %select_n3A_172 : vector<20x1xi1>, vector<20x1xi32>
    %or3A_190 = arith.constant 4194304 : i32
    %or3A_191 = vector.broadcast %or3A_190 : i32 to vector<20x1xi32>
    %or3A_192 = arith.ori %select_n3A_189, %or3A_191 : vector<20x1xi32>
    %xor3A_193 = arith.constant -2147483648 : i32
    %xor3A_194 = vector.broadcast %xor3A_193 : i32 to vector<20x1xi32>
    %xor3A_195 = arith.xori %or3A_192, %xor3A_194 : vector<20x1xi32>
    %ge3A_196 = vector.broadcast %xor3A_195 : vector<20x1xi32> to vector<20x4096xi32>
    %ge3A_197 = arith.cmpi sge, %select_n3A, %ge3A_196 : vector<20x4096xi32>
    %convert_element_type3A_198 = arith.extui %ge3A_197 : vector<20x4096xi1> to vector<20x4096xi32>
    %convert_element_type3A_199 = arith.sitofp %convert_element_type3A_198 : vector<20x4096xi32> to vector<20x4096xf32>
    %reduce_sum3A_200 = arith.constant dense<0.000000e+00> : vector<20xf32>
    %reduce_sum3A_201 = vector.multi_reduction <add>, %convert_element_type3A_199, %reduce_sum3A_200 [1] : vector<20x4096xf32> to vector<20xf32>
    %broadcast_in_dim3A_202 = vector.shape_cast %reduce_sum3A_201 : vector<20xf32> to vector<20x1xf32>
    %ge3A_203 = arith.constant 2.560000e+02 : f32
    %ge3A_204 = vector.broadcast %ge3A_203 : f32 to vector<20x1xf32>
    %ge3A_205 = arith.cmpf oge, %broadcast_in_dim3A_202, %ge3A_204 : vector<20x1xf32>
    %select_n3A_206 = arith.select %ge3A_205, %or3A_192, %select_n3A_189 : vector<20x1xi1>, vector<20x1xi32>
    %or3A_207 = arith.constant 2097152 : i32
    %or3A_208 = vector.broadcast %or3A_207 : i32 to vector<20x1xi32>
    %or3A_209 = arith.ori %select_n3A_206, %or3A_208 : vector<20x1xi32>
    %xor3A_210 = arith.constant -2147483648 : i32
    %xor3A_211 = vector.broadcast %xor3A_210 : i32 to vector<20x1xi32>
    %xor3A_212 = arith.xori %or3A_209, %xor3A_211 : vector<20x1xi32>
    %ge3A_213 = vector.broadcast %xor3A_212 : vector<20x1xi32> to vector<20x4096xi32>
    %ge3A_214 = arith.cmpi sge, %select_n3A, %ge3A_213 : vector<20x4096xi32>
    %convert_element_type3A_215 = arith.extui %ge3A_214 : vector<20x4096xi1> to vector<20x4096xi32>
    %convert_element_type3A_216 = arith.sitofp %convert_element_type3A_215 : vector<20x4096xi32> to vector<20x4096xf32>
    %reduce_sum3A_217 = arith.constant dense<0.000000e+00> : vector<20xf32>
    %reduce_sum3A_218 = vector.multi_reduction <add>, %convert_element_type3A_216, %reduce_sum3A_217 [1] : vector<20x4096xf32> to vector<20xf32>
    %broadcast_in_dim3A_219 = vector.shape_cast %reduce_sum3A_218 : vector<20xf32> to vector<20x1xf32>
    %ge3A_220 = arith.constant 2.560000e+02 : f32
    %ge3A_221 = vector.broadcast %ge3A_220 : f32 to vector<20x1xf32>
    %ge3A_222 = arith.cmpf oge, %broadcast_in_dim3A_219, %ge3A_221 : vector<20x1xf32>
    %select_n3A_223 = arith.select %ge3A_222, %or3A_209, %select_n3A_206 : vector<20x1xi1>, vector<20x1xi32>
    %or3A_224 = arith.constant 1048576 : i32
    %or3A_225 = vector.broadcast %or3A_224 : i32 to vector<20x1xi32>
    %or3A_226 = arith.ori %select_n3A_223, %or3A_225 : vector<20x1xi32>
    %xor3A_227 = arith.constant -2147483648 : i32
    %xor3A_228 = vector.broadcast %xor3A_227 : i32 to vector<20x1xi32>
    %xor3A_229 = arith.xori %or3A_226, %xor3A_228 : vector<20x1xi32>
    %ge3A_230 = vector.broadcast %xor3A_229 : vector<20x1xi32> to vector<20x4096xi32>
    %ge3A_231 = arith.cmpi sge, %select_n3A, %ge3A_230 : vector<20x4096xi32>
    %convert_element_type3A_232 = arith.extui %ge3A_231 : vector<20x4096xi1> to vector<20x4096xi32>
    %convert_element_type3A_233 = arith.sitofp %convert_element_type3A_232 : vector<20x4096xi32> to vector<20x4096xf32>
    %reduce_sum3A_234 = arith.constant dense<0.000000e+00> : vector<20xf32>
    %reduce_sum3A_235 = vector.multi_reduction <add>, %convert_element_type3A_233, %reduce_sum3A_234 [1] : vector<20x4096xf32> to vector<20xf32>
    %broadcast_in_dim3A_236 = vector.shape_cast %reduce_sum3A_235 : vector<20xf32> to vector<20x1xf32>
    %ge3A_237 = arith.constant 2.560000e+02 : f32
    %ge3A_238 = vector.broadcast %ge3A_237 : f32 to vector<20x1xf32>
    %ge3A_239 = arith.cmpf oge, %broadcast_in_dim3A_236, %ge3A_238 : vector<20x1xf32>
    %select_n3A_240 = arith.select %ge3A_239, %or3A_226, %select_n3A_223 : vector<20x1xi1>, vector<20x1xi32>
    %or3A_241 = arith.constant 524288 : i32
    %or3A_242 = vector.broadcast %or3A_241 : i32 to vector<20x1xi32>
    %or3A_243 = arith.ori %select_n3A_240, %or3A_242 : vector<20x1xi32>
    %xor3A_244 = arith.constant -2147483648 : i32
    %xor3A_245 = vector.broadcast %xor3A_244 : i32 to vector<20x1xi32>
    %xor3A_246 = arith.xori %or3A_243, %xor3A_245 : vector<20x1xi32>
    %ge3A_247 = vector.broadcast %xor3A_246 : vector<20x1xi32> to vector<20x4096xi32>
    %ge3A_248 = arith.cmpi sge, %select_n3A, %ge3A_247 : vector<20x4096xi32>
    %convert_element_type3A_249 = arith.extui %ge3A_248 : vector<20x4096xi1> to vector<20x4096xi32>
    %convert_element_type3A_250 = arith.sitofp %convert_element_type3A_249 : vector<20x4096xi32> to vector<20x4096xf32>
    %reduce_sum3A_251 = arith.constant dense<0.000000e+00> : vector<20xf32>
    %reduce_sum3A_252 = vector.multi_reduction <add>, %convert_element_type3A_250, %reduce_sum3A_251 [1] : vector<20x4096xf32> to vector<20xf32>
    %broadcast_in_dim3A_253 = vector.shape_cast %reduce_sum3A_252 : vector<20xf32> to vector<20x1xf32>
    %ge3A_254 = arith.constant 2.560000e+02 : f32
    %ge3A_255 = vector.broadcast %ge3A_254 : f32 to vector<20x1xf32>
    %ge3A_256 = arith.cmpf oge, %broadcast_in_dim3A_253, %ge3A_255 : vector<20x1xf32>
    %select_n3A_257 = arith.select %ge3A_256, %or3A_243, %select_n3A_240 : vector<20x1xi1>, vector<20x1xi32>
    %or3A_258 = arith.constant 262144 : i32
    %or3A_259 = vector.broadcast %or3A_258 : i32 to vector<20x1xi32>
    %or3A_260 = arith.ori %select_n3A_257, %or3A_259 : vector<20x1xi32>
    %xor3A_261 = arith.constant -2147483648 : i32
    %xor3A_262 = vector.broadcast %xor3A_261 : i32 to vector<20x1xi32>
    %xor3A_263 = arith.xori %or3A_260, %xor3A_262 : vector<20x1xi32>
    %ge3A_264 = vector.broadcast %xor3A_263 : vector<20x1xi32> to vector<20x4096xi32>
    %ge3A_265 = arith.cmpi sge, %select_n3A, %ge3A_264 : vector<20x4096xi32>
    %convert_element_type3A_266 = arith.extui %ge3A_265 : vector<20x4096xi1> to vector<20x4096xi32>
    %convert_element_type3A_267 = arith.sitofp %convert_element_type3A_266 : vector<20x4096xi32> to vector<20x4096xf32>
    %reduce_sum3A_268 = arith.constant dense<0.000000e+00> : vector<20xf32>
    %reduce_sum3A_269 = vector.multi_reduction <add>, %convert_element_type3A_267, %reduce_sum3A_268 [1] : vector<20x4096xf32> to vector<20xf32>
    %broadcast_in_dim3A_270 = vector.shape_cast %reduce_sum3A_269 : vector<20xf32> to vector<20x1xf32>
    %ge3A_271 = arith.constant 2.560000e+02 : f32
    %ge3A_272 = vector.broadcast %ge3A_271 : f32 to vector<20x1xf32>
    %ge3A_273 = arith.cmpf oge, %broadcast_in_dim3A_270, %ge3A_272 : vector<20x1xf32>
    %select_n3A_274 = arith.select %ge3A_273, %or3A_260, %select_n3A_257 : vector<20x1xi1>, vector<20x1xi32>
    %or3A_275 = arith.constant 131072 : i32
    %or3A_276 = vector.broadcast %or3A_275 : i32 to vector<20x1xi32>
    %or3A_277 = arith.ori %select_n3A_274, %or3A_276 : vector<20x1xi32>
    %xor3A_278 = arith.constant -2147483648 : i32
    %xor3A_279 = vector.broadcast %xor3A_278 : i32 to vector<20x1xi32>
    %xor3A_280 = arith.xori %or3A_277, %xor3A_279 : vector<20x1xi32>
    %ge3A_281 = vector.broadcast %xor3A_280 : vector<20x1xi32> to vector<20x4096xi32>
    %ge3A_282 = arith.cmpi sge, %select_n3A, %ge3A_281 : vector<20x4096xi32>
    %convert_element_type3A_283 = arith.extui %ge3A_282 : vector<20x4096xi1> to vector<20x4096xi32>
    %convert_element_type3A_284 = arith.sitofp %convert_element_type3A_283 : vector<20x4096xi32> to vector<20x4096xf32>
    %reduce_sum3A_285 = arith.constant dense<0.000000e+00> : vector<20xf32>
    %reduce_sum3A_286 = vector.multi_reduction <add>, %convert_element_type3A_284, %reduce_sum3A_285 [1] : vector<20x4096xf32> to vector<20xf32>
    %broadcast_in_dim3A_287 = vector.shape_cast %reduce_sum3A_286 : vector<20xf32> to vector<20x1xf32>
    %ge3A_288 = arith.constant 2.560000e+02 : f32
    %ge3A_289 = vector.broadcast %ge3A_288 : f32 to vector<20x1xf32>
    %ge3A_290 = arith.cmpf oge, %broadcast_in_dim3A_287, %ge3A_289 : vector<20x1xf32>
    %select_n3A_291 = arith.select %ge3A_290, %or3A_277, %select_n3A_274 : vector<20x1xi1>, vector<20x1xi32>
    %or3A_292 = arith.constant 65536 : i32
    %or3A_293 = vector.broadcast %or3A_292 : i32 to vector<20x1xi32>
    %or3A_294 = arith.ori %select_n3A_291, %or3A_293 : vector<20x1xi32>
    %xor3A_295 = arith.constant -2147483648 : i32
    %xor3A_296 = vector.broadcast %xor3A_295 : i32 to vector<20x1xi32>
    %xor3A_297 = arith.xori %or3A_294, %xor3A_296 : vector<20x1xi32>
    %ge3A_298 = vector.broadcast %xor3A_297 : vector<20x1xi32> to vector<20x4096xi32>
    %ge3A_299 = arith.cmpi sge, %select_n3A, %ge3A_298 : vector<20x4096xi32>
    %convert_element_type3A_300 = arith.extui %ge3A_299 : vector<20x4096xi1> to vector<20x4096xi32>
    %convert_element_type3A_301 = arith.sitofp %convert_element_type3A_300 : vector<20x4096xi32> to vector<20x4096xf32>
    %reduce_sum3A_302 = arith.constant dense<0.000000e+00> : vector<20xf32>
    %reduce_sum3A_303 = vector.multi_reduction <add>, %convert_element_type3A_301, %reduce_sum3A_302 [1] : vector<20x4096xf32> to vector<20xf32>
    %broadcast_in_dim3A_304 = vector.shape_cast %reduce_sum3A_303 : vector<20xf32> to vector<20x1xf32>
    %ge3A_305 = arith.constant 2.560000e+02 : f32
    %ge3A_306 = vector.broadcast %ge3A_305 : f32 to vector<20x1xf32>
    %ge3A_307 = arith.cmpf oge, %broadcast_in_dim3A_304, %ge3A_306 : vector<20x1xf32>
    %select_n3A_308 = arith.select %ge3A_307, %or3A_294, %select_n3A_291 : vector<20x1xi1>, vector<20x1xi32>
    %or3A_309 = arith.constant 32768 : i32
    %or3A_310 = vector.broadcast %or3A_309 : i32 to vector<20x1xi32>
    %or3A_311 = arith.ori %select_n3A_308, %or3A_310 : vector<20x1xi32>
    %xor3A_312 = arith.constant -2147483648 : i32
    %xor3A_313 = vector.broadcast %xor3A_312 : i32 to vector<20x1xi32>
    %xor3A_314 = arith.xori %or3A_311, %xor3A_313 : vector<20x1xi32>
    %ge3A_315 = vector.broadcast %xor3A_314 : vector<20x1xi32> to vector<20x4096xi32>
    %ge3A_316 = arith.cmpi sge, %select_n3A, %ge3A_315 : vector<20x4096xi32>
    %convert_element_type3A_317 = arith.extui %ge3A_316 : vector<20x4096xi1> to vector<20x4096xi32>
    %convert_element_type3A_318 = arith.sitofp %convert_element_type3A_317 : vector<20x4096xi32> to vector<20x4096xf32>
    %reduce_sum3A_319 = arith.constant dense<0.000000e+00> : vector<20xf32>
    %reduce_sum3A_320 = vector.multi_reduction <add>, %convert_element_type3A_318, %reduce_sum3A_319 [1] : vector<20x4096xf32> to vector<20xf32>
    %broadcast_in_dim3A_321 = vector.shape_cast %reduce_sum3A_320 : vector<20xf32> to vector<20x1xf32>
    %ge3A_322 = arith.constant 2.560000e+02 : f32
    %ge3A_323 = vector.broadcast %ge3A_322 : f32 to vector<20x1xf32>
    %ge3A_324 = arith.cmpf oge, %broadcast_in_dim3A_321, %ge3A_323 : vector<20x1xf32>
    %select_n3A_325 = arith.select %ge3A_324, %or3A_311, %select_n3A_308 : vector<20x1xi1>, vector<20x1xi32>
    %or3A_326 = arith.constant 16384 : i32
    %or3A_327 = vector.broadcast %or3A_326 : i32 to vector<20x1xi32>
    %or3A_328 = arith.ori %select_n3A_325, %or3A_327 : vector<20x1xi32>
    %xor3A_329 = arith.constant -2147483648 : i32
    %xor3A_330 = vector.broadcast %xor3A_329 : i32 to vector<20x1xi32>
    %xor3A_331 = arith.xori %or3A_328, %xor3A_330 : vector<20x1xi32>
    %ge3A_332 = vector.broadcast %xor3A_331 : vector<20x1xi32> to vector<20x4096xi32>
    %ge3A_333 = arith.cmpi sge, %select_n3A, %ge3A_332 : vector<20x4096xi32>
    %convert_element_type3A_334 = arith.extui %ge3A_333 : vector<20x4096xi1> to vector<20x4096xi32>
    %convert_element_type3A_335 = arith.sitofp %convert_element_type3A_334 : vector<20x4096xi32> to vector<20x4096xf32>
    %reduce_sum3A_336 = arith.constant dense<0.000000e+00> : vector<20xf32>
    %reduce_sum3A_337 = vector.multi_reduction <add>, %convert_element_type3A_335, %reduce_sum3A_336 [1] : vector<20x4096xf32> to vector<20xf32>
    %broadcast_in_dim3A_338 = vector.shape_cast %reduce_sum3A_337 : vector<20xf32> to vector<20x1xf32>
    %ge3A_339 = arith.constant 2.560000e+02 : f32
    %ge3A_340 = vector.broadcast %ge3A_339 : f32 to vector<20x1xf32>
    %ge3A_341 = arith.cmpf oge, %broadcast_in_dim3A_338, %ge3A_340 : vector<20x1xf32>
    %select_n3A_342 = arith.select %ge3A_341, %or3A_328, %select_n3A_325 : vector<20x1xi1>, vector<20x1xi32>
    %or3A_343 = arith.constant 8192 : i32
    %or3A_344 = vector.broadcast %or3A_343 : i32 to vector<20x1xi32>
    %or3A_345 = arith.ori %select_n3A_342, %or3A_344 : vector<20x1xi32>
    %xor3A_346 = arith.constant -2147483648 : i32
    %xor3A_347 = vector.broadcast %xor3A_346 : i32 to vector<20x1xi32>
    %xor3A_348 = arith.xori %or3A_345, %xor3A_347 : vector<20x1xi32>
    %ge3A_349 = vector.broadcast %xor3A_348 : vector<20x1xi32> to vector<20x4096xi32>
    %ge3A_350 = arith.cmpi sge, %select_n3A, %ge3A_349 : vector<20x4096xi32>
    %convert_element_type3A_351 = arith.extui %ge3A_350 : vector<20x4096xi1> to vector<20x4096xi32>
    %convert_element_type3A_352 = arith.sitofp %convert_element_type3A_351 : vector<20x4096xi32> to vector<20x4096xf32>
    %reduce_sum3A_353 = arith.constant dense<0.000000e+00> : vector<20xf32>
    %reduce_sum3A_354 = vector.multi_reduction <add>, %convert_element_type3A_352, %reduce_sum3A_353 [1] : vector<20x4096xf32> to vector<20xf32>
    %broadcast_in_dim3A_355 = vector.shape_cast %reduce_sum3A_354 : vector<20xf32> to vector<20x1xf32>
    %ge3A_356 = arith.constant 2.560000e+02 : f32
    %ge3A_357 = vector.broadcast %ge3A_356 : f32 to vector<20x1xf32>
    %ge3A_358 = arith.cmpf oge, %broadcast_in_dim3A_355, %ge3A_357 : vector<20x1xf32>
    %select_n3A_359 = arith.select %ge3A_358, %or3A_345, %select_n3A_342 : vector<20x1xi1>, vector<20x1xi32>
    %or3A_360 = arith.constant 4096 : i32
    %or3A_361 = vector.broadcast %or3A_360 : i32 to vector<20x1xi32>
    %or3A_362 = arith.ori %select_n3A_359, %or3A_361 : vector<20x1xi32>
    %xor3A_363 = arith.constant -2147483648 : i32
    %xor3A_364 = vector.broadcast %xor3A_363 : i32 to vector<20x1xi32>
    %xor3A_365 = arith.xori %or3A_362, %xor3A_364 : vector<20x1xi32>
    %ge3A_366 = vector.broadcast %xor3A_365 : vector<20x1xi32> to vector<20x4096xi32>
    %ge3A_367 = arith.cmpi sge, %select_n3A, %ge3A_366 : vector<20x4096xi32>
    %convert_element_type3A_368 = arith.extui %ge3A_367 : vector<20x4096xi1> to vector<20x4096xi32>
    %convert_element_type3A_369 = arith.sitofp %convert_element_type3A_368 : vector<20x4096xi32> to vector<20x4096xf32>
    %reduce_sum3A_370 = arith.constant dense<0.000000e+00> : vector<20xf32>
    %reduce_sum3A_371 = vector.multi_reduction <add>, %convert_element_type3A_369, %reduce_sum3A_370 [1] : vector<20x4096xf32> to vector<20xf32>
    %broadcast_in_dim3A_372 = vector.shape_cast %reduce_sum3A_371 : vector<20xf32> to vector<20x1xf32>
    %ge3A_373 = arith.constant 2.560000e+02 : f32
    %ge3A_374 = vector.broadcast %ge3A_373 : f32 to vector<20x1xf32>
    %ge3A_375 = arith.cmpf oge, %broadcast_in_dim3A_372, %ge3A_374 : vector<20x1xf32>
    %select_n3A_376 = arith.select %ge3A_375, %or3A_362, %select_n3A_359 : vector<20x1xi1>, vector<20x1xi32>
    %or3A_377 = arith.constant 2048 : i32
    %or3A_378 = vector.broadcast %or3A_377 : i32 to vector<20x1xi32>
    %or3A_379 = arith.ori %select_n3A_376, %or3A_378 : vector<20x1xi32>
    %xor3A_380 = arith.constant -2147483648 : i32
    %xor3A_381 = vector.broadcast %xor3A_380 : i32 to vector<20x1xi32>
    %xor3A_382 = arith.xori %or3A_379, %xor3A_381 : vector<20x1xi32>
    %ge3A_383 = vector.broadcast %xor3A_382 : vector<20x1xi32> to vector<20x4096xi32>
    %ge3A_384 = arith.cmpi sge, %select_n3A, %ge3A_383 : vector<20x4096xi32>
    %convert_element_type3A_385 = arith.extui %ge3A_384 : vector<20x4096xi1> to vector<20x4096xi32>
    %convert_element_type3A_386 = arith.sitofp %convert_element_type3A_385 : vector<20x4096xi32> to vector<20x4096xf32>
    %reduce_sum3A_387 = arith.constant dense<0.000000e+00> : vector<20xf32>
    %reduce_sum3A_388 = vector.multi_reduction <add>, %convert_element_type3A_386, %reduce_sum3A_387 [1] : vector<20x4096xf32> to vector<20xf32>
    %broadcast_in_dim3A_389 = vector.shape_cast %reduce_sum3A_388 : vector<20xf32> to vector<20x1xf32>
    %ge3A_390 = arith.constant 2.560000e+02 : f32
    %ge3A_391 = vector.broadcast %ge3A_390 : f32 to vector<20x1xf32>
    %ge3A_392 = arith.cmpf oge, %broadcast_in_dim3A_389, %ge3A_391 : vector<20x1xf32>
    %select_n3A_393 = arith.select %ge3A_392, %or3A_379, %select_n3A_376 : vector<20x1xi1>, vector<20x1xi32>
    %or3A_394 = arith.constant 1024 : i32
    %or3A_395 = vector.broadcast %or3A_394 : i32 to vector<20x1xi32>
    %or3A_396 = arith.ori %select_n3A_393, %or3A_395 : vector<20x1xi32>
    %xor3A_397 = arith.constant -2147483648 : i32
    %xor3A_398 = vector.broadcast %xor3A_397 : i32 to vector<20x1xi32>
    %xor3A_399 = arith.xori %or3A_396, %xor3A_398 : vector<20x1xi32>
    %ge3A_400 = vector.broadcast %xor3A_399 : vector<20x1xi32> to vector<20x4096xi32>
    %ge3A_401 = arith.cmpi sge, %select_n3A, %ge3A_400 : vector<20x4096xi32>
    %convert_element_type3A_402 = arith.extui %ge3A_401 : vector<20x4096xi1> to vector<20x4096xi32>
    %convert_element_type3A_403 = arith.sitofp %convert_element_type3A_402 : vector<20x4096xi32> to vector<20x4096xf32>
    %reduce_sum3A_404 = arith.constant dense<0.000000e+00> : vector<20xf32>
    %reduce_sum3A_405 = vector.multi_reduction <add>, %convert_element_type3A_403, %reduce_sum3A_404 [1] : vector<20x4096xf32> to vector<20xf32>
    %broadcast_in_dim3A_406 = vector.shape_cast %reduce_sum3A_405 : vector<20xf32> to vector<20x1xf32>
    %ge3A_407 = arith.constant 2.560000e+02 : f32
    %ge3A_408 = vector.broadcast %ge3A_407 : f32 to vector<20x1xf32>
    %ge3A_409 = arith.cmpf oge, %broadcast_in_dim3A_406, %ge3A_408 : vector<20x1xf32>
    %select_n3A_410 = arith.select %ge3A_409, %or3A_396, %select_n3A_393 : vector<20x1xi1>, vector<20x1xi32>
    %or3A_411 = arith.constant 512 : i32
    %or3A_412 = vector.broadcast %or3A_411 : i32 to vector<20x1xi32>
    %or3A_413 = arith.ori %select_n3A_410, %or3A_412 : vector<20x1xi32>
    %xor3A_414 = arith.constant -2147483648 : i32
    %xor3A_415 = vector.broadcast %xor3A_414 : i32 to vector<20x1xi32>
    %xor3A_416 = arith.xori %or3A_413, %xor3A_415 : vector<20x1xi32>
    %ge3A_417 = vector.broadcast %xor3A_416 : vector<20x1xi32> to vector<20x4096xi32>
    %ge3A_418 = arith.cmpi sge, %select_n3A, %ge3A_417 : vector<20x4096xi32>
    %convert_element_type3A_419 = arith.extui %ge3A_418 : vector<20x4096xi1> to vector<20x4096xi32>
    %convert_element_type3A_420 = arith.sitofp %convert_element_type3A_419 : vector<20x4096xi32> to vector<20x4096xf32>
    %reduce_sum3A_421 = arith.constant dense<0.000000e+00> : vector<20xf32>
    %reduce_sum3A_422 = vector.multi_reduction <add>, %convert_element_type3A_420, %reduce_sum3A_421 [1] : vector<20x4096xf32> to vector<20xf32>
    %broadcast_in_dim3A_423 = vector.shape_cast %reduce_sum3A_422 : vector<20xf32> to vector<20x1xf32>
    %ge3A_424 = arith.constant 2.560000e+02 : f32
    %ge3A_425 = vector.broadcast %ge3A_424 : f32 to vector<20x1xf32>
    %ge3A_426 = arith.cmpf oge, %broadcast_in_dim3A_423, %ge3A_425 : vector<20x1xf32>
    %select_n3A_427 = arith.select %ge3A_426, %or3A_413, %select_n3A_410 : vector<20x1xi1>, vector<20x1xi32>
    %or3A_428 = arith.constant 256 : i32
    %or3A_429 = vector.broadcast %or3A_428 : i32 to vector<20x1xi32>
    %or3A_430 = arith.ori %select_n3A_427, %or3A_429 : vector<20x1xi32>
    %xor3A_431 = arith.constant -2147483648 : i32
    %xor3A_432 = vector.broadcast %xor3A_431 : i32 to vector<20x1xi32>
    %xor3A_433 = arith.xori %or3A_430, %xor3A_432 : vector<20x1xi32>
    %ge3A_434 = vector.broadcast %xor3A_433 : vector<20x1xi32> to vector<20x4096xi32>
    %ge3A_435 = arith.cmpi sge, %select_n3A, %ge3A_434 : vector<20x4096xi32>
    %convert_element_type3A_436 = arith.extui %ge3A_435 : vector<20x4096xi1> to vector<20x4096xi32>
    %convert_element_type3A_437 = arith.sitofp %convert_element_type3A_436 : vector<20x4096xi32> to vector<20x4096xf32>
    %reduce_sum3A_438 = arith.constant dense<0.000000e+00> : vector<20xf32>
    %reduce_sum3A_439 = vector.multi_reduction <add>, %convert_element_type3A_437, %reduce_sum3A_438 [1] : vector<20x4096xf32> to vector<20xf32>
    %broadcast_in_dim3A_440 = vector.shape_cast %reduce_sum3A_439 : vector<20xf32> to vector<20x1xf32>
    %ge3A_441 = arith.constant 2.560000e+02 : f32
    %ge3A_442 = vector.broadcast %ge3A_441 : f32 to vector<20x1xf32>
    %ge3A_443 = arith.cmpf oge, %broadcast_in_dim3A_440, %ge3A_442 : vector<20x1xf32>
    %select_n3A_444 = arith.select %ge3A_443, %or3A_430, %select_n3A_427 : vector<20x1xi1>, vector<20x1xi32>
    %or3A_445 = arith.constant 128 : i32
    %or3A_446 = vector.broadcast %or3A_445 : i32 to vector<20x1xi32>
    %or3A_447 = arith.ori %select_n3A_444, %or3A_446 : vector<20x1xi32>
    %xor3A_448 = arith.constant -2147483648 : i32
    %xor3A_449 = vector.broadcast %xor3A_448 : i32 to vector<20x1xi32>
    %xor3A_450 = arith.xori %or3A_447, %xor3A_449 : vector<20x1xi32>
    %ge3A_451 = vector.broadcast %xor3A_450 : vector<20x1xi32> to vector<20x4096xi32>
    %ge3A_452 = arith.cmpi sge, %select_n3A, %ge3A_451 : vector<20x4096xi32>
    %convert_element_type3A_453 = arith.extui %ge3A_452 : vector<20x4096xi1> to vector<20x4096xi32>
    %convert_element_type3A_454 = arith.sitofp %convert_element_type3A_453 : vector<20x4096xi32> to vector<20x4096xf32>
    %reduce_sum3A_455 = arith.constant dense<0.000000e+00> : vector<20xf32>
    %reduce_sum3A_456 = vector.multi_reduction <add>, %convert_element_type3A_454, %reduce_sum3A_455 [1] : vector<20x4096xf32> to vector<20xf32>
    %broadcast_in_dim3A_457 = vector.shape_cast %reduce_sum3A_456 : vector<20xf32> to vector<20x1xf32>
    %ge3A_458 = arith.constant 2.560000e+02 : f32
    %ge3A_459 = vector.broadcast %ge3A_458 : f32 to vector<20x1xf32>
    %ge3A_460 = arith.cmpf oge, %broadcast_in_dim3A_457, %ge3A_459 : vector<20x1xf32>
    %select_n3A_461 = arith.select %ge3A_460, %or3A_447, %select_n3A_444 : vector<20x1xi1>, vector<20x1xi32>
    %or3A_462 = arith.constant 64 : i32
    %or3A_463 = vector.broadcast %or3A_462 : i32 to vector<20x1xi32>
    %or3A_464 = arith.ori %select_n3A_461, %or3A_463 : vector<20x1xi32>
    %xor3A_465 = arith.constant -2147483648 : i32
    %xor3A_466 = vector.broadcast %xor3A_465 : i32 to vector<20x1xi32>
    %xor3A_467 = arith.xori %or3A_464, %xor3A_466 : vector<20x1xi32>
    %ge3A_468 = vector.broadcast %xor3A_467 : vector<20x1xi32> to vector<20x4096xi32>
    %ge3A_469 = arith.cmpi sge, %select_n3A, %ge3A_468 : vector<20x4096xi32>
    %convert_element_type3A_470 = arith.extui %ge3A_469 : vector<20x4096xi1> to vector<20x4096xi32>
    %convert_element_type3A_471 = arith.sitofp %convert_element_type3A_470 : vector<20x4096xi32> to vector<20x4096xf32>
    %reduce_sum3A_472 = arith.constant dense<0.000000e+00> : vector<20xf32>
    %reduce_sum3A_473 = vector.multi_reduction <add>, %convert_element_type3A_471, %reduce_sum3A_472 [1] : vector<20x4096xf32> to vector<20xf32>
    %broadcast_in_dim3A_474 = vector.shape_cast %reduce_sum3A_473 : vector<20xf32> to vector<20x1xf32>
    %ge3A_475 = arith.constant 2.560000e+02 : f32
    %ge3A_476 = vector.broadcast %ge3A_475 : f32 to vector<20x1xf32>
    %ge3A_477 = arith.cmpf oge, %broadcast_in_dim3A_474, %ge3A_476 : vector<20x1xf32>
    %select_n3A_478 = arith.select %ge3A_477, %or3A_464, %select_n3A_461 : vector<20x1xi1>, vector<20x1xi32>
    %or3A_479 = arith.constant 32 : i32
    %or3A_480 = vector.broadcast %or3A_479 : i32 to vector<20x1xi32>
    %or3A_481 = arith.ori %select_n3A_478, %or3A_480 : vector<20x1xi32>
    %xor3A_482 = arith.constant -2147483648 : i32
    %xor3A_483 = vector.broadcast %xor3A_482 : i32 to vector<20x1xi32>
    %xor3A_484 = arith.xori %or3A_481, %xor3A_483 : vector<20x1xi32>
    %ge3A_485 = vector.broadcast %xor3A_484 : vector<20x1xi32> to vector<20x4096xi32>
    %ge3A_486 = arith.cmpi sge, %select_n3A, %ge3A_485 : vector<20x4096xi32>
    %convert_element_type3A_487 = arith.extui %ge3A_486 : vector<20x4096xi1> to vector<20x4096xi32>
    %convert_element_type3A_488 = arith.sitofp %convert_element_type3A_487 : vector<20x4096xi32> to vector<20x4096xf32>
    %reduce_sum3A_489 = arith.constant dense<0.000000e+00> : vector<20xf32>
    %reduce_sum3A_490 = vector.multi_reduction <add>, %convert_element_type3A_488, %reduce_sum3A_489 [1] : vector<20x4096xf32> to vector<20xf32>
    %broadcast_in_dim3A_491 = vector.shape_cast %reduce_sum3A_490 : vector<20xf32> to vector<20x1xf32>
    %ge3A_492 = arith.constant 2.560000e+02 : f32
    %ge3A_493 = vector.broadcast %ge3A_492 : f32 to vector<20x1xf32>
    %ge3A_494 = arith.cmpf oge, %broadcast_in_dim3A_491, %ge3A_493 : vector<20x1xf32>
    %select_n3A_495 = arith.select %ge3A_494, %or3A_481, %select_n3A_478 : vector<20x1xi1>, vector<20x1xi32>
    %or3A_496 = arith.constant 16 : i32
    %or3A_497 = vector.broadcast %or3A_496 : i32 to vector<20x1xi32>
    %or3A_498 = arith.ori %select_n3A_495, %or3A_497 : vector<20x1xi32>
    %xor3A_499 = arith.constant -2147483648 : i32
    %xor3A_500 = vector.broadcast %xor3A_499 : i32 to vector<20x1xi32>
    %xor3A_501 = arith.xori %or3A_498, %xor3A_500 : vector<20x1xi32>
    %ge3A_502 = vector.broadcast %xor3A_501 : vector<20x1xi32> to vector<20x4096xi32>
    %ge3A_503 = arith.cmpi sge, %select_n3A, %ge3A_502 : vector<20x4096xi32>
    %convert_element_type3A_504 = arith.extui %ge3A_503 : vector<20x4096xi1> to vector<20x4096xi32>
    %convert_element_type3A_505 = arith.sitofp %convert_element_type3A_504 : vector<20x4096xi32> to vector<20x4096xf32>
    %reduce_sum3A_506 = arith.constant dense<0.000000e+00> : vector<20xf32>
    %reduce_sum3A_507 = vector.multi_reduction <add>, %convert_element_type3A_505, %reduce_sum3A_506 [1] : vector<20x4096xf32> to vector<20xf32>
    %broadcast_in_dim3A_508 = vector.shape_cast %reduce_sum3A_507 : vector<20xf32> to vector<20x1xf32>
    %ge3A_509 = arith.constant 2.560000e+02 : f32
    %ge3A_510 = vector.broadcast %ge3A_509 : f32 to vector<20x1xf32>
    %ge3A_511 = arith.cmpf oge, %broadcast_in_dim3A_508, %ge3A_510 : vector<20x1xf32>
    %select_n3A_512 = arith.select %ge3A_511, %or3A_498, %select_n3A_495 : vector<20x1xi1>, vector<20x1xi32>
    %or3A_513 = arith.constant 8 : i32
    %or3A_514 = vector.broadcast %or3A_513 : i32 to vector<20x1xi32>
    %or3A_515 = arith.ori %select_n3A_512, %or3A_514 : vector<20x1xi32>
    %xor3A_516 = arith.constant -2147483648 : i32
    %xor3A_517 = vector.broadcast %xor3A_516 : i32 to vector<20x1xi32>
    %xor3A_518 = arith.xori %or3A_515, %xor3A_517 : vector<20x1xi32>
    %ge3A_519 = vector.broadcast %xor3A_518 : vector<20x1xi32> to vector<20x4096xi32>
    %ge3A_520 = arith.cmpi sge, %select_n3A, %ge3A_519 : vector<20x4096xi32>
    %convert_element_type3A_521 = arith.extui %ge3A_520 : vector<20x4096xi1> to vector<20x4096xi32>
    %convert_element_type3A_522 = arith.sitofp %convert_element_type3A_521 : vector<20x4096xi32> to vector<20x4096xf32>
    %reduce_sum3A_523 = arith.constant dense<0.000000e+00> : vector<20xf32>
    %reduce_sum3A_524 = vector.multi_reduction <add>, %convert_element_type3A_522, %reduce_sum3A_523 [1] : vector<20x4096xf32> to vector<20xf32>
    %broadcast_in_dim3A_525 = vector.shape_cast %reduce_sum3A_524 : vector<20xf32> to vector<20x1xf32>
    %ge3A_526 = arith.constant 2.560000e+02 : f32
    %ge3A_527 = vector.broadcast %ge3A_526 : f32 to vector<20x1xf32>
    %ge3A_528 = arith.cmpf oge, %broadcast_in_dim3A_525, %ge3A_527 : vector<20x1xf32>
    %select_n3A_529 = arith.select %ge3A_528, %or3A_515, %select_n3A_512 : vector<20x1xi1>, vector<20x1xi32>
    %or3A_530 = arith.constant 4 : i32
    %or3A_531 = vector.broadcast %or3A_530 : i32 to vector<20x1xi32>
    %or3A_532 = arith.ori %select_n3A_529, %or3A_531 : vector<20x1xi32>
    %xor3A_533 = arith.constant -2147483648 : i32
    %xor3A_534 = vector.broadcast %xor3A_533 : i32 to vector<20x1xi32>
    %xor3A_535 = arith.xori %or3A_532, %xor3A_534 : vector<20x1xi32>
    %ge3A_536 = vector.broadcast %xor3A_535 : vector<20x1xi32> to vector<20x4096xi32>
    %ge3A_537 = arith.cmpi sge, %select_n3A, %ge3A_536 : vector<20x4096xi32>
    %convert_element_type3A_538 = arith.extui %ge3A_537 : vector<20x4096xi1> to vector<20x4096xi32>
    %convert_element_type3A_539 = arith.sitofp %convert_element_type3A_538 : vector<20x4096xi32> to vector<20x4096xf32>
    %reduce_sum3A_540 = arith.constant dense<0.000000e+00> : vector<20xf32>
    %reduce_sum3A_541 = vector.multi_reduction <add>, %convert_element_type3A_539, %reduce_sum3A_540 [1] : vector<20x4096xf32> to vector<20xf32>
    %broadcast_in_dim3A_542 = vector.shape_cast %reduce_sum3A_541 : vector<20xf32> to vector<20x1xf32>
    %ge3A_543 = arith.constant 2.560000e+02 : f32
    %ge3A_544 = vector.broadcast %ge3A_543 : f32 to vector<20x1xf32>
    %ge3A_545 = arith.cmpf oge, %broadcast_in_dim3A_542, %ge3A_544 : vector<20x1xf32>
    %select_n3A_546 = arith.select %ge3A_545, %or3A_532, %select_n3A_529 : vector<20x1xi1>, vector<20x1xi32>
    %or3A_547 = arith.constant 2 : i32
    %or3A_548 = vector.broadcast %or3A_547 : i32 to vector<20x1xi32>
    %or3A_549 = arith.ori %select_n3A_546, %or3A_548 : vector<20x1xi32>
    %xor3A_550 = arith.constant -2147483648 : i32
    %xor3A_551 = vector.broadcast %xor3A_550 : i32 to vector<20x1xi32>
    %xor3A_552 = arith.xori %or3A_549, %xor3A_551 : vector<20x1xi32>
    %ge3A_553 = vector.broadcast %xor3A_552 : vector<20x1xi32> to vector<20x4096xi32>
    %ge3A_554 = arith.cmpi sge, %select_n3A, %ge3A_553 : vector<20x4096xi32>
    %convert_element_type3A_555 = arith.extui %ge3A_554 : vector<20x4096xi1> to vector<20x4096xi32>
    %convert_element_type3A_556 = arith.sitofp %convert_element_type3A_555 : vector<20x4096xi32> to vector<20x4096xf32>
    %reduce_sum3A_557 = arith.constant dense<0.000000e+00> : vector<20xf32>
    %reduce_sum3A_558 = vector.multi_reduction <add>, %convert_element_type3A_556, %reduce_sum3A_557 [1] : vector<20x4096xf32> to vector<20xf32>
    %broadcast_in_dim3A_559 = vector.shape_cast %reduce_sum3A_558 : vector<20xf32> to vector<20x1xf32>
    %ge3A_560 = arith.constant 2.560000e+02 : f32
    %ge3A_561 = vector.broadcast %ge3A_560 : f32 to vector<20x1xf32>
    %ge3A_562 = arith.cmpf oge, %broadcast_in_dim3A_559, %ge3A_561 : vector<20x1xf32>
    %select_n3A_563 = arith.select %ge3A_562, %or3A_549, %select_n3A_546 : vector<20x1xi1>, vector<20x1xi32>
    %or3A_564 = arith.constant 1 : i32
    %or3A_565 = vector.broadcast %or3A_564 : i32 to vector<20x1xi32>
    %or3A_566 = arith.ori %select_n3A_563, %or3A_565 : vector<20x1xi32>
    %xor3A_567 = arith.constant -2147483648 : i32
    %xor3A_568 = vector.broadcast %xor3A_567 : i32 to vector<20x1xi32>
    %xor3A_569 = arith.xori %or3A_566, %xor3A_568 : vector<20x1xi32>
    %ge3A_570 = vector.broadcast %xor3A_569 : vector<20x1xi32> to vector<20x4096xi32>
    %ge3A_571 = arith.cmpi sge, %select_n3A, %ge3A_570 : vector<20x4096xi32>
    %convert_element_type3A_572 = arith.extui %ge3A_571 : vector<20x4096xi1> to vector<20x4096xi32>
    %convert_element_type3A_573 = arith.sitofp %convert_element_type3A_572 : vector<20x4096xi32> to vector<20x4096xf32>
    %reduce_sum3A_574 = arith.constant dense<0.000000e+00> : vector<20xf32>
    %reduce_sum3A_575 = vector.multi_reduction <add>, %convert_element_type3A_573, %reduce_sum3A_574 [1] : vector<20x4096xf32> to vector<20xf32>
    %broadcast_in_dim3A_576 = vector.shape_cast %reduce_sum3A_575 : vector<20xf32> to vector<20x1xf32>
    %ge3A_577 = arith.constant 2.560000e+02 : f32
    %ge3A_578 = vector.broadcast %ge3A_577 : f32 to vector<20x1xf32>
    %ge3A_579 = arith.cmpf oge, %broadcast_in_dim3A_576, %ge3A_578 : vector<20x1xf32>
    %select_n3A_580 = arith.select %ge3A_579, %or3A_566, %select_n3A_563 : vector<20x1xi1>, vector<20x1xi32>
    %xor3A_581 = arith.constant -2147483648 : i32
    %xor3A_582 = vector.broadcast %xor3A_581 : i32 to vector<20x1xi32>
    %xor3A_583 = arith.xori %select_n3A_580, %xor3A_582 : vector<20x1xi32>
    %gt3A = vector.broadcast %xor3A_583 : vector<20x1xi32> to vector<20x4096xi32>
    %gt3A_584 = arith.cmpi sgt, %select_n3A, %gt3A : vector<20x4096xi32>
    %eq3A = vector.broadcast %xor3A_583 : vector<20x1xi32> to vector<20x4096xi32>
    %eq3A_585 = arith.cmpi eq, %select_n3A, %eq3A : vector<20x4096xi32>
    %convert_element_type3A_586 = arith.extui %gt3A_584 : vector<20x4096xi1> to vector<20x4096xi32>
    %convert_element_type3A_587 = arith.sitofp %convert_element_type3A_586 : vector<20x4096xi32> to vector<20x4096xf32>
    %reduce_sum3A_588 = arith.constant dense<0.000000e+00> : vector<20xf32>
    %reduce_sum3A_589 = vector.multi_reduction <add>, %convert_element_type3A_587, %reduce_sum3A_588 [1] : vector<20x4096xf32> to vector<20xf32>
    %broadcast_in_dim3A_590 = vector.shape_cast %reduce_sum3A_589 : vector<20xf32> to vector<20x1xf32>
    %sub3A_591 = arith.constant 2.560000e+02 : f32
    %sub3A_592 = vector.broadcast %sub3A_591 : f32 to vector<20x1xf32>
    %sub3A_593 = arith.subf %sub3A_592, %broadcast_in_dim3A_590 : vector<20x1xf32>
    %convert_element_type3A_594 = arith.extui %eq3A_585 : vector<20x4096xi1> to vector<20x4096xi32>
    %convert_element_type3A_595 = arith.sitofp %convert_element_type3A_594 : vector<20x4096xi32> to vector<20x4096xf32>
    %iota3A = tpu.iota {dimensions = array<i32: 0>} : vector<128x128xi32>
    %iota3A_596 = tpu.iota {dimensions = array<i32: 1>} : vector<128x128xi32>
    %le3A = arith.cmpi sle, %iota3A, %iota3A_596 : vector<128x128xi32>
    %convert_element_type3A_597 = arith.extui %le3A : vector<128x128xi1> to vector<128x128xi32>
    %convert_element_type3A_598 = arith.sitofp %convert_element_type3A_597 : vector<128x128xi32> to vector<128x128xf32>
    %reshape3A_599 = vector.shape_cast %convert_element_type3A_595 : vector<20x4096xf32> to vector<640x128xf32>
    %dot_general3A_600 = arith.constant dense<0.000000e+00> : vector<640x128xf32>
    %dot_general3A_601 = tpu.matmul %reshape3A_599, %convert_element_type3A_598, %dot_general3A_600 {dimension_numbers = #tpu.dot_dimension_numbers<[1], [0], [0], [1], [0, 0, 1, 1], [], []>, transpose_lhs_hint = false} : vector<640x128xf32>, vector<128x128xf32>, vector<640x128xf32> -> vector<640x128xf32>
    %reshape3A_602 = vector.shape_cast %dot_general3A_601 : vector<640x128xf32> to vector<20x32x128xf32>
    %reshape3A_603 = vector.shape_cast %convert_element_type3A_595 : vector<20x4096xf32> to vector<20x32x128xf32>
    %reduce_sum3A_604 = arith.constant dense<0.000000e+00> : vector<20x32xf32>
    %reduce_sum3A_605 = vector.multi_reduction <add>, %reshape3A_603, %reduce_sum3A_604 [2] : vector<20x32x128xf32> to vector<20x32xf32>
    %iota3A_606 = tpu.iota {dimensions = array<i32: 0>} : vector<32x32xi32>
    %iota3A_607 = tpu.iota {dimensions = array<i32: 1>} : vector<32x32xi32>
    %lt3A = arith.cmpi slt, %iota3A_606, %iota3A_607 : vector<32x32xi32>
    %convert_element_type3A_608 = arith.extui %lt3A : vector<32x32xi1> to vector<32x32xi32>
    %convert_element_type3A_609 = arith.sitofp %convert_element_type3A_608 : vector<32x32xi32> to vector<32x32xf32>
    %dot_general3A_610 = arith.constant dense<0.000000e+00> : vector<20x32xf32>
    %dot_general3A_611 = tpu.matmul %reduce_sum3A_605, %convert_element_type3A_609, %dot_general3A_610 {dimension_numbers = #tpu.dot_dimension_numbers<[1], [0], [0], [1], [0, 0, 1, 1], [], []>, transpose_lhs_hint = false} : vector<20x32xf32>, vector<32x32xf32>, vector<20x32xf32> -> vector<20x32xf32>
    %broadcast_in_dim3A_612 = vector.shape_cast %dot_general3A_611 : vector<20x32xf32> to vector<20x32x1xf32>
    %add3A_613 = vector.broadcast %broadcast_in_dim3A_612 : vector<20x32x1xf32> to vector<20x32x128xf32>
    %add3A_614 = arith.addf %reshape3A_602, %add3A_613 : vector<20x32x128xf32>
    %reshape3A_615 = vector.shape_cast %add3A_614 : vector<20x32x128xf32> to vector<20x4096xf32>
    %le3A_616 = vector.broadcast %sub3A_593 : vector<20x1xf32> to vector<20x4096xf32>
    %le3A_617 = arith.cmpf ole, %reshape3A_615, %le3A_616 : vector<20x4096xf32>
    %and3A = arith.andi %eq3A_585, %le3A_617 : vector<20x4096xi1>
    %or3A_618 = arith.ori %gt3A_584, %and3A : vector<20x4096xi1>
    %convert_element_type3A_619 = arith.extui %or3A_618 : vector<20x4096xi1> to vector<20x4096xi32>
    %convert_element_type3A_620 = arith.sitofp %convert_element_type3A_619 : vector<20x4096xi32> to vector<20x4096xf32>
    %iota3A_621 = tpu.iota {dimensions = array<i32: 0>} : vector<128x128xi32>
    %iota3A_622 = tpu.iota {dimensions = array<i32: 1>} : vector<128x128xi32>
    %le3A_623 = arith.cmpi sle, %iota3A_621, %iota3A_622 : vector<128x128xi32>
    %convert_element_type3A_624 = arith.extui %le3A_623 : vector<128x128xi1> to vector<128x128xi32>
    %convert_element_type3A_625 = arith.sitofp %convert_element_type3A_624 : vector<128x128xi32> to vector<128x128xf32>
    %reshape3A_626 = vector.shape_cast %convert_element_type3A_620 : vector<20x4096xf32> to vector<640x128xf32>
    %dot_general3A_627 = arith.constant dense<0.000000e+00> : vector<640x128xf32>
    %dot_general3A_628 = tpu.matmul %reshape3A_626, %convert_element_type3A_625, %dot_general3A_627 {dimension_numbers = #tpu.dot_dimension_numbers<[1], [0], [0], [1], [0, 0, 1, 1], [], []>, transpose_lhs_hint = false} : vector<640x128xf32>, vector<128x128xf32>, vector<640x128xf32> -> vector<640x128xf32>
    %reshape3A_629 = vector.shape_cast %dot_general3A_628 : vector<640x128xf32> to vector<20x32x128xf32>
    %reshape3A_630 = vector.shape_cast %convert_element_type3A_620 : vector<20x4096xf32> to vector<20x32x128xf32>
    %reduce_sum3A_631 = arith.constant dense<0.000000e+00> : vector<20x32xf32>
    %reduce_sum3A_632 = vector.multi_reduction <add>, %reshape3A_630, %reduce_sum3A_631 [2] : vector<20x32x128xf32> to vector<20x32xf32>
    %iota3A_633 = tpu.iota {dimensions = array<i32: 0>} : vector<32x32xi32>
    %iota3A_634 = tpu.iota {dimensions = array<i32: 1>} : vector<32x32xi32>
    %lt3A_635 = arith.cmpi slt, %iota3A_633, %iota3A_634 : vector<32x32xi32>
    %convert_element_type3A_636 = arith.extui %lt3A_635 : vector<32x32xi1> to vector<32x32xi32>
    %convert_element_type3A_637 = arith.sitofp %convert_element_type3A_636 : vector<32x32xi32> to vector<32x32xf32>
    %dot_general3A_638 = arith.constant dense<0.000000e+00> : vector<20x32xf32>
    %dot_general3A_639 = tpu.matmul %reduce_sum3A_632, %convert_element_type3A_637, %dot_general3A_638 {dimension_numbers = #tpu.dot_dimension_numbers<[1], [0], [0], [1], [0, 0, 1, 1], [], []>, transpose_lhs_hint = false} : vector<20x32xf32>, vector<32x32xf32>, vector<20x32xf32> -> vector<20x32xf32>
    %broadcast_in_dim3A_640 = vector.shape_cast %dot_general3A_639 : vector<20x32xf32> to vector<20x32x1xf32>
    %add3A_641 = vector.broadcast %broadcast_in_dim3A_640 : vector<20x32x1xf32> to vector<20x32x128xf32>
    %add3A_642 = arith.addf %reshape3A_629, %add3A_641 : vector<20x32x128xf32>
    %reshape3A_643 = vector.shape_cast %add3A_642 : vector<20x32x128xf32> to vector<20x4096xf32>
    %iota3A_644 = tpu.iota {dimensions = array<i32: 1>} : vector<1x8x1xi32>
    %convert_element_type3A_645 = arith.sitofp %iota3A_644 : vector<1x8x1xi32> to vector<1x8x1xf32>
    %add3A_646 = arith.constant 0.000000e+00 : f32
    %add3A_647 = vector.broadcast %add3A_646 : f32 to vector<1x8x1xf32>
    %add3A_648 = arith.addf %convert_element_type3A_645, %add3A_647 : vector<1x8x1xf32>
    %broadcast_in_dim3A_649 = vector.shape_cast %reshape3A_643 : vector<20x4096xf32> to vector<20x1x4096xf32>
    %le3A_650 = vector.broadcast %broadcast_in_dim3A_649 : vector<20x1x4096xf32> to vector<20x8x4096xf32>
    %le3A_651 = vector.broadcast %add3A_648 : vector<1x8x1xf32> to vector<20x8x4096xf32>
    %le3A_652 = arith.cmpf ole, %le3A_650, %le3A_651 : vector<20x8x4096xf32>
    %convert_element_type3A_653 = arith.extui %le3A_652 : vector<20x8x4096xi1> to vector<20x8x4096xi32>
    %convert_element_type3A_654 = arith.sitofp %convert_element_type3A_653 : vector<20x8x4096xi32> to vector<20x8x4096xf32>
    %reduce_sum3A_655 = arith.constant dense<0.000000e+00> : vector<20x8xf32>
    %reduce_sum3A_656 = vector.multi_reduction <add>, %convert_element_type3A_654, %reduce_sum3A_655 [2] : vector<20x8x4096xf32> to vector<20x8xf32>
    %iota3A_657 = tpu.iota {dimensions = array<i32: 1>} : vector<1x8x1xi32>
    %convert_element_type3A_658 = arith.sitofp %iota3A_657 : vector<1x8x1xi32> to vector<1x8x1xf32>
    %add3A_659 = arith.constant 8.000000e+00 : f32
    %add3A_660 = vector.broadcast %add3A_659 : f32 to vector<1x8x1xf32>
    %add3A_661 = arith.addf %convert_element_type3A_658, %add3A_660 : vector<1x8x1xf32>
    %broadcast_in_dim3A_662 = vector.shape_cast %reshape3A_643 : vector<20x4096xf32> to vector<20x1x4096xf32>
    %le3A_663 = vector.broadcast %broadcast_in_dim3A_662 : vector<20x1x4096xf32> to vector<20x8x4096xf32>
    %le3A_664 = vector.broadcast %add3A_661 : vector<1x8x1xf32> to vector<20x8x4096xf32>
    %le3A_665 = arith.cmpf ole, %le3A_663, %le3A_664 : vector<20x8x4096xf32>
    %convert_element_type3A_666 = arith.extui %le3A_665 : vector<20x8x4096xi1> to vector<20x8x4096xi32>
    %convert_element_type3A_667 = arith.sitofp %convert_element_type3A_666 : vector<20x8x4096xi32> to vector<20x8x4096xf32>
    %reduce_sum3A_668 = arith.constant dense<0.000000e+00> : vector<20x8xf32>
    %reduce_sum3A_669 = vector.multi_reduction <add>, %convert_element_type3A_667, %reduce_sum3A_668 [2] : vector<20x8x4096xf32> to vector<20x8xf32>
    %iota3A_670 = tpu.iota {dimensions = array<i32: 1>} : vector<1x8x1xi32>
    %convert_element_type3A_671 = arith.sitofp %iota3A_670 : vector<1x8x1xi32> to vector<1x8x1xf32>
    %add3A_672 = arith.constant 1.600000e+01 : f32
    %add3A_673 = vector.broadcast %add3A_672 : f32 to vector<1x8x1xf32>
    %add3A_674 = arith.addf %convert_element_type3A_671, %add3A_673 : vector<1x8x1xf32>
    %broadcast_in_dim3A_675 = vector.shape_cast %reshape3A_643 : vector<20x4096xf32> to vector<20x1x4096xf32>
    %le3A_676 = vector.broadcast %broadcast_in_dim3A_675 : vector<20x1x4096xf32> to vector<20x8x4096xf32>
    %le3A_677 = vector.broadcast %add3A_674 : vector<1x8x1xf32> to vector<20x8x4096xf32>
    %le3A_678 = arith.cmpf ole, %le3A_676, %le3A_677 : vector<20x8x4096xf32>
    %convert_element_type3A_679 = arith.extui %le3A_678 : vector<20x8x4096xi1> to vector<20x8x4096xi32>
    %convert_element_type3A_680 = arith.sitofp %convert_element_type3A_679 : vector<20x8x4096xi32> to vector<20x8x4096xf32>
    %reduce_sum3A_681 = arith.constant dense<0.000000e+00> : vector<20x8xf32>
    %reduce_sum3A_682 = vector.multi_reduction <add>, %convert_element_type3A_680, %reduce_sum3A_681 [2] : vector<20x8x4096xf32> to vector<20x8xf32>
    %iota3A_683 = tpu.iota {dimensions = array<i32: 1>} : vector<1x8x1xi32>
    %convert_element_type3A_684 = arith.sitofp %iota3A_683 : vector<1x8x1xi32> to vector<1x8x1xf32>
    %add3A_685 = arith.constant 2.400000e+01 : f32
    %add3A_686 = vector.broadcast %add3A_685 : f32 to vector<1x8x1xf32>
    %add3A_687 = arith.addf %convert_element_type3A_684, %add3A_686 : vector<1x8x1xf32>
    %broadcast_in_dim3A_688 = vector.shape_cast %reshape3A_643 : vector<20x4096xf32> to vector<20x1x4096xf32>
    %le3A_689 = vector.broadcast %broadcast_in_dim3A_688 : vector<20x1x4096xf32> to vector<20x8x4096xf32>
    %le3A_690 = vector.broadcast %add3A_687 : vector<1x8x1xf32> to vector<20x8x4096xf32>
    %le3A_691 = arith.cmpf ole, %le3A_689, %le3A_690 : vector<20x8x4096xf32>
    %convert_element_type3A_692 = arith.extui %le3A_691 : vector<20x8x4096xi1> to vector<20x8x4096xi32>
    %convert_element_type3A_693 = arith.sitofp %convert_element_type3A_692 : vector<20x8x4096xi32> to vector<20x8x4096xf32>
    %reduce_sum3A_694 = arith.constant dense<0.000000e+00> : vector<20x8xf32>
    %reduce_sum3A_695 = vector.multi_reduction <add>, %convert_element_type3A_693, %reduce_sum3A_694 [2] : vector<20x8x4096xf32> to vector<20x8xf32>
    %iota3A_696 = tpu.iota {dimensions = array<i32: 1>} : vector<1x8x1xi32>
    %convert_element_type3A_697 = arith.sitofp %iota3A_696 : vector<1x8x1xi32> to vector<1x8x1xf32>
    %add3A_698 = arith.constant 3.200000e+01 : f32
    %add3A_699 = vector.broadcast %add3A_698 : f32 to vector<1x8x1xf32>
    %add3A_700 = arith.addf %convert_element_type3A_697, %add3A_699 : vector<1x8x1xf32>
    %broadcast_in_dim3A_701 = vector.shape_cast %reshape3A_643 : vector<20x4096xf32> to vector<20x1x4096xf32>
    %le3A_702 = vector.broadcast %broadcast_in_dim3A_701 : vector<20x1x4096xf32> to vector<20x8x4096xf32>
    %le3A_703 = vector.broadcast %add3A_700 : vector<1x8x1xf32> to vector<20x8x4096xf32>
    %le3A_704 = arith.cmpf ole, %le3A_702, %le3A_703 : vector<20x8x4096xf32>
    %convert_element_type3A_705 = arith.extui %le3A_704 : vector<20x8x4096xi1> to vector<20x8x4096xi32>
    %convert_element_type3A_706 = arith.sitofp %convert_element_type3A_705 : vector<20x8x4096xi32> to vector<20x8x4096xf32>
    %reduce_sum3A_707 = arith.constant dense<0.000000e+00> : vector<20x8xf32>
    %reduce_sum3A_708 = vector.multi_reduction <add>, %convert_element_type3A_706, %reduce_sum3A_707 [2] : vector<20x8x4096xf32> to vector<20x8xf32>
    %iota3A_709 = tpu.iota {dimensions = array<i32: 1>} : vector<1x8x1xi32>
    %convert_element_type3A_710 = arith.sitofp %iota3A_709 : vector<1x8x1xi32> to vector<1x8x1xf32>
    %add3A_711 = arith.constant 4.000000e+01 : f32
    %add3A_712 = vector.broadcast %add3A_711 : f32 to vector<1x8x1xf32>
    %add3A_713 = arith.addf %convert_element_type3A_710, %add3A_712 : vector<1x8x1xf32>
    %broadcast_in_dim3A_714 = vector.shape_cast %reshape3A_643 : vector<20x4096xf32> to vector<20x1x4096xf32>
    %le3A_715 = vector.broadcast %broadcast_in_dim3A_714 : vector<20x1x4096xf32> to vector<20x8x4096xf32>
    %le3A_716 = vector.broadcast %add3A_713 : vector<1x8x1xf32> to vector<20x8x4096xf32>
    %le3A_717 = arith.cmpf ole, %le3A_715, %le3A_716 : vector<20x8x4096xf32>
    %convert_element_type3A_718 = arith.extui %le3A_717 : vector<20x8x4096xi1> to vector<20x8x4096xi32>
    %convert_element_type3A_719 = arith.sitofp %convert_element_type3A_718 : vector<20x8x4096xi32> to vector<20x8x4096xf32>
    %reduce_sum3A_720 = arith.constant dense<0.000000e+00> : vector<20x8xf32>
    %reduce_sum3A_721 = vector.multi_reduction <add>, %convert_element_type3A_719, %reduce_sum3A_720 [2] : vector<20x8x4096xf32> to vector<20x8xf32>
    %iota3A_722 = tpu.iota {dimensions = array<i32: 1>} : vector<1x8x1xi32>
    %convert_element_type3A_723 = arith.sitofp %iota3A_722 : vector<1x8x1xi32> to vector<1x8x1xf32>
    %add3A_724 = arith.constant 4.800000e+01 : f32
    %add3A_725 = vector.broadcast %add3A_724 : f32 to vector<1x8x1xf32>
    %add3A_726 = arith.addf %convert_element_type3A_723, %add3A_725 : vector<1x8x1xf32>
    %broadcast_in_dim3A_727 = vector.shape_cast %reshape3A_643 : vector<20x4096xf32> to vector<20x1x4096xf32>
    %le3A_728 = vector.broadcast %broadcast_in_dim3A_727 : vector<20x1x4096xf32> to vector<20x8x4096xf32>
    %le3A_729 = vector.broadcast %add3A_726 : vector<1x8x1xf32> to vector<20x8x4096xf32>
    %le3A_730 = arith.cmpf ole, %le3A_728, %le3A_729 : vector<20x8x4096xf32>
    %convert_element_type3A_731 = arith.extui %le3A_730 : vector<20x8x4096xi1> to vector<20x8x4096xi32>
    %convert_element_type3A_732 = arith.sitofp %convert_element_type3A_731 : vector<20x8x4096xi32> to vector<20x8x4096xf32>
    %reduce_sum3A_733 = arith.constant dense<0.000000e+00> : vector<20x8xf32>
    %reduce_sum3A_734 = vector.multi_reduction <add>, %convert_element_type3A_732, %reduce_sum3A_733 [2] : vector<20x8x4096xf32> to vector<20x8xf32>
    %iota3A_735 = tpu.iota {dimensions = array<i32: 1>} : vector<1x8x1xi32>
    %convert_element_type3A_736 = arith.sitofp %iota3A_735 : vector<1x8x1xi32> to vector<1x8x1xf32>
    %add3A_737 = arith.constant 5.600000e+01 : f32
    %add3A_738 = vector.broadcast %add3A_737 : f32 to vector<1x8x1xf32>
    %add3A_739 = arith.addf %convert_element_type3A_736, %add3A_738 : vector<1x8x1xf32>
    %broadcast_in_dim3A_740 = vector.shape_cast %reshape3A_643 : vector<20x4096xf32> to vector<20x1x4096xf32>
    %le3A_741 = vector.broadcast %broadcast_in_dim3A_740 : vector<20x1x4096xf32> to vector<20x8x4096xf32>
    %le3A_742 = vector.broadcast %add3A_739 : vector<1x8x1xf32> to vector<20x8x4096xf32>
    %le3A_743 = arith.cmpf ole, %le3A_741, %le3A_742 : vector<20x8x4096xf32>
    %convert_element_type3A_744 = arith.extui %le3A_743 : vector<20x8x4096xi1> to vector<20x8x4096xi32>
    %convert_element_type3A_745 = arith.sitofp %convert_element_type3A_744 : vector<20x8x4096xi32> to vector<20x8x4096xf32>
    %reduce_sum3A_746 = arith.constant dense<0.000000e+00> : vector<20x8xf32>
    %reduce_sum3A_747 = vector.multi_reduction <add>, %convert_element_type3A_745, %reduce_sum3A_746 [2] : vector<20x8x4096xf32> to vector<20x8xf32>
    %iota3A_748 = tpu.iota {dimensions = array<i32: 1>} : vector<1x8x1xi32>
    %convert_element_type3A_749 = arith.sitofp %iota3A_748 : vector<1x8x1xi32> to vector<1x8x1xf32>
    %add3A_750 = arith.constant 6.400000e+01 : f32
    %add3A_751 = vector.broadcast %add3A_750 : f32 to vector<1x8x1xf32>
    %add3A_752 = arith.addf %convert_element_type3A_749, %add3A_751 : vector<1x8x1xf32>
    %broadcast_in_dim3A_753 = vector.shape_cast %reshape3A_643 : vector<20x4096xf32> to vector<20x1x4096xf32>
    %le3A_754 = vector.broadcast %broadcast_in_dim3A_753 : vector<20x1x4096xf32> to vector<20x8x4096xf32>
    %le3A_755 = vector.broadcast %add3A_752 : vector<1x8x1xf32> to vector<20x8x4096xf32>
    %le3A_756 = arith.cmpf ole, %le3A_754, %le3A_755 : vector<20x8x4096xf32>
    %convert_element_type3A_757 = arith.extui %le3A_756 : vector<20x8x4096xi1> to vector<20x8x4096xi32>
    %convert_element_type3A_758 = arith.sitofp %convert_element_type3A_757 : vector<20x8x4096xi32> to vector<20x8x4096xf32>
    %reduce_sum3A_759 = arith.constant dense<0.000000e+00> : vector<20x8xf32>
    %reduce_sum3A_760 = vector.multi_reduction <add>, %convert_element_type3A_758, %reduce_sum3A_759 [2] : vector<20x8x4096xf32> to vector<20x8xf32>
    %iota3A_761 = tpu.iota {dimensions = array<i32: 1>} : vector<1x8x1xi32>
    %convert_element_type3A_762 = arith.sitofp %iota3A_761 : vector<1x8x1xi32> to vector<1x8x1xf32>
    %add3A_763 = arith.constant 7.200000e+01 : f32
    %add3A_764 = vector.broadcast %add3A_763 : f32 to vector<1x8x1xf32>
    %add3A_765 = arith.addf %convert_element_type3A_762, %add3A_764 : vector<1x8x1xf32>
    %broadcast_in_dim3A_766 = vector.shape_cast %reshape3A_643 : vector<20x4096xf32> to vector<20x1x4096xf32>
    %le3A_767 = vector.broadcast %broadcast_in_dim3A_766 : vector<20x1x4096xf32> to vector<20x8x4096xf32>
    %le3A_768 = vector.broadcast %add3A_765 : vector<1x8x1xf32> to vector<20x8x4096xf32>
    %le3A_769 = arith.cmpf ole, %le3A_767, %le3A_768 : vector<20x8x4096xf32>
    %convert_element_type3A_770 = arith.extui %le3A_769 : vector<20x8x4096xi1> to vector<20x8x4096xi32>
    %convert_element_type3A_771 = arith.sitofp %convert_element_type3A_770 : vector<20x8x4096xi32> to vector<20x8x4096xf32>
    %reduce_sum3A_772 = arith.constant dense<0.000000e+00> : vector<20x8xf32>
    %reduce_sum3A_773 = vector.multi_reduction <add>, %convert_element_type3A_771, %reduce_sum3A_772 [2] : vector<20x8x4096xf32> to vector<20x8xf32>
    %iota3A_774 = tpu.iota {dimensions = array<i32: 1>} : vector<1x8x1xi32>
    %convert_element_type3A_775 = arith.sitofp %iota3A_774 : vector<1x8x1xi32> to vector<1x8x1xf32>
    %add3A_776 = arith.constant 8.000000e+01 : f32
    %add3A_777 = vector.broadcast %add3A_776 : f32 to vector<1x8x1xf32>
    %add3A_778 = arith.addf %convert_element_type3A_775, %add3A_777 : vector<1x8x1xf32>
    %broadcast_in_dim3A_779 = vector.shape_cast %reshape3A_643 : vector<20x4096xf32> to vector<20x1x4096xf32>
    %le3A_780 = vector.broadcast %broadcast_in_dim3A_779 : vector<20x1x4096xf32> to vector<20x8x4096xf32>
    %le3A_781 = vector.broadcast %add3A_778 : vector<1x8x1xf32> to vector<20x8x4096xf32>
    %le3A_782 = arith.cmpf ole, %le3A_780, %le3A_781 : vector<20x8x4096xf32>
    %convert_element_type3A_783 = arith.extui %le3A_782 : vector<20x8x4096xi1> to vector<20x8x4096xi32>
    %convert_element_type3A_784 = arith.sitofp %convert_element_type3A_783 : vector<20x8x4096xi32> to vector<20x8x4096xf32>
    %reduce_sum3A_785 = arith.constant dense<0.000000e+00> : vector<20x8xf32>
    %reduce_sum3A_786 = vector.multi_reduction <add>, %convert_element_type3A_784, %reduce_sum3A_785 [2] : vector<20x8x4096xf32> to vector<20x8xf32>
    %iota3A_787 = tpu.iota {dimensions = array<i32: 1>} : vector<1x8x1xi32>
    %convert_element_type3A_788 = arith.sitofp %iota3A_787 : vector<1x8x1xi32> to vector<1x8x1xf32>
    %add3A_789 = arith.constant 8.800000e+01 : f32
    %add3A_790 = vector.broadcast %add3A_789 : f32 to vector<1x8x1xf32>
    %add3A_791 = arith.addf %convert_element_type3A_788, %add3A_790 : vector<1x8x1xf32>
    %broadcast_in_dim3A_792 = vector.shape_cast %reshape3A_643 : vector<20x4096xf32> to vector<20x1x4096xf32>
    %le3A_793 = vector.broadcast %broadcast_in_dim3A_792 : vector<20x1x4096xf32> to vector<20x8x4096xf32>
    %le3A_794 = vector.broadcast %add3A_791 : vector<1x8x1xf32> to vector<20x8x4096xf32>
    %le3A_795 = arith.cmpf ole, %le3A_793, %le3A_794 : vector<20x8x4096xf32>
    %convert_element_type3A_796 = arith.extui %le3A_795 : vector<20x8x4096xi1> to vector<20x8x4096xi32>
    %convert_element_type3A_797 = arith.sitofp %convert_element_type3A_796 : vector<20x8x4096xi32> to vector<20x8x4096xf32>
    %reduce_sum3A_798 = arith.constant dense<0.000000e+00> : vector<20x8xf32>
    %reduce_sum3A_799 = vector.multi_reduction <add>, %convert_element_type3A_797, %reduce_sum3A_798 [2] : vector<20x8x4096xf32> to vector<20x8xf32>
    %iota3A_800 = tpu.iota {dimensions = array<i32: 1>} : vector<1x8x1xi32>
    %convert_element_type3A_801 = arith.sitofp %iota3A_800 : vector<1x8x1xi32> to vector<1x8x1xf32>
    %add3A_802 = arith.constant 9.600000e+01 : f32
    %add3A_803 = vector.broadcast %add3A_802 : f32 to vector<1x8x1xf32>
    %add3A_804 = arith.addf %convert_element_type3A_801, %add3A_803 : vector<1x8x1xf32>
    %broadcast_in_dim3A_805 = vector.shape_cast %reshape3A_643 : vector<20x4096xf32> to vector<20x1x4096xf32>
    %le3A_806 = vector.broadcast %broadcast_in_dim3A_805 : vector<20x1x4096xf32> to vector<20x8x4096xf32>
    %le3A_807 = vector.broadcast %add3A_804 : vector<1x8x1xf32> to vector<20x8x4096xf32>
    %le3A_808 = arith.cmpf ole, %le3A_806, %le3A_807 : vector<20x8x4096xf32>
    %convert_element_type3A_809 = arith.extui %le3A_808 : vector<20x8x4096xi1> to vector<20x8x4096xi32>
    %convert_element_type3A_810 = arith.sitofp %convert_element_type3A_809 : vector<20x8x4096xi32> to vector<20x8x4096xf32>
    %reduce_sum3A_811 = arith.constant dense<0.000000e+00> : vector<20x8xf32>
    %reduce_sum3A_812 = vector.multi_reduction <add>, %convert_element_type3A_810, %reduce_sum3A_811 [2] : vector<20x8x4096xf32> to vector<20x8xf32>
    %iota3A_813 = tpu.iota {dimensions = array<i32: 1>} : vector<1x8x1xi32>
    %convert_element_type3A_814 = arith.sitofp %iota3A_813 : vector<1x8x1xi32> to vector<1x8x1xf32>
    %add3A_815 = arith.constant 1.040000e+02 : f32
    %add3A_816 = vector.broadcast %add3A_815 : f32 to vector<1x8x1xf32>
    %add3A_817 = arith.addf %convert_element_type3A_814, %add3A_816 : vector<1x8x1xf32>
    %broadcast_in_dim3A_818 = vector.shape_cast %reshape3A_643 : vector<20x4096xf32> to vector<20x1x4096xf32>
    %le3A_819 = vector.broadcast %broadcast_in_dim3A_818 : vector<20x1x4096xf32> to vector<20x8x4096xf32>
    %le3A_820 = vector.broadcast %add3A_817 : vector<1x8x1xf32> to vector<20x8x4096xf32>
    %le3A_821 = arith.cmpf ole, %le3A_819, %le3A_820 : vector<20x8x4096xf32>
    %convert_element_type3A_822 = arith.extui %le3A_821 : vector<20x8x4096xi1> to vector<20x8x4096xi32>
    %convert_element_type3A_823 = arith.sitofp %convert_element_type3A_822 : vector<20x8x4096xi32> to vector<20x8x4096xf32>
    %reduce_sum3A_824 = arith.constant dense<0.000000e+00> : vector<20x8xf32>
    %reduce_sum3A_825 = vector.multi_reduction <add>, %convert_element_type3A_823, %reduce_sum3A_824 [2] : vector<20x8x4096xf32> to vector<20x8xf32>
    %iota3A_826 = tpu.iota {dimensions = array<i32: 1>} : vector<1x8x1xi32>
    %convert_element_type3A_827 = arith.sitofp %iota3A_826 : vector<1x8x1xi32> to vector<1x8x1xf32>
    %add3A_828 = arith.constant 1.120000e+02 : f32
    %add3A_829 = vector.broadcast %add3A_828 : f32 to vector<1x8x1xf32>
    %add3A_830 = arith.addf %convert_element_type3A_827, %add3A_829 : vector<1x8x1xf32>
    %broadcast_in_dim3A_831 = vector.shape_cast %reshape3A_643 : vector<20x4096xf32> to vector<20x1x4096xf32>
    %le3A_832 = vector.broadcast %broadcast_in_dim3A_831 : vector<20x1x4096xf32> to vector<20x8x4096xf32>
    %le3A_833 = vector.broadcast %add3A_830 : vector<1x8x1xf32> to vector<20x8x4096xf32>
    %le3A_834 = arith.cmpf ole, %le3A_832, %le3A_833 : vector<20x8x4096xf32>
    %convert_element_type3A_835 = arith.extui %le3A_834 : vector<20x8x4096xi1> to vector<20x8x4096xi32>
    %convert_element_type3A_836 = arith.sitofp %convert_element_type3A_835 : vector<20x8x4096xi32> to vector<20x8x4096xf32>
    %reduce_sum3A_837 = arith.constant dense<0.000000e+00> : vector<20x8xf32>
    %reduce_sum3A_838 = vector.multi_reduction <add>, %convert_element_type3A_836, %reduce_sum3A_837 [2] : vector<20x8x4096xf32> to vector<20x8xf32>
    %iota3A_839 = tpu.iota {dimensions = array<i32: 1>} : vector<1x8x1xi32>
    %convert_element_type3A_840 = arith.sitofp %iota3A_839 : vector<1x8x1xi32> to vector<1x8x1xf32>
    %add3A_841 = arith.constant 1.200000e+02 : f32
    %add3A_842 = vector.broadcast %add3A_841 : f32 to vector<1x8x1xf32>
    %add3A_843 = arith.addf %convert_element_type3A_840, %add3A_842 : vector<1x8x1xf32>
    %broadcast_in_dim3A_844 = vector.shape_cast %reshape3A_643 : vector<20x4096xf32> to vector<20x1x4096xf32>
    %le3A_845 = vector.broadcast %broadcast_in_dim3A_844 : vector<20x1x4096xf32> to vector<20x8x4096xf32>
    %le3A_846 = vector.broadcast %add3A_843 : vector<1x8x1xf32> to vector<20x8x4096xf32>
    %le3A_847 = arith.cmpf ole, %le3A_845, %le3A_846 : vector<20x8x4096xf32>
    %convert_element_type3A_848 = arith.extui %le3A_847 : vector<20x8x4096xi1> to vector<20x8x4096xi32>
    %convert_element_type3A_849 = arith.sitofp %convert_element_type3A_848 : vector<20x8x4096xi32> to vector<20x8x4096xf32>
    %reduce_sum3A_850 = arith.constant dense<0.000000e+00> : vector<20x8xf32>
    %reduce_sum3A_851 = vector.multi_reduction <add>, %convert_element_type3A_849, %reduce_sum3A_850 [2] : vector<20x8x4096xf32> to vector<20x8xf32>
    %iota3A_852 = tpu.iota {dimensions = array<i32: 1>} : vector<1x8x1xi32>
    %convert_element_type3A_853 = arith.sitofp %iota3A_852 : vector<1x8x1xi32> to vector<1x8x1xf32>
    %add3A_854 = arith.constant 1.280000e+02 : f32
    %add3A_855 = vector.broadcast %add3A_854 : f32 to vector<1x8x1xf32>
    %add3A_856 = arith.addf %convert_element_type3A_853, %add3A_855 : vector<1x8x1xf32>
    %broadcast_in_dim3A_857 = vector.shape_cast %reshape3A_643 : vector<20x4096xf32> to vector<20x1x4096xf32>
    %le3A_858 = vector.broadcast %broadcast_in_dim3A_857 : vector<20x1x4096xf32> to vector<20x8x4096xf32>
    %le3A_859 = vector.broadcast %add3A_856 : vector<1x8x1xf32> to vector<20x8x4096xf32>
    %le3A_860 = arith.cmpf ole, %le3A_858, %le3A_859 : vector<20x8x4096xf32>
    %convert_element_type3A_861 = arith.extui %le3A_860 : vector<20x8x4096xi1> to vector<20x8x4096xi32>
    %convert_element_type3A_862 = arith.sitofp %convert_element_type3A_861 : vector<20x8x4096xi32> to vector<20x8x4096xf32>
    %reduce_sum3A_863 = arith.constant dense<0.000000e+00> : vector<20x8xf32>
    %reduce_sum3A_864 = vector.multi_reduction <add>, %convert_element_type3A_862, %reduce_sum3A_863 [2] : vector<20x8x4096xf32> to vector<20x8xf32>
    %iota3A_865 = tpu.iota {dimensions = array<i32: 1>} : vector<1x8x1xi32>
    %convert_element_type3A_866 = arith.sitofp %iota3A_865 : vector<1x8x1xi32> to vector<1x8x1xf32>
    %add3A_867 = arith.constant 1.360000e+02 : f32
    %add3A_868 = vector.broadcast %add3A_867 : f32 to vector<1x8x1xf32>
    %add3A_869 = arith.addf %convert_element_type3A_866, %add3A_868 : vector<1x8x1xf32>
    %broadcast_in_dim3A_870 = vector.shape_cast %reshape3A_643 : vector<20x4096xf32> to vector<20x1x4096xf32>
    %le3A_871 = vector.broadcast %broadcast_in_dim3A_870 : vector<20x1x4096xf32> to vector<20x8x4096xf32>
    %le3A_872 = vector.broadcast %add3A_869 : vector<1x8x1xf32> to vector<20x8x4096xf32>
    %le3A_873 = arith.cmpf ole, %le3A_871, %le3A_872 : vector<20x8x4096xf32>
    %convert_element_type3A_874 = arith.extui %le3A_873 : vector<20x8x4096xi1> to vector<20x8x4096xi32>
    %convert_element_type3A_875 = arith.sitofp %convert_element_type3A_874 : vector<20x8x4096xi32> to vector<20x8x4096xf32>
    %reduce_sum3A_876 = arith.constant dense<0.000000e+00> : vector<20x8xf32>
    %reduce_sum3A_877 = vector.multi_reduction <add>, %convert_element_type3A_875, %reduce_sum3A_876 [2] : vector<20x8x4096xf32> to vector<20x8xf32>
    %iota3A_878 = tpu.iota {dimensions = array<i32: 1>} : vector<1x8x1xi32>
    %convert_element_type3A_879 = arith.sitofp %iota3A_878 : vector<1x8x1xi32> to vector<1x8x1xf32>
    %add3A_880 = arith.constant 1.440000e+02 : f32
    %add3A_881 = vector.broadcast %add3A_880 : f32 to vector<1x8x1xf32>
    %add3A_882 = arith.addf %convert_element_type3A_879, %add3A_881 : vector<1x8x1xf32>
    %broadcast_in_dim3A_883 = vector.shape_cast %reshape3A_643 : vector<20x4096xf32> to vector<20x1x4096xf32>
    %le3A_884 = vector.broadcast %broadcast_in_dim3A_883 : vector<20x1x4096xf32> to vector<20x8x4096xf32>
    %le3A_885 = vector.broadcast %add3A_882 : vector<1x8x1xf32> to vector<20x8x4096xf32>
    %le3A_886 = arith.cmpf ole, %le3A_884, %le3A_885 : vector<20x8x4096xf32>
    %convert_element_type3A_887 = arith.extui %le3A_886 : vector<20x8x4096xi1> to vector<20x8x4096xi32>
    %convert_element_type3A_888 = arith.sitofp %convert_element_type3A_887 : vector<20x8x4096xi32> to vector<20x8x4096xf32>
    %reduce_sum3A_889 = arith.constant dense<0.000000e+00> : vector<20x8xf32>
    %reduce_sum3A_890 = vector.multi_reduction <add>, %convert_element_type3A_888, %reduce_sum3A_889 [2] : vector<20x8x4096xf32> to vector<20x8xf32>
    %iota3A_891 = tpu.iota {dimensions = array<i32: 1>} : vector<1x8x1xi32>
    %convert_element_type3A_892 = arith.sitofp %iota3A_891 : vector<1x8x1xi32> to vector<1x8x1xf32>
    %add3A_893 = arith.constant 1.520000e+02 : f32
    %add3A_894 = vector.broadcast %add3A_893 : f32 to vector<1x8x1xf32>
    %add3A_895 = arith.addf %convert_element_type3A_892, %add3A_894 : vector<1x8x1xf32>
    %broadcast_in_dim3A_896 = vector.shape_cast %reshape3A_643 : vector<20x4096xf32> to vector<20x1x4096xf32>
    %le3A_897 = vector.broadcast %broadcast_in_dim3A_896 : vector<20x1x4096xf32> to vector<20x8x4096xf32>
    %le3A_898 = vector.broadcast %add3A_895 : vector<1x8x1xf32> to vector<20x8x4096xf32>
    %le3A_899 = arith.cmpf ole, %le3A_897, %le3A_898 : vector<20x8x4096xf32>
    %convert_element_type3A_900 = arith.extui %le3A_899 : vector<20x8x4096xi1> to vector<20x8x4096xi32>
    %convert_element_type3A_901 = arith.sitofp %convert_element_type3A_900 : vector<20x8x4096xi32> to vector<20x8x4096xf32>
    %reduce_sum3A_902 = arith.constant dense<0.000000e+00> : vector<20x8xf32>
    %reduce_sum3A_903 = vector.multi_reduction <add>, %convert_element_type3A_901, %reduce_sum3A_902 [2] : vector<20x8x4096xf32> to vector<20x8xf32>
    %iota3A_904 = tpu.iota {dimensions = array<i32: 1>} : vector<1x8x1xi32>
    %convert_element_type3A_905 = arith.sitofp %iota3A_904 : vector<1x8x1xi32> to vector<1x8x1xf32>
    %add3A_906 = arith.constant 1.600000e+02 : f32
    %add3A_907 = vector.broadcast %add3A_906 : f32 to vector<1x8x1xf32>
    %add3A_908 = arith.addf %convert_element_type3A_905, %add3A_907 : vector<1x8x1xf32>
    %broadcast_in_dim3A_909 = vector.shape_cast %reshape3A_643 : vector<20x4096xf32> to vector<20x1x4096xf32>
    %le3A_910 = vector.broadcast %broadcast_in_dim3A_909 : vector<20x1x4096xf32> to vector<20x8x4096xf32>
    %le3A_911 = vector.broadcast %add3A_908 : vector<1x8x1xf32> to vector<20x8x4096xf32>
    %le3A_912 = arith.cmpf ole, %le3A_910, %le3A_911 : vector<20x8x4096xf32>
    %convert_element_type3A_913 = arith.extui %le3A_912 : vector<20x8x4096xi1> to vector<20x8x4096xi32>
    %convert_element_type3A_914 = arith.sitofp %convert_element_type3A_913 : vector<20x8x4096xi32> to vector<20x8x4096xf32>
    %reduce_sum3A_915 = arith.constant dense<0.000000e+00> : vector<20x8xf32>
    %reduce_sum3A_916 = vector.multi_reduction <add>, %convert_element_type3A_914, %reduce_sum3A_915 [2] : vector<20x8x4096xf32> to vector<20x8xf32>
    %iota3A_917 = tpu.iota {dimensions = array<i32: 1>} : vector<1x8x1xi32>
    %convert_element_type3A_918 = arith.sitofp %iota3A_917 : vector<1x8x1xi32> to vector<1x8x1xf32>
    %add3A_919 = arith.constant 1.680000e+02 : f32
    %add3A_920 = vector.broadcast %add3A_919 : f32 to vector<1x8x1xf32>
    %add3A_921 = arith.addf %convert_element_type3A_918, %add3A_920 : vector<1x8x1xf32>
    %broadcast_in_dim3A_922 = vector.shape_cast %reshape3A_643 : vector<20x4096xf32> to vector<20x1x4096xf32>
    %le3A_923 = vector.broadcast %broadcast_in_dim3A_922 : vector<20x1x4096xf32> to vector<20x8x4096xf32>
    %le3A_924 = vector.broadcast %add3A_921 : vector<1x8x1xf32> to vector<20x8x4096xf32>
    %le3A_925 = arith.cmpf ole, %le3A_923, %le3A_924 : vector<20x8x4096xf32>
    %convert_element_type3A_926 = arith.extui %le3A_925 : vector<20x8x4096xi1> to vector<20x8x4096xi32>
    %convert_element_type3A_927 = arith.sitofp %convert_element_type3A_926 : vector<20x8x4096xi32> to vector<20x8x4096xf32>
    %reduce_sum3A_928 = arith.constant dense<0.000000e+00> : vector<20x8xf32>
    %reduce_sum3A_929 = vector.multi_reduction <add>, %convert_element_type3A_927, %reduce_sum3A_928 [2] : vector<20x8x4096xf32> to vector<20x8xf32>
    %iota3A_930 = tpu.iota {dimensions = array<i32: 1>} : vector<1x8x1xi32>
    %convert_element_type3A_931 = arith.sitofp %iota3A_930 : vector<1x8x1xi32> to vector<1x8x1xf32>
    %add3A_932 = arith.constant 1.760000e+02 : f32
    %add3A_933 = vector.broadcast %add3A_932 : f32 to vector<1x8x1xf32>
    %add3A_934 = arith.addf %convert_element_type3A_931, %add3A_933 : vector<1x8x1xf32>
    %broadcast_in_dim3A_935 = vector.shape_cast %reshape3A_643 : vector<20x4096xf32> to vector<20x1x4096xf32>
    %le3A_936 = vector.broadcast %broadcast_in_dim3A_935 : vector<20x1x4096xf32> to vector<20x8x4096xf32>
    %le3A_937 = vector.broadcast %add3A_934 : vector<1x8x1xf32> to vector<20x8x4096xf32>
    %le3A_938 = arith.cmpf ole, %le3A_936, %le3A_937 : vector<20x8x4096xf32>
    %convert_element_type3A_939 = arith.extui %le3A_938 : vector<20x8x4096xi1> to vector<20x8x4096xi32>
    %convert_element_type3A_940 = arith.sitofp %convert_element_type3A_939 : vector<20x8x4096xi32> to vector<20x8x4096xf32>
    %reduce_sum3A_941 = arith.constant dense<0.000000e+00> : vector<20x8xf32>
    %reduce_sum3A_942 = vector.multi_reduction <add>, %convert_element_type3A_940, %reduce_sum3A_941 [2] : vector<20x8x4096xf32> to vector<20x8xf32>
    %iota3A_943 = tpu.iota {dimensions = array<i32: 1>} : vector<1x8x1xi32>
    %convert_element_type3A_944 = arith.sitofp %iota3A_943 : vector<1x8x1xi32> to vector<1x8x1xf32>
    %add3A_945 = arith.constant 1.840000e+02 : f32
    %add3A_946 = vector.broadcast %add3A_945 : f32 to vector<1x8x1xf32>
    %add3A_947 = arith.addf %convert_element_type3A_944, %add3A_946 : vector<1x8x1xf32>
    %broadcast_in_dim3A_948 = vector.shape_cast %reshape3A_643 : vector<20x4096xf32> to vector<20x1x4096xf32>
    %le3A_949 = vector.broadcast %broadcast_in_dim3A_948 : vector<20x1x4096xf32> to vector<20x8x4096xf32>
    %le3A_950 = vector.broadcast %add3A_947 : vector<1x8x1xf32> to vector<20x8x4096xf32>
    %le3A_951 = arith.cmpf ole, %le3A_949, %le3A_950 : vector<20x8x4096xf32>
    %convert_element_type3A_952 = arith.extui %le3A_951 : vector<20x8x4096xi1> to vector<20x8x4096xi32>
    %convert_element_type3A_953 = arith.sitofp %convert_element_type3A_952 : vector<20x8x4096xi32> to vector<20x8x4096xf32>
    %reduce_sum3A_954 = arith.constant dense<0.000000e+00> : vector<20x8xf32>
    %reduce_sum3A_955 = vector.multi_reduction <add>, %convert_element_type3A_953, %reduce_sum3A_954 [2] : vector<20x8x4096xf32> to vector<20x8xf32>
    %iota3A_956 = tpu.iota {dimensions = array<i32: 1>} : vector<1x8x1xi32>
    %convert_element_type3A_957 = arith.sitofp %iota3A_956 : vector<1x8x1xi32> to vector<1x8x1xf32>
    %add3A_958 = arith.constant 1.920000e+02 : f32
    %add3A_959 = vector.broadcast %add3A_958 : f32 to vector<1x8x1xf32>
    %add3A_960 = arith.addf %convert_element_type3A_957, %add3A_959 : vector<1x8x1xf32>
    %broadcast_in_dim3A_961 = vector.shape_cast %reshape3A_643 : vector<20x4096xf32> to vector<20x1x4096xf32>
    %le3A_962 = vector.broadcast %broadcast_in_dim3A_961 : vector<20x1x4096xf32> to vector<20x8x4096xf32>
    %le3A_963 = vector.broadcast %add3A_960 : vector<1x8x1xf32> to vector<20x8x4096xf32>
    %le3A_964 = arith.cmpf ole, %le3A_962, %le3A_963 : vector<20x8x4096xf32>
    %convert_element_type3A_965 = arith.extui %le3A_964 : vector<20x8x4096xi1> to vector<20x8x4096xi32>
    %convert_element_type3A_966 = arith.sitofp %convert_element_type3A_965 : vector<20x8x4096xi32> to vector<20x8x4096xf32>
    %reduce_sum3A_967 = arith.constant dense<0.000000e+00> : vector<20x8xf32>
    %reduce_sum3A_968 = vector.multi_reduction <add>, %convert_element_type3A_966, %reduce_sum3A_967 [2] : vector<20x8x4096xf32> to vector<20x8xf32>
    %iota3A_969 = tpu.iota {dimensions = array<i32: 1>} : vector<1x8x1xi32>
    %convert_element_type3A_970 = arith.sitofp %iota3A_969 : vector<1x8x1xi32> to vector<1x8x1xf32>
    %add3A_971 = arith.constant 2.000000e+02 : f32
    %add3A_972 = vector.broadcast %add3A_971 : f32 to vector<1x8x1xf32>
    %add3A_973 = arith.addf %convert_element_type3A_970, %add3A_972 : vector<1x8x1xf32>
    %broadcast_in_dim3A_974 = vector.shape_cast %reshape3A_643 : vector<20x4096xf32> to vector<20x1x4096xf32>
    %le3A_975 = vector.broadcast %broadcast_in_dim3A_974 : vector<20x1x4096xf32> to vector<20x8x4096xf32>
    %le3A_976 = vector.broadcast %add3A_973 : vector<1x8x1xf32> to vector<20x8x4096xf32>
    %le3A_977 = arith.cmpf ole, %le3A_975, %le3A_976 : vector<20x8x4096xf32>
    %convert_element_type3A_978 = arith.extui %le3A_977 : vector<20x8x4096xi1> to vector<20x8x4096xi32>
    %convert_element_type3A_979 = arith.sitofp %convert_element_type3A_978 : vector<20x8x4096xi32> to vector<20x8x4096xf32>
    %reduce_sum3A_980 = arith.constant dense<0.000000e+00> : vector<20x8xf32>
    %reduce_sum3A_981 = vector.multi_reduction <add>, %convert_element_type3A_979, %reduce_sum3A_980 [2] : vector<20x8x4096xf32> to vector<20x8xf32>
    %iota3A_982 = tpu.iota {dimensions = array<i32: 1>} : vector<1x8x1xi32>
    %convert_element_type3A_983 = arith.sitofp %iota3A_982 : vector<1x8x1xi32> to vector<1x8x1xf32>
    %add3A_984 = arith.constant 2.080000e+02 : f32
    %add3A_985 = vector.broadcast %add3A_984 : f32 to vector<1x8x1xf32>
    %add3A_986 = arith.addf %convert_element_type3A_983, %add3A_985 : vector<1x8x1xf32>
    %broadcast_in_dim3A_987 = vector.shape_cast %reshape3A_643 : vector<20x4096xf32> to vector<20x1x4096xf32>
    %le3A_988 = vector.broadcast %broadcast_in_dim3A_987 : vector<20x1x4096xf32> to vector<20x8x4096xf32>
    %le3A_989 = vector.broadcast %add3A_986 : vector<1x8x1xf32> to vector<20x8x4096xf32>
    %le3A_990 = arith.cmpf ole, %le3A_988, %le3A_989 : vector<20x8x4096xf32>
    %convert_element_type3A_991 = arith.extui %le3A_990 : vector<20x8x4096xi1> to vector<20x8x4096xi32>
    %convert_element_type3A_992 = arith.sitofp %convert_element_type3A_991 : vector<20x8x4096xi32> to vector<20x8x4096xf32>
    %reduce_sum3A_993 = arith.constant dense<0.000000e+00> : vector<20x8xf32>
    %reduce_sum3A_994 = vector.multi_reduction <add>, %convert_element_type3A_992, %reduce_sum3A_993 [2] : vector<20x8x4096xf32> to vector<20x8xf32>
    %iota3A_995 = tpu.iota {dimensions = array<i32: 1>} : vector<1x8x1xi32>
    %convert_element_type3A_996 = arith.sitofp %iota3A_995 : vector<1x8x1xi32> to vector<1x8x1xf32>
    %add3A_997 = arith.constant 2.160000e+02 : f32
    %add3A_998 = vector.broadcast %add3A_997 : f32 to vector<1x8x1xf32>
    %add3A_999 = arith.addf %convert_element_type3A_996, %add3A_998 : vector<1x8x1xf32>
    %broadcast_in_dim3A_1000 = vector.shape_cast %reshape3A_643 : vector<20x4096xf32> to vector<20x1x4096xf32>
    %le3A_1001 = vector.broadcast %broadcast_in_dim3A_1000 : vector<20x1x4096xf32> to vector<20x8x4096xf32>
    %le3A_1002 = vector.broadcast %add3A_999 : vector<1x8x1xf32> to vector<20x8x4096xf32>
    %le3A_1003 = arith.cmpf ole, %le3A_1001, %le3A_1002 : vector<20x8x4096xf32>
    %convert_element_type3A_1004 = arith.extui %le3A_1003 : vector<20x8x4096xi1> to vector<20x8x4096xi32>
    %convert_element_type3A_1005 = arith.sitofp %convert_element_type3A_1004 : vector<20x8x4096xi32> to vector<20x8x4096xf32>
    %reduce_sum3A_1006 = arith.constant dense<0.000000e+00> : vector<20x8xf32>
    %reduce_sum3A_1007 = vector.multi_reduction <add>, %convert_element_type3A_1005, %reduce_sum3A_1006 [2] : vector<20x8x4096xf32> to vector<20x8xf32>
    %iota3A_1008 = tpu.iota {dimensions = array<i32: 1>} : vector<1x8x1xi32>
    %convert_element_type3A_1009 = arith.sitofp %iota3A_1008 : vector<1x8x1xi32> to vector<1x8x1xf32>
    %add3A_1010 = arith.constant 2.240000e+02 : f32
    %add3A_1011 = vector.broadcast %add3A_1010 : f32 to vector<1x8x1xf32>
    %add3A_1012 = arith.addf %convert_element_type3A_1009, %add3A_1011 : vector<1x8x1xf32>
    %broadcast_in_dim3A_1013 = vector.shape_cast %reshape3A_643 : vector<20x4096xf32> to vector<20x1x4096xf32>
    %le3A_1014 = vector.broadcast %broadcast_in_dim3A_1013 : vector<20x1x4096xf32> to vector<20x8x4096xf32>
    %le3A_1015 = vector.broadcast %add3A_1012 : vector<1x8x1xf32> to vector<20x8x4096xf32>
    %le3A_1016 = arith.cmpf ole, %le3A_1014, %le3A_1015 : vector<20x8x4096xf32>
    %convert_element_type3A_1017 = arith.extui %le3A_1016 : vector<20x8x4096xi1> to vector<20x8x4096xi32>
    %convert_element_type3A_1018 = arith.sitofp %convert_element_type3A_1017 : vector<20x8x4096xi32> to vector<20x8x4096xf32>
    %reduce_sum3A_1019 = arith.constant dense<0.000000e+00> : vector<20x8xf32>
    %reduce_sum3A_1020 = vector.multi_reduction <add>, %convert_element_type3A_1018, %reduce_sum3A_1019 [2] : vector<20x8x4096xf32> to vector<20x8xf32>
    %iota3A_1021 = tpu.iota {dimensions = array<i32: 1>} : vector<1x8x1xi32>
    %convert_element_type3A_1022 = arith.sitofp %iota3A_1021 : vector<1x8x1xi32> to vector<1x8x1xf32>
    %add3A_1023 = arith.constant 2.320000e+02 : f32
    %add3A_1024 = vector.broadcast %add3A_1023 : f32 to vector<1x8x1xf32>
    %add3A_1025 = arith.addf %convert_element_type3A_1022, %add3A_1024 : vector<1x8x1xf32>
    %broadcast_in_dim3A_1026 = vector.shape_cast %reshape3A_643 : vector<20x4096xf32> to vector<20x1x4096xf32>
    %le3A_1027 = vector.broadcast %broadcast_in_dim3A_1026 : vector<20x1x4096xf32> to vector<20x8x4096xf32>
    %le3A_1028 = vector.broadcast %add3A_1025 : vector<1x8x1xf32> to vector<20x8x4096xf32>
    %le3A_1029 = arith.cmpf ole, %le3A_1027, %le3A_1028 : vector<20x8x4096xf32>
    %convert_element_type3A_1030 = arith.extui %le3A_1029 : vector<20x8x4096xi1> to vector<20x8x4096xi32>
    %convert_element_type3A_1031 = arith.sitofp %convert_element_type3A_1030 : vector<20x8x4096xi32> to vector<20x8x4096xf32>
    %reduce_sum3A_1032 = arith.constant dense<0.000000e+00> : vector<20x8xf32>
    %reduce_sum3A_1033 = vector.multi_reduction <add>, %convert_element_type3A_1031, %reduce_sum3A_1032 [2] : vector<20x8x4096xf32> to vector<20x8xf32>
    %iota3A_1034 = tpu.iota {dimensions = array<i32: 1>} : vector<1x8x1xi32>
    %convert_element_type3A_1035 = arith.sitofp %iota3A_1034 : vector<1x8x1xi32> to vector<1x8x1xf32>
    %add3A_1036 = arith.constant 2.400000e+02 : f32
    %add3A_1037 = vector.broadcast %add3A_1036 : f32 to vector<1x8x1xf32>
    %add3A_1038 = arith.addf %convert_element_type3A_1035, %add3A_1037 : vector<1x8x1xf32>
    %broadcast_in_dim3A_1039 = vector.shape_cast %reshape3A_643 : vector<20x4096xf32> to vector<20x1x4096xf32>
    %le3A_1040 = vector.broadcast %broadcast_in_dim3A_1039 : vector<20x1x4096xf32> to vector<20x8x4096xf32>
    %le3A_1041 = vector.broadcast %add3A_1038 : vector<1x8x1xf32> to vector<20x8x4096xf32>
    %le3A_1042 = arith.cmpf ole, %le3A_1040, %le3A_1041 : vector<20x8x4096xf32>
    %convert_element_type3A_1043 = arith.extui %le3A_1042 : vector<20x8x4096xi1> to vector<20x8x4096xi32>
    %convert_element_type3A_1044 = arith.sitofp %convert_element_type3A_1043 : vector<20x8x4096xi32> to vector<20x8x4096xf32>
    %reduce_sum3A_1045 = arith.constant dense<0.000000e+00> : vector<20x8xf32>
    %reduce_sum3A_1046 = vector.multi_reduction <add>, %convert_element_type3A_1044, %reduce_sum3A_1045 [2] : vector<20x8x4096xf32> to vector<20x8xf32>
    %iota3A_1047 = tpu.iota {dimensions = array<i32: 1>} : vector<1x8x1xi32>
    %convert_element_type3A_1048 = arith.sitofp %iota3A_1047 : vector<1x8x1xi32> to vector<1x8x1xf32>
    %add3A_1049 = arith.constant 2.480000e+02 : f32
    %add3A_1050 = vector.broadcast %add3A_1049 : f32 to vector<1x8x1xf32>
    %add3A_1051 = arith.addf %convert_element_type3A_1048, %add3A_1050 : vector<1x8x1xf32>
    %broadcast_in_dim3A_1052 = vector.shape_cast %reshape3A_643 : vector<20x4096xf32> to vector<20x1x4096xf32>
    %le3A_1053 = vector.broadcast %broadcast_in_dim3A_1052 : vector<20x1x4096xf32> to vector<20x8x4096xf32>
    %le3A_1054 = vector.broadcast %add3A_1051 : vector<1x8x1xf32> to vector<20x8x4096xf32>
    %le3A_1055 = arith.cmpf ole, %le3A_1053, %le3A_1054 : vector<20x8x4096xf32>
    %convert_element_type3A_1056 = arith.extui %le3A_1055 : vector<20x8x4096xi1> to vector<20x8x4096xi32>
    %convert_element_type3A_1057 = arith.sitofp %convert_element_type3A_1056 : vector<20x8x4096xi32> to vector<20x8x4096xf32>
    %reduce_sum3A_1058 = arith.constant dense<0.000000e+00> : vector<20x8xf32>
    %reduce_sum3A_1059 = vector.multi_reduction <add>, %convert_element_type3A_1057, %reduce_sum3A_1058 [2] : vector<20x8x4096xf32> to vector<20x8xf32>
    %concatenate3A = tpu.concatenate %reduce_sum3A_656, %reduce_sum3A_669, %reduce_sum3A_682, %reduce_sum3A_695, %reduce_sum3A_708, %reduce_sum3A_721, %reduce_sum3A_734, %reduce_sum3A_747, %reduce_sum3A_760, %reduce_sum3A_773, %reduce_sum3A_786, %reduce_sum3A_799, %reduce_sum3A_812, %reduce_sum3A_825, %reduce_sum3A_838, %reduce_sum3A_851, %reduce_sum3A_864, %reduce_sum3A_877, %reduce_sum3A_890, %reduce_sum3A_903, %reduce_sum3A_916, %reduce_sum3A_929, %reduce_sum3A_942, %reduce_sum3A_955, %reduce_sum3A_968, %reduce_sum3A_981, %reduce_sum3A_994, %reduce_sum3A_1007, %reduce_sum3A_1020, %reduce_sum3A_1033, %reduce_sum3A_1046, %reduce_sum3A_1059 in 1 : vector<20x8xf32>, vector<20x8xf32>, vector<20x8xf32>, vector<20x8xf32>, vector<20x8xf32>, vector<20x8xf32>, vector<20x8xf32>, vector<20x8xf32>, vector<20x8xf32>, vector<20x8xf32>, vector<20x8xf32>, vector<20x8xf32>, vector<20x8xf32>, vector<20x8xf32>, vector<20x8xf32>, vector<20x8xf32>, vector<20x8xf32>, vector<20x8xf32>, vector<20x8xf32>, vector<20x8xf32>, vector<20x8xf32>, vector<20x8xf32>, vector<20x8xf32>, vector<20x8xf32>, vector<20x8xf32>, vector<20x8xf32>, vector<20x8xf32>, vector<20x8xf32>, vector<20x8xf32>, vector<20x8xf32>, vector<20x8xf32>, vector<20x8xf32> -> vector<20x256xf32>
    %convert_element_type3A_1060 = arith.fptosi %concatenate3A : vector<20x256xf32> to vector<20x256xi32>
    %mul3A_1061 = arith.constant 4096 : i32
    %mul3A_1062 = arith.muli %arg0, %mul3A_1061 : i32
    %add3A_1063 = vector.broadcast %mul3A_1062 : i32 to vector<20x256xi32>
    %add3A_1064 = arith.addi %convert_element_type3A_1060, %add3A_1063 : vector<20x256xi32>
    %reshape3A_1065 = vector.shape_cast %add3A_1064 : vector<20x256xi32> to vector<1x1x20x256xi32>
    %swap3A = arith.constant 0 : index
    %swap3A_1066 = arith.constant 0 : index
    %swap3A_1067 = arith.constant 0 : index
    %swap3A_1068 = arith.constant 0 : index
    %swap3A_1069 = vector.load %arg5[%swap3A, %swap3A_1066, %swap3A_1067, %swap3A_1068] : memref<1x1x20x256xi32, #tpu.memory_space<vmem>>, vector<1x1x20x256xi32>
    tpu.vector_store %arg5[%swap3A, %swap3A_1066, %swap3A_1067, %swap3A_1068], %reshape3A_1065 {strides = array<i32>} : memref<1x1x20x256xi32, #tpu.memory_space<vmem>>, vector<1x1x20x256xi32>,
    return
  }
  func.func @transform_0(%arg0: i32) -> (i32, i32) {
    %c0_i32 = arith.constant 0 : i32
    %c0_i32_0 = arith.constant 0 : i32
    return %arg0, %c0_i32 : i32, i32
  }
  func.func @transform_1(%arg0: i32) -> (i32, i32, i32) {
    %jit3A = arith.constant 4 : i32
    %div3A = arith.divsi %arg0, %jit3A : i32
    %sign3A = arith.constant 0 : i32
    %sign3A_0 = arith.cmpi sgt, %arg0, %sign3A : i32
    %sign3A_1 = arith.extui %sign3A_0 : i1 to i32
    %sign3A_2 = arith.constant 0 : i32
    %sign3A_3 = arith.cmpi slt, %arg0, %sign3A_2 : i32
    %sign3A_4 = arith.extui %sign3A_3 : i1 to i32
    %sign3A_5 = arith.subi %sign3A_1, %sign3A_4 : i32
    %sign3A_6 = arith.constant 0 : i32
    %sign3A_7 = arith.cmpi sgt, %jit3A, %sign3A_6 : i32
    %sign3A_8 = arith.extui %sign3A_7 : i1 to i32
    %sign3A_9 = arith.constant 0 : i32
    %sign3A_10 = arith.cmpi slt, %jit3A, %sign3A_9 : i32
    %sign3A_11 = arith.extui %sign3A_10 : i1 to i32
    %sign3A_12 = arith.subi %sign3A_8, %sign3A_11 : i32
    %ne3A = arith.cmpi ne, %sign3A_5, %sign3A_12 : i32
    %rem3A = arith.remsi %arg0, %jit3A : i32
    %ne3A_13 = arith.constant 0 : i32
    %ne3A_14 = arith.cmpi ne, %rem3A, %ne3A_13 : i32
    %and3A = arith.andi %ne3A, %ne3A_14 : i1
    %sub3A = arith.constant 1 : i32
    %sub3A_15 = arith.subi %div3A, %sub3A : i32
    %select_n3A = arith.select %and3A, %sub3A_15, %div3A : i32
    %c0_i32 = arith.constant 0 : i32
    %c0_i32_16 = arith.constant 0 : i32
    %c0_i32_17 = arith.constant 0 : i32
    return %select_n3A, %c0_i32, %c0_i32_16 : i32, i32, i32
  }
  func.func @transform_2(%arg0: i32) -> (i32, i32) {
    %c0_i32 = arith.constant 0 : i32
    %c0_i32_0 = arith.constant 0 : i32
    %c0_i32_1 = arith.constant 0 : i32
    return %c0_i32, %c0_i32_0 : i32, i32
  }
  func.func @transform_3(%arg0: i32) -> (i32, i32) {
    %c0_i32 = arith.constant 0 : i32
    %c0_i32_0 = arith.constant 0 : i32
    %c0_i32_1 = arith.constant 0 : i32
    return %c0_i32, %c0_i32_0 : i32, i32
  }
  func.func @transform_4(%arg0: i32) -> (i32, i32, i32, i32) {
    %jit3A = arith.constant 4 : i32
    %div3A = arith.divsi %arg0, %jit3A : i32
    %sign3A = arith.constant 0 : i32
    %sign3A_0 = arith.cmpi sgt, %arg0, %sign3A : i32
    %sign3A_1 = arith.extui %sign3A_0 : i1 to i32
    %sign3A_2 = arith.constant 0 : i32
    %sign3A_3 = arith.cmpi slt, %arg0, %sign3A_2 : i32
    %sign3A_4 = arith.extui %sign3A_3 : i1 to i32
    %sign3A_5 = arith.subi %sign3A_1, %sign3A_4 : i32
    %sign3A_6 = arith.constant 0 : i32
    %sign3A_7 = arith.cmpi sgt, %jit3A, %sign3A_6 : i32
    %sign3A_8 = arith.extui %sign3A_7 : i1 to i32
    %sign3A_9 = arith.constant 0 : i32
    %sign3A_10 = arith.cmpi slt, %jit3A, %sign3A_9 : i32
    %sign3A_11 = arith.extui %sign3A_10 : i1 to i32
    %sign3A_12 = arith.subi %sign3A_8, %sign3A_11 : i32
    %ne3A = arith.cmpi ne, %sign3A_5, %sign3A_12 : i32
    %rem3A = arith.remsi %arg0, %jit3A : i32
    %ne3A_13 = arith.constant 0 : i32
    %ne3A_14 = arith.cmpi ne, %rem3A, %ne3A_13 : i32
    %and3A = arith.andi %ne3A, %ne3A_14 : i1
    %sub3A = arith.constant 1 : i32
    %sub3A_15 = arith.subi %div3A, %sub3A : i32
    %select_n3A = arith.select %and3A, %sub3A_15, %div3A : i32
    %jit3A_16 = arith.constant 4 : i32
    %eq3A = arith.constant 0 : i32
    %eq3A_17 = arith.cmpi eq, %jit3A_16, %eq3A : i32
    %jit3A_18 = arith.constant 1 : i32
    %select_n3A_19 = arith.select %eq3A_17, %jit3A_18, %jit3A_16 : i32
    %rem3A_20 = arith.remsi %arg0, %select_n3A_19 : i32
    %ne3A_21 = arith.constant 0 : i32
    %ne3A_22 = arith.cmpi ne, %rem3A_20, %ne3A_21 : i32
    %lt3A = arith.constant 0 : i32
    %lt3A_23 = arith.cmpi slt, %rem3A_20, %lt3A : i32
    %lt3A_24 = arith.constant 0 : i32
    %lt3A_25 = arith.cmpi slt, %select_n3A_19, %lt3A_24 : i32
    %ne3A_26 = arith.xori %lt3A_23, %lt3A_25 : i1
    %and3A_27 = arith.andi %ne3A_26, %ne3A_22 : i1
    %add3A = arith.addi %rem3A_20, %select_n3A_19 : i32
    %select_n3A_28 = arith.select %and3A_27, %add3A, %rem3A_20 : i32
    %c0_i32 = arith.constant 0 : i32
    %c0_i32_29 = arith.constant 0 : i32
    %c0_i32_30 = arith.constant 0 : i32
    return %select_n3A, %select_n3A_28, %c0_i32, %c0_i32_29 : i32, i32, i32, i32
  }
}

module attributes {stable_mosaic.version = 14 : i64} {
  func.func @_assemble_body(%arg0: i32, %arg1: memref<20x344x128xf32, #tpu.memory_space<vmem>>, %arg2: memref<20x344x128xf32, #tpu.memory_space<vmem>>, %arg3: memref<1x5x4x340x256xf32, #tpu.memory_space<vmem>>) attributes {dimension_semantics = [#tpu.dimension_semantics<arbitrary>], iteration_bounds = array<i64: 8>, scalar_prefetch = 0 : i64, scratch_operands = 0 : i64, tpu.core_type = #tpu.core_type<tc>, window_params = [{transform_indices = @transform_0, window_bounds = array<i64: 20, 344, 128>}, {transform_indices = @transform_1, window_bounds = array<i64: 20, 344, 128>}, {transform_indices = @transform_2, window_bounds = array<i64: 1, 5, 4, 340, 256>}]} {
    %get3A = arith.constant 0 : index
    %get3A_0 = arith.constant 0 : index
    %get3A_1 = arith.constant 0 : index
    %get3A_2 = vector.load %arg1[%get3A, %get3A_0, %get3A_1] : memref<20x344x128xf32, #tpu.memory_space<vmem>>, vector<20x344x128xf32>
    %reshape3A = vector.shape_cast %get3A_2 : vector<20x344x128xf32> to vector<5x4x344x128xf32>
    %slice3A = vector.extract_strided_slice %reshape3A {offsets = [0, 0, 0, 0], sizes = [5, 4, 340, 128], strides = [1, 1, 1, 1]} : vector<5x4x344x128xf32> to vector<5x4x340x128xf32>
    %get3A_3 = arith.constant 0 : index
    %get3A_4 = arith.constant 0 : index
    %get3A_5 = arith.constant 0 : index
    %get3A_6 = vector.load %arg2[%get3A_3, %get3A_4, %get3A_5] : memref<20x344x128xf32, #tpu.memory_space<vmem>>, vector<20x344x128xf32>
    %reshape3A_7 = vector.shape_cast %get3A_6 : vector<20x344x128xf32> to vector<5x4x344x128xf32>
    %slice3A_8 = vector.extract_strided_slice %reshape3A_7 {offsets = [0, 0, 0, 0], sizes = [5, 4, 340, 128], strides = [1, 1, 1, 1]} : vector<5x4x344x128xf32> to vector<5x4x340x128xf32>
    %concatenate3A = tpu.concatenate %slice3A, %slice3A_8 in 3 : vector<5x4x340x128xf32>, vector<5x4x340x128xf32> -> vector<5x4x340x256xf32>
    %reshape3A_9 = vector.shape_cast %concatenate3A : vector<5x4x340x256xf32> to vector<1x5x4x340x256xf32>
    %swap3A = arith.constant 0 : index
    %swap3A_10 = arith.constant 0 : index
    %swap3A_11 = arith.constant 0 : index
    %swap3A_12 = arith.constant 0 : index
    %swap3A_13 = arith.constant 0 : index
    %swap3A_14 = vector.load %arg3[%swap3A, %swap3A_10, %swap3A_11, %swap3A_12, %swap3A_13] : memref<1x5x4x340x256xf32, #tpu.memory_space<vmem>>, vector<1x5x4x340x256xf32>
    tpu.vector_store %arg3[%swap3A, %swap3A_10, %swap3A_11, %swap3A_12, %swap3A_13], %reshape3A_9 {strides = array<i32>} : memref<1x5x4x340x256xf32, #tpu.memory_space<vmem>>, vector<1x5x4x340x256xf32>,
    return
  }
  func.func @transform_0(%arg0: i32) -> (i32, i32, i32) {
    %c0_i32 = arith.constant 0 : i32
    %c0_i32_0 = arith.constant 0 : i32
    %c0_i32_1 = arith.constant 0 : i32
    return %arg0, %c0_i32, %c0_i32_0 : i32, i32, i32
  }
  func.func @transform_1(%arg0: i32) -> (i32, i32, i32) {
    %c0_i32 = arith.constant 0 : i32
    %c0_i32_0 = arith.constant 0 : i32
    %c0_i32_1 = arith.constant 0 : i32
    return %arg0, %c0_i32, %c0_i32_0 : i32, i32, i32
  }
  func.func @transform_2(%arg0: i32) -> (i32, i32, i32, i32, i32) {
    %jit3A = arith.constant 4 : i32
    %div3A = arith.divsi %arg0, %jit3A : i32
    %sign3A = arith.constant 0 : i32
    %sign3A_0 = arith.cmpi sgt, %arg0, %sign3A : i32
    %sign3A_1 = arith.extui %sign3A_0 : i1 to i32
    %sign3A_2 = arith.constant 0 : i32
    %sign3A_3 = arith.cmpi slt, %arg0, %sign3A_2 : i32
    %sign3A_4 = arith.extui %sign3A_3 : i1 to i32
    %sign3A_5 = arith.subi %sign3A_1, %sign3A_4 : i32
    %sign3A_6 = arith.constant 0 : i32
    %sign3A_7 = arith.cmpi sgt, %jit3A, %sign3A_6 : i32
    %sign3A_8 = arith.extui %sign3A_7 : i1 to i32
    %sign3A_9 = arith.constant 0 : i32
    %sign3A_10 = arith.cmpi slt, %jit3A, %sign3A_9 : i32
    %sign3A_11 = arith.extui %sign3A_10 : i1 to i32
    %sign3A_12 = arith.subi %sign3A_8, %sign3A_11 : i32
    %ne3A = arith.cmpi ne, %sign3A_5, %sign3A_12 : i32
    %rem3A = arith.remsi %arg0, %jit3A : i32
    %ne3A_13 = arith.constant 0 : i32
    %ne3A_14 = arith.cmpi ne, %rem3A, %ne3A_13 : i32
    %and3A = arith.andi %ne3A, %ne3A_14 : i1
    %sub3A = arith.constant 1 : i32
    %sub3A_15 = arith.subi %div3A, %sub3A : i32
    %select_n3A = arith.select %and3A, %sub3A_15, %div3A : i32
    %jit3A_16 = arith.constant 4 : i32
    %eq3A = arith.constant 0 : i32
    %eq3A_17 = arith.cmpi eq, %jit3A_16, %eq3A : i32
    %jit3A_18 = arith.constant 1 : i32
    %select_n3A_19 = arith.select %eq3A_17, %jit3A_18, %jit3A_16 : i32
    %rem3A_20 = arith.remsi %arg0, %select_n3A_19 : i32
    %ne3A_21 = arith.constant 0 : i32
    %ne3A_22 = arith.cmpi ne, %rem3A_20, %ne3A_21 : i32
    %lt3A = arith.constant 0 : i32
    %lt3A_23 = arith.cmpi slt, %rem3A_20, %lt3A : i32
    %lt3A_24 = arith.constant 0 : i32
    %lt3A_25 = arith.cmpi slt, %select_n3A_19, %lt3A_24 : i32
    %ne3A_26 = arith.xori %lt3A_23, %lt3A_25 : i1
    %and3A_27 = arith.andi %ne3A_26, %ne3A_22 : i1
    %add3A = arith.addi %rem3A_20, %select_n3A_19 : i32
    %select_n3A_28 = arith.select %and3A_27, %add3A, %rem3A_20 : i32
    %c0_i32 = arith.constant 0 : i32
    %c0_i32_29 = arith.constant 0 : i32
    %c0_i32_30 = arith.constant 0 : i32
    %c0_i32_31 = arith.constant 0 : i32
    return %select_n3A, %select_n3A_28, %c0_i32, %c0_i32_29, %c0_i32_30 : i32, i32, i32, i32, i32
  }
}

</mosaic_0001>

<sc_bundles>
// kernel: kernel.8.cloned.1.call-start
scs
__scs_entry_jumppad:
0x0: {  	(pc) =	sbr.rel $0x88, $3  }
0x1: {  	(tag) =	ssettag $0x0;
	lr =	simm.s32 $0x1  }
0x2: {  	[smem:$0x3F9A] =	sst lr;
	_ =	strace $0xD0000000  }
0x3: {  	_ = 	snop  }
0x4: {  	_ = 	snop  }
0x5: {  	_ = 	snop  }
0x6: {  	_ = 	snop  }
0x7: {  	_ = 	snop  }
__scs_overlays_trampoline_lowered:
0x8: {  	[smem:$0x3FA9] =	sst s0  }
0x9: {  	[smem:$0x3FAA] =	sst s1  }
0xa: {  	[smem:$0x3FAB] =	sst s2  }
0xb: {  	[smem:$0x3FAC] =	sst s3  }
0xc: {  	[smem:$0x3FAD] =	sst s4  }
0xd: {  	[smem:$0x3FAE] =	sst s5  }
0xe: {  	[smem:$0x3FAF] =	sst s6  }
0xf: {  	[smem:$0x3FB0] =	sst s7  }
0x10: {  	[smem:$0x3FB1] =	sst s8  }
0x11: {  	[smem:$0x3FB2] =	sst s9;
	s0 =	simm.s32 @!p0 $0x0  }
0x12: {  	s1 =	sld [smem:$0x3F98];
	s0 =	simm.s32 @p0 $0x1  }
0x13: {  	[smem:$0x3FB3] =	sst s0;
	s0 =	simm.s32 @!p1 $0x0  }
0x14: {  	s2 =	sld [smem:$0x3F97];
	s0 =	simm.s32 @p1 $0x1  }
0x15: {  	[smem:$0x3FB4] =	sst s0;
	s0 =	simm.s32 @!p2 $0x0  }
0x16: {  	s3 =	sld [smem:$0x3FDB];
	s0 =	simm.s32 @p2 $0x1  }
0x17: {  	s4 =	simm.s32 $0x1BF5;
	[smem:$0x3FB6] =	sst s0  }
0x18: {  	s0 =	sld [smem:$0x3F99];
	_ =	swait.ge [sflag:s4], $0x0  }
0x19: {  	s7 =	sld [smem:$0x3F9A]  }
0x1a: {  	s8 =	sadd.s32 $0xFFFFE003, lr  }
0x1b: {  	s9 =	sadd.s32 $0xFFFFFEF7, lr;
	s5 =	simm.s32 $0xFFFFFFFF;
	p2 =	slt.u32 s8, $0xFFFFF086  }
0x1c: {  	p1 =	slt.u32 s9, $0xF7A;
	s5 =	simm.s32 @!p2 $0x0  }
0x1d: {  	s5 =	simm.s32 @p1 $0x1;
	p0 =	seq.s32 s7, s2  }
0x1e: {  	s7 =	smul.u32 @!p0 $0xF7A, s2;
	p2 =	seq.s32 @!p0 s5, $0x0  }
0x1f: {  	s9 =	smul.u32 $0xF7A, s1;
	s8 =	simm.s32 @!p0 $0x1BF5;
	p2 =	por !p2, p0  }
0x20: {  	[sflag:s8] =	ssyncset.s32 @!p0 $0xFFFFF086;
	s6 =	sadd.s32 @!p0 s3, s7;
	s7 =	simm.s32 @!p0 $0x108  }
0x21: {  	s3 =	sadd.s32 s3, s9;
	s6 =	sadd.s32 @!p0 $0x88, s6;
	s7 =	simm.s32 @p2 $0x1082  }
0x22: {  	[simem:s7], [sflag:s8] =	dma.local @!p0 [hbm:s6], $0xF7A  }
0x23: {  	s9 =	sor.u32 $0xD0000000, s2;
	s6 =	simm.s32 $0x108;
	_ =	swait.ge @!p0 [sflag:s8], $0x0  }
0x24: {  	s3 =	sadd.s32 $0x88, s3;
	s6 =	simm.s32 @!p1 $0x1082;
	[sflag:s4] =	ssyncset.s32 $0xFFFFF086  }
0x25: {  	[simem:s6], [sflag:s4] =	dma.local [hbm:s3], $0xF7A  }
0x26: {  	[smem:$0x3F9A] =	sst s1;
	(tag) =	ssettag s2;
	_ =	strace s9  }
0x27: {  	s1 =	sld [smem:$0x3FAA]  }
0x28: {  	s2 =	sld [smem:$0x3FAB]  }
0x29: {  	s4 =	sld [smem:$0x3FAD]  }
0x2a: {  	p0 =	seq.s32 s5, $0x0;
	s5 =	sld [smem:$0x3FAE]  }
0x2b: {  	s6 =	sld [smem:$0x3FAF]  }
0x2c: {  	s7 =	sld [smem:$0x3FB0]  }
0x2d: {  	s3 =	simm.s32 $0x108;
	s8 =	sld [smem:$0x3FB1]  }
0x2e: {  	s3 =	simm.s32 @!p0 $0x1082;
	s9 =	sld [smem:$0x3FB2]  }
0x2f: {  	lr =	sadd.s32 s0, s3;
	s0 =	sld [smem:$0x3FA9]  }
0x30: {  	s3 =	sld [smem:$0x3FAC]  }
0x31: {  	[smem:$0x3FB5] =	sst s10  }
0x32: {  	s10 =	sld [smem:$0x3FB3];
	_ =	sdelay $0x3  }
0x33: {  	p0 =	seq.s32 s10, $0x1;
	s10 =	sld [smem:$0x3FB5];
	_ =	sdelay $0x3  }
0x34: {  	[smem:$0x3FB5] =	sst s10  }
0x35: {  	s10 =	sld [smem:$0x3FB4];
	_ =	sdelay $0x3  }
0x36: {  	p1 =	seq.s32 s10, $0x1;
	s10 =	sld [smem:$0x3FB5];
	_ =	sdelay $0x3  }
0x37: {  	[smem:$0x3FB5] =	sst s10  }
0x38: {  	s10 =	sld [smem:$0x3FB6]  }
0x39: {  	_ = 	snop;
	(pc) =	sbr.ind lr, $3  }
0x3a: {  	_ = 	snop  }
0x3b: {  	_ = 	snop  }
0x3c: {  	p2 =	seq.s32 s10, $0x1;
	s10 =	sld [smem:$0x3FB5]  }
0x3d: {  	_ =	shalt  }
0x3e: {  	_ =	shalt  }
0x3f: {  	_ =	shalt  }
0x40: {  	_ =	shalt  }
0x41: {  	_ =	shalt  }
0x42: {  	_ =	shalt  }
0x43: {  	_ =	shalt  }
0x44: {  	_ =	shalt  }
0x45: {  	_ =	shalt  }
0x46: {  	_ =	shalt  }
0x47: {  	_ =	shalt  }
0x48: {  	_ =	shalt  }
0x49: {  	_ =	shalt  }
0x4a: {  	_ =	shalt  }
0x4b: {  	_ =	shalt  }
0x4c: {  	_ =	shalt  }
0x4d: {  	_ =	shalt  }
0x4e: {  	_ =	shalt  }
0x4f: {  	_ =	shalt  }
0x50: {  	_ =	shalt  }
0x51: {  	_ =	shalt  }
0x52: {  	_ =	shalt  }
0x53: {  	_ =	shalt  }
0x54: {  	_ =	shalt  }
0x55: {  	_ =	shalt  }
0x56: {  	_ =	shalt  }
0x57: {  	_ =	shalt  }
0x58: {  	_ =	shalt  }
0x59: {  	_ =	shalt  }
0x5a: {  	_ =	shalt  }
0x5b: {  	_ =	shalt  }
0x5c: {  	_ =	shalt  }
0x5d: {  	_ =	shalt  }
0x5e: {  	_ =	shalt  }
0x5f: {  	_ =	shalt  }
0x60: {  	_ =	shalt  }
0x61: {  	_ =	shalt  }
0x62: {  	_ =	shalt  }
0x63: {  	_ =	shalt  }
0x64: {  	_ =	shalt  }
0x65: {  	_ =	shalt  }
0x66: {  	_ =	shalt  }
0x67: {  	_ =	shalt  }
0x68: {  	_ =	shalt  }
0x69: {  	_ =	shalt  }
0x6a: {  	_ =	shalt  }
0x6b: {  	_ =	shalt  }
0x6c: {  	_ =	shalt  }
0x6d: {  	_ =	shalt  }
0x6e: {  	_ =	shalt  }
0x6f: {  	_ =	shalt  }
0x70: {  	_ =	shalt  }
0x71: {  	_ =	shalt  }
0x72: {  	_ =	shalt  }
0x73: {  	_ =	shalt  }
0x74: {  	_ =	shalt  }
0x75: {  	_ =	shalt  }
0x76: {  	_ =	shalt  }
0x77: {  	_ =	shalt  }
0x78: {  	_ =	shalt  }
0x79: {  	_ =	shalt  }
0x7a: {  	_ =	shalt  }
0x7b: {  	_ =	shalt  }
0x7c: {  	_ =	shalt  }
0x7d: {  	_ =	shalt  }
0x7e: {  	_ =	shalt  }
0x7f: {  	_ =	shalt  }
0x80: {  	_ =	shalt  }
0x81: {  	_ =	shalt  }
0x82: {  	_ =	shalt  }
0x83: {  	_ =	shalt  }
0x84: {  	_ =	shalt  }
0x85: {  	_ =	shalt  }
0x86: {  	_ =	shalt  }
0x87: {  	_ =	shalt  }
.Lfunc_end0:
.L_simem_size_0:
called_computation_lowered:
.L_overlay_start_0:
0x88: {  	s2 =	sld [smem:$0x3FD9]  }
0x89: {  	s3 =	sld [smem:$0x3FFE];
	_ =	sdelay $0x1  }
0x8a: {  	s1 =	srdreg.scid  }
0x8b: {  	s0 =	sand.u32 $0x1, s1  }
0x8c: {  	s17 =	sshll.u32 s0, $0xA;
	s2 =	sadd.s32 s3, s2  }
0x8d: {  	s2 =	sadd.s32 s2, s17  }
0x8e: {  	[smem:$0x3FC1] =	sst s2  }
0x8f: {  	_ = 	snop  }
0x90: {  	s2 =	sld [smem:$0x3FC9]  }
0x91: {  	s18 =	sld [smem:$0x3FC8]  }
0x92: {  	s4 =	sld [smem:$0x3FC7]  }
0x93: {  	s5 =	sld [smem:$0x3FC6]  }
0x94: {  	s6 =	sld [smem:$0x3FD0];
	(tm) =	ssettm $0x1  }
0x95: {  	s7 =	sld [smem:$0x3FFB];
	_ =	sdelay $0x3  }
0x96: {  	_ =	strace s7  }
0x97: {  	s7 =	sld [smem:$0x3FFC];
	_ =	sdelay $0x3  }
0x98: {  	_ =	strace s7  }
0x99: {  	s7 =	sld [smem:$0x3FFD];
	_ =	sdelay $0x3  }
0x9a: {  	_ =	strace s7  }
0x9b: {  	_ =	strace $0x8FFFFFFF  }
0x9c: {  	s19 =	sld [smem:$0x3FDB];
	_ =	sdelay $0x1  }
0x9d: {  	s8 =	simm.s32 $_scs_section_size  }
0x9e: {  	s9 =	simm.s32 $_size__tile_overlayer_lowered;
	s10 =	simm.s32 $_tile_overlayer_lowered  }
0x9f: {  	s22 =	simm.s32 $0x1BFF;
	s21 =	sshll.u32 s10, $0x1;
	s7 =	sadd.s32 s8, s19  }
0xa0: {  	s11 =	simm.s32 $0x0;
	s20 =	sshll.u32 s9, $0x1;
	s9 =	sadd.s32 s21, s7  }
0xa1: {  	[timem:s11], [sflag:s22] =	dma.local [hbm:s9], s20  }
0xa2: {  	_ =	swait.ge [sflag:s22], s20  }
0xa3: {  	s8 =	ssub.s32 $0x0, s20;
	[sflag:s22] =	ssyncset.done $0x0  }
0xa4: {  	[sflag:s22] =	ssyncadd.s32 s8;
	_ =	sdelay $0x1  }
0xa5: {  	s23 =	simm.s32 $0x1B8B  }
0xa6: {  	_ =	swait.ge [sflag:s23], $0x1  }
0xa7: {  	[sflag:s23] =	ssyncset.done $0x0  }
0xa8: {  	s25 =	simm.s32 $0x1B8E;
	s24 =	sld [smem:$0x3FFE];
	[sflag:s23] =	ssyncadd.s32 $0xFFFFFFFF  }
0xa9: {  	s26 =	simm.s32 $execute0_lowered;
	[smem:$0x3FD2] =	sst s25  }
0xaa: {  	s9 =	sshll.u32 s26, $0x1;
	_ =	strace $0x80000046;
	[dreg:$0x1] =	wrdreg $0xFFFFFFFF  }
0xab: {  	s28 =	simm.s32 $_size_execute0_lowered;
	s7 =	sadd.s32 s7, s9;
	[dreg:$0x0] =	wrdreg $0x0  }
0xac: {  	s9 =	sshll.u32 s28, $0x1;
	[dreg:$0x2] =	wrdreg s7  }
0xad: {  	[dreg:$0x3] =	wrdreg s9  }
0xae: {  	[dreg:$0x4] =	wrdreg $0xC0  }
0xaf: {  	_ =	task [dreg:s11], $0x5FFFF  }
0xb0: {  	[dreg:$0x1] =	wrdreg $0xFFFFFFFF  }
0xb1: {  	[dreg:$0x0] =	wrdreg $0x60  }
0xb2: {  	[dreg:$0x2] =	wrdreg s2  }
0xb3: {  	[dreg:$0x3] =	wrdreg s18  }
0xb4: {  	[dreg:$0x4] =	wrdreg s4  }
0xb5: {  	[dreg:$0x5] =	wrdreg s5  }
0xb6: {  	[dreg:$0x6] =	wrdreg s24  }
0xb7: {  	[dreg:$0x7] =	wrdreg s6  }
0xb8: {  	[dreg:$0x8] =	wrdreg $0x9  }
0xb9: {  	_ =	task.clear_ibuf [dreg:s11], $0x9FFFF;
	_ =	strace $0x90000046  }
0xba: {  	s29 =	simm.s32 $0x9;
	_ =	strace $0x80000048  }
0xbb: {  	_ =	swait.ge [sflag:s29], $0x1  }
0xbc: {  	[sflag:s29] =	ssyncadd.s32 $0xFFFFFFFF  }
0xbd: {  	_ =	strace $0x90000048  }
0xbe: {  	_ =	sfence  }
0xbf: {  	s30 =	sld [smem:$0x0];
	_ =	sdelay $0x2  }
0xc0: {  	s31 =	sshll.u32 s1, $0xD;
	s1 =	sshrl.u32 s1, $0x2  }
0xc1: {  	s3 =	sand.u32 $0x4000, s31;
	s1 =	sadd.s32 s1, s30  }
0xc2: {  	s0 =	sor.u32 s3, s0;
	s1 =	sshll.u32 s1, $0x11  }
0xc3: {  	s0 =	sor.u32 s1, s0  }
0xc4: {  	s0 =	sadd.s32 $0x8F2B, s0  }
0xc5: {  	[sflag:s0] =	ssyncadd.remote.s32 $0x1  }
0xc6: {  	_ =	sfence.sel $0xFFFF  }
0xc7: {  	[dreg:$0x0] =	wrdreg $0xFFFFFFFF;
	(pc) =	sbr.abs _section_cstart, $3  }
0xc8: {  	[dreg:$0x1] =	wrdreg $0xFFFFFFFF  }
0xc9: {  	_ =	task.clear_ibuf [dreg:s11], $0x2FFFF;
	_ =	strace $0x9FFFFFFF  }
0xca: {  	(tm) =	ssettm $0x7FFFFFFF  }
0xcb: {  	_ =	shalt  }
tec
execute0_lowered:
.L_overlay_start_1:
0x0: {  	(tag) =	ssettag $0x1  }
0x1: {  	s0 =	rddreg [dreg:$0x0]  }
0x2: {  	s2 =	rddreg [dreg:$0x1]  }
0x3: {  	s1 =	rddreg [dreg:$0x3]  }
0x4: {  	s25 =	rddreg [dreg:$0x4]  }
0x5: {  	s3 =	rddreg [dreg:$0x5];
	s30 =	srdreg.scid  }
0x6: {  	s4 =	simm.s32 $0x0;
	s13 =	stileid.u32;
	[dreg:$0x7] =	wrdreg s1  }
0x7: {  	s28 =	simm.s32 $0x7880;
	[smem:$0x7FF] =	sst s4;
	s5 =	sadd.s32 $0x2400, s25  }
0x8: {  	s26 =	sadd.s32 $0x1E00, s25;
	s29 =	sadd.s32 $0x1C00, s25;
	s6 =	sadd.s32 $0x1A00, s25  }
0x9: {  	s7 =	smul.u32 $0xD700, s13;
	_ =	strace $0x80000047;
	[dreg:$0x8] =	wrdreg s5  }
0xa: {  	s8 =	sadd.s32 $0x3800, s25;
	s10 =	smul.u32 $0x6B800, s13;
	[dreg:$0x9] =	wrdreg s26  }
0xb: {  	s1 =	sadd.s32 $0x2410, s25;
	s17 =	smul.u32 $0xA, s13;
	[dreg:$0xa] =	wrdreg s29  }
0xc: {  	s13 =	simm.s32 $0x2080;
	s5 =	sand.u32 $0x1, s30;
	[dreg:$0xb] =	wrdreg s6  }
0xd: {  	[dreg:$0xc] =	wrdreg s1;
	s31 =	smul.u32 $0x6B80, s5;
	s9 =	ssub.s32 $0x2, s5  }
0xe: {  	s12 =	smul.u32 $0x35C00, s5;
	s14 =	sadd.s32 s7, s3;
	s11 =	sshrl.u32 s9, $0x1  }
0xf: {  	s7 =	sadd.s32 s7, s8;
	s5 =	smul.u32 $0x5, s5;
	s9 =	ssub.s32 s9, s11  }
0x10: {  	s1 =	sadd.s32 s31, s14;
	s10 =	sadd.s32 s12, s10;
	s15 =	sadd.s32 s31, s7  }
0x11: {  	s12 =	simm.s32 $0x1880;
	s14 =	simm.s32 $0x2880;
	[dreg:$0xd] =	wrdreg s1  }
0x12: {  	s16 =	sadd.s32 $0xA800, s10;
	[dreg:$0xe] =	wrdreg s15;
	s19 =	sadd.s32 $0xA000, s10  }
0x13: {  	s22 =	sadd.s32 $0x8000, s10;
	s10 =	sadd.s32 $0x4000, s10;
	s9 =	smax.u32 s9, $0x1  }
0x14: {  	s1 =	sadd.s32 s5, s17;
	s15 =	simm.s32 $0x3080;
	s5 =	simm.s32 $0x480  }
0x15: {  	s6 =	sshrl.u32 s16, $0x3;
	s20 =	sshrl.u32 s19, $0x3;
	[dreg:$0x17] =	wrdreg s9  }
0x16: {  	s24 =	sshrl.u32 s22, $0x3;
	[dreg:$0x18] =	wrdreg s1;
	s18 =	sadd.s32 s6, s8  }
0x17: {  	s29 =	sshrl.u32 s10, $0x3;
	s6 =	sadd.s32 s6, s3;
	[dreg:$0xf] =	wrdreg s18  }
0x18: {  	s22 =	simm.s32 $0x80;
	s21 =	sadd.s32 s20, s8;
	[dreg:$0x10] =	wrdreg s6  }
0x19: {  	s16 =	simm.s32 $0x3880;
	s23 =	sadd.s32 s20, s3;
	[dreg:$0x11] =	wrdreg s21  }
0x1a: {  	s19 =	simm.s32 $0x5880;
	s25 =	sadd.s32 s24, s8;
	[dreg:$0x12] =	wrdreg s23  }
0x1b: {  	s26 =	sadd.s32 s24, s3;
	s30 =	sadd.s32 s29, s8;
	[dreg:$0x13] =	wrdreg s25  }
0x1c: {  	s31 =	sadd.s32 s29, s3;
	s8 =	simm.s32 $0x2;
	[dreg:$0x14] =	wrdreg s26  }
0x1d: {  	v2 =	vlaneseq.u32;
	s3 =	simm.s32 $0x0;
	s20 =	simm.s32 $0x5080;
	[dreg:$0x15] =	wrdreg s30  }
0x1e: {  	vm0 =	vmmov $0xffff;
	v1 =	vshrl.u32 v2, $0x3;
	[dreg:$0x16] =	wrdreg s31;
	s6 =	simm.s32 $0x880;
	s18 =	simm.s32 $0x1080  }
0x1f: {  	v0 =	vand.u32 $0x7, v2;
	v2 =	vor.u32 $0x8, v2;
	v1 =	vmul.u32 $0x8, v1;
	s25 =	simm.s32 $0x1;
	s26 =	simm.s32 $0x4080;
	s21 =	simm.s32 $0x4880  }
.LBB2_1:
0x20: {  	[dreg:$0x19] =	wrdreg s3  }
0x21: {  	s7 =	rddreg [dreg:$0x18];
	s3 =	simm.s32 $0x0  }
.LBB2_2:
0x22: {  	s29 =	smulhi.u32 $0xCCCCCCCD, s7  }
0x23: {  	s30 =	sshrl.u32 s7, $0x2  }
0x24: {  	s31 =	smulhi.u32 $0xCCCCCCD, s30;
	s29 =	sshrl.u32 s29, $0x4  }
0x25: {  	s1 =	sand.u32 $0x3, s7;
	s29 =	sand.u32 $0xFFFFFFC, s29  }
0x26: {  	s31 =	smul.u32 $0x14, s31;
	s1 =	sor.u32 s1, s29  }
0x27: {  	s1 =	smul.u32 $0x14, s1  }
0x28: {  	s9 =	ssub.s32 s30, s31  }
0x29: {  	s29 =	sadd.s32 s9, s1  }
0x2a: {  	s11 =	sshll.u32 s29, $0x5  }
0x2b: {  	s10 =	rddreg [dreg:$0x8];
	s30 =	sand.u32 $0x1FFFFFE0, s11  }
0x2c: {  	s1 =	sadd.s32 s10, s30  }
0x2d: {  	[tilespmem:s4], [sflag:$0x2] =	stream.linear.gather [hbm4b:s1+s4], $0x80, $0x38;
	[tilespmem:$0x8080] =	vst v63  }
0x2e: {  	_ =	swait.ge [sflag:s8], $0x80  }
0x2f: {  	[sflag:s8] =	ssyncset.done $0x0  }
0x30: {  	[sflag:s8] =	ssyncadd.s32 $0xFFFFFF80  }
0x31: {  	v3 =	vld [tilespmem:$0x0];
	_ =	sdelay $0x4  }
0x32: {  	v4 =	vshll.u32 v3, $0x1  }
0x33: {  	v3 =	vand.u32 $0x7, v3;
	v4 =	vand.u32 $0xFFFFFFF0, v4  }
0x34: {  	v3 =	vor.u32 v3, v4  }
0x35: {  	v4 =	vperm.xlane v3, v0;
	_ =	sdelay $0x1  }
0x36: {  	v3 =	vperm.xlane v3, v2;
	v4 =	vadd.s32 v1, v4;
	_ =	sdelay $0x1  }
0x37: {  	v3 =	vadd.s32 v1, v3;
	_ =	sdelay $0x2  }
0x38: {  	[tilespmem:s22], [sflag:$0x1] =	stream.indirect_vreg.gather [hbm4b:s0+s4], $0x80, v4, vm0, $0xb8;
	[tilespmem:$0x8080] =	vst v63  }
0x39: {  	_ = 	snop  }
0x3a: {  	[tilespmem:s6], [sflag:$0x1] =	stream.indirect_vreg.gather [hbm4b:s0+s4], $0x80, v3, vm0, $0xb8;
	[tilespmem:$0x8080] =	vst v63  }
0x3b: {  	v3 =	vld [tilespmem:$0x10];
	_ =	sdelay $0x4  }
0x3c: {  	v43 =	vshll.u32 v3, $0x1  }
0x3d: {  	v3 =	vand.u32 $0x7, v3;
	v4 =	vand.u32 $0xFFFFFFF0, v43  }
0x3e: {  	v3 =	vor.u32 v3, v4  }
0x3f: {  	v4 =	vperm.xlane v3, v0;
	_ =	sdelay $0x1  }
0x40: {  	v3 =	vperm.xlane v3, v2;
	v4 =	vadd.s32 v1, v4;
	_ =	sdelay $0x1  }
0x41: {  	v3 =	vadd.s32 v1, v3;
	_ =	sdelay $0x2  }
0x42: {  	[tilespmem:s18], [sflag:$0x1] =	stream.indirect_vreg.gather [hbm4b:s0+s4], $0x80, v4, vm0, $0xb8;
	[tilespmem:$0x8080] =	vst v63  }
0x43: {  	_ = 	snop  }
0x44: {  	[tilespmem:s12], [sflag:$0x1] =	stream.indirect_vreg.gather [hbm4b:s0+s4], $0x80, v3, vm0, $0xb8;
	[tilespmem:$0x8080] =	vst v63  }
0x45: {  	v3 =	vld [tilespmem:$0x20];
	_ =	sdelay $0x4  }
0x46: {  	v44 =	vshll.u32 v3, $0x1  }
0x47: {  	v3 =	vand.u32 $0x7, v3;
	v4 =	vand.u32 $0xFFFFFFF0, v44  }
0x48: {  	v3 =	vor.u32 v3, v4  }
0x49: {  	v4 =	vperm.xlane v3, v0;
	_ =	sdelay $0x1  }
0x4a: {  	v3 =	vperm.xlane v3, v2;
	v4 =	vadd.s32 v1, v4;
	_ =	sdelay $0x1  }
0x4b: {  	v3 =	vadd.s32 v1, v3;
	_ =	sdelay $0x2  }
0x4c: {  	[tilespmem:s13], [sflag:$0x1] =	stream.indirect_vreg.gather [hbm4b:s0+s4], $0x80, v4, vm0, $0xb8;
	[tilespmem:$0x8080] =	vst v63  }
0x4d: {  	_ = 	snop  }
0x4e: {  	[tilespmem:s14], [sflag:$0x1] =	stream.indirect_vreg.gather [hbm4b:s0+s4], $0x80, v3, vm0, $0xb8;
	[tilespmem:$0x8080] =	vst v63  }
0x4f: {  	v3 =	vld [tilespmem:$0x30];
	_ =	sdelay $0x4  }
0x50: {  	v45 =	vshll.u32 v3, $0x1  }
0x51: {  	v3 =	vand.u32 $0x7, v3;
	v4 =	vand.u32 $0xFFFFFFF0, v45  }
0x52: {  	v3 =	vor.u32 v3, v4  }
0x53: {  	v4 =	vperm.xlane v3, v0;
	_ =	sdelay $0x1  }
0x54: {  	v3 =	vperm.xlane v3, v2;
	v4 =	vadd.s32 v1, v4;
	_ =	sdelay $0x1  }
0x55: {  	v3 =	vadd.s32 v1, v3;
	_ =	sdelay $0x2  }
0x56: {  	[tilespmem:s15], [sflag:$0x1] =	stream.indirect_vreg.gather [hbm4b:s0+s4], $0x80, v4, vm0, $0xb8;
	[tilespmem:$0x8080] =	vst v63  }
0x57: {  	_ = 	snop  }
0x58: {  	[tilespmem:s16], [sflag:$0x1] =	stream.indirect_vreg.gather [hbm4b:s0+s4], $0x80, v3, vm0, $0xb8;
	[tilespmem:$0x8080] =	vst v63  }
0x59: {  	v3 =	vld [tilespmem:$0x40];
	_ =	sdelay $0x4  }
0x5a: {  	v46 =	vshll.u32 v3, $0x1  }
0x5b: {  	v3 =	vand.u32 $0x7, v3;
	v4 =	vand.u32 $0xFFFFFFF0, v46  }
0x5c: {  	v3 =	vor.u32 v3, v4  }
0x5d: {  	v4 =	vperm.xlane v3, v0;
	_ =	sdelay $0x1  }
0x5e: {  	v3 =	vperm.xlane v3, v2;
	v4 =	vadd.s32 v1, v4;
	_ =	sdelay $0x1  }
0x5f: {  	v3 =	vadd.s32 v1, v3;
	_ =	sdelay $0x2  }
0x60: {  	[tilespmem:s26], [sflag:$0x1] =	stream.indirect_vreg.gather [hbm4b:s0+s4], $0x80, v4, vm0, $0xb8;
	[tilespmem:$0x8080] =	vst v63  }
0x61: {  	_ = 	snop  }
0x62: {  	[tilespmem:s21], [sflag:$0x1] =	stream.indirect_vreg.gather [hbm4b:s0+s4], $0x80, v3, vm0, $0xb8;
	[tilespmem:$0x8080] =	vst v63  }
0x63: {  	v3 =	vld [tilespmem:$0x50];
	_ =	sdelay $0x4  }
0x64: {  	v47 =	vshll.u32 v3, $0x1  }
0x65: {  	v3 =	vand.u32 $0x7, v3;
	v4 =	vand.u32 $0xFFFFFFF0, v47  }
0x66: {  	v3 =	vor.u32 v3, v4  }
0x67: {  	v4 =	vperm.xlane v3, v0;
	_ =	sdelay $0x1  }
0x68: {  	v3 =	vperm.xlane v3, v2;
	v4 =	vadd.s32 v1, v4;
	_ =	sdelay $0x1  }
0x69: {  	v3 =	vadd.s32 v1, v3;
	_ =	sdelay $0x2  }
0x6a: {  	[tilespmem:s20], [sflag:$0x1] =	stream.indirect_vreg.gather [hbm4b:s0+s4], $0x80, v4, vm0, $0xb8;
	[tilespmem:$0x8080] =	vst v63  }
0x6b: {  	_ = 	snop  }
0x6c: {  	[tilespmem:s19], [sflag:$0x1] =	stream.indirect_vreg.gather [hbm4b:s0+s4], $0x80, v3, vm0, $0xb8;
	[tilespmem:$0x8080] =	vst v63  }
0x6d: {  	v3 =	vld [tilespmem:$0x60];
	_ =	sdelay $0x4  }
0x6e: {  	v48 =	vshll.u32 v3, $0x1  }
0x6f: {  	v3 =	vand.u32 $0x7, v3;
	v4 =	vand.u32 $0xFFFFFFF0, v48  }
0x70: {  	v3 =	vor.u32 v3, v4  }
0x71: {  	v4 =	vperm.xlane v3, v0;
	_ =	sdelay $0x1  }
0x72: {  	v3 =	vperm.xlane v3, v2;
	v4 =	vadd.s32 v1, v4;
	_ =	sdelay $0x1  }
0x73: {  	v3 =	vadd.s32 v1, v3;
	_ =	sdelay $0x1  }
0x74: {  	s18 =	simm.s32 $0x6080  }
0x75: {  	[tilespmem:s18], [sflag:$0x1] =	stream.indirect_vreg.gather [hbm4b:s0+s4], $0x80, v4, vm0, $0xb8;
	[tilespmem:$0x8080] =	vst v63  }
0x76: {  	s14 =	simm.s32 $0x6880  }
0x77: {  	[tilespmem:s14], [sflag:$0x1] =	stream.indirect_vreg.gather [hbm4b:s0+s4], $0x80, v3, vm0, $0xb8;
	[tilespmem:$0x8080] =	vst v63  }
0x78: {  	v3 =	vld [tilespmem:$0x70];
	_ =	sdelay $0x4  }
0x79: {  	v49 =	vshll.u32 v3, $0x1  }
0x7a: {  	v3 =	vand.u32 $0x7, v3;
	v4 =	vand.u32 $0xFFFFFFF0, v49  }
0x7b: {  	v3 =	vor.u32 v3, v4  }
0x7c: {  	v4 =	vperm.xlane v3, v0;
	_ =	sdelay $0x1  }
0x7d: {  	v3 =	vperm.xlane v3, v2;
	v4 =	vadd.s32 v1, v4;
	_ =	sdelay $0x1  }
0x7e: {  	v3 =	vadd.s32 v1, v3;
	_ =	sdelay $0x1  }
0x7f: {  	s10 =	simm.s32 $0x7080  }
0x80: {  	[tilespmem:s10], [sflag:$0x1] =	stream.indirect_vreg.gather [hbm4b:s0+s4], $0x80, v4, vm0, $0xb8;
	[tilespmem:$0x8080] =	vst v63  }
0x81: {  	_ = 	snop  }
0x82: {  	[tilespmem:s28], [sflag:$0x1] =	stream.indirect_vreg.gather [hbm4b:s0+s4], $0x80, v3, vm0, $0xb8;
	[tilespmem:$0x8080] =	vst v63  }
0x83: {  	_ =	swait.ge [sflag:s25], $0x8000  }
0x84: {  	s31 =	rddreg [dreg:$0xd];
	[sflag:s25] =	ssyncset.done $0x0  }
0x85: {  	[sflag:s25] =	ssyncadd.s32 $0xFFFF8000;
	s1 =	sadd.s32 s3, s31  }
0x86: {  	[hbm4b:s1+s4] =	stream.linear.scatter [tilespmem:s22], [sflag:$0x2], $0x400, $0x38;
	[tilespmem:$0x8080] =	vst v63  }
0x87: {  	s9 =	simm.s32 $0x880;
	s31 =	sadd.s32 $0x80, s1  }
0x88: {  	[hbm4b:s31+s4] =	stream.linear.scatter [tilespmem:s9], [sflag:$0x2], $0x400, $0x38;
	[tilespmem:$0x8080] =	vst v63  }
0x89: {  	s12 =	simm.s32 $0x1080;
	s31 =	sadd.s32 $0x100, s1  }
0x8a: {  	[hbm4b:s31+s4] =	stream.linear.scatter [tilespmem:s12], [sflag:$0x2], $0x400, $0x38;
	[tilespmem:$0x8080] =	vst v63  }
0x8b: {  	s13 =	simm.s32 $0x1880;
	s31 =	sadd.s32 $0x180, s1  }
0x8c: {  	[hbm4b:s31+s4] =	stream.linear.scatter [tilespmem:s13], [sflag:$0x2], $0x400, $0x38;
	[tilespmem:$0x8080] =	vst v63  }
0x8d: {  	s11 =	simm.s32 $0x2080;
	s31 =	sadd.s32 $0x200, s1  }
0x8e: {  	[hbm4b:s31+s4] =	stream.linear.scatter [tilespmem:s11], [sflag:$0x2], $0x400, $0x38;
	[tilespmem:$0x8080] =	vst v63  }
0x8f: {  	s15 =	simm.s32 $0x2880;
	s11 =	sadd.s32 $0x280, s1  }
0x90: {  	[hbm4b:s11+s4] =	stream.linear.scatter [tilespmem:s15], [sflag:$0x2], $0x400, $0x38;
	[tilespmem:$0x8080] =	vst v63  }
0x91: {  	s16 =	simm.s32 $0x3080;
	s11 =	sadd.s32 $0x300, s1  }
0x92: {  	[hbm4b:s11+s4] =	stream.linear.scatter [tilespmem:s16], [sflag:$0x2], $0x400, $0x38;
	[tilespmem:$0x8080] =	vst v63  }
0x93: {  	s6 =	simm.s32 $0x3880;
	s11 =	sadd.s32 $0x380, s1  }
0x94: {  	[hbm4b:s11+s4] =	stream.linear.scatter [tilespmem:s6], [sflag:$0x2], $0x400, $0x38;
	[tilespmem:$0x8080] =	vst v63  }
0x95: {  	s11 =	sadd.s32 $0x400, s1  }
0x96: {  	[hbm4b:s11+s4] =	stream.linear.scatter [tilespmem:s26], [sflag:$0x2], $0x400, $0x38;
	[tilespmem:$0x8080] =	vst v63  }
0x97: {  	s6 =	sadd.s32 $0x480, s1  }
0x98: {  	[hbm4b:s6+s4] =	stream.linear.scatter [tilespmem:s21], [sflag:$0x2], $0x400, $0x38;
	[tilespmem:$0x8080] =	vst v63  }
0x99: {  	s11 =	sadd.s32 $0x500, s1  }
0x9a: {  	[hbm4b:s11+s4] =	stream.linear.scatter [tilespmem:s20], [sflag:$0x2], $0x400, $0x38;
	[tilespmem:$0x8080] =	vst v63  }
0x9b: {  	s6 =	sadd.s32 $0x580, s1  }
0x9c: {  	[hbm4b:s6+s4] =	stream.linear.scatter [tilespmem:s19], [sflag:$0x2], $0x400, $0x38;
	[tilespmem:$0x8080] =	vst v63  }
0x9d: {  	s11 =	sadd.s32 $0x600, s1  }
0x9e: {  	[hbm4b:s11+s4] =	stream.linear.scatter [tilespmem:s18], [sflag:$0x2], $0x400, $0x38;
	[tilespmem:$0x8080] =	vst v63  }
0x9f: {  	s6 =	sadd.s32 $0x680, s1  }
0xa0: {  	[hbm4b:s6+s4] =	stream.linear.scatter [tilespmem:s14], [sflag:$0x2], $0x400, $0x38;
	[tilespmem:$0x8080] =	vst v63  }
0xa1: {  	s11 =	sadd.s32 $0x700, s1  }
0xa2: {  	[hbm4b:s11+s4] =	stream.linear.scatter [tilespmem:s10], [sflag:$0x2], $0x400, $0x38;
	[tilespmem:$0x8080] =	vst v63  }
0xa3: {  	s1 =	sadd.s32 $0x780, s1  }
0xa4: {  	[hbm4b:s1+s4] =	stream.linear.scatter [tilespmem:s28], [sflag:$0x2], $0x400, $0x38;
	[tilespmem:$0x8080] =	vst v63  }
0xa5: {  	_ =	swait.ge [sflag:s8], $0x4000  }
0xa6: {  	s31 =	rddreg [dreg:$0xe];
	[sflag:s8] =	ssyncset.done $0x0  }
0xa7: {  	[sflag:s8] =	ssyncadd.s32 $0xFFFFC000;
	s1 =	sadd.s32 s3, s31  }
0xa8: {  	[hbm4b:s1+s4] =	stream.linear.scatter [tilespmem:s5], [sflag:$0x2], $0x400, $0x38;
	[tilespmem:$0x8080] =	vst v63  }
0xa9: {  	s6 =	simm.s32 $0xC80;
	s5 =	sadd.s32 $0x80, s1  }
0xaa: {  	[hbm4b:s5+s4] =	stream.linear.scatter [tilespmem:s6], [sflag:$0x2], $0x400, $0x38;
	[tilespmem:$0x8080] =	vst v63  }
0xab: {  	s17 =	simm.s32 $0x1480;
	s11 =	sadd.s32 $0x100, s1  }
0xac: {  	[hbm4b:s11+s4] =	stream.linear.scatter [tilespmem:s17], [sflag:$0x2], $0x400, $0x38;
	[tilespmem:$0x8080] =	vst v63  }
0xad: {  	s6 =	sadd.s32 $0x180, s1;
	s17 =	simm.s32 $0x1C80  }
0xae: {  	[hbm4b:s6+s4] =	stream.linear.scatter [tilespmem:s17], [sflag:$0x2], $0x400, $0x38;
	[tilespmem:$0x8080] =	vst v63  }
0xaf: {  	s11 =	sadd.s32 $0x200, s1;
	s17 =	simm.s32 $0x2480  }
0xb0: {  	[hbm4b:s11+s4] =	stream.linear.scatter [tilespmem:s17], [sflag:$0x2], $0x400, $0x38;
	[tilespmem:$0x8080] =	vst v63  }
0xb1: {  	s5 =	sadd.s32 $0x280, s1;
	s6 =	simm.s32 $0x2C80  }
0xb2: {  	[hbm4b:s5+s4] =	stream.linear.scatter [tilespmem:s6], [sflag:$0x2], $0x400, $0x38;
	[tilespmem:$0x8080] =	vst v63  }
0xb3: {  	s11 =	sadd.s32 $0x300, s1;
	s17 =	simm.s32 $0x3480  }
0xb4: {  	[hbm4b:s11+s4] =	stream.linear.scatter [tilespmem:s17], [sflag:$0x2], $0x400, $0x38;
	[tilespmem:$0x8080] =	vst v63  }
0xb5: {  	s5 =	sadd.s32 $0x380, s1;
	s6 =	simm.s32 $0x3C80  }
0xb6: {  	[hbm4b:s5+s4] =	stream.linear.scatter [tilespmem:s6], [sflag:$0x2], $0x400, $0x38;
	[tilespmem:$0x8080] =	vst v63  }
0xb7: {  	s23 =	simm.s32 $0x4480;
	s11 =	sadd.s32 $0x400, s1  }
0xb8: {  	[hbm4b:s11+s4] =	stream.linear.scatter [tilespmem:s23], [sflag:$0x2], $0x400, $0x38;
	[tilespmem:$0x8080] =	vst v63  }
0xb9: {  	s17 =	sadd.s32 $0x480, s1;
	s6 =	simm.s32 $0x4C80  }
0xba: {  	[hbm4b:s17+s4] =	stream.linear.scatter [tilespmem:s6], [sflag:$0x2], $0x400, $0x38;
	[tilespmem:$0x8080] =	vst v63  }
0xbb: {  	s24 =	simm.s32 $0x5480;
	s23 =	sadd.s32 $0x500, s1  }
0xbc: {  	[hbm4b:s23+s4] =	stream.linear.scatter [tilespmem:s24], [sflag:$0x2], $0x400, $0x38;
	[tilespmem:$0x8080] =	vst v63  }
0xbd: {  	s23 =	simm.s32 $0x5C80;
	s24 =	sadd.s32 $0x580, s1  }
0xbe: {  	[hbm4b:s24+s4] =	stream.linear.scatter [tilespmem:s23], [sflag:$0x2], $0x400, $0x38;
	[tilespmem:$0x8080] =	vst v63  }
0xbf: {  	s5 =	sadd.s32 $0x600, s1;
	s11 =	simm.s32 $0x6480  }
0xc0: {  	[hbm4b:s5+s4] =	stream.linear.scatter [tilespmem:s11], [sflag:$0x2], $0x400, $0x38;
	[tilespmem:$0x8080] =	vst v63  }
0xc1: {  	s17 =	sadd.s32 $0x680, s1;
	s24 =	simm.s32 $0x6C80  }
0xc2: {  	[hbm4b:s17+s4] =	stream.linear.scatter [tilespmem:s24], [sflag:$0x2], $0x400, $0x38;
	[tilespmem:$0x8080] =	vst v63  }
0xc3: {  	s5 =	sadd.s32 $0x700, s1;
	s11 =	simm.s32 $0x7480  }
0xc4: {  	[hbm4b:s5+s4] =	stream.linear.scatter [tilespmem:s11], [sflag:$0x2], $0x400, $0x38;
	[tilespmem:$0x8080] =	vst v63  }
0xc5: {  	s1 =	sadd.s32 $0x780, s1;
	s11 =	simm.s32 $0x7C80  }
0xc6: {  	[hbm4b:s1+s4] =	stream.linear.scatter [tilespmem:s11], [sflag:$0x2], $0x400, $0x38;
	[tilespmem:$0x8080] =	vst v63  }
0xc7: {  	_ =	swait.ge [sflag:s8], $0x4000  }
0xc8: {  	s17 =	rddreg [dreg:$0xc];
	[sflag:s8] =	ssyncset.done $0x0  }
0xc9: {  	[sflag:s8] =	ssyncadd.s32 $0xFFFFC000;
	s1 =	sadd.s32 s30, s17  }
0xca: {  	[tilespmem:s4], [sflag:$0x2] =	stream.linear.gather [hbm4b:s1+s4], $0x80, $0x38;
	[tilespmem:$0x8080] =	vst v63  }
0xcb: {  	_ =	swait.ge [sflag:s8], $0x80  }
0xcc: {  	[sflag:s8] =	ssyncset.done $0x0  }
0xcd: {  	[sflag:s8] =	ssyncadd.s32 $0xFFFFFF80  }
0xce: {  	v3 =	vld [tilespmem:$0x0];
	_ =	sdelay $0x4  }
0xcf: {  	v50 =	vshll.u32 v3, $0x1  }
0xd0: {  	v3 =	vand.u32 $0x7, v3;
	v4 =	vand.u32 $0xFFFFFFF0, v50  }
0xd1: {  	v3 =	vor.u32 v3, v4  }
0xd2: {  	v4 =	vperm.xlane v3, v0;
	_ =	sdelay $0x1  }
0xd3: {  	v3 =	vperm.xlane v3, v2;
	v4 =	vadd.s32 v1, v4;
	_ =	sdelay $0x1  }
0xd4: {  	v3 =	vadd.s32 v1, v3;
	_ =	sdelay $0x2  }
0xd5: {  	[tilespmem:s22], [sflag:$0x1] =	stream.indirect_vreg.gather [hbm4b:s0+s4], $0x80, v4, vm0, $0xb8;
	[tilespmem:$0x8080] =	vst v63  }
0xd6: {  	_ = 	snop  }
0xd7: {  	[tilespmem:s9], [sflag:$0x1] =	stream.indirect_vreg.gather [hbm4b:s0+s4], $0x80, v3, vm0, $0xb8;
	[tilespmem:$0x8080] =	vst v63  }
0xd8: {  	v3 =	vld [tilespmem:$0x10];
	_ =	sdelay $0x4  }
0xd9: {  	v51 =	vshll.u32 v3, $0x1  }
0xda: {  	v3 =	vand.u32 $0x7, v3;
	v4 =	vand.u32 $0xFFFFFFF0, v51  }
0xdb: {  	v3 =	vor.u32 v3, v4  }
0xdc: {  	v4 =	vperm.xlane v3, v0;
	_ =	sdelay $0x1  }
0xdd: {  	v3 =	vperm.xlane v3, v2;
	v4 =	vadd.s32 v1, v4;
	_ =	sdelay $0x1  }
0xde: {  	v3 =	vadd.s32 v1, v3;
	_ =	sdelay $0x2  }
0xdf: {  	[tilespmem:s12], [sflag:$0x1] =	stream.indirect_vreg.gather [hbm4b:s0+s4], $0x80, v4, vm0, $0xb8;
	[tilespmem:$0x8080] =	vst v63  }
0xe0: {  	_ = 	snop  }
0xe1: {  	[tilespmem:s13], [sflag:$0x1] =	stream.indirect_vreg.gather [hbm4b:s0+s4], $0x80, v3, vm0, $0xb8;
	[tilespmem:$0x8080] =	vst v63  }
0xe2: {  	v3 =	vld [tilespmem:$0x20];
	_ =	sdelay $0x4  }
0xe3: {  	v52 =	vshll.u32 v3, $0x1  }
0xe4: {  	v3 =	vand.u32 $0x7, v3;
	v4 =	vand.u32 $0xFFFFFFF0, v52  }
0xe5: {  	v3 =	vor.u32 v3, v4  }
0xe6: {  	v4 =	vperm.xlane v3, v0;
	_ =	sdelay $0x1  }
0xe7: {  	v3 =	vperm.xlane v3, v2;
	v4 =	vadd.s32 v1, v4;
	_ =	sdelay $0x1  }
0xe8: {  	v3 =	vadd.s32 v1, v3;
	_ =	sdelay $0x1  }
0xe9: {  	s13 =	simm.s32 $0x2080  }
0xea: {  	[tilespmem:s13], [sflag:$0x1] =	stream.indirect_vreg.gather [hbm4b:s0+s4], $0x80, v4, vm0, $0xb8;
	[tilespmem:$0x8080] =	vst v63  }
0xeb: {  	_ = 	snop  }
0xec: {  	[tilespmem:s15], [sflag:$0x1] =	stream.indirect_vreg.gather [hbm4b:s0+s4], $0x80, v3, vm0, $0xb8;
	[tilespmem:$0x8080] =	vst v63  }
0xed: {  	v3 =	vld [tilespmem:$0x30];
	_ =	sdelay $0x4  }
0xee: {  	v53 =	vshll.u32 v3, $0x1  }
0xef: {  	v3 =	vand.u32 $0x7, v3;
	v4 =	vand.u32 $0xFFFFFFF0, v53  }
0xf0: {  	v3 =	vor.u32 v3, v4  }
0xf1: {  	v4 =	vperm.xlane v3, v0;
	_ =	sdelay $0x1  }
0xf2: {  	v3 =	vperm.xlane v3, v2;
	v4 =	vadd.s32 v1, v4;
	_ =	sdelay $0x1  }
0xf3: {  	v3 =	vadd.s32 v1, v3;
	_ =	sdelay $0x2  }
0xf4: {  	[tilespmem:s16], [sflag:$0x1] =	stream.indirect_vreg.gather [hbm4b:s0+s4], $0x80, v4, vm0, $0xb8;
	[tilespmem:$0x8080] =	vst v63  }
0xf5: {  	s16 =	simm.s32 $0x3880  }
0xf6: {  	[tilespmem:s16], [sflag:$0x1] =	stream.indirect_vreg.gather [hbm4b:s0+s4], $0x80, v3, vm0, $0xb8;
	[tilespmem:$0x8080] =	vst v63  }
0xf7: {  	v3 =	vld [tilespmem:$0x40];
	_ =	sdelay $0x4  }
0xf8: {  	v54 =	vshll.u32 v3, $0x1  }
0xf9: {  	v3 =	vand.u32 $0x7, v3;
	v4 =	vand.u32 $0xFFFFFFF0, v54  }
0xfa: {  	v3 =	vor.u32 v3, v4  }
0xfb: {  	v4 =	vperm.xlane v3, v0;
	_ =	sdelay $0x1  }
0xfc: {  	v3 =	vperm.xlane v3, v2;
	v4 =	vadd.s32 v1, v4;
	_ =	sdelay $0x1  }
0xfd: {  	v3 =	vadd.s32 v1, v3;
	_ =	sdelay $0x2  }
0xfe: {  	[tilespmem:s26], [sflag:$0x1] =	stream.indirect_vreg.gather [hbm4b:s0+s4], $0x80, v4, vm0, $0xb8;
	[tilespmem:$0x8080] =	vst v63  }
0xff: {  	_ = 	snop  }
0x100: {  	[tilespmem:s21], [sflag:$0x1] =	stream.indirect_vreg.gather [hbm4b:s0+s4], $0x80, v3, vm0, $0xb8;
	[tilespmem:$0x8080] =	vst v63  }
0x101: {  	v3 =	vld [tilespmem:$0x50];
	_ =	sdelay $0x4  }
0x102: {  	v55 =	vshll.u32 v3, $0x1  }
0x103: {  	v3 =	vand.u32 $0x7, v3;
	v4 =	vand.u32 $0xFFFFFFF0, v55  }
0x104: {  	v3 =	vor.u32 v3, v4  }
0x105: {  	v4 =	vperm.xlane v3, v0;
	_ =	sdelay $0x1  }
0x106: {  	v3 =	vperm.xlane v3, v2;
	v4 =	vadd.s32 v1, v4;
	_ =	sdelay $0x1  }
0x107: {  	v3 =	vadd.s32 v1, v3;
	_ =	sdelay $0x2  }
0x108: {  	[tilespmem:s20], [sflag:$0x1] =	stream.indirect_vreg.gather [hbm4b:s0+s4], $0x80, v4, vm0, $0xb8;
	[tilespmem:$0x8080] =	vst v63  }
0x109: {  	_ = 	snop  }
0x10a: {  	[tilespmem:s19], [sflag:$0x1] =	stream.indirect_vreg.gather [hbm4b:s0+s4], $0x80, v3, vm0, $0xb8;
	[tilespmem:$0x8080] =	vst v63  }
0x10b: {  	v3 =	vld [tilespmem:$0x60];
	_ =	sdelay $0x4  }
0x10c: {  	v56 =	vshll.u32 v3, $0x1  }
0x10d: {  	v3 =	vand.u32 $0x7, v3;
	v4 =	vand.u32 $0xFFFFFFF0, v56  }
0x10e: {  	v3 =	vor.u32 v3, v4  }
0x10f: {  	v4 =	vperm.xlane v3, v0;
	_ =	sdelay $0x1  }
0x110: {  	v3 =	vperm.xlane v3, v2;
	v4 =	vadd.s32 v1, v4;
	_ =	sdelay $0x1  }
0x111: {  	v3 =	vadd.s32 v1, v3;
	_ =	sdelay $0x2  }
0x112: {  	[tilespmem:s18], [sflag:$0x1] =	stream.indirect_vreg.gather [hbm4b:s0+s4], $0x80, v4, vm0, $0xb8;
	[tilespmem:$0x8080] =	vst v63  }
0x113: {  	_ = 	snop  }
0x114: {  	[tilespmem:s14], [sflag:$0x1] =	stream.indirect_vreg.gather [hbm4b:s0+s4], $0x80, v3, vm0, $0xb8;
	[tilespmem:$0x8080] =	vst v63  }
0x115: {  	v3 =	vld [tilespmem:$0x70];
	_ =	sdelay $0x4  }
0x116: {  	v57 =	vshll.u32 v3, $0x1  }
0x117: {  	v3 =	vand.u32 $0x7, v3;
	v4 =	vand.u32 $0xFFFFFFF0, v57  }
0x118: {  	v3 =	vor.u32 v3, v4  }
0x119: {  	v4 =	vperm.xlane v3, v0;
	_ =	sdelay $0x1  }
0x11a: {  	v3 =	vperm.xlane v3, v2;
	v4 =	vadd.s32 v1, v4;
	_ =	sdelay $0x1  }
0x11b: {  	v3 =	vadd.s32 v1, v3;
	_ =	sdelay $0x2  }
0x11c: {  	[tilespmem:s10], [sflag:$0x1] =	stream.indirect_vreg.gather [hbm4b:s0+s4], $0x80, v4, vm0, $0xb8;
	[tilespmem:$0x8080] =	vst v63  }
0x11d: {  	_ = 	snop  }
0x11e: {  	[tilespmem:s28], [sflag:$0x1] =	stream.indirect_vreg.gather [hbm4b:s0+s4], $0x80, v3, vm0, $0xb8;
	[tilespmem:$0x8080] =	vst v63  }
0x11f: {  	_ =	swait.ge [sflag:s25], $0x8000  }
0x120: {  	s5 =	rddreg [dreg:$0x16];
	[sflag:s25] =	ssyncset.done $0x0  }
0x121: {  	[sflag:s25] =	ssyncadd.s32 $0xFFFF8000;
	s1 =	sadd.s32 s3, s5  }
0x122: {  	[hbm4b:s1+s4] =	stream.linear.scatter [tilespmem:s22], [sflag:$0x2], $0x400, $0x38;
	[tilespmem:$0x8080] =	vst v63  }
0x123: {  	s17 =	sadd.s32 $0x80, s1  }
0x124: {  	[hbm4b:s17+s4] =	stream.linear.scatter [tilespmem:s9], [sflag:$0x2], $0x400, $0x38;
	[tilespmem:$0x8080] =	vst v63  }
0x125: {  	s5 =	sadd.s32 $0x100, s1  }
0x126: {  	[hbm4b:s5+s4] =	stream.linear.scatter [tilespmem:s12], [sflag:$0x2], $0x400, $0x38;
	[tilespmem:$0x8080] =	vst v63  }
0x127: {  	s17 =	sadd.s32 $0x180, s1;
	s12 =	simm.s32 $0x1880  }
0x128: {  	[hbm4b:s17+s4] =	stream.linear.scatter [tilespmem:s12], [sflag:$0x2], $0x400, $0x38;
	[tilespmem:$0x8080] =	vst v63  }
0x129: {  	s5 =	sadd.s32 $0x200, s1  }
0x12a: {  	[hbm4b:s5+s4] =	stream.linear.scatter [tilespmem:s13], [sflag:$0x2], $0x400, $0x38;
	[tilespmem:$0x8080] =	vst v63  }
0x12b: {  	s17 =	sadd.s32 $0x280, s1  }
0x12c: {  	[hbm4b:s17+s4] =	stream.linear.scatter [tilespmem:s15], [sflag:$0x2], $0x400, $0x38;
	[tilespmem:$0x8080] =	vst v63  }
0x12d: {  	s5 =	sadd.s32 $0x300, s1;
	s15 =	simm.s32 $0x3080  }
0x12e: {  	[hbm4b:s5+s4] =	stream.linear.scatter [tilespmem:s15], [sflag:$0x2], $0x400, $0x38;
	[tilespmem:$0x8080] =	vst v63  }
0x12f: {  	s17 =	sadd.s32 $0x380, s1  }
0x130: {  	[hbm4b:s17+s4] =	stream.linear.scatter [tilespmem:s16], [sflag:$0x2], $0x400, $0x38;
	[tilespmem:$0x8080] =	vst v63  }
0x131: {  	s5 =	sadd.s32 $0x400, s1  }
0x132: {  	[hbm4b:s5+s4] =	stream.linear.scatter [tilespmem:s26], [sflag:$0x2], $0x400, $0x38;
	[tilespmem:$0x8080] =	vst v63  }
0x133: {  	s17 =	sadd.s32 $0x480, s1  }
0x134: {  	[hbm4b:s17+s4] =	stream.linear.scatter [tilespmem:s21], [sflag:$0x2], $0x400, $0x38;
	[tilespmem:$0x8080] =	vst v63  }
0x135: {  	s5 =	sadd.s32 $0x500, s1  }
0x136: {  	[hbm4b:s5+s4] =	stream.linear.scatter [tilespmem:s20], [sflag:$0x2], $0x400, $0x38;
	[tilespmem:$0x8080] =	vst v63  }
0x137: {  	s17 =	sadd.s32 $0x580, s1  }
0x138: {  	[hbm4b:s17+s4] =	stream.linear.scatter [tilespmem:s19], [sflag:$0x2], $0x400, $0x38;
	[tilespmem:$0x8080] =	vst v63  }
0x139: {  	s5 =	sadd.s32 $0x600, s1  }
0x13a: {  	[hbm4b:s5+s4] =	stream.linear.scatter [tilespmem:s18], [sflag:$0x2], $0x400, $0x38;
	[tilespmem:$0x8080] =	vst v63  }
0x13b: {  	s17 =	sadd.s32 $0x680, s1  }
0x13c: {  	[hbm4b:s17+s4] =	stream.linear.scatter [tilespmem:s14], [sflag:$0x2], $0x400, $0x38;
	[tilespmem:$0x8080] =	vst v63  }
0x13d: {  	s5 =	sadd.s32 $0x700, s1  }
0x13e: {  	[hbm4b:s5+s4] =	stream.linear.scatter [tilespmem:s10], [sflag:$0x2], $0x400, $0x38;
	[tilespmem:$0x8080] =	vst v63  }
0x13f: {  	s1 =	sadd.s32 $0x780, s1  }
0x140: {  	[hbm4b:s1+s4] =	stream.linear.scatter [tilespmem:s28], [sflag:$0x2], $0x400, $0x38;
	[tilespmem:$0x8080] =	vst v63  }
0x141: {  	_ =	swait.ge [sflag:s8], $0x4000  }
0x142: {  	s17 =	rddreg [dreg:$0x15];
	[sflag:s8] =	ssyncset.done $0x0  }
0x143: {  	s30 =	simm.s32 $0x480;
	[sflag:s8] =	ssyncadd.s32 $0xFFFFC000;
	s1 =	sadd.s32 s3, s17  }
0x144: {  	[hbm4b:s1+s4] =	stream.linear.scatter [tilespmem:s30], [sflag:$0x2], $0x400, $0x38;
	[tilespmem:$0x8080] =	vst v63  }
0x145: {  	s17 =	simm.s32 $0xC80;
	s10 =	sadd.s32 $0x80, s1  }
0x146: {  	[hbm4b:s10+s4] =	stream.linear.scatter [tilespmem:s17], [sflag:$0x2], $0x400, $0x38;
	[tilespmem:$0x8080] =	vst v63  }
0x147: {  	s31 =	simm.s32 $0x1480;
	s10 =	sadd.s32 $0x100, s1  }
0x148: {  	[hbm4b:s10+s4] =	stream.linear.scatter [tilespmem:s31], [sflag:$0x2], $0x400, $0x38;
	[tilespmem:$0x8080] =	vst v63  }
0x149: {  	s17 =	sadd.s32 $0x180, s1;
	s10 =	simm.s32 $0x1C80  }
0x14a: {  	[hbm4b:s17+s4] =	stream.linear.scatter [tilespmem:s10], [sflag:$0x2], $0x400, $0x38;
	[tilespmem:$0x8080] =	vst v63  }
0x14b: {  	s5 =	sadd.s32 $0x200, s1;
	s17 =	simm.s32 $0x2480  }
0x14c: {  	[hbm4b:s5+s4] =	stream.linear.scatter [tilespmem:s17], [sflag:$0x2], $0x400, $0x38;
	[tilespmem:$0x8080] =	vst v63  }
0x14d: {  	s30 =	sadd.s32 $0x280, s1;
	s5 =	simm.s32 $0x2C80  }
0x14e: {  	[hbm4b:s30+s4] =	stream.linear.scatter [tilespmem:s5], [sflag:$0x2], $0x400, $0x38;
	[tilespmem:$0x8080] =	vst v63  }
0x14f: {  	s30 =	sadd.s32 $0x300, s1;
	s5 =	simm.s32 $0x3480  }
0x150: {  	[hbm4b:s30+s4] =	stream.linear.scatter [tilespmem:s5], [sflag:$0x2], $0x400, $0x38;
	[tilespmem:$0x8080] =	vst v63  }
0x151: {  	s30 =	sadd.s32 $0x380, s1;
	s5 =	simm.s32 $0x3C80  }
0x152: {  	[hbm4b:s30+s4] =	stream.linear.scatter [tilespmem:s5], [sflag:$0x2], $0x400, $0x38;
	[tilespmem:$0x8080] =	vst v63  }
0x153: {  	s17 =	simm.s32 $0x4480;
	s5 =	sadd.s32 $0x400, s1  }
0x154: {  	[hbm4b:s5+s4] =	stream.linear.scatter [tilespmem:s17], [sflag:$0x2], $0x400, $0x38;
	[tilespmem:$0x8080] =	vst v63  }
0x155: {  	s5 =	sadd.s32 $0x480, s1  }
0x156: {  	[hbm4b:s5+s4] =	stream.linear.scatter [tilespmem:s6], [sflag:$0x2], $0x400, $0x38;
	[tilespmem:$0x8080] =	vst v63  }
0x157: {  	s17 =	simm.s32 $0x5480;
	s6 =	sadd.s32 $0x500, s1  }
0x158: {  	[hbm4b:s6+s4] =	stream.linear.scatter [tilespmem:s17], [sflag:$0x2], $0x400, $0x38;
	[tilespmem:$0x8080] =	vst v63  }
0x159: {  	s5 =	sadd.s32 $0x580, s1  }
0x15a: {  	[hbm4b:s5+s4] =	stream.linear.scatter [tilespmem:s23], [sflag:$0x2], $0x400, $0x38;
	[tilespmem:$0x8080] =	vst v63  }
0x15b: {  	s17 =	simm.s32 $0x6480;
	s6 =	sadd.s32 $0x600, s1  }
0x15c: {  	[hbm4b:s6+s4] =	stream.linear.scatter [tilespmem:s17], [sflag:$0x2], $0x400, $0x38;
	[tilespmem:$0x8080] =	vst v63  }
0x15d: {  	s5 =	sadd.s32 $0x680, s1  }
0x15e: {  	[hbm4b:s5+s4] =	stream.linear.scatter [tilespmem:s24], [sflag:$0x2], $0x400, $0x38;
	[tilespmem:$0x8080] =	vst v63  }
0x15f: {  	s23 =	simm.s32 $0x7480;
	s6 =	sadd.s32 $0x700, s1  }
0x160: {  	[hbm4b:s6+s4] =	stream.linear.scatter [tilespmem:s23], [sflag:$0x2], $0x400, $0x38;
	[tilespmem:$0x8080] =	vst v63  }
0x161: {  	s1 =	sadd.s32 $0x780, s1  }
0x162: {  	[hbm4b:s1+s4] =	stream.linear.scatter [tilespmem:s11], [sflag:$0x2], $0x400, $0x38;
	[tilespmem:$0x8080] =	vst v63  }
0x163: {  	s17 =	sshll.u32 s29, $0x3;
	_ =	swait.ge [sflag:s8], $0x4000  }
0x164: {  	s30 =	sand.u32 $0x1FFFFFF8, s17;
	s11 =	rddreg [dreg:$0x9];
	[sflag:s8] =	ssyncset.done $0x0  }
0x165: {  	[sflag:s8] =	ssyncadd.s32 $0xFFFFC000;
	s1 =	sadd.s32 s11, s30  }
0x166: {  	[tilespmem:s4], [sflag:$0x2] =	stream.linear.gather [hbm4b:s1+s4], $0x40, $0x38;
	[tilespmem:$0x8080] =	vst v63  }
0x167: {  	_ =	swait.ge [sflag:s8], $0x40  }
0x168: {  	[sflag:s8] =	ssyncset.done $0x0  }
0x169: {  	[sflag:s8] =	ssyncadd.s32 $0xFFFFFFC0  }
0x16a: {  	v3 =	vld [tilespmem:$0x0];
	_ =	sdelay $0x4  }
0x16b: {  	v58 =	vshll.u32 v3, $0x1  }
0x16c: {  	v3 =	vand.u32 $0x7, v3;
	v4 =	vand.u32 $0xFFFFFFF0, v58  }
0x16d: {  	v3 =	vor.u32 v3, v4  }
0x16e: {  	v4 =	vperm.xlane v3, v0;
	_ =	sdelay $0x1  }
0x16f: {  	v3 =	vperm.xlane v3, v2;
	v4 =	vadd.s32 v1, v4;
	_ =	sdelay $0x1  }
0x170: {  	v3 =	vadd.s32 v1, v3;
	_ =	sdelay $0x2  }
0x171: {  	[tilespmem:s22], [sflag:$0x1] =	stream.indirect_vreg.gather [hbm4b:s2+s4], $0x80, v4, vm0, $0xb8;
	[tilespmem:$0x8080] =	vst v63  }
0x172: {  	_ = 	snop  }
0x173: {  	[tilespmem:s9], [sflag:$0x1] =	stream.indirect_vreg.gather [hbm4b:s2+s4], $0x80, v3, vm0, $0xb8;
	[tilespmem:$0x8080] =	vst v63  }
0x174: {  	v3 =	vld [tilespmem:$0x10];
	_ =	sdelay $0x4  }
0x175: {  	v59 =	vshll.u32 v3, $0x1  }
0x176: {  	v3 =	vand.u32 $0x7, v3;
	v4 =	vand.u32 $0xFFFFFFF0, v59  }
0x177: {  	v3 =	vor.u32 v3, v4  }
0x178: {  	v4 =	vperm.xlane v3, v0;
	_ =	sdelay $0x1  }
0x179: {  	v3 =	vperm.xlane v3, v2;
	v4 =	vadd.s32 v1, v4;
	_ =	sdelay $0x1  }
0x17a: {  	v3 =	vadd.s32 v1, v3;
	_ =	sdelay $0x1  }
0x17b: {  	s18 =	simm.s32 $0x1080  }
0x17c: {  	[tilespmem:s18], [sflag:$0x1] =	stream.indirect_vreg.gather [hbm4b:s2+s4], $0x80, v4, vm0, $0xb8;
	[tilespmem:$0x8080] =	vst v63  }
0x17d: {  	_ = 	snop  }
0x17e: {  	[tilespmem:s12], [sflag:$0x1] =	stream.indirect_vreg.gather [hbm4b:s2+s4], $0x80, v3, vm0, $0xb8;
	[tilespmem:$0x8080] =	vst v63  }
0x17f: {  	v3 =	vld [tilespmem:$0x20];
	_ =	sdelay $0x4  }
0x180: {  	v60 =	vshll.u32 v3, $0x1  }
0x181: {  	v3 =	vand.u32 $0x7, v3;
	v4 =	vand.u32 $0xFFFFFFF0, v60  }
0x182: {  	v3 =	vor.u32 v3, v4  }
0x183: {  	v4 =	vperm.xlane v3, v0;
	_ =	sdelay $0x1  }
0x184: {  	v3 =	vperm.xlane v3, v2;
	v4 =	vadd.s32 v1, v4;
	_ =	sdelay $0x1  }
0x185: {  	v3 =	vadd.s32 v1, v3;
	_ =	sdelay $0x2  }
0x186: {  	[tilespmem:s13], [sflag:$0x1] =	stream.indirect_vreg.gather [hbm4b:s2+s4], $0x80, v4, vm0, $0xb8;
	[tilespmem:$0x8080] =	vst v63  }
0x187: {  	s14 =	simm.s32 $0x2880  }
0x188: {  	[tilespmem:s14], [sflag:$0x1] =	stream.indirect_vreg.gather [hbm4b:s2+s4], $0x80, v3, vm0, $0xb8;
	[tilespmem:$0x8080] =	vst v63  }
0x189: {  	v3 =	vld [tilespmem:$0x30];
	_ =	sdelay $0x4  }
0x18a: {  	v61 =	vshll.u32 v3, $0x1  }
0x18b: {  	v3 =	vand.u32 $0x7, v3;
	v4 =	vand.u32 $0xFFFFFFF0, v61  }
0x18c: {  	v3 =	vor.u32 v3, v4  }
0x18d: {  	v4 =	vperm.xlane v3, v0;
	_ =	sdelay $0x1  }
0x18e: {  	v3 =	vperm.xlane v3, v2;
	v4 =	vadd.s32 v1, v4;
	_ =	sdelay $0x1  }
0x18f: {  	v3 =	vadd.s32 v1, v3;
	_ =	sdelay $0x2  }
0x190: {  	[tilespmem:s15], [sflag:$0x1] =	stream.indirect_vreg.gather [hbm4b:s2+s4], $0x80, v4, vm0, $0xb8;
	[tilespmem:$0x8080] =	vst v63  }
0x191: {  	_ = 	snop  }
0x192: {  	[tilespmem:s16], [sflag:$0x1] =	stream.indirect_vreg.gather [hbm4b:s2+s4], $0x80, v3, vm0, $0xb8;
	[tilespmem:$0x8080] =	vst v63  }
0x193: {  	_ =	swait.ge [sflag:s25], $0x4000  }
0x194: {  	s23 =	rddreg [dreg:$0x14];
	[sflag:s25] =	ssyncset.done $0x0  }
0x195: {  	[sflag:s25] =	ssyncadd.s32 $0xFFFFC000;
	s1 =	sadd.s32 s3, s23  }
0x196: {  	[hbm4b:s1+s4] =	stream.linear.scatter [tilespmem:s22], [sflag:$0x2], $0x400, $0x38;
	[tilespmem:$0x8080] =	vst v63  }
0x197: {  	s24 =	sadd.s32 $0x80, s1  }
0x198: {  	[hbm4b:s24+s4] =	stream.linear.scatter [tilespmem:s9], [sflag:$0x2], $0x400, $0x38;
	[tilespmem:$0x8080] =	vst v63  }
0x199: {  	s5 =	sadd.s32 $0x100, s1  }
0x19a: {  	[hbm4b:s5+s4] =	stream.linear.scatter [tilespmem:s18], [sflag:$0x2], $0x400, $0x38;
	[tilespmem:$0x8080] =	vst v63  }
0x19b: {  	s6 =	sadd.s32 $0x180, s1  }
0x19c: {  	[hbm4b:s6+s4] =	stream.linear.scatter [tilespmem:s12], [sflag:$0x2], $0x400, $0x38;
	[tilespmem:$0x8080] =	vst v63  }
0x19d: {  	s11 =	sadd.s32 $0x200, s1  }
0x19e: {  	[hbm4b:s11+s4] =	stream.linear.scatter [tilespmem:s13], [sflag:$0x2], $0x400, $0x38;
	[tilespmem:$0x8080] =	vst v63  }
0x19f: {  	s17 =	sadd.s32 $0x280, s1  }
0x1a0: {  	[hbm4b:s17+s4] =	stream.linear.scatter [tilespmem:s14], [sflag:$0x2], $0x400, $0x38;
	[tilespmem:$0x8080] =	vst v63  }
0x1a1: {  	s23 =	sadd.s32 $0x300, s1  }
0x1a2: {  	[hbm4b:s23+s4] =	stream.linear.scatter [tilespmem:s15], [sflag:$0x2], $0x400, $0x38;
	[tilespmem:$0x8080] =	vst v63  }
0x1a3: {  	s1 =	sadd.s32 $0x380, s1  }
0x1a4: {  	[hbm4b:s1+s4] =	stream.linear.scatter [tilespmem:s16], [sflag:$0x2], $0x400, $0x38;
	[tilespmem:$0x8080] =	vst v63  }
0x1a5: {  	_ =	swait.ge [sflag:s8], $0x2000  }
0x1a6: {  	s24 =	rddreg [dreg:$0x13];
	[sflag:s8] =	ssyncset.done $0x0  }
0x1a7: {  	s30 =	simm.s32 $0x480;
	[sflag:s8] =	ssyncadd.s32 $0xFFFFE000;
	s1 =	sadd.s32 s3, s24  }
0x1a8: {  	[hbm4b:s1+s4] =	stream.linear.scatter [tilespmem:s30], [sflag:$0x2], $0x400, $0x38;
	[tilespmem:$0x8080] =	vst v63  }
0x1a9: {  	s11 =	simm.s32 $0xC80;
	s6 =	sadd.s32 $0x80, s1  }
0x1aa: {  	[hbm4b:s6+s4] =	stream.linear.scatter [tilespmem:s11], [sflag:$0x2], $0x400, $0x38;
	[tilespmem:$0x8080] =	vst v63  }
0x1ab: {  	s17 =	sadd.s32 $0x100, s1  }
0x1ac: {  	[hbm4b:s17+s4] =	stream.linear.scatter [tilespmem:s31], [sflag:$0x2], $0x400, $0x38;
	[tilespmem:$0x8080] =	vst v63  }
0x1ad: {  	s23 =	sadd.s32 $0x180, s1  }
0x1ae: {  	[hbm4b:s23+s4] =	stream.linear.scatter [tilespmem:s10], [sflag:$0x2], $0x400, $0x38;
	[tilespmem:$0x8080] =	vst v63  }
0x1af: {  	s24 =	simm.s32 $0x2480;
	s31 =	sadd.s32 $0x200, s1  }
0x1b0: {  	[hbm4b:s31+s4] =	stream.linear.scatter [tilespmem:s24], [sflag:$0x2], $0x400, $0x38;
	[tilespmem:$0x8080] =	vst v63  }
0x1b1: {  	s5 =	simm.s32 $0x2C80;
	s10 =	sadd.s32 $0x280, s1  }
0x1b2: {  	[hbm4b:s10+s4] =	stream.linear.scatter [tilespmem:s5], [sflag:$0x2], $0x400, $0x38;
	[tilespmem:$0x8080] =	vst v63  }
0x1b3: {  	s11 =	simm.s32 $0x3480;
	s17 =	sadd.s32 $0x300, s1  }
0x1b4: {  	[hbm4b:s17+s4] =	stream.linear.scatter [tilespmem:s11], [sflag:$0x2], $0x400, $0x38;
	[tilespmem:$0x8080] =	vst v63  }
0x1b5: {  	s23 =	simm.s32 $0x3C80;
	s1 =	sadd.s32 $0x380, s1  }
0x1b6: {  	[hbm4b:s1+s4] =	stream.linear.scatter [tilespmem:s23], [sflag:$0x2], $0x400, $0x38;
	[tilespmem:$0x8080] =	vst v63  }
0x1b7: {  	s31 =	sshll.u32 s29, $0x1;
	_ =	swait.ge [sflag:s8], $0x2000  }
0x1b8: {  	s30 =	sand.u32 $0x1FFFFFFE, s31;
	s24 =	rddreg [dreg:$0xa];
	[sflag:s8] =	ssyncset.done $0x0  }
0x1b9: {  	s1 =	sadd.s32 s24, s30;
	s5 =	rddreg [dreg:$0x2];
	[sflag:s8] =	ssyncadd.s32 $0xFFFFE000  }
0x1ba: {  	[tilespmem:s4], [sflag:$0x2] =	stream.linear.gather [hbm4b:s1+s4], $0x10, $0x38;
	[tilespmem:$0x8080] =	vst v63  }
0x1bb: {  	_ =	swait.ge [sflag:s8], $0x10  }
0x1bc: {  	[sflag:s8] =	ssyncset.done $0x0  }
0x1bd: {  	[sflag:s8] =	ssyncadd.s32 $0xFFFFFFF0  }
0x1be: {  	v3 =	vld [tilespmem:$0x0];
	_ =	sdelay $0x4  }
0x1bf: {  	v62 =	vshll.u32 v3, $0x1  }
0x1c0: {  	v3 =	vand.u32 $0x7, v3;
	v4 =	vand.u32 $0xFFFFFFF0, v62  }
0x1c1: {  	v3 =	vor.u32 v3, v4  }
0x1c2: {  	v4 =	vperm.xlane v3, v0;
	_ =	sdelay $0x1  }
0x1c3: {  	v3 =	vperm.xlane v3, v2;
	v4 =	vadd.s32 v1, v4;
	_ =	sdelay $0x1  }
0x1c4: {  	v3 =	vadd.s32 v1, v3;
	_ =	sdelay $0x2  }
0x1c5: {  	[tilespmem:s22], [sflag:$0x1] =	stream.indirect_vreg.gather [hbm4b:s5+s4], $0x80, v4, vm0, $0xb8;
	[tilespmem:$0x8080] =	vst v63  }
0x1c6: {  	_ = 	snop  }
0x1c7: {  	[tilespmem:s9], [sflag:$0x1] =	stream.indirect_vreg.gather [hbm4b:s5+s4], $0x80, v3, vm0, $0xb8;
	[tilespmem:$0x8080] =	vst v63  }
0x1c8: {  	_ =	swait.ge [sflag:s25], $0x1000  }
0x1c9: {  	s11 =	rddreg [dreg:$0x12];
	[sflag:s25] =	ssyncset.done $0x0  }
0x1ca: {  	[sflag:s25] =	ssyncadd.s32 $0xFFFFF000;
	s1 =	sadd.s32 s3, s11  }
0x1cb: {  	[hbm4b:s1+s4] =	stream.linear.scatter [tilespmem:s22], [sflag:$0x2], $0x400, $0x38;
	[tilespmem:$0x8080] =	vst v63  }
0x1cc: {  	s6 =	simm.s32 $0x880;
	s1 =	sadd.s32 $0x80, s1  }
0x1cd: {  	[hbm4b:s1+s4] =	stream.linear.scatter [tilespmem:s6], [sflag:$0x2], $0x400, $0x38;
	[tilespmem:$0x8080] =	vst v63  }
0x1ce: {  	_ =	swait.ge [sflag:s8], $0x800  }
0x1cf: {  	s17 =	rddreg [dreg:$0x11];
	[sflag:s8] =	ssyncset.done $0x0  }
0x1d0: {  	s23 =	simm.s32 $0x480;
	[sflag:s8] =	ssyncadd.s32 $0xFFFFF800;
	s1 =	sadd.s32 s3, s17  }
0x1d1: {  	[hbm4b:s1+s4] =	stream.linear.scatter [tilespmem:s23], [sflag:$0x2], $0x400, $0x38;
	[tilespmem:$0x8080] =	vst v63  }
0x1d2: {  	s10 =	simm.s32 $0xC80;
	s1 =	sadd.s32 $0x80, s1  }
0x1d3: {  	[hbm4b:s1+s4] =	stream.linear.scatter [tilespmem:s10], [sflag:$0x2], $0x400, $0x38;
	[tilespmem:$0x8080] =	vst v63  }
0x1d4: {  	_ =	swait.ge [sflag:s8], $0x800  }
0x1d5: {  	s29 =	sand.u32 $0x1FFFFFFF, s29;
	s24 =	rddreg [dreg:$0xb];
	[sflag:s8] =	ssyncset.done $0x0  }
0x1d6: {  	s1 =	sadd.s32 s24, s29;
	[sflag:s8] =	ssyncadd.s32 $0xFFFFF800  }
0x1d7: {  	[tilespmem:s4], [sflag:$0x2] =	stream.linear.gather [hbm4b:s1+s4], $0x8, $0x38;
	[tilespmem:$0x8080] =	vst v63  }
0x1d8: {  	_ =	swait.ge [sflag:s8], $0x8  }
0x1d9: {  	[sflag:s8] =	ssyncset.done $0x0  }
0x1da: {  	[sflag:s8] =	ssyncadd.s32 $0xFFFFFFF8  }
0x1db: {  	v3 =	vld.msk [tilespmem:$0x0], $0xff;
	_ =	sdelay $0x4  }
0x1dc: {  	v63 =	vshll.u32 v3, $0x1  }
0x1dd: {  	v3 =	vand.u32 $0x7, v3;
	v4 =	vand.u32 $0xFFFFFFF0, v63  }
0x1de: {  	v3 =	vor.u32 v3, v4  }
0x1df: {  	v3 =	vperm.xlane v3, v0;
	_ =	sdelay $0x1  }
0x1e0: {  	v3 =	vadd.s32 v1, v3;
	_ =	sdelay $0x3  }
0x1e1: {  	s29 =	rddreg [dreg:$0x7]  }
0x1e2: {  	[tilespmem:s22], [sflag:$0x1] =	stream.indirect_vreg.gather [hbm4b:s29+s4], $0x80, v3, vm0, $0xb8;
	[tilespmem:$0x8080] =	vst v63  }
0x1e3: {  	_ =	swait.ge [sflag:s25], $0x800  }
0x1e4: {  	s30 =	rddreg [dreg:$0x10];
	[sflag:s25] =	ssyncset.done $0x0  }
0x1e5: {  	[sflag:s25] =	ssyncadd.s32 $0xFFFFF800;
	s1 =	sadd.s32 s3, s30  }
0x1e6: {  	[hbm4b:s1+s4] =	stream.linear.scatter [tilespmem:s22], [sflag:$0x2], $0x200, $0x38;
	[tilespmem:$0x8080] =	vst v63  }
0x1e7: {  	p0 =	sne.s32 s3, $0x5600;
	_ =	swait.ge [sflag:s8], $0x200  }
0x1e8: {  	s5 =	simm.s32 $0x480;
	s31 =	rddreg [dreg:$0xf];
	[sflag:s8] =	ssyncset.done $0x0  }
.Ltmp0:
0x1e9: {  	[sflag:s8] =	ssyncadd.s32 $0xFFFFFE00;
	s1 =	sadd.s32 s3, s31;
	(pc) =	sbr.rel @p0 .LBB2_2-.Ltmp0, $4  }
0x1ea: {  	[hbm4b:s1+s4] =	stream.linear.scatter [tilespmem:s5], [sflag:$0x2], $0x200, $0x38;
	[tilespmem:$0x8080] =	vst v63  }
0x1eb: {  	_ =	swait.ge [sflag:s8], $0x200  }
0x1ec: {  	[sflag:s8] =	ssyncset.done $0x0  }
0x1ed: {  	s7 =	sadd.s32 $0x1, s7;
	s3 =	sadd.s32 $0x1580, s3;
	[sflag:s8] =	ssyncadd.s32 $0xFFFFFE00  }
0x1ee: {  	s3 =	rddreg [dreg:$0x19]  }
0x1ef: {  	s1 =	rddreg [dreg:$0x17];
	s3 =	sadd.s32 $0x1, s3  }
0x1f0: {  	p0 =	sne.s32 s3, s1  }
.Ltmp1:
0x1f1: {  	_ = 	snop;
	(pc) =	sbr.rel @p0 .LBB2_1-.Ltmp1, $1  }
0x1f2: {  	_ =	sdelay $0x3  }
0x1f3: {  	_ =	sfence.sel $0x180000  }
0x1f4: {  	[bflag:$0x0] =	sbarrier.arrive $0xFFFF  }
0x1f5: {  	_ =	strace $0x90000047  }
0x1f6: {  	s0 =	stileid.u32;
	[bflag:$0x2] =	sbarrier.arrive $0xFFFF  }
0x1f7: {  	p0 =	sne.s32 s0, $0x0;
	s0 =	rddreg [dreg:$0x6]  }
0x1f8: {  	s0 =	sadd.s32 @!p0 $0x100000, s0  }
0x1f9: {  	[sflag:s0] =	ssyncadd.tile.s32 @!p0 $0x1;
	_ =	shalt  }
.Lfunc_end2:
_tile_overlayer_lowered:
.L_overlay_start_2:
0x1fa: {  	(tag) =	ssettag $0x2  }
0x1fb: {  	s0 =	rddreg [dreg:$0x0];
	s2 =	stileid.u32  }
0x1fc: {  	s1 =	rddreg [dreg:$0x1];
	p0 =	sne.s32 s2, $0x0  }
0x1fd: {  	s3 =	rddreg [dreg:$0x2];
	[bflag:$0x3] =	sbarrier.arrive $0xFFFF;
	s2 =	simm.s32 @!p0 $0x1C02  }
0x1fe: {  	[timem:s3], [sflag:s2] =	dma.local @!p0 [hbm:s0], s1  }
0x1ff: {  	s0 =	simm.s32 @!p0 $0x2  }
0x200: {  	_ =	swait.ge @!p0 [sflag:s0], s1  }
0x201: {  	s1 =	ssub.s32 @!p0 $0x0, s1;
	[sflag:s0] =	ssyncset.done @!p0 $0x0  }
0x202: {  	[sflag:s0] =	ssyncadd.s32 @!p0 s1  }
0x203: {  	[bflag:$0x3] =	sbarrier.arrive $0xFFFF  }
0x204: {  	_ =	shalt  }

</sc_bundles>
